<compile_context>
chip_gen: v7x
topology: tpu7x:2x2x1
jax: 0.10.2.dev20260603
libtpu: 0.0.44.dev20260713+nightly
codegen_flags: <defaults>
</compile_context>

<pallas_src>
import functools

import jax
import jax.numpy as jnp
from jax import lax
from jax.experimental import pallas as pl
from jax.experimental.pallas import tpu as pltpu
from jax.experimental.pallas import tpu_sc as plsc

_NC = 2
_NS = 16
_NW = _NC * _NS
_CHUNK = 128


def _tc_init(x, W_in, b_in, W_msg0, b_msg0, block_rows):
    n, d = x.shape
    ds = W_in.shape[1]

    def body(x_ref, wi_ref, bi_ref, wm_ref, bm_ref, state_ref, msg_ref):
        s = jnp.maximum(
            jnp.dot(x_ref[...], wi_ref[...], preferred_element_type=jnp.float32)
            + bi_ref[...], 0.0)
        state_ref[...] = s
        msg_ref[...] = jnp.maximum(
            jnp.dot(s, wm_ref[...], preferred_element_type=jnp.float32)
            + bm_ref[...], 0.0)

    grid = (n // block_rows,)
    return pl.pallas_call(
        body,
        grid=grid,
        in_specs=[
            pl.BlockSpec((block_rows, d), lambda i: (i, 0)),
            pl.BlockSpec((d, ds), lambda i: (0, 0)),
            pl.BlockSpec((1, ds), lambda i: (0, 0)),
            pl.BlockSpec((ds, ds), lambda i: (0, 0)),
            pl.BlockSpec((1, ds), lambda i: (0, 0)),
        ],
        out_specs=[
            pl.BlockSpec((block_rows, ds), lambda i: (i, 0)),
            pl.BlockSpec((block_rows, ds), lambda i: (i, 0)),
        ],
        out_shape=[
            jax.ShapeDtypeStruct((n, ds), jnp.float32),
            jax.ShapeDtypeStruct((n, ds), jnp.float32),
        ],
    )(x, W_in, b_in.reshape(1, ds), W_msg0, b_msg0.reshape(1, ds))


def _tc_update(agg2, state, W_upd, b_upd, W_msg_next, b_msg_next, block_rows):
    n, ds = state.shape
    with_msg = W_msg_next is not None

    def body(agg_ref, st_ref, wu_ref, bu_ref, *rest):
        if with_msg:
            wm_ref, bm_ref, state_ref, msg_ref = rest
        else:
            (state_ref,) = rest
        agg = agg_ref[0] + agg_ref[1]
        upd = jnp.maximum(
            jnp.dot(agg, wu_ref[...], preferred_element_type=jnp.float32)
            + bu_ref[...], 0.0)
        s = st_ref[...] + upd
        state_ref[...] = s
        if with_msg:
            msg_ref[...] = jnp.maximum(
                jnp.dot(s, rest[0][...], preferred_element_type=jnp.float32)
                + rest[1][...], 0.0)

    grid = (n // block_rows,)
    in_specs = [
        pl.BlockSpec((2, block_rows, ds), lambda i: (0, i, 0)),
        pl.BlockSpec((block_rows, ds), lambda i: (i, 0)),
        pl.BlockSpec((ds, ds), lambda i: (0, 0)),
        pl.BlockSpec((1, ds), lambda i: (0, 0)),
    ]
    out_specs = [pl.BlockSpec((block_rows, ds), lambda i: (i, 0))]
    out_shape = [jax.ShapeDtypeStruct((n, ds), jnp.float32)]
    args = [agg2, state, W_upd, b_upd.reshape(1, ds)]
    if with_msg:
        in_specs += [
            pl.BlockSpec((ds, ds), lambda i: (0, 0)),
            pl.BlockSpec((1, ds), lambda i: (0, 0)),
        ]
        out_specs += [pl.BlockSpec((block_rows, ds), lambda i: (i, 0))]
        out_shape += [jax.ShapeDtypeStruct((n, ds), jnp.float32)]
        args += [W_msg_next, b_msg_next.reshape(1, ds)]
    res = pl.pallas_call(
        body, grid=grid, in_specs=in_specs, out_specs=out_specs,
        out_shape=out_shape)(*args)
    return res if with_msg else (res[0], None)


def _make_sc_scatter(n_nodes, d_state, e_pad, n_pad_rows):
    epw = e_pad // _NW
    nchunk = epw // _CHUNK
    nbuf = 2
    assert nchunk % nbuf == 0 and nchunk >= 2 * nbuf
    tile_rows = (n_nodes // _NS) & ~7
    rem_rows = n_nodes - tile_rows * _NS
    rem_off = tile_rows * _NS
    mesh = plsc.VectorSubcoreMesh(core_axis_name="c", subcore_axis_name="s")

    @functools.partial(
        pl.kernel,
        out_type=jax.ShapeDtypeStruct((_NC, n_nodes, d_state), jnp.float32),
        mesh=mesh,
        scratch_types=[
            pltpu.VMEM_SHARED((n_pad_rows, d_state), jnp.float32),
            pltpu.VMEM((nbuf, _CHUNK), jnp.int32),
            pltpu.VMEM((nbuf, _CHUNK), jnp.int32),
            pltpu.VMEM((nbuf, _CHUNK, d_state), jnp.float32),
            pltpu.SemaphoreType.DMA((nbuf,)),
        ],
    )
    def sc_scatter(msg_hbm, src_hbm, dst_hbm, zeros_hbm, out_hbm,
                   agg_sh, src_v, dst_v, rows_v, gsem):
        c = lax.axis_index("c")
        s = lax.axis_index("s")
        wid = s * _NC + c
        pltpu.sync_copy(zeros_hbm.at[pl.ds(s * tile_rows, tile_rows)],
                        agg_sh.at[pl.ds(s * tile_rows, tile_rows)])
        if rem_rows:
            @pl.when(s == 0)
            def _():
                pltpu.sync_copy(zeros_hbm.at[pl.ds(rem_off, rem_rows)],
                                agg_sh.at[pl.ds(rem_off, rem_rows)])
        plsc.subcore_barrier()
        base = wid * epw

        def start_gather(b, chunk):
            off = base + chunk * _CHUNK
            pltpu.sync_copy(src_hbm.at[pl.ds(off, _CHUNK)], src_v.at[b])
            pltpu.sync_copy(dst_hbm.at[pl.ds(off, _CHUNK)], dst_v.at[b])
            pltpu.async_copy(msg_hbm.at[src_v.at[b]], rows_v.at[b],
                             gsem.at[b])

        def finish_chunk(b):
            pltpu.make_async_copy(msg_hbm.at[src_v.at[b]], rows_v.at[b],
                                  gsem.at[b]).wait()
            pltpu.sync_copy(rows_v.at[b], agg_sh.at[dst_v.at[b]], add=True)

        for b in range(nbuf):
            start_gather(b, b)

        def body(i, carry):
            for b in range(nbuf):
                finish_chunk(b)
                start_gather(b, nbuf * i + b + nbuf)
            return carry

        lax.fori_loop(0, nchunk // nbuf - 1, body, 0)
        for b in range(nbuf):
            finish_chunk(b)
        plsc.subcore_barrier()
        pltpu.sync_copy(agg_sh.at[pl.ds(s * tile_rows, tile_rows)],
                        out_hbm.at[c, pl.ds(s * tile_rows, tile_rows)])
        if rem_rows:
            @pl.when(s == 0)
            def _():
                pltpu.sync_copy(agg_sh.at[pl.ds(rem_off, rem_rows)],
                                out_hbm.at[c, pl.ds(rem_off, rem_rows)])

    return sc_scatter


def kernel(x, edge_index, W_in, b_in, W_msg, b_msg, W_upd, b_upd):
    n_nodes, d_feat = x.shape
    d_state = W_in.shape[1]
    n_rounds = W_msg.shape[0]
    n_edges = edge_index.shape[1]

    unit = _NW * _CHUNK * 4
    e_pad = ((n_edges + unit - 1) // unit) * unit
    pad = e_pad - n_edges
    junk_rows = 8
    if pad:
        src = jnp.concatenate([edge_index[0], jnp.zeros((pad,), jnp.int32)])
        dst = jnp.concatenate(
            [edge_index[1],
             n_nodes + (jnp.arange(pad, dtype=jnp.int32) % junk_rows)])
    else:
        src, dst = edge_index[0], edge_index[1]

    n_pad_rows = n_nodes + junk_rows
    zeros_hbm = jnp.zeros((n_nodes, d_state), jnp.float32)

    sc_scatter = _make_sc_scatter(n_nodes, d_state, e_pad, n_pad_rows)

    block_rows = 1000
    state, msg = _tc_init(x, W_in, b_in, W_msg[0], b_msg[0], block_rows)
    for r in range(n_rounds):
        agg2 = sc_scatter(msg, src, dst, zeros_hbm)
        if r + 1 < n_rounds:
            state, msg = _tc_update(agg2, state, W_upd[r], b_upd[r],
                                    W_msg[r + 1], b_msg[r + 1], block_rows)
        else:
            state, _ = _tc_update(agg2, state, W_upd[r], b_upd[r],
                                  None, None, block_rows)
    return state

# --- scband reference (transcript-rebuilt; emitter-appended) ---
"""Pipeline reference for scband-simple-gnn-7292854468774 (READ-ONLY COPY).

The authoritative reference and input builder live on the scoring server;
editing this copy changes nothing except your own understanding.
"""

import jax, jax.numpy as jnp
import numpy as np

N_NODES = 10000
N_EDGES = 320000
D_FEAT = 128
D_STATE = 128
N_ROUNDS = 4


def setup_inputs(seed: int = 0) -> dict:
    key = jax.random.key(seed)
    ks = jax.random.split(key, 8)
    x = jax.random.normal(ks[0], (N_NODES, D_FEAT), dtype=jnp.float32)
    edge_index = jax.random.randint(ks[1], (2, N_EDGES), 0, N_NODES, dtype=jnp.int64 if jax.config.jax_enable_x64 else jnp.int32).astype(jnp.int32)
    W_in = jax.random.normal(ks[2], (D_FEAT, D_STATE), dtype=jnp.float32) * 0.05
    b_in = jnp.zeros((D_STATE,), dtype=jnp.float32)
    W_msg = jax.random.normal(ks[3], (N_ROUNDS, D_STATE, D_STATE), dtype=jnp.float32) * 0.05
    b_msg = jnp.zeros((N_ROUNDS, D_STATE), dtype=jnp.float32)
    W_upd = jax.random.normal(ks[4], (N_ROUNDS, D_STATE, D_STATE), dtype=jnp.float32) * 0.05
    b_upd = jnp.zeros((N_ROUNDS, D_STATE), dtype=jnp.float32)
    return {"x": x, "edge_index": edge_index, "W_in": W_in, "b_in": b_in,
            "W_msg": W_msg, "b_msg": b_msg, "W_upd": W_upd, "b_upd": b_upd}


def reference(x, edge_index, W_in, b_in, W_msg, b_msg, W_upd, b_upd):
    num_nodes = x.shape[0]
    state = jax.nn.relu(x @ W_in + b_in)
    src = edge_index[0]
    dst = edge_index[1]
    for r in range(N_ROUNDS):
        message = jax.nn.relu(state @ W_msg[r] + b_msg[r])
        aggregated = jnp.zeros((num_nodes, D_STATE), dtype=x.dtype)
        aggregated = aggregated.at[dst].add(message[src])
        state = state + jax.nn.relu(aggregated @ W_upd[r] + b_upd[r])
    graph_state = jnp.zeros((D_STATE,), dtype=x.dtype)
    graph_state = graph_state + state
    return graph_state

if __name__ == "__main__":
    import jax
    _d = setup_inputs()
    print(jax.jit(kernel)(*tuple(_d.values())))

</pallas_src>

<mosaic_0001>
#map = affine_map<(d0, d1) -> (0, 0)>
#map1 = affine_map<(d0, d1) -> (0)>
#map2 = affine_map<(d0, d1) -> (0, 0, 0)>
module attributes {stable_mosaic.version = 14 : i64} {
  func.func @sc_scatter(%arg0: i32, %arg1: i32, %arg2: memref<10000x128xf32, #tpu.memory_space<hbm>>, %arg3: memref<327680xi32, #tpu.memory_space<hbm>>, %arg4: memref<327680xi32, #tpu.memory_space<hbm>>, %arg5: memref<10000x128xf32, #tpu.memory_space<hbm>>, %arg6: memref<2x10000x128xf32, #tpu.memory_space<hbm>>, %arg7: memref<10008x128xf32, #tpu.memory_space<vmem_shared>>, %arg8: memref<2x128xi32, #tpu.memory_space<vmem>>, %arg9: memref<2x128xi32, #tpu.memory_space<vmem>>, %arg10: memref<2x128x128xf32, #tpu.memory_space<vmem>>, %arg11: memref<2x!tpu.dma_semaphore, #tpu.memory_space<semaphore_mem>>) attributes {dimension_semantics = [#tpu.dimension_semantics<core_parallel>, #tpu.dimension_semantics<subcore_parallel>], iteration_bounds = array<i64: 2, 16>, scalar_prefetch = 0 : i64, scratch_operands = 5 : i64, tpu.core_type = #tpu.core_type<sc_vector_subcore>, window_params = [{transform_indices = #map}, {transform_indices = #map1}, {transform_indices = #map1}, {transform_indices = #map}, {transform_indices = #map2}]} {
    %mul3A = arith.constant 2 : i32
    %mul3A_0 = arith.muli %arg1, %mul3A : i32
    %add3A = arith.addi %mul3A_0, %arg0 : i32
    %mul3A_1 = arith.constant 624 : i32
    %mul3A_2 = arith.muli %arg1, %mul3A_1 : i32
    %mul3A_3 = arith.constant 624 : i32
    %mul3A_4 = arith.muli %arg1, %mul3A_3 : i32
    "tpu.region"() ({
      %run_scoped3A_93 = tpu.sem_alloc : memref<!tpu.dma_semaphore, #tpu.memory_space<semaphore_mem>>
      %dma_start3A_94 = arith.constant 0 : i32
      %dma_start3A_95 = tpu.memref_slice %arg7[%mul3A_4, %dma_start3A_94] : memref<10008x128xf32, #tpu.memory_space<vmem_shared>> -> memref<624x128xf32, #tpu.memory_space<vmem_shared>>
      %dma_start3A_96 = arith.constant 0 : i32
      %dma_start3A_97 = tpu.memref_slice %arg5[%mul3A_2, %dma_start3A_96] : memref<10000x128xf32, #tpu.memory_space<hbm>> -> memref<624x128xf32, #tpu.memory_space<hbm>>
      tpu.enqueue_dma source(%dma_start3A_97 : memref<624x128xf32, #tpu.memory_space<hbm>>) target(%dma_start3A_95 : memref<624x128xf32, #tpu.memory_space<vmem_shared>>) target_semaphore(%run_scoped3A_93 : memref<!tpu.dma_semaphore, #tpu.memory_space<semaphore_mem>>)
      %dma_wait3A_98 = arith.constant 0 : i32
      %dma_wait3A_99 = tpu.memref_slice %arg7[%mul3A_4, %dma_wait3A_98] : memref<10008x128xf32, #tpu.memory_space<vmem_shared>> -> memref<624x128xf32, #tpu.memory_space<vmem_shared>>
      %dma_wait3A_100 = arith.constant 0 : i32
      %dma_wait3A_101 = tpu.memref_slice %arg5[%mul3A_2, %dma_wait3A_100] : memref<10000x128xf32, #tpu.memory_space<hbm>> -> memref<624x128xf32, #tpu.memory_space<hbm>>
      tpu.wait_dma2 semaphore(%run_scoped3A_93 : memref<!tpu.dma_semaphore, #tpu.memory_space<semaphore_mem>>) src(%dma_wait3A_101 : memref<624x128xf32, #tpu.memory_space<hbm>>) dst(%dma_wait3A_99 : memref<624x128xf32, #tpu.memory_space<vmem_shared>>)
      tpu.yield
    }) : () -> ()
    %eq3A = arith.constant 0 : i32
    %eq3A_5 = arith.cmpi eq, %arg1, %eq3A : i32
    %convert_element_type3A = arith.extui %eq3A_5 : i1 to i32
    %cond3A = arith.constant 0 : i32
    %cond3A_6 = arith.cmpi ne, %convert_element_type3A, %cond3A : i32
    scf.if %cond3A_6 {
      "tpu.region"() ({
        %run_scoped3A_93 = tpu.sem_alloc : memref<!tpu.dma_semaphore, #tpu.memory_space<semaphore_mem>>
        %dma_start3A_94 = arith.constant 9984 : i32
        %dma_start3A_95 = arith.constant 0 : i32
        %dma_start3A_96 = tpu.memref_slice %arg7[%dma_start3A_94, %dma_start3A_95] : memref<10008x128xf32, #tpu.memory_space<vmem_shared>> -> memref<16x128xf32, #tpu.memory_space<vmem_shared>>
        %dma_start3A_97 = arith.constant 9984 : i32
        %dma_start3A_98 = arith.constant 0 : i32
        %dma_start3A_99 = tpu.memref_slice %arg5[%dma_start3A_97, %dma_start3A_98] : memref<10000x128xf32, #tpu.memory_space<hbm>> -> memref<16x128xf32, #tpu.memory_space<hbm>>
        tpu.enqueue_dma source(%dma_start3A_99 : memref<16x128xf32, #tpu.memory_space<hbm>>) target(%dma_start3A_96 : memref<16x128xf32, #tpu.memory_space<vmem_shared>>) target_semaphore(%run_scoped3A_93 : memref<!tpu.dma_semaphore, #tpu.memory_space<semaphore_mem>>)
        %dma_wait3A_100 = arith.constant 9984 : i32
        %dma_wait3A_101 = arith.constant 0 : i32
        %dma_wait3A_102 = tpu.memref_slice %arg7[%dma_wait3A_100, %dma_wait3A_101] : memref<10008x128xf32, #tpu.memory_space<vmem_shared>> -> memref<16x128xf32, #tpu.memory_space<vmem_shared>>
        %dma_wait3A_103 = arith.constant 9984 : i32
        %dma_wait3A_104 = arith.constant 0 : i32
        %dma_wait3A_105 = tpu.memref_slice %arg5[%dma_wait3A_103, %dma_wait3A_104] : memref<10000x128xf32, #tpu.memory_space<hbm>> -> memref<16x128xf32, #tpu.memory_space<hbm>>
        tpu.wait_dma2 semaphore(%run_scoped3A_93 : memref<!tpu.dma_semaphore, #tpu.memory_space<semaphore_mem>>) src(%dma_wait3A_105 : memref<16x128xf32, #tpu.memory_space<hbm>>) dst(%dma_wait3A_102 : memref<16x128xf32, #tpu.memory_space<vmem_shared>>)
        tpu.yield
      }) : () -> ()
    } else {
    }
    %barrier3A = arith.constant 0 : index
    tpu.barrier barrier_id(%barrier3A)
    %mul3A_7 = arith.constant 10240 : i32
    %mul3A_8 = arith.muli %add3A, %mul3A_7 : i32
    %add3A_9 = arith.constant 0 : i32
    %add3A_10 = arith.addi %mul3A_8, %add3A_9 : i32
    %run_scoped3A = arith.constant 0 : i32
    "tpu.region"() ({
      %run_scoped3A_93 = tpu.sem_alloc : memref<!tpu.dma_semaphore, #tpu.memory_space<semaphore_mem>>
      %dma_start3A_94 = arith.constant 0 : i32
      %dma_start3A_95 = tpu.memref_slice %arg8[%run_scoped3A, %dma_start3A_94] : memref<2x128xi32, #tpu.memory_space<vmem>> -> memref<1x128xi32, #tpu.memory_space<vmem>>
      %dma_start3A_96 = tpu.memref_squeeze %dma_start3A_95 : memref<1x128xi32, #tpu.memory_space<vmem>> -> memref<128xi32, #tpu.memory_space<vmem>>
      %dma_start3A_97 = tpu.memref_slice %arg3[%add3A_10] : memref<327680xi32, #tpu.memory_space<hbm>> -> memref<128xi32, #tpu.memory_space<hbm>>
      %dma_start3A_98 = arith.constant 0 : i32
      %dma_start3A_99 = tpu.memref_slice %arg8[%run_scoped3A, %dma_start3A_98] : memref<2x128xi32, #tpu.memory_space<vmem>> -> memref<1x128xi32, #tpu.memory_space<vmem>>
      %dma_start3A_100 = tpu.memref_squeeze %dma_start3A_99 : memref<1x128xi32, #tpu.memory_space<vmem>> -> memref<128xi32, #tpu.memory_space<vmem>>
      %dma_start3A_101 = tpu.memref_slice %arg3[%add3A_10] : memref<327680xi32, #tpu.memory_space<hbm>> -> memref<128xi32, #tpu.memory_space<hbm>>
      tpu.enqueue_dma source(%dma_start3A_101 : memref<128xi32, #tpu.memory_space<hbm>>) target(%dma_start3A_100 : memref<128xi32, #tpu.memory_space<vmem>>) target_semaphore(%run_scoped3A_93 : memref<!tpu.dma_semaphore, #tpu.memory_space<semaphore_mem>>)
      %dma_wait3A_102 = arith.constant 0 : i32
      %dma_wait3A_103 = tpu.memref_slice %arg8[%run_scoped3A, %dma_wait3A_102] : memref<2x128xi32, #tpu.memory_space<vmem>> -> memref<1x128xi32, #tpu.memory_space<vmem>>
      %dma_wait3A_104 = tpu.memref_squeeze %dma_wait3A_103 : memref<1x128xi32, #tpu.memory_space<vmem>> -> memref<128xi32, #tpu.memory_space<vmem>>
      %dma_wait3A_105 = tpu.memref_slice %arg3[%add3A_10] : memref<327680xi32, #tpu.memory_space<hbm>> -> memref<128xi32, #tpu.memory_space<hbm>>
      %dma_wait3A_106 = arith.constant 0 : i32
      %dma_wait3A_107 = tpu.memref_slice %arg8[%run_scoped3A, %dma_wait3A_106] : memref<2x128xi32, #tpu.memory_space<vmem>> -> memref<1x128xi32, #tpu.memory_space<vmem>>
      %dma_wait3A_108 = tpu.memref_squeeze %dma_wait3A_107 : memref<1x128xi32, #tpu.memory_space<vmem>> -> memref<128xi32, #tpu.memory_space<vmem>>
      %dma_wait3A_109 = tpu.memref_slice %arg3[%add3A_10] : memref<327680xi32, #tpu.memory_space<hbm>> -> memref<128xi32, #tpu.memory_space<hbm>>
      tpu.wait_dma2 semaphore(%run_scoped3A_93 : memref<!tpu.dma_semaphore, #tpu.memory_space<semaphore_mem>>) src(%dma_wait3A_109 : memref<128xi32, #tpu.memory_space<hbm>>) dst(%dma_wait3A_108 : memref<128xi32, #tpu.memory_space<vmem>>)
      tpu.yield
    }) : () -> ()
    %run_scoped3A_11 = arith.constant 0 : i32
    "tpu.region"() ({
      %run_scoped3A_93 = tpu.sem_alloc : memref<!tpu.dma_semaphore, #tpu.memory_space<semaphore_mem>>
      %dma_start3A_94 = arith.constant 0 : i32
      %dma_start3A_95 = tpu.memref_slice %arg9[%run_scoped3A_11, %dma_start3A_94] : memref<2x128xi32, #tpu.memory_space<vmem>> -> memref<1x128xi32, #tpu.memory_space<vmem>>
      %dma_start3A_96 = tpu.memref_squeeze %dma_start3A_95 : memref<1x128xi32, #tpu.memory_space<vmem>> -> memref<128xi32, #tpu.memory_space<vmem>>
      %dma_start3A_97 = tpu.memref_slice %arg4[%add3A_10] : memref<327680xi32, #tpu.memory_space<hbm>> -> memref<128xi32, #tpu.memory_space<hbm>>
      %dma_start3A_98 = arith.constant 0 : i32
      %dma_start3A_99 = tpu.memref_slice %arg9[%run_scoped3A_11, %dma_start3A_98] : memref<2x128xi32, #tpu.memory_space<vmem>> -> memref<1x128xi32, #tpu.memory_space<vmem>>
      %dma_start3A_100 = tpu.memref_squeeze %dma_start3A_99 : memref<1x128xi32, #tpu.memory_space<vmem>> -> memref<128xi32, #tpu.memory_space<vmem>>
      %dma_start3A_101 = tpu.memref_slice %arg4[%add3A_10] : memref<327680xi32, #tpu.memory_space<hbm>> -> memref<128xi32, #tpu.memory_space<hbm>>
      tpu.enqueue_dma source(%dma_start3A_101 : memref<128xi32, #tpu.memory_space<hbm>>) target(%dma_start3A_100 : memref<128xi32, #tpu.memory_space<vmem>>) target_semaphore(%run_scoped3A_93 : memref<!tpu.dma_semaphore, #tpu.memory_space<semaphore_mem>>)
      %dma_wait3A_102 = arith.constant 0 : i32
      %dma_wait3A_103 = tpu.memref_slice %arg9[%run_scoped3A_11, %dma_wait3A_102] : memref<2x128xi32, #tpu.memory_space<vmem>> -> memref<1x128xi32, #tpu.memory_space<vmem>>
      %dma_wait3A_104 = tpu.memref_squeeze %dma_wait3A_103 : memref<1x128xi32, #tpu.memory_space<vmem>> -> memref<128xi32, #tpu.memory_space<vmem>>
      %dma_wait3A_105 = tpu.memref_slice %arg4[%add3A_10] : memref<327680xi32, #tpu.memory_space<hbm>> -> memref<128xi32, #tpu.memory_space<hbm>>
      %dma_wait3A_106 = arith.constant 0 : i32
      %dma_wait3A_107 = tpu.memref_slice %arg9[%run_scoped3A_11, %dma_wait3A_106] : memref<2x128xi32, #tpu.memory_space<vmem>> -> memref<1x128xi32, #tpu.memory_space<vmem>>
      %dma_wait3A_108 = tpu.memref_squeeze %dma_wait3A_107 : memref<1x128xi32, #tpu.memory_space<vmem>> -> memref<128xi32, #tpu.memory_space<vmem>>
      %dma_wait3A_109 = tpu.memref_slice %arg4[%add3A_10] : memref<327680xi32, #tpu.memory_space<hbm>> -> memref<128xi32, #tpu.memory_space<hbm>>
      tpu.wait_dma2 semaphore(%run_scoped3A_93 : memref<!tpu.dma_semaphore, #tpu.memory_space<semaphore_mem>>) src(%dma_wait3A_109 : memref<128xi32, #tpu.memory_space<hbm>>) dst(%dma_wait3A_108 : memref<128xi32, #tpu.memory_space<vmem>>)
      tpu.yield
    }) : () -> ()
    %dma_start3A = arith.constant 0 : i32
    %dma_start3A_12 = arith.constant 0 : i32
    %dma_start3A_13 = arith.constant 0 : i32
    %dma_start3A_14 = arith.constant 0 : i32
    %dma_start3A_15 = arith.constant 0 : i32
    %dma_start3A_16 = tpu.memref_slice %arg10[%dma_start3A_12, %dma_start3A_14, %dma_start3A_15] : memref<2x128x128xf32, #tpu.memory_space<vmem>> -> memref<1x128x128xf32, #tpu.memory_space<vmem>>
    %dma_start3A_17 = tpu.memref_squeeze %dma_start3A_16 : memref<1x128x128xf32, #tpu.memory_space<vmem>> -> memref<128x128xf32, #tpu.memory_space<vmem>>
    %dma_start3A_18 = arith.constant 0 : i32
    %dma_start3A_19 = tpu.memref_slice %arg8[%dma_start3A, %dma_start3A_18] : memref<2x128xi32, #tpu.memory_space<vmem>> -> memref<1x128xi32, #tpu.memory_space<vmem>>
    %dma_start3A_20 = tpu.memref_squeeze %dma_start3A_19 : memref<1x128xi32, #tpu.memory_space<vmem>> -> memref<128xi32, #tpu.memory_space<vmem>>
    %dma_start3A_21 = arith.constant 0 : i32
    %dma_start3A_22 = arith.constant 0 : i32
    %dma_start3A_23 = tpu.memref_slice %arg2[%dma_start3A_21, %dma_start3A_22] : memref<10000x128xf32, #tpu.memory_space<hbm>> -> memref<10000x128xf32, #tpu.memory_space<hbm>>
    %dma_start3A_24 = tpu.memref_slice %arg11[%dma_start3A_13] : memref<2x!tpu.dma_semaphore, #tpu.memory_space<semaphore_mem>> -> memref<1x!tpu.dma_semaphore, #tpu.memory_space<semaphore_mem>>
    %dma_start3A_25 = tpu.memref_squeeze %dma_start3A_24 : memref<1x!tpu.dma_semaphore, #tpu.memory_space<semaphore_mem>> -> memref<!tpu.dma_semaphore, #tpu.memory_space<semaphore_mem>>
    tpu.enqueue_indirect_dma source(%dma_start3A_23 : memref<10000x128xf32, #tpu.memory_space<hbm>>) target(%dma_start3A_17 : memref<128x128xf32, #tpu.memory_space<vmem>>) offsets(%dma_start3A_20 : memref<128xi32, #tpu.memory_space<vmem>>) semaphore(%dma_start3A_25 : memref<!tpu.dma_semaphore, #tpu.memory_space<semaphore_mem>>)
    %add3A_26 = arith.constant 128 : i32
    %add3A_27 = arith.addi %mul3A_8, %add3A_26 : i32
    %run_scoped3A_28 = arith.constant 1 : i32
    "tpu.region"() ({
      %run_scoped3A_93 = tpu.sem_alloc : memref<!tpu.dma_semaphore, #tpu.memory_space<semaphore_mem>>
      %dma_start3A_94 = arith.constant 0 : i32
      %dma_start3A_95 = tpu.memref_slice %arg8[%run_scoped3A_28, %dma_start3A_94] : memref<2x128xi32, #tpu.memory_space<vmem>> -> memref<1x128xi32, #tpu.memory_space<vmem>>
      %dma_start3A_96 = tpu.memref_squeeze %dma_start3A_95 : memref<1x128xi32, #tpu.memory_space<vmem>> -> memref<128xi32, #tpu.memory_space<vmem>>
      %dma_start3A_97 = tpu.memref_slice %arg3[%add3A_27] : memref<327680xi32, #tpu.memory_space<hbm>> -> memref<128xi32, #tpu.memory_space<hbm>>
      %dma_start3A_98 = arith.constant 0 : i32
      %dma_start3A_99 = tpu.memref_slice %arg8[%run_scoped3A_28, %dma_start3A_98] : memref<2x128xi32, #tpu.memory_space<vmem>> -> memref<1x128xi32, #tpu.memory_space<vmem>>
      %dma_start3A_100 = tpu.memref_squeeze %dma_start3A_99 : memref<1x128xi32, #tpu.memory_space<vmem>> -> memref<128xi32, #tpu.memory_space<vmem>>
      %dma_start3A_101 = tpu.memref_slice %arg3[%add3A_27] : memref<327680xi32, #tpu.memory_space<hbm>> -> memref<128xi32, #tpu.memory_space<hbm>>
      tpu.enqueue_dma source(%dma_start3A_101 : memref<128xi32, #tpu.memory_space<hbm>>) target(%dma_start3A_100 : memref<128xi32, #tpu.memory_space<vmem>>) target_semaphore(%run_scoped3A_93 : memref<!tpu.dma_semaphore, #tpu.memory_space<semaphore_mem>>)
      %dma_wait3A_102 = arith.constant 0 : i32
      %dma_wait3A_103 = tpu.memref_slice %arg8[%run_scoped3A_28, %dma_wait3A_102] : memref<2x128xi32, #tpu.memory_space<vmem>> -> memref<1x128xi32, #tpu.memory_space<vmem>>
      %dma_wait3A_104 = tpu.memref_squeeze %dma_wait3A_103 : memref<1x128xi32, #tpu.memory_space<vmem>> -> memref<128xi32, #tpu.memory_space<vmem>>
      %dma_wait3A_105 = tpu.memref_slice %arg3[%add3A_27] : memref<327680xi32, #tpu.memory_space<hbm>> -> memref<128xi32, #tpu.memory_space<hbm>>
      %dma_wait3A_106 = arith.constant 0 : i32
      %dma_wait3A_107 = tpu.memref_slice %arg8[%run_scoped3A_28, %dma_wait3A_106] : memref<2x128xi32, #tpu.memory_space<vmem>> -> memref<1x128xi32, #tpu.memory_space<vmem>>
      %dma_wait3A_108 = tpu.memref_squeeze %dma_wait3A_107 : memref<1x128xi32, #tpu.memory_space<vmem>> -> memref<128xi32, #tpu.memory_space<vmem>>
      %dma_wait3A_109 = tpu.memref_slice %arg3[%add3A_27] : memref<327680xi32, #tpu.memory_space<hbm>> -> memref<128xi32, #tpu.memory_space<hbm>>
      tpu.wait_dma2 semaphore(%run_scoped3A_93 : memref<!tpu.dma_semaphore, #tpu.memory_space<semaphore_mem>>) src(%dma_wait3A_109 : memref<128xi32, #tpu.memory_space<hbm>>) dst(%dma_wait3A_108 : memref<128xi32, #tpu.memory_space<vmem>>)
      tpu.yield
    }) : () -> ()
    %run_scoped3A_29 = arith.constant 1 : i32
    "tpu.region"() ({
      %run_scoped3A_93 = tpu.sem_alloc : memref<!tpu.dma_semaphore, #tpu.memory_space<semaphore_mem>>
      %dma_start3A_94 = arith.constant 0 : i32
      %dma_start3A_95 = tpu.memref_slice %arg9[%run_scoped3A_29, %dma_start3A_94] : memref<2x128xi32, #tpu.memory_space<vmem>> -> memref<1x128xi32, #tpu.memory_space<vmem>>
      %dma_start3A_96 = tpu.memref_squeeze %dma_start3A_95 : memref<1x128xi32, #tpu.memory_space<vmem>> -> memref<128xi32, #tpu.memory_space<vmem>>
      %dma_start3A_97 = tpu.memref_slice %arg4[%add3A_27] : memref<327680xi32, #tpu.memory_space<hbm>> -> memref<128xi32, #tpu.memory_space<hbm>>
      %dma_start3A_98 = arith.constant 0 : i32
      %dma_start3A_99 = tpu.memref_slice %arg9[%run_scoped3A_29, %dma_start3A_98] : memref<2x128xi32, #tpu.memory_space<vmem>> -> memref<1x128xi32, #tpu.memory_space<vmem>>
      %dma_start3A_100 = tpu.memref_squeeze %dma_start3A_99 : memref<1x128xi32, #tpu.memory_space<vmem>> -> memref<128xi32, #tpu.memory_space<vmem>>
      %dma_start3A_101 = tpu.memref_slice %arg4[%add3A_27] : memref<327680xi32, #tpu.memory_space<hbm>> -> memref<128xi32, #tpu.memory_space<hbm>>
      tpu.enqueue_dma source(%dma_start3A_101 : memref<128xi32, #tpu.memory_space<hbm>>) target(%dma_start3A_100 : memref<128xi32, #tpu.memory_space<vmem>>) target_semaphore(%run_scoped3A_93 : memref<!tpu.dma_semaphore, #tpu.memory_space<semaphore_mem>>)
      %dma_wait3A_102 = arith.constant 0 : i32
      %dma_wait3A_103 = tpu.memref_slice %arg9[%run_scoped3A_29, %dma_wait3A_102] : memref<2x128xi32, #tpu.memory_space<vmem>> -> memref<1x128xi32, #tpu.memory_space<vmem>>
      %dma_wait3A_104 = tpu.memref_squeeze %dma_wait3A_103 : memref<1x128xi32, #tpu.memory_space<vmem>> -> memref<128xi32, #tpu.memory_space<vmem>>
      %dma_wait3A_105 = tpu.memref_slice %arg4[%add3A_27] : memref<327680xi32, #tpu.memory_space<hbm>> -> memref<128xi32, #tpu.memory_space<hbm>>
      %dma_wait3A_106 = arith.constant 0 : i32
      %dma_wait3A_107 = tpu.memref_slice %arg9[%run_scoped3A_29, %dma_wait3A_106] : memref<2x128xi32, #tpu.memory_space<vmem>> -> memref<1x128xi32, #tpu.memory_space<vmem>>
      %dma_wait3A_108 = tpu.memref_squeeze %dma_wait3A_107 : memref<1x128xi32, #tpu.memory_space<vmem>> -> memref<128xi32, #tpu.memory_space<vmem>>
      %dma_wait3A_109 = tpu.memref_slice %arg4[%add3A_27] : memref<327680xi32, #tpu.memory_space<hbm>> -> memref<128xi32, #tpu.memory_space<hbm>>
      tpu.wait_dma2 semaphore(%run_scoped3A_93 : memref<!tpu.dma_semaphore, #tpu.memory_space<semaphore_mem>>) src(%dma_wait3A_109 : memref<128xi32, #tpu.memory_space<hbm>>) dst(%dma_wait3A_108 : memref<128xi32, #tpu.memory_space<vmem>>)
      tpu.yield
    }) : () -> ()
    %dma_start3A_30 = arith.constant 1 : i32
    %dma_start3A_31 = arith.constant 1 : i32
    %dma_start3A_32 = arith.constant 1 : i32
    %dma_start3A_33 = arith.constant 0 : i32
    %dma_start3A_34 = arith.constant 0 : i32
    %dma_start3A_35 = tpu.memref_slice %arg10[%dma_start3A_31, %dma_start3A_33, %dma_start3A_34] : memref<2x128x128xf32, #tpu.memory_space<vmem>> -> memref<1x128x128xf32, #tpu.memory_space<vmem>>
    %dma_start3A_36 = tpu.memref_squeeze %dma_start3A_35 : memref<1x128x128xf32, #tpu.memory_space<vmem>> -> memref<128x128xf32, #tpu.memory_space<vmem>>
    %dma_start3A_37 = arith.constant 0 : i32
    %dma_start3A_38 = tpu.memref_slice %arg8[%dma_start3A_30, %dma_start3A_37] : memref<2x128xi32, #tpu.memory_space<vmem>> -> memref<1x128xi32, #tpu.memory_space<vmem>>
    %dma_start3A_39 = tpu.memref_squeeze %dma_start3A_38 : memref<1x128xi32, #tpu.memory_space<vmem>> -> memref<128xi32, #tpu.memory_space<vmem>>
    %dma_start3A_40 = arith.constant 0 : i32
    %dma_start3A_41 = arith.constant 0 : i32
    %dma_start3A_42 = tpu.memref_slice %arg2[%dma_start3A_40, %dma_start3A_41] : memref<10000x128xf32, #tpu.memory_space<hbm>> -> memref<10000x128xf32, #tpu.memory_space<hbm>>
    %dma_start3A_43 = tpu.memref_slice %arg11[%dma_start3A_32] : memref<2x!tpu.dma_semaphore, #tpu.memory_space<semaphore_mem>> -> memref<1x!tpu.dma_semaphore, #tpu.memory_space<semaphore_mem>>
    %dma_start3A_44 = tpu.memref_squeeze %dma_start3A_43 : memref<1x!tpu.dma_semaphore, #tpu.memory_space<semaphore_mem>> -> memref<!tpu.dma_semaphore, #tpu.memory_space<semaphore_mem>>
    tpu.enqueue_indirect_dma source(%dma_start3A_42 : memref<10000x128xf32, #tpu.memory_space<hbm>>) target(%dma_start3A_36 : memref<128x128xf32, #tpu.memory_space<vmem>>) offsets(%dma_start3A_39 : memref<128xi32, #tpu.memory_space<vmem>>) semaphore(%dma_start3A_44 : memref<!tpu.dma_semaphore, #tpu.memory_space<semaphore_mem>>)
    %scan3A = arith.constant 0 : i32
    %scan3A_45 = arith.constant 0 : i32
    %scan3A_46 = arith.constant 39 : i32
    %scan3A_47 = arith.addi %scan3A_45, %scan3A_46 : i32
    %scan3A_48 = arith.constant 1 : i32
    scf.for %scan3A_93 = %scan3A_45 to %scan3A_47 step %scan3A_48  : i32 {
      %dma_wait3A_94 = arith.constant 0 : i32
      %dma_wait3A_95 = arith.constant 0 : i32
      %dma_wait3A_96 = arith.constant 0 : i32
      %dma_wait3A_97 = arith.constant 0 : i32
      %dma_wait3A_98 = arith.constant 0 : i32
      %dma_wait3A_99 = tpu.memref_slice %arg10[%dma_wait3A_95, %dma_wait3A_97, %dma_wait3A_98] : memref<2x128x128xf32, #tpu.memory_space<vmem>> -> memref<1x128x128xf32, #tpu.memory_space<vmem>>
      %dma_wait3A_100 = tpu.memref_squeeze %dma_wait3A_99 : memref<1x128x128xf32, #tpu.memory_space<vmem>> -> memref<128x128xf32, #tpu.memory_space<vmem>>
      %dma_wait3A_101 = arith.constant 0 : i32
      %dma_wait3A_102 = tpu.memref_slice %arg8[%dma_wait3A_94, %dma_wait3A_101] : memref<2x128xi32, #tpu.memory_space<vmem>> -> memref<1x128xi32, #tpu.memory_space<vmem>>
      %dma_wait3A_103 = tpu.memref_squeeze %dma_wait3A_102 : memref<1x128xi32, #tpu.memory_space<vmem>> -> memref<128xi32, #tpu.memory_space<vmem>>
      %dma_wait3A_104 = arith.constant 0 : i32
      %dma_wait3A_105 = arith.constant 0 : i32
      %dma_wait3A_106 = tpu.memref_slice %arg2[%dma_wait3A_104, %dma_wait3A_105] : memref<10000x128xf32, #tpu.memory_space<hbm>> -> memref<10000x128xf32, #tpu.memory_space<hbm>>
      %dma_wait3A_107 = tpu.memref_slice %arg11[%dma_wait3A_96] : memref<2x!tpu.dma_semaphore, #tpu.memory_space<semaphore_mem>> -> memref<1x!tpu.dma_semaphore, #tpu.memory_space<semaphore_mem>>
      %dma_wait3A_108 = tpu.memref_squeeze %dma_wait3A_107 : memref<1x!tpu.dma_semaphore, #tpu.memory_space<semaphore_mem>> -> memref<!tpu.dma_semaphore, #tpu.memory_space<semaphore_mem>>
      tpu.wait_indirect_dma semaphore(%dma_wait3A_108 : memref<!tpu.dma_semaphore, #tpu.memory_space<semaphore_mem>>) src(%dma_wait3A_106 : memref<10000x128xf32, #tpu.memory_space<hbm>>) dst(%dma_wait3A_100 : memref<128x128xf32, #tpu.memory_space<vmem>>)
      %run_scoped3A_109 = arith.constant 0 : i32
      %run_scoped3A_110 = arith.constant 0 : i32
      "tpu.region"() ({
        %run_scoped3A_180 = tpu.sem_alloc : memref<!tpu.dma_semaphore, #tpu.memory_space<semaphore_mem>>
        %dma_start3A_181 = arith.constant 0 : i32
        %dma_start3A_182 = arith.constant 0 : i32
        %dma_start3A_183 = tpu.memref_slice %arg10[%run_scoped3A_109, %dma_start3A_181, %dma_start3A_182] : memref<2x128x128xf32, #tpu.memory_space<vmem>> -> memref<1x128x128xf32, #tpu.memory_space<vmem>>
        %dma_start3A_184 = tpu.memref_squeeze %dma_start3A_183 : memref<1x128x128xf32, #tpu.memory_space<vmem>> -> memref<128x128xf32, #tpu.memory_space<vmem>>
        %dma_start3A_185 = arith.constant 0 : i32
        %dma_start3A_186 = tpu.memref_slice %arg9[%run_scoped3A_110, %dma_start3A_185] : memref<2x128xi32, #tpu.memory_space<vmem>> -> memref<1x128xi32, #tpu.memory_space<vmem>>
        %dma_start3A_187 = tpu.memref_squeeze %dma_start3A_186 : memref<1x128xi32, #tpu.memory_space<vmem>> -> memref<128xi32, #tpu.memory_space<vmem>>
        %dma_start3A_188 = arith.constant 0 : i32
        %dma_start3A_189 = arith.constant 0 : i32
        %dma_start3A_190 = tpu.memref_slice %arg7[%dma_start3A_188, %dma_start3A_189] : memref<10008x128xf32, #tpu.memory_space<vmem_shared>> -> memref<10008x128xf32, #tpu.memory_space<vmem_shared>>
        tpu.enqueue_indirect_dma source(%dma_start3A_184 : memref<128x128xf32, #tpu.memory_space<vmem>>) target(%dma_start3A_190 : memref<10008x128xf32, #tpu.memory_space<vmem_shared>>) offsets(%dma_start3A_187 : memref<128xi32, #tpu.memory_space<vmem>>) semaphore(%run_scoped3A_180 : memref<!tpu.dma_semaphore, #tpu.memory_space<semaphore_mem>>) {add = true}
        %dma_wait3A_191 = arith.constant 0 : i32
        %dma_wait3A_192 = arith.constant 0 : i32
        %dma_wait3A_193 = tpu.memref_slice %arg10[%run_scoped3A_109, %dma_wait3A_191, %dma_wait3A_192] : memref<2x128x128xf32, #tpu.memory_space<vmem>> -> memref<1x128x128xf32, #tpu.memory_space<vmem>>
        %dma_wait3A_194 = tpu.memref_squeeze %dma_wait3A_193 : memref<1x128x128xf32, #tpu.memory_space<vmem>> -> memref<128x128xf32, #tpu.memory_space<vmem>>
        %dma_wait3A_195 = arith.constant 0 : i32
        %dma_wait3A_196 = tpu.memref_slice %arg9[%run_scoped3A_110, %dma_wait3A_195] : memref<2x128xi32, #tpu.memory_space<vmem>> -> memref<1x128xi32, #tpu.memory_space<vmem>>
        %dma_wait3A_197 = tpu.memref_squeeze %dma_wait3A_196 : memref<1x128xi32, #tpu.memory_space<vmem>> -> memref<128xi32, #tpu.memory_space<vmem>>
        %dma_wait3A_198 = arith.constant 0 : i32
        %dma_wait3A_199 = arith.constant 0 : i32
        %dma_wait3A_200 = tpu.memref_slice %arg7[%dma_wait3A_198, %dma_wait3A_199] : memref<10008x128xf32, #tpu.memory_space<vmem_shared>> -> memref<10008x128xf32, #tpu.memory_space<vmem_shared>>
        tpu.wait_indirect_dma semaphore(%run_scoped3A_180 : memref<!tpu.dma_semaphore, #tpu.memory_space<semaphore_mem>>) src(%dma_wait3A_194 : memref<128x128xf32, #tpu.memory_space<vmem>>) dst(%dma_wait3A_200 : memref<10008x128xf32, #tpu.memory_space<vmem_shared>>)
        tpu.yield
      }) : () -> ()
      %mul3A_111 = arith.constant 2 : i32
      %mul3A_112 = arith.muli %mul3A_111, %scan3A_93 : i32
      %add3A_113 = arith.constant 0 : i32
      %add3A_114 = arith.addi %mul3A_112, %add3A_113 : i32
      %add3A_115 = arith.constant 2 : i32
      %add3A_116 = arith.addi %add3A_114, %add3A_115 : i32
      %mul3A_117 = arith.constant 128 : i32
      %mul3A_118 = arith.muli %add3A_116, %mul3A_117 : i32
      %add3A_119 = arith.addi %mul3A_8, %mul3A_118 : i32
      %run_scoped3A_120 = arith.constant 0 : i32
      "tpu.region"() ({
        %run_scoped3A_180 = tpu.sem_alloc : memref<!tpu.dma_semaphore, #tpu.memory_space<semaphore_mem>>
        %dma_start3A_181 = arith.constant 0 : i32
        %dma_start3A_182 = tpu.memref_slice %arg8[%run_scoped3A_120, %dma_start3A_181] : memref<2x128xi32, #tpu.memory_space<vmem>> -> memref<1x128xi32, #tpu.memory_space<vmem>>
        %dma_start3A_183 = tpu.memref_squeeze %dma_start3A_182 : memref<1x128xi32, #tpu.memory_space<vmem>> -> memref<128xi32, #tpu.memory_space<vmem>>
        %dma_start3A_184 = tpu.memref_slice %arg3[%add3A_119] : memref<327680xi32, #tpu.memory_space<hbm>> -> memref<128xi32, #tpu.memory_space<hbm>>
        %dma_start3A_185 = arith.constant 0 : i32
        %dma_start3A_186 = tpu.memref_slice %arg8[%run_scoped3A_120, %dma_start3A_185] : memref<2x128xi32, #tpu.memory_space<vmem>> -> memref<1x128xi32, #tpu.memory_space<vmem>>
        %dma_start3A_187 = tpu.memref_squeeze %dma_start3A_186 : memref<1x128xi32, #tpu.memory_space<vmem>> -> memref<128xi32, #tpu.memory_space<vmem>>
        %dma_start3A_188 = tpu.memref_slice %arg3[%add3A_119] : memref<327680xi32, #tpu.memory_space<hbm>> -> memref<128xi32, #tpu.memory_space<hbm>>
        tpu.enqueue_dma source(%dma_start3A_188 : memref<128xi32, #tpu.memory_space<hbm>>) target(%dma_start3A_187 : memref<128xi32, #tpu.memory_space<vmem>>) target_semaphore(%run_scoped3A_180 : memref<!tpu.dma_semaphore, #tpu.memory_space<semaphore_mem>>)
        %dma_wait3A_189 = arith.constant 0 : i32
        %dma_wait3A_190 = tpu.memref_slice %arg8[%run_scoped3A_120, %dma_wait3A_189] : memref<2x128xi32, #tpu.memory_space<vmem>> -> memref<1x128xi32, #tpu.memory_space<vmem>>
        %dma_wait3A_191 = tpu.memref_squeeze %dma_wait3A_190 : memref<1x128xi32, #tpu.memory_space<vmem>> -> memref<128xi32, #tpu.memory_space<vmem>>
        %dma_wait3A_192 = tpu.memref_slice %arg3[%add3A_119] : memref<327680xi32, #tpu.memory_space<hbm>> -> memref<128xi32, #tpu.memory_space<hbm>>
        %dma_wait3A_193 = arith.constant 0 : i32
        %dma_wait3A_194 = tpu.memref_slice %arg8[%run_scoped3A_120, %dma_wait3A_193] : memref<2x128xi32, #tpu.memory_space<vmem>> -> memref<1x128xi32, #tpu.memory_space<vmem>>
        %dma_wait3A_195 = tpu.memref_squeeze %dma_wait3A_194 : memref<1x128xi32, #tpu.memory_space<vmem>> -> memref<128xi32, #tpu.memory_space<vmem>>
        %dma_wait3A_196 = tpu.memref_slice %arg3[%add3A_119] : memref<327680xi32, #tpu.memory_space<hbm>> -> memref<128xi32, #tpu.memory_space<hbm>>
        tpu.wait_dma2 semaphore(%run_scoped3A_180 : memref<!tpu.dma_semaphore, #tpu.memory_space<semaphore_mem>>) src(%dma_wait3A_196 : memref<128xi32, #tpu.memory_space<hbm>>) dst(%dma_wait3A_195 : memref<128xi32, #tpu.memory_space<vmem>>)
        tpu.yield
      }) : () -> ()
      %run_scoped3A_121 = arith.constant 0 : i32
      "tpu.region"() ({
        %run_scoped3A_180 = tpu.sem_alloc : memref<!tpu.dma_semaphore, #tpu.memory_space<semaphore_mem>>
        %dma_start3A_181 = arith.constant 0 : i32
        %dma_start3A_182 = tpu.memref_slice %arg9[%run_scoped3A_121, %dma_start3A_181] : memref<2x128xi32, #tpu.memory_space<vmem>> -> memref<1x128xi32, #tpu.memory_space<vmem>>
        %dma_start3A_183 = tpu.memref_squeeze %dma_start3A_182 : memref<1x128xi32, #tpu.memory_space<vmem>> -> memref<128xi32, #tpu.memory_space<vmem>>
        %dma_start3A_184 = tpu.memref_slice %arg4[%add3A_119] : memref<327680xi32, #tpu.memory_space<hbm>> -> memref<128xi32, #tpu.memory_space<hbm>>
        %dma_start3A_185 = arith.constant 0 : i32
        %dma_start3A_186 = tpu.memref_slice %arg9[%run_scoped3A_121, %dma_start3A_185] : memref<2x128xi32, #tpu.memory_space<vmem>> -> memref<1x128xi32, #tpu.memory_space<vmem>>
        %dma_start3A_187 = tpu.memref_squeeze %dma_start3A_186 : memref<1x128xi32, #tpu.memory_space<vmem>> -> memref<128xi32, #tpu.memory_space<vmem>>
        %dma_start3A_188 = tpu.memref_slice %arg4[%add3A_119] : memref<327680xi32, #tpu.memory_space<hbm>> -> memref<128xi32, #tpu.memory_space<hbm>>
        tpu.enqueue_dma source(%dma_start3A_188 : memref<128xi32, #tpu.memory_space<hbm>>) target(%dma_start3A_187 : memref<128xi32, #tpu.memory_space<vmem>>) target_semaphore(%run_scoped3A_180 : memref<!tpu.dma_semaphore, #tpu.memory_space<semaphore_mem>>)
        %dma_wait3A_189 = arith.constant 0 : i32
        %dma_wait3A_190 = tpu.memref_slice %arg9[%run_scoped3A_121, %dma_wait3A_189] : memref<2x128xi32, #tpu.memory_space<vmem>> -> memref<1x128xi32, #tpu.memory_space<vmem>>
        %dma_wait3A_191 = tpu.memref_squeeze %dma_wait3A_190 : memref<1x128xi32, #tpu.memory_space<vmem>> -> memref<128xi32, #tpu.memory_space<vmem>>
        %dma_wait3A_192 = tpu.memref_slice %arg4[%add3A_119] : memref<327680xi32, #tpu.memory_space<hbm>> -> memref<128xi32, #tpu.memory_space<hbm>>
        %dma_wait3A_193 = arith.constant 0 : i32
        %dma_wait3A_194 = tpu.memref_slice %arg9[%run_scoped3A_121, %dma_wait3A_193] : memref<2x128xi32, #tpu.memory_space<vmem>> -> memref<1x128xi32, #tpu.memory_space<vmem>>
        %dma_wait3A_195 = tpu.memref_squeeze %dma_wait3A_194 : memref<1x128xi32, #tpu.memory_space<vmem>> -> memref<128xi32, #tpu.memory_space<vmem>>
        %dma_wait3A_196 = tpu.memref_slice %arg4[%add3A_119] : memref<327680xi32, #tpu.memory_space<hbm>> -> memref<128xi32, #tpu.memory_space<hbm>>
        tpu.wait_dma2 semaphore(%run_scoped3A_180 : memref<!tpu.dma_semaphore, #tpu.memory_space<semaphore_mem>>) src(%dma_wait3A_196 : memref<128xi32, #tpu.memory_space<hbm>>) dst(%dma_wait3A_195 : memref<128xi32, #tpu.memory_space<vmem>>)
        tpu.yield
      }) : () -> ()
      %dma_start3A_122 = arith.constant 0 : i32
      %dma_start3A_123 = arith.constant 0 : i32
      %dma_start3A_124 = arith.constant 0 : i32
      %dma_start3A_125 = arith.constant 0 : i32
      %dma_start3A_126 = arith.constant 0 : i32
      %dma_start3A_127 = tpu.memref_slice %arg10[%dma_start3A_123, %dma_start3A_125, %dma_start3A_126] : memref<2x128x128xf32, #tpu.memory_space<vmem>> -> memref<1x128x128xf32, #tpu.memory_space<vmem>>
      %dma_start3A_128 = tpu.memref_squeeze %dma_start3A_127 : memref<1x128x128xf32, #tpu.memory_space<vmem>> -> memref<128x128xf32, #tpu.memory_space<vmem>>
      %dma_start3A_129 = arith.constant 0 : i32
      %dma_start3A_130 = tpu.memref_slice %arg8[%dma_start3A_122, %dma_start3A_129] : memref<2x128xi32, #tpu.memory_space<vmem>> -> memref<1x128xi32, #tpu.memory_space<vmem>>
      %dma_start3A_131 = tpu.memref_squeeze %dma_start3A_130 : memref<1x128xi32, #tpu.memory_space<vmem>> -> memref<128xi32, #tpu.memory_space<vmem>>
      %dma_start3A_132 = arith.constant 0 : i32
      %dma_start3A_133 = arith.constant 0 : i32
      %dma_start3A_134 = tpu.memref_slice %arg2[%dma_start3A_132, %dma_start3A_133] : memref<10000x128xf32, #tpu.memory_space<hbm>> -> memref<10000x128xf32, #tpu.memory_space<hbm>>
      %dma_start3A_135 = tpu.memref_slice %arg11[%dma_start3A_124] : memref<2x!tpu.dma_semaphore, #tpu.memory_space<semaphore_mem>> -> memref<1x!tpu.dma_semaphore, #tpu.memory_space<semaphore_mem>>
      %dma_start3A_136 = tpu.memref_squeeze %dma_start3A_135 : memref<1x!tpu.dma_semaphore, #tpu.memory_space<semaphore_mem>> -> memref<!tpu.dma_semaphore, #tpu.memory_space<semaphore_mem>>
      tpu.enqueue_indirect_dma source(%dma_start3A_134 : memref<10000x128xf32, #tpu.memory_space<hbm>>) target(%dma_start3A_128 : memref<128x128xf32, #tpu.memory_space<vmem>>) offsets(%dma_start3A_131 : memref<128xi32, #tpu.memory_space<vmem>>) semaphore(%dma_start3A_136 : memref<!tpu.dma_semaphore, #tpu.memory_space<semaphore_mem>>)
      %dma_wait3A_137 = arith.constant 1 : i32
      %dma_wait3A_138 = arith.constant 1 : i32
      %dma_wait3A_139 = arith.constant 1 : i32
      %dma_wait3A_140 = arith.constant 0 : i32
      %dma_wait3A_141 = arith.constant 0 : i32
      %dma_wait3A_142 = tpu.memref_slice %arg10[%dma_wait3A_138, %dma_wait3A_140, %dma_wait3A_141] : memref<2x128x128xf32, #tpu.memory_space<vmem>> -> memref<1x128x128xf32, #tpu.memory_space<vmem>>
      %dma_wait3A_143 = tpu.memref_squeeze %dma_wait3A_142 : memref<1x128x128xf32, #tpu.memory_space<vmem>> -> memref<128x128xf32, #tpu.memory_space<vmem>>
      %dma_wait3A_144 = arith.constant 0 : i32
      %dma_wait3A_145 = tpu.memref_slice %arg8[%dma_wait3A_137, %dma_wait3A_144] : memref<2x128xi32, #tpu.memory_space<vmem>> -> memref<1x128xi32, #tpu.memory_space<vmem>>
      %dma_wait3A_146 = tpu.memref_squeeze %dma_wait3A_145 : memref<1x128xi32, #tpu.memory_space<vmem>> -> memref<128xi32, #tpu.memory_space<vmem>>
      %dma_wait3A_147 = arith.constant 0 : i32
      %dma_wait3A_148 = arith.constant 0 : i32
      %dma_wait3A_149 = tpu.memref_slice %arg2[%dma_wait3A_147, %dma_wait3A_148] : memref<10000x128xf32, #tpu.memory_space<hbm>> -> memref<10000x128xf32, #tpu.memory_space<hbm>>
      %dma_wait3A_150 = tpu.memref_slice %arg11[%dma_wait3A_139] : memref<2x!tpu.dma_semaphore, #tpu.memory_space<semaphore_mem>> -> memref<1x!tpu.dma_semaphore, #tpu.memory_space<semaphore_mem>>
      %dma_wait3A_151 = tpu.memref_squeeze %dma_wait3A_150 : memref<1x!tpu.dma_semaphore, #tpu.memory_space<semaphore_mem>> -> memref<!tpu.dma_semaphore, #tpu.memory_space<semaphore_mem>>
      tpu.wait_indirect_dma semaphore(%dma_wait3A_151 : memref<!tpu.dma_semaphore, #tpu.memory_space<semaphore_mem>>) src(%dma_wait3A_149 : memref<10000x128xf32, #tpu.memory_space<hbm>>) dst(%dma_wait3A_143 : memref<128x128xf32, #tpu.memory_space<vmem>>)
      %run_scoped3A_152 = arith.constant 1 : i32
      %run_scoped3A_153 = arith.constant 1 : i32
      "tpu.region"() ({
        %run_scoped3A_180 = tpu.sem_alloc : memref<!tpu.dma_semaphore, #tpu.memory_space<semaphore_mem>>
        %dma_start3A_181 = arith.constant 0 : i32
        %dma_start3A_182 = arith.constant 0 : i32
        %dma_start3A_183 = tpu.memref_slice %arg10[%run_scoped3A_152, %dma_start3A_181, %dma_start3A_182] : memref<2x128x128xf32, #tpu.memory_space<vmem>> -> memref<1x128x128xf32, #tpu.memory_space<vmem>>
        %dma_start3A_184 = tpu.memref_squeeze %dma_start3A_183 : memref<1x128x128xf32, #tpu.memory_space<vmem>> -> memref<128x128xf32, #tpu.memory_space<vmem>>
        %dma_start3A_185 = arith.constant 0 : i32
        %dma_start3A_186 = tpu.memref_slice %arg9[%run_scoped3A_153, %dma_start3A_185] : memref<2x128xi32, #tpu.memory_space<vmem>> -> memref<1x128xi32, #tpu.memory_space<vmem>>
        %dma_start3A_187 = tpu.memref_squeeze %dma_start3A_186 : memref<1x128xi32, #tpu.memory_space<vmem>> -> memref<128xi32, #tpu.memory_space<vmem>>
        %dma_start3A_188 = arith.constant 0 : i32
        %dma_start3A_189 = arith.constant 0 : i32
        %dma_start3A_190 = tpu.memref_slice %arg7[%dma_start3A_188, %dma_start3A_189] : memref<10008x128xf32, #tpu.memory_space<vmem_shared>> -> memref<10008x128xf32, #tpu.memory_space<vmem_shared>>
        tpu.enqueue_indirect_dma source(%dma_start3A_184 : memref<128x128xf32, #tpu.memory_space<vmem>>) target(%dma_start3A_190 : memref<10008x128xf32, #tpu.memory_space<vmem_shared>>) offsets(%dma_start3A_187 : memref<128xi32, #tpu.memory_space<vmem>>) semaphore(%run_scoped3A_180 : memref<!tpu.dma_semaphore, #tpu.memory_space<semaphore_mem>>) {add = true}
        %dma_wait3A_191 = arith.constant 0 : i32
        %dma_wait3A_192 = arith.constant 0 : i32
        %dma_wait3A_193 = tpu.memref_slice %arg10[%run_scoped3A_152, %dma_wait3A_191, %dma_wait3A_192] : memref<2x128x128xf32, #tpu.memory_space<vmem>> -> memref<1x128x128xf32, #tpu.memory_space<vmem>>
        %dma_wait3A_194 = tpu.memref_squeeze %dma_wait3A_193 : memref<1x128x128xf32, #tpu.memory_space<vmem>> -> memref<128x128xf32, #tpu.memory_space<vmem>>
        %dma_wait3A_195 = arith.constant 0 : i32
        %dma_wait3A_196 = tpu.memref_slice %arg9[%run_scoped3A_153, %dma_wait3A_195] : memref<2x128xi32, #tpu.memory_space<vmem>> -> memref<1x128xi32, #tpu.memory_space<vmem>>
        %dma_wait3A_197 = tpu.memref_squeeze %dma_wait3A_196 : memref<1x128xi32, #tpu.memory_space<vmem>> -> memref<128xi32, #tpu.memory_space<vmem>>
        %dma_wait3A_198 = arith.constant 0 : i32
        %dma_wait3A_199 = arith.constant 0 : i32
        %dma_wait3A_200 = tpu.memref_slice %arg7[%dma_wait3A_198, %dma_wait3A_199] : memref<10008x128xf32, #tpu.memory_space<vmem_shared>> -> memref<10008x128xf32, #tpu.memory_space<vmem_shared>>
        tpu.wait_indirect_dma semaphore(%run_scoped3A_180 : memref<!tpu.dma_semaphore, #tpu.memory_space<semaphore_mem>>) src(%dma_wait3A_194 : memref<128x128xf32, #tpu.memory_space<vmem>>) dst(%dma_wait3A_200 : memref<10008x128xf32, #tpu.memory_space<vmem_shared>>)
        tpu.yield
      }) : () -> ()
      %mul3A_154 = arith.constant 2 : i32
      %mul3A_155 = arith.muli %mul3A_154, %scan3A_93 : i32
      %add3A_156 = arith.constant 1 : i32
      %add3A_157 = arith.addi %mul3A_155, %add3A_156 : i32
      %add3A_158 = arith.constant 2 : i32
      %add3A_159 = arith.addi %add3A_157, %add3A_158 : i32
      %mul3A_160 = arith.constant 128 : i32
      %mul3A_161 = arith.muli %add3A_159, %mul3A_160 : i32
      %add3A_162 = arith.addi %mul3A_8, %mul3A_161 : i32
      %run_scoped3A_163 = arith.constant 1 : i32
      "tpu.region"() ({
        %run_scoped3A_180 = tpu.sem_alloc : memref<!tpu.dma_semaphore, #tpu.memory_space<semaphore_mem>>
        %dma_start3A_181 = arith.constant 0 : i32
        %dma_start3A_182 = tpu.memref_slice %arg8[%run_scoped3A_163, %dma_start3A_181] : memref<2x128xi32, #tpu.memory_space<vmem>> -> memref<1x128xi32, #tpu.memory_space<vmem>>
        %dma_start3A_183 = tpu.memref_squeeze %dma_start3A_182 : memref<1x128xi32, #tpu.memory_space<vmem>> -> memref<128xi32, #tpu.memory_space<vmem>>
        %dma_start3A_184 = tpu.memref_slice %arg3[%add3A_162] : memref<327680xi32, #tpu.memory_space<hbm>> -> memref<128xi32, #tpu.memory_space<hbm>>
        %dma_start3A_185 = arith.constant 0 : i32
        %dma_start3A_186 = tpu.memref_slice %arg8[%run_scoped3A_163, %dma_start3A_185] : memref<2x128xi32, #tpu.memory_space<vmem>> -> memref<1x128xi32, #tpu.memory_space<vmem>>
        %dma_start3A_187 = tpu.memref_squeeze %dma_start3A_186 : memref<1x128xi32, #tpu.memory_space<vmem>> -> memref<128xi32, #tpu.memory_space<vmem>>
        %dma_start3A_188 = tpu.memref_slice %arg3[%add3A_162] : memref<327680xi32, #tpu.memory_space<hbm>> -> memref<128xi32, #tpu.memory_space<hbm>>
        tpu.enqueue_dma source(%dma_start3A_188 : memref<128xi32, #tpu.memory_space<hbm>>) target(%dma_start3A_187 : memref<128xi32, #tpu.memory_space<vmem>>) target_semaphore(%run_scoped3A_180 : memref<!tpu.dma_semaphore, #tpu.memory_space<semaphore_mem>>)
        %dma_wait3A_189 = arith.constant 0 : i32
        %dma_wait3A_190 = tpu.memref_slice %arg8[%run_scoped3A_163, %dma_wait3A_189] : memref<2x128xi32, #tpu.memory_space<vmem>> -> memref<1x128xi32, #tpu.memory_space<vmem>>
        %dma_wait3A_191 = tpu.memref_squeeze %dma_wait3A_190 : memref<1x128xi32, #tpu.memory_space<vmem>> -> memref<128xi32, #tpu.memory_space<vmem>>
        %dma_wait3A_192 = tpu.memref_slice %arg3[%add3A_162] : memref<327680xi32, #tpu.memory_space<hbm>> -> memref<128xi32, #tpu.memory_space<hbm>>
        %dma_wait3A_193 = arith.constant 0 : i32
        %dma_wait3A_194 = tpu.memref_slice %arg8[%run_scoped3A_163, %dma_wait3A_193] : memref<2x128xi32, #tpu.memory_space<vmem>> -> memref<1x128xi32, #tpu.memory_space<vmem>>
        %dma_wait3A_195 = tpu.memref_squeeze %dma_wait3A_194 : memref<1x128xi32, #tpu.memory_space<vmem>> -> memref<128xi32, #tpu.memory_space<vmem>>
        %dma_wait3A_196 = tpu.memref_slice %arg3[%add3A_162] : memref<327680xi32, #tpu.memory_space<hbm>> -> memref<128xi32, #tpu.memory_space<hbm>>
        tpu.wait_dma2 semaphore(%run_scoped3A_180 : memref<!tpu.dma_semaphore, #tpu.memory_space<semaphore_mem>>) src(%dma_wait3A_196 : memref<128xi32, #tpu.memory_space<hbm>>) dst(%dma_wait3A_195 : memref<128xi32, #tpu.memory_space<vmem>>)
        tpu.yield
      }) : () -> ()
      %run_scoped3A_164 = arith.constant 1 : i32
      "tpu.region"() ({
        %run_scoped3A_180 = tpu.sem_alloc : memref<!tpu.dma_semaphore, #tpu.memory_space<semaphore_mem>>
        %dma_start3A_181 = arith.constant 0 : i32
        %dma_start3A_182 = tpu.memref_slice %arg9[%run_scoped3A_164, %dma_start3A_181] : memref<2x128xi32, #tpu.memory_space<vmem>> -> memref<1x128xi32, #tpu.memory_space<vmem>>
        %dma_start3A_183 = tpu.memref_squeeze %dma_start3A_182 : memref<1x128xi32, #tpu.memory_space<vmem>> -> memref<128xi32, #tpu.memory_space<vmem>>
        %dma_start3A_184 = tpu.memref_slice %arg4[%add3A_162] : memref<327680xi32, #tpu.memory_space<hbm>> -> memref<128xi32, #tpu.memory_space<hbm>>
        %dma_start3A_185 = arith.constant 0 : i32
        %dma_start3A_186 = tpu.memref_slice %arg9[%run_scoped3A_164, %dma_start3A_185] : memref<2x128xi32, #tpu.memory_space<vmem>> -> memref<1x128xi32, #tpu.memory_space<vmem>>
        %dma_start3A_187 = tpu.memref_squeeze %dma_start3A_186 : memref<1x128xi32, #tpu.memory_space<vmem>> -> memref<128xi32, #tpu.memory_space<vmem>>
        %dma_start3A_188 = tpu.memref_slice %arg4[%add3A_162] : memref<327680xi32, #tpu.memory_space<hbm>> -> memref<128xi32, #tpu.memory_space<hbm>>
        tpu.enqueue_dma source(%dma_start3A_188 : memref<128xi32, #tpu.memory_space<hbm>>) target(%dma_start3A_187 : memref<128xi32, #tpu.memory_space<vmem>>) target_semaphore(%run_scoped3A_180 : memref<!tpu.dma_semaphore, #tpu.memory_space<semaphore_mem>>)
        %dma_wait3A_189 = arith.constant 0 : i32
        %dma_wait3A_190 = tpu.memref_slice %arg9[%run_scoped3A_164, %dma_wait3A_189] : memref<2x128xi32, #tpu.memory_space<vmem>> -> memref<1x128xi32, #tpu.memory_space<vmem>>
        %dma_wait3A_191 = tpu.memref_squeeze %dma_wait3A_190 : memref<1x128xi32, #tpu.memory_space<vmem>> -> memref<128xi32, #tpu.memory_space<vmem>>
        %dma_wait3A_192 = tpu.memref_slice %arg4[%add3A_162] : memref<327680xi32, #tpu.memory_space<hbm>> -> memref<128xi32, #tpu.memory_space<hbm>>
        %dma_wait3A_193 = arith.constant 0 : i32
        %dma_wait3A_194 = tpu.memref_slice %arg9[%run_scoped3A_164, %dma_wait3A_193] : memref<2x128xi32, #tpu.memory_space<vmem>> -> memref<1x128xi32, #tpu.memory_space<vmem>>
        %dma_wait3A_195 = tpu.memref_squeeze %dma_wait3A_194 : memref<1x128xi32, #tpu.memory_space<vmem>> -> memref<128xi32, #tpu.memory_space<vmem>>
        %dma_wait3A_196 = tpu.memref_slice %arg4[%add3A_162] : memref<327680xi32, #tpu.memory_space<hbm>> -> memref<128xi32, #tpu.memory_space<hbm>>
        tpu.wait_dma2 semaphore(%run_scoped3A_180 : memref<!tpu.dma_semaphore, #tpu.memory_space<semaphore_mem>>) src(%dma_wait3A_196 : memref<128xi32, #tpu.memory_space<hbm>>) dst(%dma_wait3A_195 : memref<128xi32, #tpu.memory_space<vmem>>)
        tpu.yield
      }) : () -> ()
      %dma_start3A_165 = arith.constant 1 : i32
      %dma_start3A_166 = arith.constant 1 : i32
      %dma_start3A_167 = arith.constant 1 : i32
      %dma_start3A_168 = arith.constant 0 : i32
      %dma_start3A_169 = arith.constant 0 : i32
      %dma_start3A_170 = tpu.memref_slice %arg10[%dma_start3A_166, %dma_start3A_168, %dma_start3A_169] : memref<2x128x128xf32, #tpu.memory_space<vmem>> -> memref<1x128x128xf32, #tpu.memory_space<vmem>>
      %dma_start3A_171 = tpu.memref_squeeze %dma_start3A_170 : memref<1x128x128xf32, #tpu.memory_space<vmem>> -> memref<128x128xf32, #tpu.memory_space<vmem>>
      %dma_start3A_172 = arith.constant 0 : i32
      %dma_start3A_173 = tpu.memref_slice %arg8[%dma_start3A_165, %dma_start3A_172] : memref<2x128xi32, #tpu.memory_space<vmem>> -> memref<1x128xi32, #tpu.memory_space<vmem>>
      %dma_start3A_174 = tpu.memref_squeeze %dma_start3A_173 : memref<1x128xi32, #tpu.memory_space<vmem>> -> memref<128xi32, #tpu.memory_space<vmem>>
      %dma_start3A_175 = arith.constant 0 : i32
      %dma_start3A_176 = arith.constant 0 : i32
      %dma_start3A_177 = tpu.memref_slice %arg2[%dma_start3A_175, %dma_start3A_176] : memref<10000x128xf32, #tpu.memory_space<hbm>> -> memref<10000x128xf32, #tpu.memory_space<hbm>>
      %dma_start3A_178 = tpu.memref_slice %arg11[%dma_start3A_167] : memref<2x!tpu.dma_semaphore, #tpu.memory_space<semaphore_mem>> -> memref<1x!tpu.dma_semaphore, #tpu.memory_space<semaphore_mem>>
      %dma_start3A_179 = tpu.memref_squeeze %dma_start3A_178 : memref<1x!tpu.dma_semaphore, #tpu.memory_space<semaphore_mem>> -> memref<!tpu.dma_semaphore, #tpu.memory_space<semaphore_mem>>
      tpu.enqueue_indirect_dma source(%dma_start3A_177 : memref<10000x128xf32, #tpu.memory_space<hbm>>) target(%dma_start3A_171 : memref<128x128xf32, #tpu.memory_space<vmem>>) offsets(%dma_start3A_174 : memref<128xi32, #tpu.memory_space<vmem>>) semaphore(%dma_start3A_179 : memref<!tpu.dma_semaphore, #tpu.memory_space<semaphore_mem>>)
    }
    %scan3A_49 = arith.constant 39 : i32
    %dma_wait3A = arith.constant 0 : i32
    %dma_wait3A_50 = arith.constant 0 : i32
    %dma_wait3A_51 = arith.constant 0 : i32
    %dma_wait3A_52 = arith.constant 0 : i32
    %dma_wait3A_53 = arith.constant 0 : i32
    %dma_wait3A_54 = tpu.memref_slice %arg10[%dma_wait3A_50, %dma_wait3A_52, %dma_wait3A_53] : memref<2x128x128xf32, #tpu.memory_space<vmem>> -> memref<1x128x128xf32, #tpu.memory_space<vmem>>
    %dma_wait3A_55 = tpu.memref_squeeze %dma_wait3A_54 : memref<1x128x128xf32, #tpu.memory_space<vmem>> -> memref<128x128xf32, #tpu.memory_space<vmem>>
    %dma_wait3A_56 = arith.constant 0 : i32
    %dma_wait3A_57 = tpu.memref_slice %arg8[%dma_wait3A, %dma_wait3A_56] : memref<2x128xi32, #tpu.memory_space<vmem>> -> memref<1x128xi32, #tpu.memory_space<vmem>>
    %dma_wait3A_58 = tpu.memref_squeeze %dma_wait3A_57 : memref<1x128xi32, #tpu.memory_space<vmem>> -> memref<128xi32, #tpu.memory_space<vmem>>
    %dma_wait3A_59 = arith.constant 0 : i32
    %dma_wait3A_60 = arith.constant 0 : i32
    %dma_wait3A_61 = tpu.memref_slice %arg2[%dma_wait3A_59, %dma_wait3A_60] : memref<10000x128xf32, #tpu.memory_space<hbm>> -> memref<10000x128xf32, #tpu.memory_space<hbm>>
    %dma_wait3A_62 = tpu.memref_slice %arg11[%dma_wait3A_51] : memref<2x!tpu.dma_semaphore, #tpu.memory_space<semaphore_mem>> -> memref<1x!tpu.dma_semaphore, #tpu.memory_space<semaphore_mem>>
    %dma_wait3A_63 = tpu.memref_squeeze %dma_wait3A_62 : memref<1x!tpu.dma_semaphore, #tpu.memory_space<semaphore_mem>> -> memref<!tpu.dma_semaphore, #tpu.memory_space<semaphore_mem>>
    tpu.wait_indirect_dma semaphore(%dma_wait3A_63 : memref<!tpu.dma_semaphore, #tpu.memory_space<semaphore_mem>>) src(%dma_wait3A_61 : memref<10000x128xf32, #tpu.memory_space<hbm>>) dst(%dma_wait3A_55 : memref<128x128xf32, #tpu.memory_space<vmem>>)
    %run_scoped3A_64 = arith.constant 0 : i32
    %run_scoped3A_65 = arith.constant 0 : i32
    "tpu.region"() ({
      %run_scoped3A_93 = tpu.sem_alloc : memref<!tpu.dma_semaphore, #tpu.memory_space<semaphore_mem>>
      %dma_start3A_94 = arith.constant 0 : i32
      %dma_start3A_95 = arith.constant 0 : i32
      %dma_start3A_96 = tpu.memref_slice %arg10[%run_scoped3A_64, %dma_start3A_94, %dma_start3A_95] : memref<2x128x128xf32, #tpu.memory_space<vmem>> -> memref<1x128x128xf32, #tpu.memory_space<vmem>>
      %dma_start3A_97 = tpu.memref_squeeze %dma_start3A_96 : memref<1x128x128xf32, #tpu.memory_space<vmem>> -> memref<128x128xf32, #tpu.memory_space<vmem>>
      %dma_start3A_98 = arith.constant 0 : i32
      %dma_start3A_99 = tpu.memref_slice %arg9[%run_scoped3A_65, %dma_start3A_98] : memref<2x128xi32, #tpu.memory_space<vmem>> -> memref<1x128xi32, #tpu.memory_space<vmem>>
      %dma_start3A_100 = tpu.memref_squeeze %dma_start3A_99 : memref<1x128xi32, #tpu.memory_space<vmem>> -> memref<128xi32, #tpu.memory_space<vmem>>
      %dma_start3A_101 = arith.constant 0 : i32
      %dma_start3A_102 = arith.constant 0 : i32
      %dma_start3A_103 = tpu.memref_slice %arg7[%dma_start3A_101, %dma_start3A_102] : memref<10008x128xf32, #tpu.memory_space<vmem_shared>> -> memref<10008x128xf32, #tpu.memory_space<vmem_shared>>
      tpu.enqueue_indirect_dma source(%dma_start3A_97 : memref<128x128xf32, #tpu.memory_space<vmem>>) target(%dma_start3A_103 : memref<10008x128xf32, #tpu.memory_space<vmem_shared>>) offsets(%dma_start3A_100 : memref<128xi32, #tpu.memory_space<vmem>>) semaphore(%run_scoped3A_93 : memref<!tpu.dma_semaphore, #tpu.memory_space<semaphore_mem>>) {add = true}
      %dma_wait3A_104 = arith.constant 0 : i32
      %dma_wait3A_105 = arith.constant 0 : i32
      %dma_wait3A_106 = tpu.memref_slice %arg10[%run_scoped3A_64, %dma_wait3A_104, %dma_wait3A_105] : memref<2x128x128xf32, #tpu.memory_space<vmem>> -> memref<1x128x128xf32, #tpu.memory_space<vmem>>
      %dma_wait3A_107 = tpu.memref_squeeze %dma_wait3A_106 : memref<1x128x128xf32, #tpu.memory_space<vmem>> -> memref<128x128xf32, #tpu.memory_space<vmem>>
      %dma_wait3A_108 = arith.constant 0 : i32
      %dma_wait3A_109 = tpu.memref_slice %arg9[%run_scoped3A_65, %dma_wait3A_108] : memref<2x128xi32, #tpu.memory_space<vmem>> -> memref<1x128xi32, #tpu.memory_space<vmem>>
      %dma_wait3A_110 = tpu.memref_squeeze %dma_wait3A_109 : memref<1x128xi32, #tpu.memory_space<vmem>> -> memref<128xi32, #tpu.memory_space<vmem>>
      %dma_wait3A_111 = arith.constant 0 : i32
      %dma_wait3A_112 = arith.constant 0 : i32
      %dma_wait3A_113 = tpu.memref_slice %arg7[%dma_wait3A_111, %dma_wait3A_112] : memref<10008x128xf32, #tpu.memory_space<vmem_shared>> -> memref<10008x128xf32, #tpu.memory_space<vmem_shared>>
      tpu.wait_indirect_dma semaphore(%run_scoped3A_93 : memref<!tpu.dma_semaphore, #tpu.memory_space<semaphore_mem>>) src(%dma_wait3A_107 : memref<128x128xf32, #tpu.memory_space<vmem>>) dst(%dma_wait3A_113 : memref<10008x128xf32, #tpu.memory_space<vmem_shared>>)
      tpu.yield
    }) : () -> ()
    %dma_wait3A_66 = arith.constant 1 : i32
    %dma_wait3A_67 = arith.constant 1 : i32
    %dma_wait3A_68 = arith.constant 1 : i32
    %dma_wait3A_69 = arith.constant 0 : i32
    %dma_wait3A_70 = arith.constant 0 : i32
    %dma_wait3A_71 = tpu.memref_slice %arg10[%dma_wait3A_67, %dma_wait3A_69, %dma_wait3A_70] : memref<2x128x128xf32, #tpu.memory_space<vmem>> -> memref<1x128x128xf32, #tpu.memory_space<vmem>>
    %dma_wait3A_72 = tpu.memref_squeeze %dma_wait3A_71 : memref<1x128x128xf32, #tpu.memory_space<vmem>> -> memref<128x128xf32, #tpu.memory_space<vmem>>
    %dma_wait3A_73 = arith.constant 0 : i32
    %dma_wait3A_74 = tpu.memref_slice %arg8[%dma_wait3A_66, %dma_wait3A_73] : memref<2x128xi32, #tpu.memory_space<vmem>> -> memref<1x128xi32, #tpu.memory_space<vmem>>
    %dma_wait3A_75 = tpu.memref_squeeze %dma_wait3A_74 : memref<1x128xi32, #tpu.memory_space<vmem>> -> memref<128xi32, #tpu.memory_space<vmem>>
    %dma_wait3A_76 = arith.constant 0 : i32
    %dma_wait3A_77 = arith.constant 0 : i32
    %dma_wait3A_78 = tpu.memref_slice %arg2[%dma_wait3A_76, %dma_wait3A_77] : memref<10000x128xf32, #tpu.memory_space<hbm>> -> memref<10000x128xf32, #tpu.memory_space<hbm>>
    %dma_wait3A_79 = tpu.memref_slice %arg11[%dma_wait3A_68] : memref<2x!tpu.dma_semaphore, #tpu.memory_space<semaphore_mem>> -> memref<1x!tpu.dma_semaphore, #tpu.memory_space<semaphore_mem>>
    %dma_wait3A_80 = tpu.memref_squeeze %dma_wait3A_79 : memref<1x!tpu.dma_semaphore, #tpu.memory_space<semaphore_mem>> -> memref<!tpu.dma_semaphore, #tpu.memory_space<semaphore_mem>>
    tpu.wait_indirect_dma semaphore(%dma_wait3A_80 : memref<!tpu.dma_semaphore, #tpu.memory_space<semaphore_mem>>) src(%dma_wait3A_78 : memref<10000x128xf32, #tpu.memory_space<hbm>>) dst(%dma_wait3A_72 : memref<128x128xf32, #tpu.memory_space<vmem>>)
    %run_scoped3A_81 = arith.constant 1 : i32
    %run_scoped3A_82 = arith.constant 1 : i32
    "tpu.region"() ({
      %run_scoped3A_93 = tpu.sem_alloc : memref<!tpu.dma_semaphore, #tpu.memory_space<semaphore_mem>>
      %dma_start3A_94 = arith.constant 0 : i32
      %dma_start3A_95 = arith.constant 0 : i32
      %dma_start3A_96 = tpu.memref_slice %arg10[%run_scoped3A_81, %dma_start3A_94, %dma_start3A_95] : memref<2x128x128xf32, #tpu.memory_space<vmem>> -> memref<1x128x128xf32, #tpu.memory_space<vmem>>
      %dma_start3A_97 = tpu.memref_squeeze %dma_start3A_96 : memref<1x128x128xf32, #tpu.memory_space<vmem>> -> memref<128x128xf32, #tpu.memory_space<vmem>>
      %dma_start3A_98 = arith.constant 0 : i32
      %dma_start3A_99 = tpu.memref_slice %arg9[%run_scoped3A_82, %dma_start3A_98] : memref<2x128xi32, #tpu.memory_space<vmem>> -> memref<1x128xi32, #tpu.memory_space<vmem>>
      %dma_start3A_100 = tpu.memref_squeeze %dma_start3A_99 : memref<1x128xi32, #tpu.memory_space<vmem>> -> memref<128xi32, #tpu.memory_space<vmem>>
      %dma_start3A_101 = arith.constant 0 : i32
      %dma_start3A_102 = arith.constant 0 : i32
      %dma_start3A_103 = tpu.memref_slice %arg7[%dma_start3A_101, %dma_start3A_102] : memref<10008x128xf32, #tpu.memory_space<vmem_shared>> -> memref<10008x128xf32, #tpu.memory_space<vmem_shared>>
      tpu.enqueue_indirect_dma source(%dma_start3A_97 : memref<128x128xf32, #tpu.memory_space<vmem>>) target(%dma_start3A_103 : memref<10008x128xf32, #tpu.memory_space<vmem_shared>>) offsets(%dma_start3A_100 : memref<128xi32, #tpu.memory_space<vmem>>) semaphore(%run_scoped3A_93 : memref<!tpu.dma_semaphore, #tpu.memory_space<semaphore_mem>>) {add = true}
      %dma_wait3A_104 = arith.constant 0 : i32
      %dma_wait3A_105 = arith.constant 0 : i32
      %dma_wait3A_106 = tpu.memref_slice %arg10[%run_scoped3A_81, %dma_wait3A_104, %dma_wait3A_105] : memref<2x128x128xf32, #tpu.memory_space<vmem>> -> memref<1x128x128xf32, #tpu.memory_space<vmem>>
      %dma_wait3A_107 = tpu.memref_squeeze %dma_wait3A_106 : memref<1x128x128xf32, #tpu.memory_space<vmem>> -> memref<128x128xf32, #tpu.memory_space<vmem>>
      %dma_wait3A_108 = arith.constant 0 : i32
      %dma_wait3A_109 = tpu.memref_slice %arg9[%run_scoped3A_82, %dma_wait3A_108] : memref<2x128xi32, #tpu.memory_space<vmem>> -> memref<1x128xi32, #tpu.memory_space<vmem>>
      %dma_wait3A_110 = tpu.memref_squeeze %dma_wait3A_109 : memref<1x128xi32, #tpu.memory_space<vmem>> -> memref<128xi32, #tpu.memory_space<vmem>>
      %dma_wait3A_111 = arith.constant 0 : i32
      %dma_wait3A_112 = arith.constant 0 : i32
      %dma_wait3A_113 = tpu.memref_slice %arg7[%dma_wait3A_111, %dma_wait3A_112] : memref<10008x128xf32, #tpu.memory_space<vmem_shared>> -> memref<10008x128xf32, #tpu.memory_space<vmem_shared>>
      tpu.wait_indirect_dma semaphore(%run_scoped3A_93 : memref<!tpu.dma_semaphore, #tpu.memory_space<semaphore_mem>>) src(%dma_wait3A_107 : memref<128x128xf32, #tpu.memory_space<vmem>>) dst(%dma_wait3A_113 : memref<10008x128xf32, #tpu.memory_space<vmem_shared>>)
      tpu.yield
    }) : () -> ()
    %barrier3A_83 = arith.constant 0 : index
    tpu.barrier barrier_id(%barrier3A_83)
    %mul3A_84 = arith.constant 624 : i32
    %mul3A_85 = arith.muli %arg1, %mul3A_84 : i32
    %mul3A_86 = arith.constant 624 : i32
    %mul3A_87 = arith.muli %arg1, %mul3A_86 : i32
    "tpu.region"() ({
      %run_scoped3A_93 = tpu.sem_alloc : memref<!tpu.dma_semaphore, #tpu.memory_space<semaphore_mem>>
      %dma_start3A_94 = arith.constant 0 : i32
      %dma_start3A_95 = tpu.memref_slice %arg6[%arg0, %mul3A_87, %dma_start3A_94] : memref<2x10000x128xf32, #tpu.memory_space<hbm>> -> memref<1x624x128xf32, #tpu.memory_space<hbm>>
      %dma_start3A_96 = tpu.memref_squeeze %dma_start3A_95 : memref<1x624x128xf32, #tpu.memory_space<hbm>> -> memref<624x128xf32, #tpu.memory_space<hbm>>
      %dma_start3A_97 = arith.constant 0 : i32
      %dma_start3A_98 = tpu.memref_slice %arg7[%mul3A_85, %dma_start3A_97] : memref<10008x128xf32, #tpu.memory_space<vmem_shared>> -> memref<624x128xf32, #tpu.memory_space<vmem_shared>>
      tpu.enqueue_dma source(%dma_start3A_98 : memref<624x128xf32, #tpu.memory_space<vmem_shared>>) target(%dma_start3A_96 : memref<624x128xf32, #tpu.memory_space<hbm>>) target_semaphore(%run_scoped3A_93 : memref<!tpu.dma_semaphore, #tpu.memory_space<semaphore_mem>>)
      %dma_wait3A_99 = arith.constant 0 : i32
      %dma_wait3A_100 = tpu.memref_slice %arg6[%arg0, %mul3A_87, %dma_wait3A_99] : memref<2x10000x128xf32, #tpu.memory_space<hbm>> -> memref<1x624x128xf32, #tpu.memory_space<hbm>>
      %dma_wait3A_101 = tpu.memref_squeeze %dma_wait3A_100 : memref<1x624x128xf32, #tpu.memory_space<hbm>> -> memref<624x128xf32, #tpu.memory_space<hbm>>
      %dma_wait3A_102 = arith.constant 0 : i32
      %dma_wait3A_103 = tpu.memref_slice %arg7[%mul3A_85, %dma_wait3A_102] : memref<10008x128xf32, #tpu.memory_space<vmem_shared>> -> memref<624x128xf32, #tpu.memory_space<vmem_shared>>
      tpu.wait_dma2 semaphore(%run_scoped3A_93 : memref<!tpu.dma_semaphore, #tpu.memory_space<semaphore_mem>>) src(%dma_wait3A_103 : memref<624x128xf32, #tpu.memory_space<vmem_shared>>) dst(%dma_wait3A_101 : memref<624x128xf32, #tpu.memory_space<hbm>>)
      tpu.yield
    }) : () -> ()
    %eq3A_88 = arith.constant 0 : i32
    %eq3A_89 = arith.cmpi eq, %arg1, %eq3A_88 : i32
    %convert_element_type3A_90 = arith.extui %eq3A_89 : i1 to i32
    %cond3A_91 = arith.constant 0 : i32
    %cond3A_92 = arith.cmpi ne, %convert_element_type3A_90, %cond3A_91 : i32
    scf.if %cond3A_92 {
      "tpu.region"() ({
        %run_scoped3A_93 = tpu.sem_alloc : memref<!tpu.dma_semaphore, #tpu.memory_space<semaphore_mem>>
        %dma_start3A_94 = arith.constant 9984 : i32
        %dma_start3A_95 = arith.constant 0 : i32
        %dma_start3A_96 = tpu.memref_slice %arg6[%arg0, %dma_start3A_94, %dma_start3A_95] : memref<2x10000x128xf32, #tpu.memory_space<hbm>> -> memref<1x16x128xf32, #tpu.memory_space<hbm>>
        %dma_start3A_97 = tpu.memref_squeeze %dma_start3A_96 : memref<1x16x128xf32, #tpu.memory_space<hbm>> -> memref<16x128xf32, #tpu.memory_space<hbm>>
        %dma_start3A_98 = arith.constant 9984 : i32
        %dma_start3A_99 = arith.constant 0 : i32
        %dma_start3A_100 = tpu.memref_slice %arg7[%dma_start3A_98, %dma_start3A_99] : memref<10008x128xf32, #tpu.memory_space<vmem_shared>> -> memref<16x128xf32, #tpu.memory_space<vmem_shared>>
        tpu.enqueue_dma source(%dma_start3A_100 : memref<16x128xf32, #tpu.memory_space<vmem_shared>>) target(%dma_start3A_97 : memref<16x128xf32, #tpu.memory_space<hbm>>) target_semaphore(%run_scoped3A_93 : memref<!tpu.dma_semaphore, #tpu.memory_space<semaphore_mem>>)
        %dma_wait3A_101 = arith.constant 9984 : i32
        %dma_wait3A_102 = arith.constant 0 : i32
        %dma_wait3A_103 = tpu.memref_slice %arg6[%arg0, %dma_wait3A_101, %dma_wait3A_102] : memref<2x10000x128xf32, #tpu.memory_space<hbm>> -> memref<1x16x128xf32, #tpu.memory_space<hbm>>
        %dma_wait3A_104 = tpu.memref_squeeze %dma_wait3A_103 : memref<1x16x128xf32, #tpu.memory_space<hbm>> -> memref<16x128xf32, #tpu.memory_space<hbm>>
        %dma_wait3A_105 = arith.constant 9984 : i32
        %dma_wait3A_106 = arith.constant 0 : i32
        %dma_wait3A_107 = tpu.memref_slice %arg7[%dma_wait3A_105, %dma_wait3A_106] : memref<10008x128xf32, #tpu.memory_space<vmem_shared>> -> memref<16x128xf32, #tpu.memory_space<vmem_shared>>
        tpu.wait_dma2 semaphore(%run_scoped3A_93 : memref<!tpu.dma_semaphore, #tpu.memory_space<semaphore_mem>>) src(%dma_wait3A_107 : memref<16x128xf32, #tpu.memory_space<vmem_shared>>) dst(%dma_wait3A_104 : memref<16x128xf32, #tpu.memory_space<hbm>>)
        tpu.yield
      }) : () -> ()
    } else {
    }
    return
  }
}

#map = affine_map<(d0, d1) -> (0, 0)>
#map1 = affine_map<(d0, d1) -> (0)>
#map2 = affine_map<(d0, d1) -> (0, 0, 0)>
module attributes {stable_mosaic.version = 14 : i64} {
  func.func @sc_scatter(%arg0: i32, %arg1: i32, %arg2: memref<10000x128xf32, #tpu.memory_space<hbm>>, %arg3: memref<327680xi32, #tpu.memory_space<hbm>>, %arg4: memref<327680xi32, #tpu.memory_space<hbm>>, %arg5: memref<10000x128xf32, #tpu.memory_space<hbm>>, %arg6: memref<2x10000x128xf32, #tpu.memory_space<hbm>>, %arg7: memref<10008x128xf32, #tpu.memory_space<vmem_shared>>, %arg8: memref<2x128xi32, #tpu.memory_space<vmem>>, %arg9: memref<2x128xi32, #tpu.memory_space<vmem>>, %arg10: memref<2x128x128xf32, #tpu.memory_space<vmem>>, %arg11: memref<2x!tpu.dma_semaphore, #tpu.memory_space<semaphore_mem>>) attributes {dimension_semantics = [#tpu.dimension_semantics<core_parallel>, #tpu.dimension_semantics<subcore_parallel>], iteration_bounds = array<i64: 2, 16>, scalar_prefetch = 0 : i64, scratch_operands = 5 : i64, tpu.core_type = #tpu.core_type<sc_vector_subcore>, window_params = [{transform_indices = #map}, {transform_indices = #map1}, {transform_indices = #map1}, {transform_indices = #map}, {transform_indices = #map2}]} {
    %mul3A = arith.constant 2 : i32
    %mul3A_0 = arith.muli %arg1, %mul3A : i32
    %add3A = arith.addi %mul3A_0, %arg0 : i32
    %mul3A_1 = arith.constant 624 : i32
    %mul3A_2 = arith.muli %arg1, %mul3A_1 : i32
    %mul3A_3 = arith.constant 624 : i32
    %mul3A_4 = arith.muli %arg1, %mul3A_3 : i32
    "tpu.region"() ({
      %run_scoped3A_93 = tpu.sem_alloc : memref<!tpu.dma_semaphore, #tpu.memory_space<semaphore_mem>>
      %dma_start3A_94 = arith.constant 0 : i32
      %dma_start3A_95 = tpu.memref_slice %arg7[%mul3A_4, %dma_start3A_94] : memref<10008x128xf32, #tpu.memory_space<vmem_shared>> -> memref<624x128xf32, #tpu.memory_space<vmem_shared>>
      %dma_start3A_96 = arith.constant 0 : i32
      %dma_start3A_97 = tpu.memref_slice %arg5[%mul3A_2, %dma_start3A_96] : memref<10000x128xf32, #tpu.memory_space<hbm>> -> memref<624x128xf32, #tpu.memory_space<hbm>>
      tpu.enqueue_dma source(%dma_start3A_97 : memref<624x128xf32, #tpu.memory_space<hbm>>) target(%dma_start3A_95 : memref<624x128xf32, #tpu.memory_space<vmem_shared>>) target_semaphore(%run_scoped3A_93 : memref<!tpu.dma_semaphore, #tpu.memory_space<semaphore_mem>>)
      %dma_wait3A_98 = arith.constant 0 : i32
      %dma_wait3A_99 = tpu.memref_slice %arg7[%mul3A_4, %dma_wait3A_98] : memref<10008x128xf32, #tpu.memory_space<vmem_shared>> -> memref<624x128xf32, #tpu.memory_space<vmem_shared>>
      %dma_wait3A_100 = arith.constant 0 : i32
      %dma_wait3A_101 = tpu.memref_slice %arg5[%mul3A_2, %dma_wait3A_100] : memref<10000x128xf32, #tpu.memory_space<hbm>> -> memref<624x128xf32, #tpu.memory_space<hbm>>
      tpu.wait_dma2 semaphore(%run_scoped3A_93 : memref<!tpu.dma_semaphore, #tpu.memory_space<semaphore_mem>>) src(%dma_wait3A_101 : memref<624x128xf32, #tpu.memory_space<hbm>>) dst(%dma_wait3A_99 : memref<624x128xf32, #tpu.memory_space<vmem_shared>>)
      tpu.yield
    }) : () -> ()
    %eq3A = arith.constant 0 : i32
    %eq3A_5 = arith.cmpi eq, %arg1, %eq3A : i32
    %convert_element_type3A = arith.extui %eq3A_5 : i1 to i32
    %cond3A = arith.constant 0 : i32
    %cond3A_6 = arith.cmpi ne, %convert_element_type3A, %cond3A : i32
    scf.if %cond3A_6 {
      "tpu.region"() ({
        %run_scoped3A_93 = tpu.sem_alloc : memref<!tpu.dma_semaphore, #tpu.memory_space<semaphore_mem>>
        %dma_start3A_94 = arith.constant 9984 : i32
        %dma_start3A_95 = arith.constant 0 : i32
        %dma_start3A_96 = tpu.memref_slice %arg7[%dma_start3A_94, %dma_start3A_95] : memref<10008x128xf32, #tpu.memory_space<vmem_shared>> -> memref<16x128xf32, #tpu.memory_space<vmem_shared>>
        %dma_start3A_97 = arith.constant 9984 : i32
        %dma_start3A_98 = arith.constant 0 : i32
        %dma_start3A_99 = tpu.memref_slice %arg5[%dma_start3A_97, %dma_start3A_98] : memref<10000x128xf32, #tpu.memory_space<hbm>> -> memref<16x128xf32, #tpu.memory_space<hbm>>
        tpu.enqueue_dma source(%dma_start3A_99 : memref<16x128xf32, #tpu.memory_space<hbm>>) target(%dma_start3A_96 : memref<16x128xf32, #tpu.memory_space<vmem_shared>>) target_semaphore(%run_scoped3A_93 : memref<!tpu.dma_semaphore, #tpu.memory_space<semaphore_mem>>)
        %dma_wait3A_100 = arith.constant 9984 : i32
        %dma_wait3A_101 = arith.constant 0 : i32
        %dma_wait3A_102 = tpu.memref_slice %arg7[%dma_wait3A_100, %dma_wait3A_101] : memref<10008x128xf32, #tpu.memory_space<vmem_shared>> -> memref<16x128xf32, #tpu.memory_space<vmem_shared>>
        %dma_wait3A_103 = arith.constant 9984 : i32
        %dma_wait3A_104 = arith.constant 0 : i32
        %dma_wait3A_105 = tpu.memref_slice %arg5[%dma_wait3A_103, %dma_wait3A_104] : memref<10000x128xf32, #tpu.memory_space<hbm>> -> memref<16x128xf32, #tpu.memory_space<hbm>>
        tpu.wait_dma2 semaphore(%run_scoped3A_93 : memref<!tpu.dma_semaphore, #tpu.memory_space<semaphore_mem>>) src(%dma_wait3A_105 : memref<16x128xf32, #tpu.memory_space<hbm>>) dst(%dma_wait3A_102 : memref<16x128xf32, #tpu.memory_space<vmem_shared>>)
        tpu.yield
      }) : () -> ()
    } else {
    }
    %barrier3A = arith.constant 0 : index
    tpu.barrier barrier_id(%barrier3A)
    %mul3A_7 = arith.constant 10240 : i32
    %mul3A_8 = arith.muli %add3A, %mul3A_7 : i32
    %add3A_9 = arith.constant 0 : i32
    %add3A_10 = arith.addi %mul3A_8, %add3A_9 : i32
    %run_scoped3A = arith.constant 0 : i32
    "tpu.region"() ({
      %run_scoped3A_93 = tpu.sem_alloc : memref<!tpu.dma_semaphore, #tpu.memory_space<semaphore_mem>>
      %dma_start3A_94 = arith.constant 0 : i32
      %dma_start3A_95 = tpu.memref_slice %arg8[%run_scoped3A, %dma_start3A_94] : memref<2x128xi32, #tpu.memory_space<vmem>> -> memref<1x128xi32, #tpu.memory_space<vmem>>
      %dma_start3A_96 = tpu.memref_squeeze %dma_start3A_95 : memref<1x128xi32, #tpu.memory_space<vmem>> -> memref<128xi32, #tpu.memory_space<vmem>>
      %dma_start3A_97 = tpu.memref_slice %arg3[%add3A_10] : memref<327680xi32, #tpu.memory_space<hbm>> -> memref<128xi32, #tpu.memory_space<hbm>>
      %dma_start3A_98 = arith.constant 0 : i32
      %dma_start3A_99 = tpu.memref_slice %arg8[%run_scoped3A, %dma_start3A_98] : memref<2x128xi32, #tpu.memory_space<vmem>> -> memref<1x128xi32, #tpu.memory_space<vmem>>
      %dma_start3A_100 = tpu.memref_squeeze %dma_start3A_99 : memref<1x128xi32, #tpu.memory_space<vmem>> -> memref<128xi32, #tpu.memory_space<vmem>>
      %dma_start3A_101 = tpu.memref_slice %arg3[%add3A_10] : memref<327680xi32, #tpu.memory_space<hbm>> -> memref<128xi32, #tpu.memory_space<hbm>>
      tpu.enqueue_dma source(%dma_start3A_101 : memref<128xi32, #tpu.memory_space<hbm>>) target(%dma_start3A_100 : memref<128xi32, #tpu.memory_space<vmem>>) target_semaphore(%run_scoped3A_93 : memref<!tpu.dma_semaphore, #tpu.memory_space<semaphore_mem>>)
      %dma_wait3A_102 = arith.constant 0 : i32
      %dma_wait3A_103 = tpu.memref_slice %arg8[%run_scoped3A, %dma_wait3A_102] : memref<2x128xi32, #tpu.memory_space<vmem>> -> memref<1x128xi32, #tpu.memory_space<vmem>>
      %dma_wait3A_104 = tpu.memref_squeeze %dma_wait3A_103 : memref<1x128xi32, #tpu.memory_space<vmem>> -> memref<128xi32, #tpu.memory_space<vmem>>
      %dma_wait3A_105 = tpu.memref_slice %arg3[%add3A_10] : memref<327680xi32, #tpu.memory_space<hbm>> -> memref<128xi32, #tpu.memory_space<hbm>>
      %dma_wait3A_106 = arith.constant 0 : i32
      %dma_wait3A_107 = tpu.memref_slice %arg8[%run_scoped3A, %dma_wait3A_106] : memref<2x128xi32, #tpu.memory_space<vmem>> -> memref<1x128xi32, #tpu.memory_space<vmem>>
      %dma_wait3A_108 = tpu.memref_squeeze %dma_wait3A_107 : memref<1x128xi32, #tpu.memory_space<vmem>> -> memref<128xi32, #tpu.memory_space<vmem>>
      %dma_wait3A_109 = tpu.memref_slice %arg3[%add3A_10] : memref<327680xi32, #tpu.memory_space<hbm>> -> memref<128xi32, #tpu.memory_space<hbm>>
      tpu.wait_dma2 semaphore(%run_scoped3A_93 : memref<!tpu.dma_semaphore, #tpu.memory_space<semaphore_mem>>) src(%dma_wait3A_109 : memref<128xi32, #tpu.memory_space<hbm>>) dst(%dma_wait3A_108 : memref<128xi32, #tpu.memory_space<vmem>>)
      tpu.yield
    }) : () -> ()
    %run_scoped3A_11 = arith.constant 0 : i32
    "tpu.region"() ({
      %run_scoped3A_93 = tpu.sem_alloc : memref<!tpu.dma_semaphore, #tpu.memory_space<semaphore_mem>>
      %dma_start3A_94 = arith.constant 0 : i32
      %dma_start3A_95 = tpu.memref_slice %arg9[%run_scoped3A_11, %dma_start3A_94] : memref<2x128xi32, #tpu.memory_space<vmem>> -> memref<1x128xi32, #tpu.memory_space<vmem>>
      %dma_start3A_96 = tpu.memref_squeeze %dma_start3A_95 : memref<1x128xi32, #tpu.memory_space<vmem>> -> memref<128xi32, #tpu.memory_space<vmem>>
      %dma_start3A_97 = tpu.memref_slice %arg4[%add3A_10] : memref<327680xi32, #tpu.memory_space<hbm>> -> memref<128xi32, #tpu.memory_space<hbm>>
      %dma_start3A_98 = arith.constant 0 : i32
      %dma_start3A_99 = tpu.memref_slice %arg9[%run_scoped3A_11, %dma_start3A_98] : memref<2x128xi32, #tpu.memory_space<vmem>> -> memref<1x128xi32, #tpu.memory_space<vmem>>
      %dma_start3A_100 = tpu.memref_squeeze %dma_start3A_99 : memref<1x128xi32, #tpu.memory_space<vmem>> -> memref<128xi32, #tpu.memory_space<vmem>>
      %dma_start3A_101 = tpu.memref_slice %arg4[%add3A_10] : memref<327680xi32, #tpu.memory_space<hbm>> -> memref<128xi32, #tpu.memory_space<hbm>>
      tpu.enqueue_dma source(%dma_start3A_101 : memref<128xi32, #tpu.memory_space<hbm>>) target(%dma_start3A_100 : memref<128xi32, #tpu.memory_space<vmem>>) target_semaphore(%run_scoped3A_93 : memref<!tpu.dma_semaphore, #tpu.memory_space<semaphore_mem>>)
      %dma_wait3A_102 = arith.constant 0 : i32
      %dma_wait3A_103 = tpu.memref_slice %arg9[%run_scoped3A_11, %dma_wait3A_102] : memref<2x128xi32, #tpu.memory_space<vmem>> -> memref<1x128xi32, #tpu.memory_space<vmem>>
      %dma_wait3A_104 = tpu.memref_squeeze %dma_wait3A_103 : memref<1x128xi32, #tpu.memory_space<vmem>> -> memref<128xi32, #tpu.memory_space<vmem>>
      %dma_wait3A_105 = tpu.memref_slice %arg4[%add3A_10] : memref<327680xi32, #tpu.memory_space<hbm>> -> memref<128xi32, #tpu.memory_space<hbm>>
      %dma_wait3A_106 = arith.constant 0 : i32
      %dma_wait3A_107 = tpu.memref_slice %arg9[%run_scoped3A_11, %dma_wait3A_106] : memref<2x128xi32, #tpu.memory_space<vmem>> -> memref<1x128xi32, #tpu.memory_space<vmem>>
      %dma_wait3A_108 = tpu.memref_squeeze %dma_wait3A_107 : memref<1x128xi32, #tpu.memory_space<vmem>> -> memref<128xi32, #tpu.memory_space<vmem>>
      %dma_wait3A_109 = tpu.memref_slice %arg4[%add3A_10] : memref<327680xi32, #tpu.memory_space<hbm>> -> memref<128xi32, #tpu.memory_space<hbm>>
      tpu.wait_dma2 semaphore(%run_scoped3A_93 : memref<!tpu.dma_semaphore, #tpu.memory_space<semaphore_mem>>) src(%dma_wait3A_109 : memref<128xi32, #tpu.memory_space<hbm>>) dst(%dma_wait3A_108 : memref<128xi32, #tpu.memory_space<vmem>>)
      tpu.yield
    }) : () -> ()
    %dma_start3A = arith.constant 0 : i32
    %dma_start3A_12 = arith.constant 0 : i32
    %dma_start3A_13 = arith.constant 0 : i32
    %dma_start3A_14 = arith.constant 0 : i32
    %dma_start3A_15 = arith.constant 0 : i32
    %dma_start3A_16 = tpu.memref_slice %arg10[%dma_start3A_12, %dma_start3A_14, %dma_start3A_15] : memref<2x128x128xf32, #tpu.memory_space<vmem>> -> memref<1x128x128xf32, #tpu.memory_space<vmem>>
    %dma_start3A_17 = tpu.memref_squeeze %dma_start3A_16 : memref<1x128x128xf32, #tpu.memory_space<vmem>> -> memref<128x128xf32, #tpu.memory_space<vmem>>
    %dma_start3A_18 = arith.constant 0 : i32
    %dma_start3A_19 = tpu.memref_slice %arg8[%dma_start3A, %dma_start3A_18] : memref<2x128xi32, #tpu.memory_space<vmem>> -> memref<1x128xi32, #tpu.memory_space<vmem>>
    %dma_start3A_20 = tpu.memref_squeeze %dma_start3A_19 : memref<1x128xi32, #tpu.memory_space<vmem>> -> memref<128xi32, #tpu.memory_space<vmem>>
    %dma_start3A_21 = arith.constant 0 : i32
    %dma_start3A_22 = arith.constant 0 : i32
    %dma_start3A_23 = tpu.memref_slice %arg2[%dma_start3A_21, %dma_start3A_22] : memref<10000x128xf32, #tpu.memory_space<hbm>> -> memref<10000x128xf32, #tpu.memory_space<hbm>>
    %dma_start3A_24 = tpu.memref_slice %arg11[%dma_start3A_13] : memref<2x!tpu.dma_semaphore, #tpu.memory_space<semaphore_mem>> -> memref<1x!tpu.dma_semaphore, #tpu.memory_space<semaphore_mem>>
    %dma_start3A_25 = tpu.memref_squeeze %dma_start3A_24 : memref<1x!tpu.dma_semaphore, #tpu.memory_space<semaphore_mem>> -> memref<!tpu.dma_semaphore, #tpu.memory_space<semaphore_mem>>
    tpu.enqueue_indirect_dma source(%dma_start3A_23 : memref<10000x128xf32, #tpu.memory_space<hbm>>) target(%dma_start3A_17 : memref<128x128xf32, #tpu.memory_space<vmem>>) offsets(%dma_start3A_20 : memref<128xi32, #tpu.memory_space<vmem>>) semaphore(%dma_start3A_25 : memref<!tpu.dma_semaphore, #tpu.memory_space<semaphore_mem>>)
    %add3A_26 = arith.constant 128 : i32
    %add3A_27 = arith.addi %mul3A_8, %add3A_26 : i32
    %run_scoped3A_28 = arith.constant 1 : i32
    "tpu.region"() ({
      %run_scoped3A_93 = tpu.sem_alloc : memref<!tpu.dma_semaphore, #tpu.memory_space<semaphore_mem>>
      %dma_start3A_94 = arith.constant 0 : i32
      %dma_start3A_95 = tpu.memref_slice %arg8[%run_scoped3A_28, %dma_start3A_94] : memref<2x128xi32, #tpu.memory_space<vmem>> -> memref<1x128xi32, #tpu.memory_space<vmem>>
      %dma_start3A_96 = tpu.memref_squeeze %dma_start3A_95 : memref<1x128xi32, #tpu.memory_space<vmem>> -> memref<128xi32, #tpu.memory_space<vmem>>
      %dma_start3A_97 = tpu.memref_slice %arg3[%add3A_27] : memref<327680xi32, #tpu.memory_space<hbm>> -> memref<128xi32, #tpu.memory_space<hbm>>
      %dma_start3A_98 = arith.constant 0 : i32
      %dma_start3A_99 = tpu.memref_slice %arg8[%run_scoped3A_28, %dma_start3A_98] : memref<2x128xi32, #tpu.memory_space<vmem>> -> memref<1x128xi32, #tpu.memory_space<vmem>>
      %dma_start3A_100 = tpu.memref_squeeze %dma_start3A_99 : memref<1x128xi32, #tpu.memory_space<vmem>> -> memref<128xi32, #tpu.memory_space<vmem>>
      %dma_start3A_101 = tpu.memref_slice %arg3[%add3A_27] : memref<327680xi32, #tpu.memory_space<hbm>> -> memref<128xi32, #tpu.memory_space<hbm>>
      tpu.enqueue_dma source(%dma_start3A_101 : memref<128xi32, #tpu.memory_space<hbm>>) target(%dma_start3A_100 : memref<128xi32, #tpu.memory_space<vmem>>) target_semaphore(%run_scoped3A_93 : memref<!tpu.dma_semaphore, #tpu.memory_space<semaphore_mem>>)
      %dma_wait3A_102 = arith.constant 0 : i32
      %dma_wait3A_103 = tpu.memref_slice %arg8[%run_scoped3A_28, %dma_wait3A_102] : memref<2x128xi32, #tpu.memory_space<vmem>> -> memref<1x128xi32, #tpu.memory_space<vmem>>
      %dma_wait3A_104 = tpu.memref_squeeze %dma_wait3A_103 : memref<1x128xi32, #tpu.memory_space<vmem>> -> memref<128xi32, #tpu.memory_space<vmem>>
      %dma_wait3A_105 = tpu.memref_slice %arg3[%add3A_27] : memref<327680xi32, #tpu.memory_space<hbm>> -> memref<128xi32, #tpu.memory_space<hbm>>
      %dma_wait3A_106 = arith.constant 0 : i32
      %dma_wait3A_107 = tpu.memref_slice %arg8[%run_scoped3A_28, %dma_wait3A_106] : memref<2x128xi32, #tpu.memory_space<vmem>> -> memref<1x128xi32, #tpu.memory_space<vmem>>
      %dma_wait3A_108 = tpu.memref_squeeze %dma_wait3A_107 : memref<1x128xi32, #tpu.memory_space<vmem>> -> memref<128xi32, #tpu.memory_space<vmem>>
      %dma_wait3A_109 = tpu.memref_slice %arg3[%add3A_27] : memref<327680xi32, #tpu.memory_space<hbm>> -> memref<128xi32, #tpu.memory_space<hbm>>
      tpu.wait_dma2 semaphore(%run_scoped3A_93 : memref<!tpu.dma_semaphore, #tpu.memory_space<semaphore_mem>>) src(%dma_wait3A_109 : memref<128xi32, #tpu.memory_space<hbm>>) dst(%dma_wait3A_108 : memref<128xi32, #tpu.memory_space<vmem>>)
      tpu.yield
    }) : () -> ()
    %run_scoped3A_29 = arith.constant 1 : i32
    "tpu.region"() ({
      %run_scoped3A_93 = tpu.sem_alloc : memref<!tpu.dma_semaphore, #tpu.memory_space<semaphore_mem>>
      %dma_start3A_94 = arith.constant 0 : i32
      %dma_start3A_95 = tpu.memref_slice %arg9[%run_scoped3A_29, %dma_start3A_94] : memref<2x128xi32, #tpu.memory_space<vmem>> -> memref<1x128xi32, #tpu.memory_space<vmem>>
      %dma_start3A_96 = tpu.memref_squeeze %dma_start3A_95 : memref<1x128xi32, #tpu.memory_space<vmem>> -> memref<128xi32, #tpu.memory_space<vmem>>
      %dma_start3A_97 = tpu.memref_slice %arg4[%add3A_27] : memref<327680xi32, #tpu.memory_space<hbm>> -> memref<128xi32, #tpu.memory_space<hbm>>
      %dma_start3A_98 = arith.constant 0 : i32
      %dma_start3A_99 = tpu.memref_slice %arg9[%run_scoped3A_29, %dma_start3A_98] : memref<2x128xi32, #tpu.memory_space<vmem>> -> memref<1x128xi32, #tpu.memory_space<vmem>>
      %dma_start3A_100 = tpu.memref_squeeze %dma_start3A_99 : memref<1x128xi32, #tpu.memory_space<vmem>> -> memref<128xi32, #tpu.memory_space<vmem>>
      %dma_start3A_101 = tpu.memref_slice %arg4[%add3A_27] : memref<327680xi32, #tpu.memory_space<hbm>> -> memref<128xi32, #tpu.memory_space<hbm>>
      tpu.enqueue_dma source(%dma_start3A_101 : memref<128xi32, #tpu.memory_space<hbm>>) target(%dma_start3A_100 : memref<128xi32, #tpu.memory_space<vmem>>) target_semaphore(%run_scoped3A_93 : memref<!tpu.dma_semaphore, #tpu.memory_space<semaphore_mem>>)
      %dma_wait3A_102 = arith.constant 0 : i32
      %dma_wait3A_103 = tpu.memref_slice %arg9[%run_scoped3A_29, %dma_wait3A_102] : memref<2x128xi32, #tpu.memory_space<vmem>> -> memref<1x128xi32, #tpu.memory_space<vmem>>
      %dma_wait3A_104 = tpu.memref_squeeze %dma_wait3A_103 : memref<1x128xi32, #tpu.memory_space<vmem>> -> memref<128xi32, #tpu.memory_space<vmem>>
      %dma_wait3A_105 = tpu.memref_slice %arg4[%add3A_27] : memref<327680xi32, #tpu.memory_space<hbm>> -> memref<128xi32, #tpu.memory_space<hbm>>
      %dma_wait3A_106 = arith.constant 0 : i32
      %dma_wait3A_107 = tpu.memref_slice %arg9[%run_scoped3A_29, %dma_wait3A_106] : memref<2x128xi32, #tpu.memory_space<vmem>> -> memref<1x128xi32, #tpu.memory_space<vmem>>
      %dma_wait3A_108 = tpu.memref_squeeze %dma_wait3A_107 : memref<1x128xi32, #tpu.memory_space<vmem>> -> memref<128xi32, #tpu.memory_space<vmem>>
      %dma_wait3A_109 = tpu.memref_slice %arg4[%add3A_27] : memref<327680xi32, #tpu.memory_space<hbm>> -> memref<128xi32, #tpu.memory_space<hbm>>
      tpu.wait_dma2 semaphore(%run_scoped3A_93 : memref<!tpu.dma_semaphore, #tpu.memory_space<semaphore_mem>>) src(%dma_wait3A_109 : memref<128xi32, #tpu.memory_space<hbm>>) dst(%dma_wait3A_108 : memref<128xi32, #tpu.memory_space<vmem>>)
      tpu.yield
    }) : () -> ()
    %dma_start3A_30 = arith.constant 1 : i32
    %dma_start3A_31 = arith.constant 1 : i32
    %dma_start3A_32 = arith.constant 1 : i32
    %dma_start3A_33 = arith.constant 0 : i32
    %dma_start3A_34 = arith.constant 0 : i32
    %dma_start3A_35 = tpu.memref_slice %arg10[%dma_start3A_31, %dma_start3A_33, %dma_start3A_34] : memref<2x128x128xf32, #tpu.memory_space<vmem>> -> memref<1x128x128xf32, #tpu.memory_space<vmem>>
    %dma_start3A_36 = tpu.memref_squeeze %dma_start3A_35 : memref<1x128x128xf32, #tpu.memory_space<vmem>> -> memref<128x128xf32, #tpu.memory_space<vmem>>
    %dma_start3A_37 = arith.constant 0 : i32
    %dma_start3A_38 = tpu.memref_slice %arg8[%dma_start3A_30, %dma_start3A_37] : memref<2x128xi32, #tpu.memory_space<vmem>> -> memref<1x128xi32, #tpu.memory_space<vmem>>
    %dma_start3A_39 = tpu.memref_squeeze %dma_start3A_38 : memref<1x128xi32, #tpu.memory_space<vmem>> -> memref<128xi32, #tpu.memory_space<vmem>>
    %dma_start3A_40 = arith.constant 0 : i32
    %dma_start3A_41 = arith.constant 0 : i32
    %dma_start3A_42 = tpu.memref_slice %arg2[%dma_start3A_40, %dma_start3A_41] : memref<10000x128xf32, #tpu.memory_space<hbm>> -> memref<10000x128xf32, #tpu.memory_space<hbm>>
    %dma_start3A_43 = tpu.memref_slice %arg11[%dma_start3A_32] : memref<2x!tpu.dma_semaphore, #tpu.memory_space<semaphore_mem>> -> memref<1x!tpu.dma_semaphore, #tpu.memory_space<semaphore_mem>>
    %dma_start3A_44 = tpu.memref_squeeze %dma_start3A_43 : memref<1x!tpu.dma_semaphore, #tpu.memory_space<semaphore_mem>> -> memref<!tpu.dma_semaphore, #tpu.memory_space<semaphore_mem>>
    tpu.enqueue_indirect_dma source(%dma_start3A_42 : memref<10000x128xf32, #tpu.memory_space<hbm>>) target(%dma_start3A_36 : memref<128x128xf32, #tpu.memory_space<vmem>>) offsets(%dma_start3A_39 : memref<128xi32, #tpu.memory_space<vmem>>) semaphore(%dma_start3A_44 : memref<!tpu.dma_semaphore, #tpu.memory_space<semaphore_mem>>)
    %scan3A = arith.constant 0 : i32
    %scan3A_45 = arith.constant 0 : i32
    %scan3A_46 = arith.constant 39 : i32
    %scan3A_47 = arith.addi %scan3A_45, %scan3A_46 : i32
    %scan3A_48 = arith.constant 1 : i32
    scf.for %scan3A_93 = %scan3A_45 to %scan3A_47 step %scan3A_48  : i32 {
      %dma_wait3A_94 = arith.constant 0 : i32
      %dma_wait3A_95 = arith.constant 0 : i32
      %dma_wait3A_96 = arith.constant 0 : i32
      %dma_wait3A_97 = arith.constant 0 : i32
      %dma_wait3A_98 = arith.constant 0 : i32
      %dma_wait3A_99 = tpu.memref_slice %arg10[%dma_wait3A_95, %dma_wait3A_97, %dma_wait3A_98] : memref<2x128x128xf32, #tpu.memory_space<vmem>> -> memref<1x128x128xf32, #tpu.memory_space<vmem>>
      %dma_wait3A_100 = tpu.memref_squeeze %dma_wait3A_99 : memref<1x128x128xf32, #tpu.memory_space<vmem>> -> memref<128x128xf32, #tpu.memory_space<vmem>>
      %dma_wait3A_101 = arith.constant 0 : i32
      %dma_wait3A_102 = tpu.memref_slice %arg8[%dma_wait3A_94, %dma_wait3A_101] : memref<2x128xi32, #tpu.memory_space<vmem>> -> memref<1x128xi32, #tpu.memory_space<vmem>>
      %dma_wait3A_103 = tpu.memref_squeeze %dma_wait3A_102 : memref<1x128xi32, #tpu.memory_space<vmem>> -> memref<128xi32, #tpu.memory_space<vmem>>
      %dma_wait3A_104 = arith.constant 0 : i32
      %dma_wait3A_105 = arith.constant 0 : i32
      %dma_wait3A_106 = tpu.memref_slice %arg2[%dma_wait3A_104, %dma_wait3A_105] : memref<10000x128xf32, #tpu.memory_space<hbm>> -> memref<10000x128xf32, #tpu.memory_space<hbm>>
      %dma_wait3A_107 = tpu.memref_slice %arg11[%dma_wait3A_96] : memref<2x!tpu.dma_semaphore, #tpu.memory_space<semaphore_mem>> -> memref<1x!tpu.dma_semaphore, #tpu.memory_space<semaphore_mem>>
      %dma_wait3A_108 = tpu.memref_squeeze %dma_wait3A_107 : memref<1x!tpu.dma_semaphore, #tpu.memory_space<semaphore_mem>> -> memref<!tpu.dma_semaphore, #tpu.memory_space<semaphore_mem>>
      tpu.wait_indirect_dma semaphore(%dma_wait3A_108 : memref<!tpu.dma_semaphore, #tpu.memory_space<semaphore_mem>>) src(%dma_wait3A_106 : memref<10000x128xf32, #tpu.memory_space<hbm>>) dst(%dma_wait3A_100 : memref<128x128xf32, #tpu.memory_space<vmem>>)
      %run_scoped3A_109 = arith.constant 0 : i32
      %run_scoped3A_110 = arith.constant 0 : i32
      "tpu.region"() ({
        %run_scoped3A_180 = tpu.sem_alloc : memref<!tpu.dma_semaphore, #tpu.memory_space<semaphore_mem>>
        %dma_start3A_181 = arith.constant 0 : i32
        %dma_start3A_182 = arith.constant 0 : i32
        %dma_start3A_183 = tpu.memref_slice %arg10[%run_scoped3A_109, %dma_start3A_181, %dma_start3A_182] : memref<2x128x128xf32, #tpu.memory_space<vmem>> -> memref<1x128x128xf32, #tpu.memory_space<vmem>>
        %dma_start3A_184 = tpu.memref_squeeze %dma_start3A_183 : memref<1x128x128xf32, #tpu.memory_space<vmem>> -> memref<128x128xf32, #tpu.memory_space<vmem>>
        %dma_start3A_185 = arith.constant 0 : i32
        %dma_start3A_186 = tpu.memref_slice %arg9[%run_scoped3A_110, %dma_start3A_185] : memref<2x128xi32, #tpu.memory_space<vmem>> -> memref<1x128xi32, #tpu.memory_space<vmem>>
        %dma_start3A_187 = tpu.memref_squeeze %dma_start3A_186 : memref<1x128xi32, #tpu.memory_space<vmem>> -> memref<128xi32, #tpu.memory_space<vmem>>
        %dma_start3A_188 = arith.constant 0 : i32
        %dma_start3A_189 = arith.constant 0 : i32
        %dma_start3A_190 = tpu.memref_slice %arg7[%dma_start3A_188, %dma_start3A_189] : memref<10008x128xf32, #tpu.memory_space<vmem_shared>> -> memref<10008x128xf32, #tpu.memory_space<vmem_shared>>
        tpu.enqueue_indirect_dma source(%dma_start3A_184 : memref<128x128xf32, #tpu.memory_space<vmem>>) target(%dma_start3A_190 : memref<10008x128xf32, #tpu.memory_space<vmem_shared>>) offsets(%dma_start3A_187 : memref<128xi32, #tpu.memory_space<vmem>>) semaphore(%run_scoped3A_180 : memref<!tpu.dma_semaphore, #tpu.memory_space<semaphore_mem>>) {add = true}
        %dma_wait3A_191 = arith.constant 0 : i32
        %dma_wait3A_192 = arith.constant 0 : i32
        %dma_wait3A_193 = tpu.memref_slice %arg10[%run_scoped3A_109, %dma_wait3A_191, %dma_wait3A_192] : memref<2x128x128xf32, #tpu.memory_space<vmem>> -> memref<1x128x128xf32, #tpu.memory_space<vmem>>
        %dma_wait3A_194 = tpu.memref_squeeze %dma_wait3A_193 : memref<1x128x128xf32, #tpu.memory_space<vmem>> -> memref<128x128xf32, #tpu.memory_space<vmem>>
        %dma_wait3A_195 = arith.constant 0 : i32
        %dma_wait3A_196 = tpu.memref_slice %arg9[%run_scoped3A_110, %dma_wait3A_195] : memref<2x128xi32, #tpu.memory_space<vmem>> -> memref<1x128xi32, #tpu.memory_space<vmem>>
        %dma_wait3A_197 = tpu.memref_squeeze %dma_wait3A_196 : memref<1x128xi32, #tpu.memory_space<vmem>> -> memref<128xi32, #tpu.memory_space<vmem>>
        %dma_wait3A_198 = arith.constant 0 : i32
        %dma_wait3A_199 = arith.constant 0 : i32
        %dma_wait3A_200 = tpu.memref_slice %arg7[%dma_wait3A_198, %dma_wait3A_199] : memref<10008x128xf32, #tpu.memory_space<vmem_shared>> -> memref<10008x128xf32, #tpu.memory_space<vmem_shared>>
        tpu.wait_indirect_dma semaphore(%run_scoped3A_180 : memref<!tpu.dma_semaphore, #tpu.memory_space<semaphore_mem>>) src(%dma_wait3A_194 : memref<128x128xf32, #tpu.memory_space<vmem>>) dst(%dma_wait3A_200 : memref<10008x128xf32, #tpu.memory_space<vmem_shared>>)
        tpu.yield
      }) : () -> ()
      %mul3A_111 = arith.constant 2 : i32
      %mul3A_112 = arith.muli %mul3A_111, %scan3A_93 : i32
      %add3A_113 = arith.constant 0 : i32
      %add3A_114 = arith.addi %mul3A_112, %add3A_113 : i32
      %add3A_115 = arith.constant 2 : i32
      %add3A_116 = arith.addi %add3A_114, %add3A_115 : i32
      %mul3A_117 = arith.constant 128 : i32
      %mul3A_118 = arith.muli %add3A_116, %mul3A_117 : i32
      %add3A_119 = arith.addi %mul3A_8, %mul3A_118 : i32
      %run_scoped3A_120 = arith.constant 0 : i32
      "tpu.region"() ({
        %run_scoped3A_180 = tpu.sem_alloc : memref<!tpu.dma_semaphore, #tpu.memory_space<semaphore_mem>>
        %dma_start3A_181 = arith.constant 0 : i32
        %dma_start3A_182 = tpu.memref_slice %arg8[%run_scoped3A_120, %dma_start3A_181] : memref<2x128xi32, #tpu.memory_space<vmem>> -> memref<1x128xi32, #tpu.memory_space<vmem>>
        %dma_start3A_183 = tpu.memref_squeeze %dma_start3A_182 : memref<1x128xi32, #tpu.memory_space<vmem>> -> memref<128xi32, #tpu.memory_space<vmem>>
        %dma_start3A_184 = tpu.memref_slice %arg3[%add3A_119] : memref<327680xi32, #tpu.memory_space<hbm>> -> memref<128xi32, #tpu.memory_space<hbm>>
        %dma_start3A_185 = arith.constant 0 : i32
        %dma_start3A_186 = tpu.memref_slice %arg8[%run_scoped3A_120, %dma_start3A_185] : memref<2x128xi32, #tpu.memory_space<vmem>> -> memref<1x128xi32, #tpu.memory_space<vmem>>
        %dma_start3A_187 = tpu.memref_squeeze %dma_start3A_186 : memref<1x128xi32, #tpu.memory_space<vmem>> -> memref<128xi32, #tpu.memory_space<vmem>>
        %dma_start3A_188 = tpu.memref_slice %arg3[%add3A_119] : memref<327680xi32, #tpu.memory_space<hbm>> -> memref<128xi32, #tpu.memory_space<hbm>>
        tpu.enqueue_dma source(%dma_start3A_188 : memref<128xi32, #tpu.memory_space<hbm>>) target(%dma_start3A_187 : memref<128xi32, #tpu.memory_space<vmem>>) target_semaphore(%run_scoped3A_180 : memref<!tpu.dma_semaphore, #tpu.memory_space<semaphore_mem>>)
        %dma_wait3A_189 = arith.constant 0 : i32
        %dma_wait3A_190 = tpu.memref_slice %arg8[%run_scoped3A_120, %dma_wait3A_189] : memref<2x128xi32, #tpu.memory_space<vmem>> -> memref<1x128xi32, #tpu.memory_space<vmem>>
        %dma_wait3A_191 = tpu.memref_squeeze %dma_wait3A_190 : memref<1x128xi32, #tpu.memory_space<vmem>> -> memref<128xi32, #tpu.memory_space<vmem>>
        %dma_wait3A_192 = tpu.memref_slice %arg3[%add3A_119] : memref<327680xi32, #tpu.memory_space<hbm>> -> memref<128xi32, #tpu.memory_space<hbm>>
        %dma_wait3A_193 = arith.constant 0 : i32
        %dma_wait3A_194 = tpu.memref_slice %arg8[%run_scoped3A_120, %dma_wait3A_193] : memref<2x128xi32, #tpu.memory_space<vmem>> -> memref<1x128xi32, #tpu.memory_space<vmem>>
        %dma_wait3A_195 = tpu.memref_squeeze %dma_wait3A_194 : memref<1x128xi32, #tpu.memory_space<vmem>> -> memref<128xi32, #tpu.memory_space<vmem>>
        %dma_wait3A_196 = tpu.memref_slice %arg3[%add3A_119] : memref<327680xi32, #tpu.memory_space<hbm>> -> memref<128xi32, #tpu.memory_space<hbm>>
        tpu.wait_dma2 semaphore(%run_scoped3A_180 : memref<!tpu.dma_semaphore, #tpu.memory_space<semaphore_mem>>) src(%dma_wait3A_196 : memref<128xi32, #tpu.memory_space<hbm>>) dst(%dma_wait3A_195 : memref<128xi32, #tpu.memory_space<vmem>>)
        tpu.yield
      }) : () -> ()
      %run_scoped3A_121 = arith.constant 0 : i32
      "tpu.region"() ({
        %run_scoped3A_180 = tpu.sem_alloc : memref<!tpu.dma_semaphore, #tpu.memory_space<semaphore_mem>>
        %dma_start3A_181 = arith.constant 0 : i32
        %dma_start3A_182 = tpu.memref_slice %arg9[%run_scoped3A_121, %dma_start3A_181] : memref<2x128xi32, #tpu.memory_space<vmem>> -> memref<1x128xi32, #tpu.memory_space<vmem>>
        %dma_start3A_183 = tpu.memref_squeeze %dma_start3A_182 : memref<1x128xi32, #tpu.memory_space<vmem>> -> memref<128xi32, #tpu.memory_space<vmem>>
        %dma_start3A_184 = tpu.memref_slice %arg4[%add3A_119] : memref<327680xi32, #tpu.memory_space<hbm>> -> memref<128xi32, #tpu.memory_space<hbm>>
        %dma_start3A_185 = arith.constant 0 : i32
        %dma_start3A_186 = tpu.memref_slice %arg9[%run_scoped3A_121, %dma_start3A_185] : memref<2x128xi32, #tpu.memory_space<vmem>> -> memref<1x128xi32, #tpu.memory_space<vmem>>
        %dma_start3A_187 = tpu.memref_squeeze %dma_start3A_186 : memref<1x128xi32, #tpu.memory_space<vmem>> -> memref<128xi32, #tpu.memory_space<vmem>>
        %dma_start3A_188 = tpu.memref_slice %arg4[%add3A_119] : memref<327680xi32, #tpu.memory_space<hbm>> -> memref<128xi32, #tpu.memory_space<hbm>>
        tpu.enqueue_dma source(%dma_start3A_188 : memref<128xi32, #tpu.memory_space<hbm>>) target(%dma_start3A_187 : memref<128xi32, #tpu.memory_space<vmem>>) target_semaphore(%run_scoped3A_180 : memref<!tpu.dma_semaphore, #tpu.memory_space<semaphore_mem>>)
        %dma_wait3A_189 = arith.constant 0 : i32
        %dma_wait3A_190 = tpu.memref_slice %arg9[%run_scoped3A_121, %dma_wait3A_189] : memref<2x128xi32, #tpu.memory_space<vmem>> -> memref<1x128xi32, #tpu.memory_space<vmem>>
        %dma_wait3A_191 = tpu.memref_squeeze %dma_wait3A_190 : memref<1x128xi32, #tpu.memory_space<vmem>> -> memref<128xi32, #tpu.memory_space<vmem>>
        %dma_wait3A_192 = tpu.memref_slice %arg4[%add3A_119] : memref<327680xi32, #tpu.memory_space<hbm>> -> memref<128xi32, #tpu.memory_space<hbm>>
        %dma_wait3A_193 = arith.constant 0 : i32
        %dma_wait3A_194 = tpu.memref_slice %arg9[%run_scoped3A_121, %dma_wait3A_193] : memref<2x128xi32, #tpu.memory_space<vmem>> -> memref<1x128xi32, #tpu.memory_space<vmem>>
        %dma_wait3A_195 = tpu.memref_squeeze %dma_wait3A_194 : memref<1x128xi32, #tpu.memory_space<vmem>> -> memref<128xi32, #tpu.memory_space<vmem>>
        %dma_wait3A_196 = tpu.memref_slice %arg4[%add3A_119] : memref<327680xi32, #tpu.memory_space<hbm>> -> memref<128xi32, #tpu.memory_space<hbm>>
        tpu.wait_dma2 semaphore(%run_scoped3A_180 : memref<!tpu.dma_semaphore, #tpu.memory_space<semaphore_mem>>) src(%dma_wait3A_196 : memref<128xi32, #tpu.memory_space<hbm>>) dst(%dma_wait3A_195 : memref<128xi32, #tpu.memory_space<vmem>>)
        tpu.yield
      }) : () -> ()
      %dma_start3A_122 = arith.constant 0 : i32
      %dma_start3A_123 = arith.constant 0 : i32
      %dma_start3A_124 = arith.constant 0 : i32
      %dma_start3A_125 = arith.constant 0 : i32
      %dma_start3A_126 = arith.constant 0 : i32
      %dma_start3A_127 = tpu.memref_slice %arg10[%dma_start3A_123, %dma_start3A_125, %dma_start3A_126] : memref<2x128x128xf32, #tpu.memory_space<vmem>> -> memref<1x128x128xf32, #tpu.memory_space<vmem>>
      %dma_start3A_128 = tpu.memref_squeeze %dma_start3A_127 : memref<1x128x128xf32, #tpu.memory_space<vmem>> -> memref<128x128xf32, #tpu.memory_space<vmem>>
      %dma_start3A_129 = arith.constant 0 : i32
      %dma_start3A_130 = tpu.memref_slice %arg8[%dma_start3A_122, %dma_start3A_129] : memref<2x128xi32, #tpu.memory_space<vmem>> -> memref<1x128xi32, #tpu.memory_space<vmem>>
      %dma_start3A_131 = tpu.memref_squeeze %dma_start3A_130 : memref<1x128xi32, #tpu.memory_space<vmem>> -> memref<128xi32, #tpu.memory_space<vmem>>
      %dma_start3A_132 = arith.constant 0 : i32
      %dma_start3A_133 = arith.constant 0 : i32
      %dma_start3A_134 = tpu.memref_slice %arg2[%dma_start3A_132, %dma_start3A_133] : memref<10000x128xf32, #tpu.memory_space<hbm>> -> memref<10000x128xf32, #tpu.memory_space<hbm>>
      %dma_start3A_135 = tpu.memref_slice %arg11[%dma_start3A_124] : memref<2x!tpu.dma_semaphore, #tpu.memory_space<semaphore_mem>> -> memref<1x!tpu.dma_semaphore, #tpu.memory_space<semaphore_mem>>
      %dma_start3A_136 = tpu.memref_squeeze %dma_start3A_135 : memref<1x!tpu.dma_semaphore, #tpu.memory_space<semaphore_mem>> -> memref<!tpu.dma_semaphore, #tpu.memory_space<semaphore_mem>>
      tpu.enqueue_indirect_dma source(%dma_start3A_134 : memref<10000x128xf32, #tpu.memory_space<hbm>>) target(%dma_start3A_128 : memref<128x128xf32, #tpu.memory_space<vmem>>) offsets(%dma_start3A_131 : memref<128xi32, #tpu.memory_space<vmem>>) semaphore(%dma_start3A_136 : memref<!tpu.dma_semaphore, #tpu.memory_space<semaphore_mem>>)
      %dma_wait3A_137 = arith.constant 1 : i32
      %dma_wait3A_138 = arith.constant 1 : i32
      %dma_wait3A_139 = arith.constant 1 : i32
      %dma_wait3A_140 = arith.constant 0 : i32
      %dma_wait3A_141 = arith.constant 0 : i32
      %dma_wait3A_142 = tpu.memref_slice %arg10[%dma_wait3A_138, %dma_wait3A_140, %dma_wait3A_141] : memref<2x128x128xf32, #tpu.memory_space<vmem>> -> memref<1x128x128xf32, #tpu.memory_space<vmem>>
      %dma_wait3A_143 = tpu.memref_squeeze %dma_wait3A_142 : memref<1x128x128xf32, #tpu.memory_space<vmem>> -> memref<128x128xf32, #tpu.memory_space<vmem>>
      %dma_wait3A_144 = arith.constant 0 : i32
      %dma_wait3A_145 = tpu.memref_slice %arg8[%dma_wait3A_137, %dma_wait3A_144] : memref<2x128xi32, #tpu.memory_space<vmem>> -> memref<1x128xi32, #tpu.memory_space<vmem>>
      %dma_wait3A_146 = tpu.memref_squeeze %dma_wait3A_145 : memref<1x128xi32, #tpu.memory_space<vmem>> -> memref<128xi32, #tpu.memory_space<vmem>>
      %dma_wait3A_147 = arith.constant 0 : i32
      %dma_wait3A_148 = arith.constant 0 : i32
      %dma_wait3A_149 = tpu.memref_slice %arg2[%dma_wait3A_147, %dma_wait3A_148] : memref<10000x128xf32, #tpu.memory_space<hbm>> -> memref<10000x128xf32, #tpu.memory_space<hbm>>
      %dma_wait3A_150 = tpu.memref_slice %arg11[%dma_wait3A_139] : memref<2x!tpu.dma_semaphore, #tpu.memory_space<semaphore_mem>> -> memref<1x!tpu.dma_semaphore, #tpu.memory_space<semaphore_mem>>
      %dma_wait3A_151 = tpu.memref_squeeze %dma_wait3A_150 : memref<1x!tpu.dma_semaphore, #tpu.memory_space<semaphore_mem>> -> memref<!tpu.dma_semaphore, #tpu.memory_space<semaphore_mem>>
      tpu.wait_indirect_dma semaphore(%dma_wait3A_151 : memref<!tpu.dma_semaphore, #tpu.memory_space<semaphore_mem>>) src(%dma_wait3A_149 : memref<10000x128xf32, #tpu.memory_space<hbm>>) dst(%dma_wait3A_143 : memref<128x128xf32, #tpu.memory_space<vmem>>)
      %run_scoped3A_152 = arith.constant 1 : i32
      %run_scoped3A_153 = arith.constant 1 : i32
      "tpu.region"() ({
        %run_scoped3A_180 = tpu.sem_alloc : memref<!tpu.dma_semaphore, #tpu.memory_space<semaphore_mem>>
        %dma_start3A_181 = arith.constant 0 : i32
        %dma_start3A_182 = arith.constant 0 : i32
        %dma_start3A_183 = tpu.memref_slice %arg10[%run_scoped3A_152, %dma_start3A_181, %dma_start3A_182] : memref<2x128x128xf32, #tpu.memory_space<vmem>> -> memref<1x128x128xf32, #tpu.memory_space<vmem>>
        %dma_start3A_184 = tpu.memref_squeeze %dma_start3A_183 : memref<1x128x128xf32, #tpu.memory_space<vmem>> -> memref<128x128xf32, #tpu.memory_space<vmem>>
        %dma_start3A_185 = arith.constant 0 : i32
        %dma_start3A_186 = tpu.memref_slice %arg9[%run_scoped3A_153, %dma_start3A_185] : memref<2x128xi32, #tpu.memory_space<vmem>> -> memref<1x128xi32, #tpu.memory_space<vmem>>
        %dma_start3A_187 = tpu.memref_squeeze %dma_start3A_186 : memref<1x128xi32, #tpu.memory_space<vmem>> -> memref<128xi32, #tpu.memory_space<vmem>>
        %dma_start3A_188 = arith.constant 0 : i32
        %dma_start3A_189 = arith.constant 0 : i32
        %dma_start3A_190 = tpu.memref_slice %arg7[%dma_start3A_188, %dma_start3A_189] : memref<10008x128xf32, #tpu.memory_space<vmem_shared>> -> memref<10008x128xf32, #tpu.memory_space<vmem_shared>>
        tpu.enqueue_indirect_dma source(%dma_start3A_184 : memref<128x128xf32, #tpu.memory_space<vmem>>) target(%dma_start3A_190 : memref<10008x128xf32, #tpu.memory_space<vmem_shared>>) offsets(%dma_start3A_187 : memref<128xi32, #tpu.memory_space<vmem>>) semaphore(%run_scoped3A_180 : memref<!tpu.dma_semaphore, #tpu.memory_space<semaphore_mem>>) {add = true}
        %dma_wait3A_191 = arith.constant 0 : i32
        %dma_wait3A_192 = arith.constant 0 : i32
        %dma_wait3A_193 = tpu.memref_slice %arg10[%run_scoped3A_152, %dma_wait3A_191, %dma_wait3A_192] : memref<2x128x128xf32, #tpu.memory_space<vmem>> -> memref<1x128x128xf32, #tpu.memory_space<vmem>>
        %dma_wait3A_194 = tpu.memref_squeeze %dma_wait3A_193 : memref<1x128x128xf32, #tpu.memory_space<vmem>> -> memref<128x128xf32, #tpu.memory_space<vmem>>
        %dma_wait3A_195 = arith.constant 0 : i32
        %dma_wait3A_196 = tpu.memref_slice %arg9[%run_scoped3A_153, %dma_wait3A_195] : memref<2x128xi32, #tpu.memory_space<vmem>> -> memref<1x128xi32, #tpu.memory_space<vmem>>
        %dma_wait3A_197 = tpu.memref_squeeze %dma_wait3A_196 : memref<1x128xi32, #tpu.memory_space<vmem>> -> memref<128xi32, #tpu.memory_space<vmem>>
        %dma_wait3A_198 = arith.constant 0 : i32
        %dma_wait3A_199 = arith.constant 0 : i32
        %dma_wait3A_200 = tpu.memref_slice %arg7[%dma_wait3A_198, %dma_wait3A_199] : memref<10008x128xf32, #tpu.memory_space<vmem_shared>> -> memref<10008x128xf32, #tpu.memory_space<vmem_shared>>
        tpu.wait_indirect_dma semaphore(%run_scoped3A_180 : memref<!tpu.dma_semaphore, #tpu.memory_space<semaphore_mem>>) src(%dma_wait3A_194 : memref<128x128xf32, #tpu.memory_space<vmem>>) dst(%dma_wait3A_200 : memref<10008x128xf32, #tpu.memory_space<vmem_shared>>)
        tpu.yield
      }) : () -> ()
      %mul3A_154 = arith.constant 2 : i32
      %mul3A_155 = arith.muli %mul3A_154, %scan3A_93 : i32
      %add3A_156 = arith.constant 1 : i32
      %add3A_157 = arith.addi %mul3A_155, %add3A_156 : i32
      %add3A_158 = arith.constant 2 : i32
      %add3A_159 = arith.addi %add3A_157, %add3A_158 : i32
      %mul3A_160 = arith.constant 128 : i32
      %mul3A_161 = arith.muli %add3A_159, %mul3A_160 : i32
      %add3A_162 = arith.addi %mul3A_8, %mul3A_161 : i32
      %run_scoped3A_163 = arith.constant 1 : i32
      "tpu.region"() ({
        %run_scoped3A_180 = tpu.sem_alloc : memref<!tpu.dma_semaphore, #tpu.memory_space<semaphore_mem>>
        %dma_start3A_181 = arith.constant 0 : i32
        %dma_start3A_182 = tpu.memref_slice %arg8[%run_scoped3A_163, %dma_start3A_181] : memref<2x128xi32, #tpu.memory_space<vmem>> -> memref<1x128xi32, #tpu.memory_space<vmem>>
        %dma_start3A_183 = tpu.memref_squeeze %dma_start3A_182 : memref<1x128xi32, #tpu.memory_space<vmem>> -> memref<128xi32, #tpu.memory_space<vmem>>
        %dma_start3A_184 = tpu.memref_slice %arg3[%add3A_162] : memref<327680xi32, #tpu.memory_space<hbm>> -> memref<128xi32, #tpu.memory_space<hbm>>
        %dma_start3A_185 = arith.constant 0 : i32
        %dma_start3A_186 = tpu.memref_slice %arg8[%run_scoped3A_163, %dma_start3A_185] : memref<2x128xi32, #tpu.memory_space<vmem>> -> memref<1x128xi32, #tpu.memory_space<vmem>>
        %dma_start3A_187 = tpu.memref_squeeze %dma_start3A_186 : memref<1x128xi32, #tpu.memory_space<vmem>> -> memref<128xi32, #tpu.memory_space<vmem>>
        %dma_start3A_188 = tpu.memref_slice %arg3[%add3A_162] : memref<327680xi32, #tpu.memory_space<hbm>> -> memref<128xi32, #tpu.memory_space<hbm>>
        tpu.enqueue_dma source(%dma_start3A_188 : memref<128xi32, #tpu.memory_space<hbm>>) target(%dma_start3A_187 : memref<128xi32, #tpu.memory_space<vmem>>) target_semaphore(%run_scoped3A_180 : memref<!tpu.dma_semaphore, #tpu.memory_space<semaphore_mem>>)
        %dma_wait3A_189 = arith.constant 0 : i32
        %dma_wait3A_190 = tpu.memref_slice %arg8[%run_scoped3A_163, %dma_wait3A_189] : memref<2x128xi32, #tpu.memory_space<vmem>> -> memref<1x128xi32, #tpu.memory_space<vmem>>
        %dma_wait3A_191 = tpu.memref_squeeze %dma_wait3A_190 : memref<1x128xi32, #tpu.memory_space<vmem>> -> memref<128xi32, #tpu.memory_space<vmem>>
        %dma_wait3A_192 = tpu.memref_slice %arg3[%add3A_162] : memref<327680xi32, #tpu.memory_space<hbm>> -> memref<128xi32, #tpu.memory_space<hbm>>
        %dma_wait3A_193 = arith.constant 0 : i32
        %dma_wait3A_194 = tpu.memref_slice %arg8[%run_scoped3A_163, %dma_wait3A_193] : memref<2x128xi32, #tpu.memory_space<vmem>> -> memref<1x128xi32, #tpu.memory_space<vmem>>
        %dma_wait3A_195 = tpu.memref_squeeze %dma_wait3A_194 : memref<1x128xi32, #tpu.memory_space<vmem>> -> memref<128xi32, #tpu.memory_space<vmem>>
        %dma_wait3A_196 = tpu.memref_slice %arg3[%add3A_162] : memref<327680xi32, #tpu.memory_space<hbm>> -> memref<128xi32, #tpu.memory_space<hbm>>
        tpu.wait_dma2 semaphore(%run_scoped3A_180 : memref<!tpu.dma_semaphore, #tpu.memory_space<semaphore_mem>>) src(%dma_wait3A_196 : memref<128xi32, #tpu.memory_space<hbm>>) dst(%dma_wait3A_195 : memref<128xi32, #tpu.memory_space<vmem>>)
        tpu.yield
      }) : () -> ()
      %run_scoped3A_164 = arith.constant 1 : i32
      "tpu.region"() ({
        %run_scoped3A_180 = tpu.sem_alloc : memref<!tpu.dma_semaphore, #tpu.memory_space<semaphore_mem>>
        %dma_start3A_181 = arith.constant 0 : i32
        %dma_start3A_182 = tpu.memref_slice %arg9[%run_scoped3A_164, %dma_start3A_181] : memref<2x128xi32, #tpu.memory_space<vmem>> -> memref<1x128xi32, #tpu.memory_space<vmem>>
        %dma_start3A_183 = tpu.memref_squeeze %dma_start3A_182 : memref<1x128xi32, #tpu.memory_space<vmem>> -> memref<128xi32, #tpu.memory_space<vmem>>
        %dma_start3A_184 = tpu.memref_slice %arg4[%add3A_162] : memref<327680xi32, #tpu.memory_space<hbm>> -> memref<128xi32, #tpu.memory_space<hbm>>
        %dma_start3A_185 = arith.constant 0 : i32
        %dma_start3A_186 = tpu.memref_slice %arg9[%run_scoped3A_164, %dma_start3A_185] : memref<2x128xi32, #tpu.memory_space<vmem>> -> memref<1x128xi32, #tpu.memory_space<vmem>>
        %dma_start3A_187 = tpu.memref_squeeze %dma_start3A_186 : memref<1x128xi32, #tpu.memory_space<vmem>> -> memref<128xi32, #tpu.memory_space<vmem>>
        %dma_start3A_188 = tpu.memref_slice %arg4[%add3A_162] : memref<327680xi32, #tpu.memory_space<hbm>> -> memref<128xi32, #tpu.memory_space<hbm>>
        tpu.enqueue_dma source(%dma_start3A_188 : memref<128xi32, #tpu.memory_space<hbm>>) target(%dma_start3A_187 : memref<128xi32, #tpu.memory_space<vmem>>) target_semaphore(%run_scoped3A_180 : memref<!tpu.dma_semaphore, #tpu.memory_space<semaphore_mem>>)
        %dma_wait3A_189 = arith.constant 0 : i32
        %dma_wait3A_190 = tpu.memref_slice %arg9[%run_scoped3A_164, %dma_wait3A_189] : memref<2x128xi32, #tpu.memory_space<vmem>> -> memref<1x128xi32, #tpu.memory_space<vmem>>
        %dma_wait3A_191 = tpu.memref_squeeze %dma_wait3A_190 : memref<1x128xi32, #tpu.memory_space<vmem>> -> memref<128xi32, #tpu.memory_space<vmem>>
        %dma_wait3A_192 = tpu.memref_slice %arg4[%add3A_162] : memref<327680xi32, #tpu.memory_space<hbm>> -> memref<128xi32, #tpu.memory_space<hbm>>
        %dma_wait3A_193 = arith.constant 0 : i32
        %dma_wait3A_194 = tpu.memref_slice %arg9[%run_scoped3A_164, %dma_wait3A_193] : memref<2x128xi32, #tpu.memory_space<vmem>> -> memref<1x128xi32, #tpu.memory_space<vmem>>
        %dma_wait3A_195 = tpu.memref_squeeze %dma_wait3A_194 : memref<1x128xi32, #tpu.memory_space<vmem>> -> memref<128xi32, #tpu.memory_space<vmem>>
        %dma_wait3A_196 = tpu.memref_slice %arg4[%add3A_162] : memref<327680xi32, #tpu.memory_space<hbm>> -> memref<128xi32, #tpu.memory_space<hbm>>
        tpu.wait_dma2 semaphore(%run_scoped3A_180 : memref<!tpu.dma_semaphore, #tpu.memory_space<semaphore_mem>>) src(%dma_wait3A_196 : memref<128xi32, #tpu.memory_space<hbm>>) dst(%dma_wait3A_195 : memref<128xi32, #tpu.memory_space<vmem>>)
        tpu.yield
      }) : () -> ()
      %dma_start3A_165 = arith.constant 1 : i32
      %dma_start3A_166 = arith.constant 1 : i32
      %dma_start3A_167 = arith.constant 1 : i32
      %dma_start3A_168 = arith.constant 0 : i32
      %dma_start3A_169 = arith.constant 0 : i32
      %dma_start3A_170 = tpu.memref_slice %arg10[%dma_start3A_166, %dma_start3A_168, %dma_start3A_169] : memref<2x128x128xf32, #tpu.memory_space<vmem>> -> memref<1x128x128xf32, #tpu.memory_space<vmem>>
      %dma_start3A_171 = tpu.memref_squeeze %dma_start3A_170 : memref<1x128x128xf32, #tpu.memory_space<vmem>> -> memref<128x128xf32, #tpu.memory_space<vmem>>
      %dma_start3A_172 = arith.constant 0 : i32
      %dma_start3A_173 = tpu.memref_slice %arg8[%dma_start3A_165, %dma_start3A_172] : memref<2x128xi32, #tpu.memory_space<vmem>> -> memref<1x128xi32, #tpu.memory_space<vmem>>
      %dma_start3A_174 = tpu.memref_squeeze %dma_start3A_173 : memref<1x128xi32, #tpu.memory_space<vmem>> -> memref<128xi32, #tpu.memory_space<vmem>>
      %dma_start3A_175 = arith.constant 0 : i32
      %dma_start3A_176 = arith.constant 0 : i32
      %dma_start3A_177 = tpu.memref_slice %arg2[%dma_start3A_175, %dma_start3A_176] : memref<10000x128xf32, #tpu.memory_space<hbm>> -> memref<10000x128xf32, #tpu.memory_space<hbm>>
      %dma_start3A_178 = tpu.memref_slice %arg11[%dma_start3A_167] : memref<2x!tpu.dma_semaphore, #tpu.memory_space<semaphore_mem>> -> memref<1x!tpu.dma_semaphore, #tpu.memory_space<semaphore_mem>>
      %dma_start3A_179 = tpu.memref_squeeze %dma_start3A_178 : memref<1x!tpu.dma_semaphore, #tpu.memory_space<semaphore_mem>> -> memref<!tpu.dma_semaphore, #tpu.memory_space<semaphore_mem>>
      tpu.enqueue_indirect_dma source(%dma_start3A_177 : memref<10000x128xf32, #tpu.memory_space<hbm>>) target(%dma_start3A_171 : memref<128x128xf32, #tpu.memory_space<vmem>>) offsets(%dma_start3A_174 : memref<128xi32, #tpu.memory_space<vmem>>) semaphore(%dma_start3A_179 : memref<!tpu.dma_semaphore, #tpu.memory_space<semaphore_mem>>)
    }
    %scan3A_49 = arith.constant 39 : i32
    %dma_wait3A = arith.constant 0 : i32
    %dma_wait3A_50 = arith.constant 0 : i32
    %dma_wait3A_51 = arith.constant 0 : i32
    %dma_wait3A_52 = arith.constant 0 : i32
    %dma_wait3A_53 = arith.constant 0 : i32
    %dma_wait3A_54 = tpu.memref_slice %arg10[%dma_wait3A_50, %dma_wait3A_52, %dma_wait3A_53] : memref<2x128x128xf32, #tpu.memory_space<vmem>> -> memref<1x128x128xf32, #tpu.memory_space<vmem>>
    %dma_wait3A_55 = tpu.memref_squeeze %dma_wait3A_54 : memref<1x128x128xf32, #tpu.memory_space<vmem>> -> memref<128x128xf32, #tpu.memory_space<vmem>>
    %dma_wait3A_56 = arith.constant 0 : i32
    %dma_wait3A_57 = tpu.memref_slice %arg8[%dma_wait3A, %dma_wait3A_56] : memref<2x128xi32, #tpu.memory_space<vmem>> -> memref<1x128xi32, #tpu.memory_space<vmem>>
    %dma_wait3A_58 = tpu.memref_squeeze %dma_wait3A_57 : memref<1x128xi32, #tpu.memory_space<vmem>> -> memref<128xi32, #tpu.memory_space<vmem>>
    %dma_wait3A_59 = arith.constant 0 : i32
    %dma_wait3A_60 = arith.constant 0 : i32
    %dma_wait3A_61 = tpu.memref_slice %arg2[%dma_wait3A_59, %dma_wait3A_60] : memref<10000x128xf32, #tpu.memory_space<hbm>> -> memref<10000x128xf32, #tpu.memory_space<hbm>>
    %dma_wait3A_62 = tpu.memref_slice %arg11[%dma_wait3A_51] : memref<2x!tpu.dma_semaphore, #tpu.memory_space<semaphore_mem>> -> memref<1x!tpu.dma_semaphore, #tpu.memory_space<semaphore_mem>>
    %dma_wait3A_63 = tpu.memref_squeeze %dma_wait3A_62 : memref<1x!tpu.dma_semaphore, #tpu.memory_space<semaphore_mem>> -> memref<!tpu.dma_semaphore, #tpu.memory_space<semaphore_mem>>
    tpu.wait_indirect_dma semaphore(%dma_wait3A_63 : memref<!tpu.dma_semaphore, #tpu.memory_space<semaphore_mem>>) src(%dma_wait3A_61 : memref<10000x128xf32, #tpu.memory_space<hbm>>) dst(%dma_wait3A_55 : memref<128x128xf32, #tpu.memory_space<vmem>>)
    %run_scoped3A_64 = arith.constant 0 : i32
    %run_scoped3A_65 = arith.constant 0 : i32
    "tpu.region"() ({
      %run_scoped3A_93 = tpu.sem_alloc : memref<!tpu.dma_semaphore, #tpu.memory_space<semaphore_mem>>
      %dma_start3A_94 = arith.constant 0 : i32
      %dma_start3A_95 = arith.constant 0 : i32
      %dma_start3A_96 = tpu.memref_slice %arg10[%run_scoped3A_64, %dma_start3A_94, %dma_start3A_95] : memref<2x128x128xf32, #tpu.memory_space<vmem>> -> memref<1x128x128xf32, #tpu.memory_space<vmem>>
      %dma_start3A_97 = tpu.memref_squeeze %dma_start3A_96 : memref<1x128x128xf32, #tpu.memory_space<vmem>> -> memref<128x128xf32, #tpu.memory_space<vmem>>
      %dma_start3A_98 = arith.constant 0 : i32
      %dma_start3A_99 = tpu.memref_slice %arg9[%run_scoped3A_65, %dma_start3A_98] : memref<2x128xi32, #tpu.memory_space<vmem>> -> memref<1x128xi32, #tpu.memory_space<vmem>>
      %dma_start3A_100 = tpu.memref_squeeze %dma_start3A_99 : memref<1x128xi32, #tpu.memory_space<vmem>> -> memref<128xi32, #tpu.memory_space<vmem>>
      %dma_start3A_101 = arith.constant 0 : i32
      %dma_start3A_102 = arith.constant 0 : i32
      %dma_start3A_103 = tpu.memref_slice %arg7[%dma_start3A_101, %dma_start3A_102] : memref<10008x128xf32, #tpu.memory_space<vmem_shared>> -> memref<10008x128xf32, #tpu.memory_space<vmem_shared>>
      tpu.enqueue_indirect_dma source(%dma_start3A_97 : memref<128x128xf32, #tpu.memory_space<vmem>>) target(%dma_start3A_103 : memref<10008x128xf32, #tpu.memory_space<vmem_shared>>) offsets(%dma_start3A_100 : memref<128xi32, #tpu.memory_space<vmem>>) semaphore(%run_scoped3A_93 : memref<!tpu.dma_semaphore, #tpu.memory_space<semaphore_mem>>) {add = true}
      %dma_wait3A_104 = arith.constant 0 : i32
      %dma_wait3A_105 = arith.constant 0 : i32
      %dma_wait3A_106 = tpu.memref_slice %arg10[%run_scoped3A_64, %dma_wait3A_104, %dma_wait3A_105] : memref<2x128x128xf32, #tpu.memory_space<vmem>> -> memref<1x128x128xf32, #tpu.memory_space<vmem>>
      %dma_wait3A_107 = tpu.memref_squeeze %dma_wait3A_106 : memref<1x128x128xf32, #tpu.memory_space<vmem>> -> memref<128x128xf32, #tpu.memory_space<vmem>>
      %dma_wait3A_108 = arith.constant 0 : i32
      %dma_wait3A_109 = tpu.memref_slice %arg9[%run_scoped3A_65, %dma_wait3A_108] : memref<2x128xi32, #tpu.memory_space<vmem>> -> memref<1x128xi32, #tpu.memory_space<vmem>>
      %dma_wait3A_110 = tpu.memref_squeeze %dma_wait3A_109 : memref<1x128xi32, #tpu.memory_space<vmem>> -> memref<128xi32, #tpu.memory_space<vmem>>
      %dma_wait3A_111 = arith.constant 0 : i32
      %dma_wait3A_112 = arith.constant 0 : i32
      %dma_wait3A_113 = tpu.memref_slice %arg7[%dma_wait3A_111, %dma_wait3A_112] : memref<10008x128xf32, #tpu.memory_space<vmem_shared>> -> memref<10008x128xf32, #tpu.memory_space<vmem_shared>>
      tpu.wait_indirect_dma semaphore(%run_scoped3A_93 : memref<!tpu.dma_semaphore, #tpu.memory_space<semaphore_mem>>) src(%dma_wait3A_107 : memref<128x128xf32, #tpu.memory_space<vmem>>) dst(%dma_wait3A_113 : memref<10008x128xf32, #tpu.memory_space<vmem_shared>>)
      tpu.yield
    }) : () -> ()
    %dma_wait3A_66 = arith.constant 1 : i32
    %dma_wait3A_67 = arith.constant 1 : i32
    %dma_wait3A_68 = arith.constant 1 : i32
    %dma_wait3A_69 = arith.constant 0 : i32
    %dma_wait3A_70 = arith.constant 0 : i32
    %dma_wait3A_71 = tpu.memref_slice %arg10[%dma_wait3A_67, %dma_wait3A_69, %dma_wait3A_70] : memref<2x128x128xf32, #tpu.memory_space<vmem>> -> memref<1x128x128xf32, #tpu.memory_space<vmem>>
    %dma_wait3A_72 = tpu.memref_squeeze %dma_wait3A_71 : memref<1x128x128xf32, #tpu.memory_space<vmem>> -> memref<128x128xf32, #tpu.memory_space<vmem>>
    %dma_wait3A_73 = arith.constant 0 : i32
    %dma_wait3A_74 = tpu.memref_slice %arg8[%dma_wait3A_66, %dma_wait3A_73] : memref<2x128xi32, #tpu.memory_space<vmem>> -> memref<1x128xi32, #tpu.memory_space<vmem>>
    %dma_wait3A_75 = tpu.memref_squeeze %dma_wait3A_74 : memref<1x128xi32, #tpu.memory_space<vmem>> -> memref<128xi32, #tpu.memory_space<vmem>>
    %dma_wait3A_76 = arith.constant 0 : i32
    %dma_wait3A_77 = arith.constant 0 : i32
    %dma_wait3A_78 = tpu.memref_slice %arg2[%dma_wait3A_76, %dma_wait3A_77] : memref<10000x128xf32, #tpu.memory_space<hbm>> -> memref<10000x128xf32, #tpu.memory_space<hbm>>
    %dma_wait3A_79 = tpu.memref_slice %arg11[%dma_wait3A_68] : memref<2x!tpu.dma_semaphore, #tpu.memory_space<semaphore_mem>> -> memref<1x!tpu.dma_semaphore, #tpu.memory_space<semaphore_mem>>
    %dma_wait3A_80 = tpu.memref_squeeze %dma_wait3A_79 : memref<1x!tpu.dma_semaphore, #tpu.memory_space<semaphore_mem>> -> memref<!tpu.dma_semaphore, #tpu.memory_space<semaphore_mem>>
    tpu.wait_indirect_dma semaphore(%dma_wait3A_80 : memref<!tpu.dma_semaphore, #tpu.memory_space<semaphore_mem>>) src(%dma_wait3A_78 : memref<10000x128xf32, #tpu.memory_space<hbm>>) dst(%dma_wait3A_72 : memref<128x128xf32, #tpu.memory_space<vmem>>)
    %run_scoped3A_81 = arith.constant 1 : i32
    %run_scoped3A_82 = arith.constant 1 : i32
    "tpu.region"() ({
      %run_scoped3A_93 = tpu.sem_alloc : memref<!tpu.dma_semaphore, #tpu.memory_space<semaphore_mem>>
      %dma_start3A_94 = arith.constant 0 : i32
      %dma_start3A_95 = arith.constant 0 : i32
      %dma_start3A_96 = tpu.memref_slice %arg10[%run_scoped3A_81, %dma_start3A_94, %dma_start3A_95] : memref<2x128x128xf32, #tpu.memory_space<vmem>> -> memref<1x128x128xf32, #tpu.memory_space<vmem>>
      %dma_start3A_97 = tpu.memref_squeeze %dma_start3A_96 : memref<1x128x128xf32, #tpu.memory_space<vmem>> -> memref<128x128xf32, #tpu.memory_space<vmem>>
      %dma_start3A_98 = arith.constant 0 : i32
      %dma_start3A_99 = tpu.memref_slice %arg9[%run_scoped3A_82, %dma_start3A_98] : memref<2x128xi32, #tpu.memory_space<vmem>> -> memref<1x128xi32, #tpu.memory_space<vmem>>
      %dma_start3A_100 = tpu.memref_squeeze %dma_start3A_99 : memref<1x128xi32, #tpu.memory_space<vmem>> -> memref<128xi32, #tpu.memory_space<vmem>>
      %dma_start3A_101 = arith.constant 0 : i32
      %dma_start3A_102 = arith.constant 0 : i32
      %dma_start3A_103 = tpu.memref_slice %arg7[%dma_start3A_101, %dma_start3A_102] : memref<10008x128xf32, #tpu.memory_space<vmem_shared>> -> memref<10008x128xf32, #tpu.memory_space<vmem_shared>>
      tpu.enqueue_indirect_dma source(%dma_start3A_97 : memref<128x128xf32, #tpu.memory_space<vmem>>) target(%dma_start3A_103 : memref<10008x128xf32, #tpu.memory_space<vmem_shared>>) offsets(%dma_start3A_100 : memref<128xi32, #tpu.memory_space<vmem>>) semaphore(%run_scoped3A_93 : memref<!tpu.dma_semaphore, #tpu.memory_space<semaphore_mem>>) {add = true}
      %dma_wait3A_104 = arith.constant 0 : i32
      %dma_wait3A_105 = arith.constant 0 : i32
      %dma_wait3A_106 = tpu.memref_slice %arg10[%run_scoped3A_81, %dma_wait3A_104, %dma_wait3A_105] : memref<2x128x128xf32, #tpu.memory_space<vmem>> -> memref<1x128x128xf32, #tpu.memory_space<vmem>>
      %dma_wait3A_107 = tpu.memref_squeeze %dma_wait3A_106 : memref<1x128x128xf32, #tpu.memory_space<vmem>> -> memref<128x128xf32, #tpu.memory_space<vmem>>
      %dma_wait3A_108 = arith.constant 0 : i32
      %dma_wait3A_109 = tpu.memref_slice %arg9[%run_scoped3A_82, %dma_wait3A_108] : memref<2x128xi32, #tpu.memory_space<vmem>> -> memref<1x128xi32, #tpu.memory_space<vmem>>
      %dma_wait3A_110 = tpu.memref_squeeze %dma_wait3A_109 : memref<1x128xi32, #tpu.memory_space<vmem>> -> memref<128xi32, #tpu.memory_space<vmem>>
      %dma_wait3A_111 = arith.constant 0 : i32
      %dma_wait3A_112 = arith.constant 0 : i32
      %dma_wait3A_113 = tpu.memref_slice %arg7[%dma_wait3A_111, %dma_wait3A_112] : memref<10008x128xf32, #tpu.memory_space<vmem_shared>> -> memref<10008x128xf32, #tpu.memory_space<vmem_shared>>
      tpu.wait_indirect_dma semaphore(%run_scoped3A_93 : memref<!tpu.dma_semaphore, #tpu.memory_space<semaphore_mem>>) src(%dma_wait3A_107 : memref<128x128xf32, #tpu.memory_space<vmem>>) dst(%dma_wait3A_113 : memref<10008x128xf32, #tpu.memory_space<vmem_shared>>)
      tpu.yield
    }) : () -> ()
    %barrier3A_83 = arith.constant 0 : index
    tpu.barrier barrier_id(%barrier3A_83)
    %mul3A_84 = arith.constant 624 : i32
    %mul3A_85 = arith.muli %arg1, %mul3A_84 : i32
    %mul3A_86 = arith.constant 624 : i32
    %mul3A_87 = arith.muli %arg1, %mul3A_86 : i32
    "tpu.region"() ({
      %run_scoped3A_93 = tpu.sem_alloc : memref<!tpu.dma_semaphore, #tpu.memory_space<semaphore_mem>>
      %dma_start3A_94 = arith.constant 0 : i32
      %dma_start3A_95 = tpu.memref_slice %arg6[%arg0, %mul3A_87, %dma_start3A_94] : memref<2x10000x128xf32, #tpu.memory_space<hbm>> -> memref<1x624x128xf32, #tpu.memory_space<hbm>>
      %dma_start3A_96 = tpu.memref_squeeze %dma_start3A_95 : memref<1x624x128xf32, #tpu.memory_space<hbm>> -> memref<624x128xf32, #tpu.memory_space<hbm>>
      %dma_start3A_97 = arith.constant 0 : i32
      %dma_start3A_98 = tpu.memref_slice %arg7[%mul3A_85, %dma_start3A_97] : memref<10008x128xf32, #tpu.memory_space<vmem_shared>> -> memref<624x128xf32, #tpu.memory_space<vmem_shared>>
      tpu.enqueue_dma source(%dma_start3A_98 : memref<624x128xf32, #tpu.memory_space<vmem_shared>>) target(%dma_start3A_96 : memref<624x128xf32, #tpu.memory_space<hbm>>) target_semaphore(%run_scoped3A_93 : memref<!tpu.dma_semaphore, #tpu.memory_space<semaphore_mem>>)
      %dma_wait3A_99 = arith.constant 0 : i32
      %dma_wait3A_100 = tpu.memref_slice %arg6[%arg0, %mul3A_87, %dma_wait3A_99] : memref<2x10000x128xf32, #tpu.memory_space<hbm>> -> memref<1x624x128xf32, #tpu.memory_space<hbm>>
      %dma_wait3A_101 = tpu.memref_squeeze %dma_wait3A_100 : memref<1x624x128xf32, #tpu.memory_space<hbm>> -> memref<624x128xf32, #tpu.memory_space<hbm>>
      %dma_wait3A_102 = arith.constant 0 : i32
      %dma_wait3A_103 = tpu.memref_slice %arg7[%mul3A_85, %dma_wait3A_102] : memref<10008x128xf32, #tpu.memory_space<vmem_shared>> -> memref<624x128xf32, #tpu.memory_space<vmem_shared>>
      tpu.wait_dma2 semaphore(%run_scoped3A_93 : memref<!tpu.dma_semaphore, #tpu.memory_space<semaphore_mem>>) src(%dma_wait3A_103 : memref<624x128xf32, #tpu.memory_space<vmem_shared>>) dst(%dma_wait3A_101 : memref<624x128xf32, #tpu.memory_space<hbm>>)
      tpu.yield
    }) : () -> ()
    %eq3A_88 = arith.constant 0 : i32
    %eq3A_89 = arith.cmpi eq, %arg1, %eq3A_88 : i32
    %convert_element_type3A_90 = arith.extui %eq3A_89 : i1 to i32
    %cond3A_91 = arith.constant 0 : i32
    %cond3A_92 = arith.cmpi ne, %convert_element_type3A_90, %cond3A_91 : i32
    scf.if %cond3A_92 {
      "tpu.region"() ({
        %run_scoped3A_93 = tpu.sem_alloc : memref<!tpu.dma_semaphore, #tpu.memory_space<semaphore_mem>>
        %dma_start3A_94 = arith.constant 9984 : i32
        %dma_start3A_95 = arith.constant 0 : i32
        %dma_start3A_96 = tpu.memref_slice %arg6[%arg0, %dma_start3A_94, %dma_start3A_95] : memref<2x10000x128xf32, #tpu.memory_space<hbm>> -> memref<1x16x128xf32, #tpu.memory_space<hbm>>
        %dma_start3A_97 = tpu.memref_squeeze %dma_start3A_96 : memref<1x16x128xf32, #tpu.memory_space<hbm>> -> memref<16x128xf32, #tpu.memory_space<hbm>>
        %dma_start3A_98 = arith.constant 9984 : i32
        %dma_start3A_99 = arith.constant 0 : i32
        %dma_start3A_100 = tpu.memref_slice %arg7[%dma_start3A_98, %dma_start3A_99] : memref<10008x128xf32, #tpu.memory_space<vmem_shared>> -> memref<16x128xf32, #tpu.memory_space<vmem_shared>>
        tpu.enqueue_dma source(%dma_start3A_100 : memref<16x128xf32, #tpu.memory_space<vmem_shared>>) target(%dma_start3A_97 : memref<16x128xf32, #tpu.memory_space<hbm>>) target_semaphore(%run_scoped3A_93 : memref<!tpu.dma_semaphore, #tpu.memory_space<semaphore_mem>>)
        %dma_wait3A_101 = arith.constant 9984 : i32
        %dma_wait3A_102 = arith.constant 0 : i32
        %dma_wait3A_103 = tpu.memref_slice %arg6[%arg0, %dma_wait3A_101, %dma_wait3A_102] : memref<2x10000x128xf32, #tpu.memory_space<hbm>> -> memref<1x16x128xf32, #tpu.memory_space<hbm>>
        %dma_wait3A_104 = tpu.memref_squeeze %dma_wait3A_103 : memref<1x16x128xf32, #tpu.memory_space<hbm>> -> memref<16x128xf32, #tpu.memory_space<hbm>>
        %dma_wait3A_105 = arith.constant 9984 : i32
        %dma_wait3A_106 = arith.constant 0 : i32
        %dma_wait3A_107 = tpu.memref_slice %arg7[%dma_wait3A_105, %dma_wait3A_106] : memref<10008x128xf32, #tpu.memory_space<vmem_shared>> -> memref<16x128xf32, #tpu.memory_space<vmem_shared>>
        tpu.wait_dma2 semaphore(%run_scoped3A_93 : memref<!tpu.dma_semaphore, #tpu.memory_space<semaphore_mem>>) src(%dma_wait3A_107 : memref<16x128xf32, #tpu.memory_space<vmem_shared>>) dst(%dma_wait3A_104 : memref<16x128xf32, #tpu.memory_space<hbm>>)
        tpu.yield
      }) : () -> ()
    } else {
    }
    return
  }
}

#map = affine_map<(d0, d1) -> (0, 0)>
#map1 = affine_map<(d0, d1) -> (0)>
#map2 = affine_map<(d0, d1) -> (0, 0, 0)>
module attributes {stable_mosaic.version = 14 : i64} {
  func.func @sc_scatter(%arg0: i32, %arg1: i32, %arg2: memref<10000x128xf32, #tpu.memory_space<hbm>>, %arg3: memref<327680xi32, #tpu.memory_space<hbm>>, %arg4: memref<327680xi32, #tpu.memory_space<hbm>>, %arg5: memref<10000x128xf32, #tpu.memory_space<hbm>>, %arg6: memref<2x10000x128xf32, #tpu.memory_space<hbm>>, %arg7: memref<10008x128xf32, #tpu.memory_space<vmem_shared>>, %arg8: memref<2x128xi32, #tpu.memory_space<vmem>>, %arg9: memref<2x128xi32, #tpu.memory_space<vmem>>, %arg10: memref<2x128x128xf32, #tpu.memory_space<vmem>>, %arg11: memref<2x!tpu.dma_semaphore, #tpu.memory_space<semaphore_mem>>) attributes {dimension_semantics = [#tpu.dimension_semantics<core_parallel>, #tpu.dimension_semantics<subcore_parallel>], iteration_bounds = array<i64: 2, 16>, scalar_prefetch = 0 : i64, scratch_operands = 5 : i64, tpu.core_type = #tpu.core_type<sc_vector_subcore>, window_params = [{transform_indices = #map}, {transform_indices = #map1}, {transform_indices = #map1}, {transform_indices = #map}, {transform_indices = #map2}]} {
    %mul3A = arith.constant 2 : i32
    %mul3A_0 = arith.muli %arg1, %mul3A : i32
    %add3A = arith.addi %mul3A_0, %arg0 : i32
    %mul3A_1 = arith.constant 624 : i32
    %mul3A_2 = arith.muli %arg1, %mul3A_1 : i32
    %mul3A_3 = arith.constant 624 : i32
    %mul3A_4 = arith.muli %arg1, %mul3A_3 : i32
    "tpu.region"() ({
      %run_scoped3A_93 = tpu.sem_alloc : memref<!tpu.dma_semaphore, #tpu.memory_space<semaphore_mem>>
      %dma_start3A_94 = arith.constant 0 : i32
      %dma_start3A_95 = tpu.memref_slice %arg7[%mul3A_4, %dma_start3A_94] : memref<10008x128xf32, #tpu.memory_space<vmem_shared>> -> memref<624x128xf32, #tpu.memory_space<vmem_shared>>
      %dma_start3A_96 = arith.constant 0 : i32
      %dma_start3A_97 = tpu.memref_slice %arg5[%mul3A_2, %dma_start3A_96] : memref<10000x128xf32, #tpu.memory_space<hbm>> -> memref<624x128xf32, #tpu.memory_space<hbm>>
      tpu.enqueue_dma source(%dma_start3A_97 : memref<624x128xf32, #tpu.memory_space<hbm>>) target(%dma_start3A_95 : memref<624x128xf32, #tpu.memory_space<vmem_shared>>) target_semaphore(%run_scoped3A_93 : memref<!tpu.dma_semaphore, #tpu.memory_space<semaphore_mem>>)
      %dma_wait3A_98 = arith.constant 0 : i32
      %dma_wait3A_99 = tpu.memref_slice %arg7[%mul3A_4, %dma_wait3A_98] : memref<10008x128xf32, #tpu.memory_space<vmem_shared>> -> memref<624x128xf32, #tpu.memory_space<vmem_shared>>
      %dma_wait3A_100 = arith.constant 0 : i32
      %dma_wait3A_101 = tpu.memref_slice %arg5[%mul3A_2, %dma_wait3A_100] : memref<10000x128xf32, #tpu.memory_space<hbm>> -> memref<624x128xf32, #tpu.memory_space<hbm>>
      tpu.wait_dma2 semaphore(%run_scoped3A_93 : memref<!tpu.dma_semaphore, #tpu.memory_space<semaphore_mem>>) src(%dma_wait3A_101 : memref<624x128xf32, #tpu.memory_space<hbm>>) dst(%dma_wait3A_99 : memref<624x128xf32, #tpu.memory_space<vmem_shared>>)
      tpu.yield
    }) : () -> ()
    %eq3A = arith.constant 0 : i32
    %eq3A_5 = arith.cmpi eq, %arg1, %eq3A : i32
    %convert_element_type3A = arith.extui %eq3A_5 : i1 to i32
    %cond3A = arith.constant 0 : i32
    %cond3A_6 = arith.cmpi ne, %convert_element_type3A, %cond3A : i32
    scf.if %cond3A_6 {
      "tpu.region"() ({
        %run_scoped3A_93 = tpu.sem_alloc : memref<!tpu.dma_semaphore, #tpu.memory_space<semaphore_mem>>
        %dma_start3A_94 = arith.constant 9984 : i32
        %dma_start3A_95 = arith.constant 0 : i32
        %dma_start3A_96 = tpu.memref_slice %arg7[%dma_start3A_94, %dma_start3A_95] : memref<10008x128xf32, #tpu.memory_space<vmem_shared>> -> memref<16x128xf32, #tpu.memory_space<vmem_shared>>
        %dma_start3A_97 = arith.constant 9984 : i32
        %dma_start3A_98 = arith.constant 0 : i32
        %dma_start3A_99 = tpu.memref_slice %arg5[%dma_start3A_97, %dma_start3A_98] : memref<10000x128xf32, #tpu.memory_space<hbm>> -> memref<16x128xf32, #tpu.memory_space<hbm>>
        tpu.enqueue_dma source(%dma_start3A_99 : memref<16x128xf32, #tpu.memory_space<hbm>>) target(%dma_start3A_96 : memref<16x128xf32, #tpu.memory_space<vmem_shared>>) target_semaphore(%run_scoped3A_93 : memref<!tpu.dma_semaphore, #tpu.memory_space<semaphore_mem>>)
        %dma_wait3A_100 = arith.constant 9984 : i32
        %dma_wait3A_101 = arith.constant 0 : i32
        %dma_wait3A_102 = tpu.memref_slice %arg7[%dma_wait3A_100, %dma_wait3A_101] : memref<10008x128xf32, #tpu.memory_space<vmem_shared>> -> memref<16x128xf32, #tpu.memory_space<vmem_shared>>
        %dma_wait3A_103 = arith.constant 9984 : i32
        %dma_wait3A_104 = arith.constant 0 : i32
        %dma_wait3A_105 = tpu.memref_slice %arg5[%dma_wait3A_103, %dma_wait3A_104] : memref<10000x128xf32, #tpu.memory_space<hbm>> -> memref<16x128xf32, #tpu.memory_space<hbm>>
        tpu.wait_dma2 semaphore(%run_scoped3A_93 : memref<!tpu.dma_semaphore, #tpu.memory_space<semaphore_mem>>) src(%dma_wait3A_105 : memref<16x128xf32, #tpu.memory_space<hbm>>) dst(%dma_wait3A_102 : memref<16x128xf32, #tpu.memory_space<vmem_shared>>)
        tpu.yield
      }) : () -> ()
    } else {
    }
    %barrier3A = arith.constant 0 : index
    tpu.barrier barrier_id(%barrier3A)
    %mul3A_7 = arith.constant 10240 : i32
    %mul3A_8 = arith.muli %add3A, %mul3A_7 : i32
    %add3A_9 = arith.constant 0 : i32
    %add3A_10 = arith.addi %mul3A_8, %add3A_9 : i32
    %run_scoped3A = arith.constant 0 : i32
    "tpu.region"() ({
      %run_scoped3A_93 = tpu.sem_alloc : memref<!tpu.dma_semaphore, #tpu.memory_space<semaphore_mem>>
      %dma_start3A_94 = arith.constant 0 : i32
      %dma_start3A_95 = tpu.memref_slice %arg8[%run_scoped3A, %dma_start3A_94] : memref<2x128xi32, #tpu.memory_space<vmem>> -> memref<1x128xi32, #tpu.memory_space<vmem>>
      %dma_start3A_96 = tpu.memref_squeeze %dma_start3A_95 : memref<1x128xi32, #tpu.memory_space<vmem>> -> memref<128xi32, #tpu.memory_space<vmem>>
      %dma_start3A_97 = tpu.memref_slice %arg3[%add3A_10] : memref<327680xi32, #tpu.memory_space<hbm>> -> memref<128xi32, #tpu.memory_space<hbm>>
      %dma_start3A_98 = arith.constant 0 : i32
      %dma_start3A_99 = tpu.memref_slice %arg8[%run_scoped3A, %dma_start3A_98] : memref<2x128xi32, #tpu.memory_space<vmem>> -> memref<1x128xi32, #tpu.memory_space<vmem>>
      %dma_start3A_100 = tpu.memref_squeeze %dma_start3A_99 : memref<1x128xi32, #tpu.memory_space<vmem>> -> memref<128xi32, #tpu.memory_space<vmem>>
      %dma_start3A_101 = tpu.memref_slice %arg3[%add3A_10] : memref<327680xi32, #tpu.memory_space<hbm>> -> memref<128xi32, #tpu.memory_space<hbm>>
      tpu.enqueue_dma source(%dma_start3A_101 : memref<128xi32, #tpu.memory_space<hbm>>) target(%dma_start3A_100 : memref<128xi32, #tpu.memory_space<vmem>>) target_semaphore(%run_scoped3A_93 : memref<!tpu.dma_semaphore, #tpu.memory_space<semaphore_mem>>)
      %dma_wait3A_102 = arith.constant 0 : i32
      %dma_wait3A_103 = tpu.memref_slice %arg8[%run_scoped3A, %dma_wait3A_102] : memref<2x128xi32, #tpu.memory_space<vmem>> -> memref<1x128xi32, #tpu.memory_space<vmem>>
      %dma_wait3A_104 = tpu.memref_squeeze %dma_wait3A_103 : memref<1x128xi32, #tpu.memory_space<vmem>> -> memref<128xi32, #tpu.memory_space<vmem>>
      %dma_wait3A_105 = tpu.memref_slice %arg3[%add3A_10] : memref<327680xi32, #tpu.memory_space<hbm>> -> memref<128xi32, #tpu.memory_space<hbm>>
      %dma_wait3A_106 = arith.constant 0 : i32
      %dma_wait3A_107 = tpu.memref_slice %arg8[%run_scoped3A, %dma_wait3A_106] : memref<2x128xi32, #tpu.memory_space<vmem>> -> memref<1x128xi32, #tpu.memory_space<vmem>>
      %dma_wait3A_108 = tpu.memref_squeeze %dma_wait3A_107 : memref<1x128xi32, #tpu.memory_space<vmem>> -> memref<128xi32, #tpu.memory_space<vmem>>
      %dma_wait3A_109 = tpu.memref_slice %arg3[%add3A_10] : memref<327680xi32, #tpu.memory_space<hbm>> -> memref<128xi32, #tpu.memory_space<hbm>>
      tpu.wait_dma2 semaphore(%run_scoped3A_93 : memref<!tpu.dma_semaphore, #tpu.memory_space<semaphore_mem>>) src(%dma_wait3A_109 : memref<128xi32, #tpu.memory_space<hbm>>) dst(%dma_wait3A_108 : memref<128xi32, #tpu.memory_space<vmem>>)
      tpu.yield
    }) : () -> ()
    %run_scoped3A_11 = arith.constant 0 : i32
    "tpu.region"() ({
      %run_scoped3A_93 = tpu.sem_alloc : memref<!tpu.dma_semaphore, #tpu.memory_space<semaphore_mem>>
      %dma_start3A_94 = arith.constant 0 : i32
      %dma_start3A_95 = tpu.memref_slice %arg9[%run_scoped3A_11, %dma_start3A_94] : memref<2x128xi32, #tpu.memory_space<vmem>> -> memref<1x128xi32, #tpu.memory_space<vmem>>
      %dma_start3A_96 = tpu.memref_squeeze %dma_start3A_95 : memref<1x128xi32, #tpu.memory_space<vmem>> -> memref<128xi32, #tpu.memory_space<vmem>>
      %dma_start3A_97 = tpu.memref_slice %arg4[%add3A_10] : memref<327680xi32, #tpu.memory_space<hbm>> -> memref<128xi32, #tpu.memory_space<hbm>>
      %dma_start3A_98 = arith.constant 0 : i32
      %dma_start3A_99 = tpu.memref_slice %arg9[%run_scoped3A_11, %dma_start3A_98] : memref<2x128xi32, #tpu.memory_space<vmem>> -> memref<1x128xi32, #tpu.memory_space<vmem>>
      %dma_start3A_100 = tpu.memref_squeeze %dma_start3A_99 : memref<1x128xi32, #tpu.memory_space<vmem>> -> memref<128xi32, #tpu.memory_space<vmem>>
      %dma_start3A_101 = tpu.memref_slice %arg4[%add3A_10] : memref<327680xi32, #tpu.memory_space<hbm>> -> memref<128xi32, #tpu.memory_space<hbm>>
      tpu.enqueue_dma source(%dma_start3A_101 : memref<128xi32, #tpu.memory_space<hbm>>) target(%dma_start3A_100 : memref<128xi32, #tpu.memory_space<vmem>>) target_semaphore(%run_scoped3A_93 : memref<!tpu.dma_semaphore, #tpu.memory_space<semaphore_mem>>)
      %dma_wait3A_102 = arith.constant 0 : i32
      %dma_wait3A_103 = tpu.memref_slice %arg9[%run_scoped3A_11, %dma_wait3A_102] : memref<2x128xi32, #tpu.memory_space<vmem>> -> memref<1x128xi32, #tpu.memory_space<vmem>>
      %dma_wait3A_104 = tpu.memref_squeeze %dma_wait3A_103 : memref<1x128xi32, #tpu.memory_space<vmem>> -> memref<128xi32, #tpu.memory_space<vmem>>
      %dma_wait3A_105 = tpu.memref_slice %arg4[%add3A_10] : memref<327680xi32, #tpu.memory_space<hbm>> -> memref<128xi32, #tpu.memory_space<hbm>>
      %dma_wait3A_106 = arith.constant 0 : i32
      %dma_wait3A_107 = tpu.memref_slice %arg9[%run_scoped3A_11, %dma_wait3A_106] : memref<2x128xi32, #tpu.memory_space<vmem>> -> memref<1x128xi32, #tpu.memory_space<vmem>>
      %dma_wait3A_108 = tpu.memref_squeeze %dma_wait3A_107 : memref<1x128xi32, #tpu.memory_space<vmem>> -> memref<128xi32, #tpu.memory_space<vmem>>
      %dma_wait3A_109 = tpu.memref_slice %arg4[%add3A_10] : memref<327680xi32, #tpu.memory_space<hbm>> -> memref<128xi32, #tpu.memory_space<hbm>>
      tpu.wait_dma2 semaphore(%run_scoped3A_93 : memref<!tpu.dma_semaphore, #tpu.memory_space<semaphore_mem>>) src(%dma_wait3A_109 : memref<128xi32, #tpu.memory_space<hbm>>) dst(%dma_wait3A_108 : memref<128xi32, #tpu.memory_space<vmem>>)
      tpu.yield
    }) : () -> ()
    %dma_start3A = arith.constant 0 : i32
    %dma_start3A_12 = arith.constant 0 : i32
    %dma_start3A_13 = arith.constant 0 : i32
    %dma_start3A_14 = arith.constant 0 : i32
    %dma_start3A_15 = arith.constant 0 : i32
    %dma_start3A_16 = tpu.memref_slice %arg10[%dma_start3A_12, %dma_start3A_14, %dma_start3A_15] : memref<2x128x128xf32, #tpu.memory_space<vmem>> -> memref<1x128x128xf32, #tpu.memory_space<vmem>>
    %dma_start3A_17 = tpu.memref_squeeze %dma_start3A_16 : memref<1x128x128xf32, #tpu.memory_space<vmem>> -> memref<128x128xf32, #tpu.memory_space<vmem>>
    %dma_start3A_18 = arith.constant 0 : i32
    %dma_start3A_19 = tpu.memref_slice %arg8[%dma_start3A, %dma_start3A_18] : memref<2x128xi32, #tpu.memory_space<vmem>> -> memref<1x128xi32, #tpu.memory_space<vmem>>
    %dma_start3A_20 = tpu.memref_squeeze %dma_start3A_19 : memref<1x128xi32, #tpu.memory_space<vmem>> -> memref<128xi32, #tpu.memory_space<vmem>>
    %dma_start3A_21 = arith.constant 0 : i32
    %dma_start3A_22 = arith.constant 0 : i32
    %dma_start3A_23 = tpu.memref_slice %arg2[%dma_start3A_21, %dma_start3A_22] : memref<10000x128xf32, #tpu.memory_space<hbm>> -> memref<10000x128xf32, #tpu.memory_space<hbm>>
    %dma_start3A_24 = tpu.memref_slice %arg11[%dma_start3A_13] : memref<2x!tpu.dma_semaphore, #tpu.memory_space<semaphore_mem>> -> memref<1x!tpu.dma_semaphore, #tpu.memory_space<semaphore_mem>>
    %dma_start3A_25 = tpu.memref_squeeze %dma_start3A_24 : memref<1x!tpu.dma_semaphore, #tpu.memory_space<semaphore_mem>> -> memref<!tpu.dma_semaphore, #tpu.memory_space<semaphore_mem>>
    tpu.enqueue_indirect_dma source(%dma_start3A_23 : memref<10000x128xf32, #tpu.memory_space<hbm>>) target(%dma_start3A_17 : memref<128x128xf32, #tpu.memory_space<vmem>>) offsets(%dma_start3A_20 : memref<128xi32, #tpu.memory_space<vmem>>) semaphore(%dma_start3A_25 : memref<!tpu.dma_semaphore, #tpu.memory_space<semaphore_mem>>)
    %add3A_26 = arith.constant 128 : i32
    %add3A_27 = arith.addi %mul3A_8, %add3A_26 : i32
    %run_scoped3A_28 = arith.constant 1 : i32
    "tpu.region"() ({
      %run_scoped3A_93 = tpu.sem_alloc : memref<!tpu.dma_semaphore, #tpu.memory_space<semaphore_mem>>
      %dma_start3A_94 = arith.constant 0 : i32
      %dma_start3A_95 = tpu.memref_slice %arg8[%run_scoped3A_28, %dma_start3A_94] : memref<2x128xi32, #tpu.memory_space<vmem>> -> memref<1x128xi32, #tpu.memory_space<vmem>>
      %dma_start3A_96 = tpu.memref_squeeze %dma_start3A_95 : memref<1x128xi32, #tpu.memory_space<vmem>> -> memref<128xi32, #tpu.memory_space<vmem>>
      %dma_start3A_97 = tpu.memref_slice %arg3[%add3A_27] : memref<327680xi32, #tpu.memory_space<hbm>> -> memref<128xi32, #tpu.memory_space<hbm>>
      %dma_start3A_98 = arith.constant 0 : i32
      %dma_start3A_99 = tpu.memref_slice %arg8[%run_scoped3A_28, %dma_start3A_98] : memref<2x128xi32, #tpu.memory_space<vmem>> -> memref<1x128xi32, #tpu.memory_space<vmem>>
      %dma_start3A_100 = tpu.memref_squeeze %dma_start3A_99 : memref<1x128xi32, #tpu.memory_space<vmem>> -> memref<128xi32, #tpu.memory_space<vmem>>
      %dma_start3A_101 = tpu.memref_slice %arg3[%add3A_27] : memref<327680xi32, #tpu.memory_space<hbm>> -> memref<128xi32, #tpu.memory_space<hbm>>
      tpu.enqueue_dma source(%dma_start3A_101 : memref<128xi32, #tpu.memory_space<hbm>>) target(%dma_start3A_100 : memref<128xi32, #tpu.memory_space<vmem>>) target_semaphore(%run_scoped3A_93 : memref<!tpu.dma_semaphore, #tpu.memory_space<semaphore_mem>>)
      %dma_wait3A_102 = arith.constant 0 : i32
      %dma_wait3A_103 = tpu.memref_slice %arg8[%run_scoped3A_28, %dma_wait3A_102] : memref<2x128xi32, #tpu.memory_space<vmem>> -> memref<1x128xi32, #tpu.memory_space<vmem>>
      %dma_wait3A_104 = tpu.memref_squeeze %dma_wait3A_103 : memref<1x128xi32, #tpu.memory_space<vmem>> -> memref<128xi32, #tpu.memory_space<vmem>>
      %dma_wait3A_105 = tpu.memref_slice %arg3[%add3A_27] : memref<327680xi32, #tpu.memory_space<hbm>> -> memref<128xi32, #tpu.memory_space<hbm>>
      %dma_wait3A_106 = arith.constant 0 : i32
      %dma_wait3A_107 = tpu.memref_slice %arg8[%run_scoped3A_28, %dma_wait3A_106] : memref<2x128xi32, #tpu.memory_space<vmem>> -> memref<1x128xi32, #tpu.memory_space<vmem>>
      %dma_wait3A_108 = tpu.memref_squeeze %dma_wait3A_107 : memref<1x128xi32, #tpu.memory_space<vmem>> -> memref<128xi32, #tpu.memory_space<vmem>>
      %dma_wait3A_109 = tpu.memref_slice %arg3[%add3A_27] : memref<327680xi32, #tpu.memory_space<hbm>> -> memref<128xi32, #tpu.memory_space<hbm>>
      tpu.wait_dma2 semaphore(%run_scoped3A_93 : memref<!tpu.dma_semaphore, #tpu.memory_space<semaphore_mem>>) src(%dma_wait3A_109 : memref<128xi32, #tpu.memory_space<hbm>>) dst(%dma_wait3A_108 : memref<128xi32, #tpu.memory_space<vmem>>)
      tpu.yield
    }) : () -> ()
    %run_scoped3A_29 = arith.constant 1 : i32
    "tpu.region"() ({
      %run_scoped3A_93 = tpu.sem_alloc : memref<!tpu.dma_semaphore, #tpu.memory_space<semaphore_mem>>
      %dma_start3A_94 = arith.constant 0 : i32
      %dma_start3A_95 = tpu.memref_slice %arg9[%run_scoped3A_29, %dma_start3A_94] : memref<2x128xi32, #tpu.memory_space<vmem>> -> memref<1x128xi32, #tpu.memory_space<vmem>>
      %dma_start3A_96 = tpu.memref_squeeze %dma_start3A_95 : memref<1x128xi32, #tpu.memory_space<vmem>> -> memref<128xi32, #tpu.memory_space<vmem>>
      %dma_start3A_97 = tpu.memref_slice %arg4[%add3A_27] : memref<327680xi32, #tpu.memory_space<hbm>> -> memref<128xi32, #tpu.memory_space<hbm>>
      %dma_start3A_98 = arith.constant 0 : i32
      %dma_start3A_99 = tpu.memref_slice %arg9[%run_scoped3A_29, %dma_start3A_98] : memref<2x128xi32, #tpu.memory_space<vmem>> -> memref<1x128xi32, #tpu.memory_space<vmem>>
      %dma_start3A_100 = tpu.memref_squeeze %dma_start3A_99 : memref<1x128xi32, #tpu.memory_space<vmem>> -> memref<128xi32, #tpu.memory_space<vmem>>
      %dma_start3A_101 = tpu.memref_slice %arg4[%add3A_27] : memref<327680xi32, #tpu.memory_space<hbm>> -> memref<128xi32, #tpu.memory_space<hbm>>
      tpu.enqueue_dma source(%dma_start3A_101 : memref<128xi32, #tpu.memory_space<hbm>>) target(%dma_start3A_100 : memref<128xi32, #tpu.memory_space<vmem>>) target_semaphore(%run_scoped3A_93 : memref<!tpu.dma_semaphore, #tpu.memory_space<semaphore_mem>>)
      %dma_wait3A_102 = arith.constant 0 : i32
      %dma_wait3A_103 = tpu.memref_slice %arg9[%run_scoped3A_29, %dma_wait3A_102] : memref<2x128xi32, #tpu.memory_space<vmem>> -> memref<1x128xi32, #tpu.memory_space<vmem>>
      %dma_wait3A_104 = tpu.memref_squeeze %dma_wait3A_103 : memref<1x128xi32, #tpu.memory_space<vmem>> -> memref<128xi32, #tpu.memory_space<vmem>>
      %dma_wait3A_105 = tpu.memref_slice %arg4[%add3A_27] : memref<327680xi32, #tpu.memory_space<hbm>> -> memref<128xi32, #tpu.memory_space<hbm>>
      %dma_wait3A_106 = arith.constant 0 : i32
      %dma_wait3A_107 = tpu.memref_slice %arg9[%run_scoped3A_29, %dma_wait3A_106] : memref<2x128xi32, #tpu.memory_space<vmem>> -> memref<1x128xi32, #tpu.memory_space<vmem>>
      %dma_wait3A_108 = tpu.memref_squeeze %dma_wait3A_107 : memref<1x128xi32, #tpu.memory_space<vmem>> -> memref<128xi32, #tpu.memory_space<vmem>>
      %dma_wait3A_109 = tpu.memref_slice %arg4[%add3A_27] : memref<327680xi32, #tpu.memory_space<hbm>> -> memref<128xi32, #tpu.memory_space<hbm>>
      tpu.wait_dma2 semaphore(%run_scoped3A_93 : memref<!tpu.dma_semaphore, #tpu.memory_space<semaphore_mem>>) src(%dma_wait3A_109 : memref<128xi32, #tpu.memory_space<hbm>>) dst(%dma_wait3A_108 : memref<128xi32, #tpu.memory_space<vmem>>)
      tpu.yield
    }) : () -> ()
    %dma_start3A_30 = arith.constant 1 : i32
    %dma_start3A_31 = arith.constant 1 : i32
    %dma_start3A_32 = arith.constant 1 : i32
    %dma_start3A_33 = arith.constant 0 : i32
    %dma_start3A_34 = arith.constant 0 : i32
    %dma_start3A_35 = tpu.memref_slice %arg10[%dma_start3A_31, %dma_start3A_33, %dma_start3A_34] : memref<2x128x128xf32, #tpu.memory_space<vmem>> -> memref<1x128x128xf32, #tpu.memory_space<vmem>>
    %dma_start3A_36 = tpu.memref_squeeze %dma_start3A_35 : memref<1x128x128xf32, #tpu.memory_space<vmem>> -> memref<128x128xf32, #tpu.memory_space<vmem>>
    %dma_start3A_37 = arith.constant 0 : i32
    %dma_start3A_38 = tpu.memref_slice %arg8[%dma_start3A_30, %dma_start3A_37] : memref<2x128xi32, #tpu.memory_space<vmem>> -> memref<1x128xi32, #tpu.memory_space<vmem>>
    %dma_start3A_39 = tpu.memref_squeeze %dma_start3A_38 : memref<1x128xi32, #tpu.memory_space<vmem>> -> memref<128xi32, #tpu.memory_space<vmem>>
    %dma_start3A_40 = arith.constant 0 : i32
    %dma_start3A_41 = arith.constant 0 : i32
    %dma_start3A_42 = tpu.memref_slice %arg2[%dma_start3A_40, %dma_start3A_41] : memref<10000x128xf32, #tpu.memory_space<hbm>> -> memref<10000x128xf32, #tpu.memory_space<hbm>>
    %dma_start3A_43 = tpu.memref_slice %arg11[%dma_start3A_32] : memref<2x!tpu.dma_semaphore, #tpu.memory_space<semaphore_mem>> -> memref<1x!tpu.dma_semaphore, #tpu.memory_space<semaphore_mem>>
    %dma_start3A_44 = tpu.memref_squeeze %dma_start3A_43 : memref<1x!tpu.dma_semaphore, #tpu.memory_space<semaphore_mem>> -> memref<!tpu.dma_semaphore, #tpu.memory_space<semaphore_mem>>
    tpu.enqueue_indirect_dma source(%dma_start3A_42 : memref<10000x128xf32, #tpu.memory_space<hbm>>) target(%dma_start3A_36 : memref<128x128xf32, #tpu.memory_space<vmem>>) offsets(%dma_start3A_39 : memref<128xi32, #tpu.memory_space<vmem>>) semaphore(%dma_start3A_44 : memref<!tpu.dma_semaphore, #tpu.memory_space<semaphore_mem>>)
    %scan3A = arith.constant 0 : i32
    %scan3A_45 = arith.constant 0 : i32
    %scan3A_46 = arith.constant 39 : i32
    %scan3A_47 = arith.addi %scan3A_45, %scan3A_46 : i32
    %scan3A_48 = arith.constant 1 : i32
    scf.for %scan3A_93 = %scan3A_45 to %scan3A_47 step %scan3A_48  : i32 {
      %dma_wait3A_94 = arith.constant 0 : i32
      %dma_wait3A_95 = arith.constant 0 : i32
      %dma_wait3A_96 = arith.constant 0 : i32
      %dma_wait3A_97 = arith.constant 0 : i32
      %dma_wait3A_98 = arith.constant 0 : i32
      %dma_wait3A_99 = tpu.memref_slice %arg10[%dma_wait3A_95, %dma_wait3A_97, %dma_wait3A_98] : memref<2x128x128xf32, #tpu.memory_space<vmem>> -> memref<1x128x128xf32, #tpu.memory_space<vmem>>
      %dma_wait3A_100 = tpu.memref_squeeze %dma_wait3A_99 : memref<1x128x128xf32, #tpu.memory_space<vmem>> -> memref<128x128xf32, #tpu.memory_space<vmem>>
      %dma_wait3A_101 = arith.constant 0 : i32
      %dma_wait3A_102 = tpu.memref_slice %arg8[%dma_wait3A_94, %dma_wait3A_101] : memref<2x128xi32, #tpu.memory_space<vmem>> -> memref<1x128xi32, #tpu.memory_space<vmem>>
      %dma_wait3A_103 = tpu.memref_squeeze %dma_wait3A_102 : memref<1x128xi32, #tpu.memory_space<vmem>> -> memref<128xi32, #tpu.memory_space<vmem>>
      %dma_wait3A_104 = arith.constant 0 : i32
      %dma_wait3A_105 = arith.constant 0 : i32
      %dma_wait3A_106 = tpu.memref_slice %arg2[%dma_wait3A_104, %dma_wait3A_105] : memref<10000x128xf32, #tpu.memory_space<hbm>> -> memref<10000x128xf32, #tpu.memory_space<hbm>>
      %dma_wait3A_107 = tpu.memref_slice %arg11[%dma_wait3A_96] : memref<2x!tpu.dma_semaphore, #tpu.memory_space<semaphore_mem>> -> memref<1x!tpu.dma_semaphore, #tpu.memory_space<semaphore_mem>>
      %dma_wait3A_108 = tpu.memref_squeeze %dma_wait3A_107 : memref<1x!tpu.dma_semaphore, #tpu.memory_space<semaphore_mem>> -> memref<!tpu.dma_semaphore, #tpu.memory_space<semaphore_mem>>
      tpu.wait_indirect_dma semaphore(%dma_wait3A_108 : memref<!tpu.dma_semaphore, #tpu.memory_space<semaphore_mem>>) src(%dma_wait3A_106 : memref<10000x128xf32, #tpu.memory_space<hbm>>) dst(%dma_wait3A_100 : memref<128x128xf32, #tpu.memory_space<vmem>>)
      %run_scoped3A_109 = arith.constant 0 : i32
      %run_scoped3A_110 = arith.constant 0 : i32
      "tpu.region"() ({
        %run_scoped3A_180 = tpu.sem_alloc : memref<!tpu.dma_semaphore, #tpu.memory_space<semaphore_mem>>
        %dma_start3A_181 = arith.constant 0 : i32
        %dma_start3A_182 = arith.constant 0 : i32
        %dma_start3A_183 = tpu.memref_slice %arg10[%run_scoped3A_109, %dma_start3A_181, %dma_start3A_182] : memref<2x128x128xf32, #tpu.memory_space<vmem>> -> memref<1x128x128xf32, #tpu.memory_space<vmem>>
        %dma_start3A_184 = tpu.memref_squeeze %dma_start3A_183 : memref<1x128x128xf32, #tpu.memory_space<vmem>> -> memref<128x128xf32, #tpu.memory_space<vmem>>
        %dma_start3A_185 = arith.constant 0 : i32
        %dma_start3A_186 = tpu.memref_slice %arg9[%run_scoped3A_110, %dma_start3A_185] : memref<2x128xi32, #tpu.memory_space<vmem>> -> memref<1x128xi32, #tpu.memory_space<vmem>>
        %dma_start3A_187 = tpu.memref_squeeze %dma_start3A_186 : memref<1x128xi32, #tpu.memory_space<vmem>> -> memref<128xi32, #tpu.memory_space<vmem>>
        %dma_start3A_188 = arith.constant 0 : i32
        %dma_start3A_189 = arith.constant 0 : i32
        %dma_start3A_190 = tpu.memref_slice %arg7[%dma_start3A_188, %dma_start3A_189] : memref<10008x128xf32, #tpu.memory_space<vmem_shared>> -> memref<10008x128xf32, #tpu.memory_space<vmem_shared>>
        tpu.enqueue_indirect_dma source(%dma_start3A_184 : memref<128x128xf32, #tpu.memory_space<vmem>>) target(%dma_start3A_190 : memref<10008x128xf32, #tpu.memory_space<vmem_shared>>) offsets(%dma_start3A_187 : memref<128xi32, #tpu.memory_space<vmem>>) semaphore(%run_scoped3A_180 : memref<!tpu.dma_semaphore, #tpu.memory_space<semaphore_mem>>) {add = true}
        %dma_wait3A_191 = arith.constant 0 : i32
        %dma_wait3A_192 = arith.constant 0 : i32
        %dma_wait3A_193 = tpu.memref_slice %arg10[%run_scoped3A_109, %dma_wait3A_191, %dma_wait3A_192] : memref<2x128x128xf32, #tpu.memory_space<vmem>> -> memref<1x128x128xf32, #tpu.memory_space<vmem>>
        %dma_wait3A_194 = tpu.memref_squeeze %dma_wait3A_193 : memref<1x128x128xf32, #tpu.memory_space<vmem>> -> memref<128x128xf32, #tpu.memory_space<vmem>>
        %dma_wait3A_195 = arith.constant 0 : i32
        %dma_wait3A_196 = tpu.memref_slice %arg9[%run_scoped3A_110, %dma_wait3A_195] : memref<2x128xi32, #tpu.memory_space<vmem>> -> memref<1x128xi32, #tpu.memory_space<vmem>>
        %dma_wait3A_197 = tpu.memref_squeeze %dma_wait3A_196 : memref<1x128xi32, #tpu.memory_space<vmem>> -> memref<128xi32, #tpu.memory_space<vmem>>
        %dma_wait3A_198 = arith.constant 0 : i32
        %dma_wait3A_199 = arith.constant 0 : i32
        %dma_wait3A_200 = tpu.memref_slice %arg7[%dma_wait3A_198, %dma_wait3A_199] : memref<10008x128xf32, #tpu.memory_space<vmem_shared>> -> memref<10008x128xf32, #tpu.memory_space<vmem_shared>>
        tpu.wait_indirect_dma semaphore(%run_scoped3A_180 : memref<!tpu.dma_semaphore, #tpu.memory_space<semaphore_mem>>) src(%dma_wait3A_194 : memref<128x128xf32, #tpu.memory_space<vmem>>) dst(%dma_wait3A_200 : memref<10008x128xf32, #tpu.memory_space<vmem_shared>>)
        tpu.yield
      }) : () -> ()
      %mul3A_111 = arith.constant 2 : i32
      %mul3A_112 = arith.muli %mul3A_111, %scan3A_93 : i32
      %add3A_113 = arith.constant 0 : i32
      %add3A_114 = arith.addi %mul3A_112, %add3A_113 : i32
      %add3A_115 = arith.constant 2 : i32
      %add3A_116 = arith.addi %add3A_114, %add3A_115 : i32
      %mul3A_117 = arith.constant 128 : i32
      %mul3A_118 = arith.muli %add3A_116, %mul3A_117 : i32
      %add3A_119 = arith.addi %mul3A_8, %mul3A_118 : i32
      %run_scoped3A_120 = arith.constant 0 : i32
      "tpu.region"() ({
        %run_scoped3A_180 = tpu.sem_alloc : memref<!tpu.dma_semaphore, #tpu.memory_space<semaphore_mem>>
        %dma_start3A_181 = arith.constant 0 : i32
        %dma_start3A_182 = tpu.memref_slice %arg8[%run_scoped3A_120, %dma_start3A_181] : memref<2x128xi32, #tpu.memory_space<vmem>> -> memref<1x128xi32, #tpu.memory_space<vmem>>
        %dma_start3A_183 = tpu.memref_squeeze %dma_start3A_182 : memref<1x128xi32, #tpu.memory_space<vmem>> -> memref<128xi32, #tpu.memory_space<vmem>>
        %dma_start3A_184 = tpu.memref_slice %arg3[%add3A_119] : memref<327680xi32, #tpu.memory_space<hbm>> -> memref<128xi32, #tpu.memory_space<hbm>>
        %dma_start3A_185 = arith.constant 0 : i32
        %dma_start3A_186 = tpu.memref_slice %arg8[%run_scoped3A_120, %dma_start3A_185] : memref<2x128xi32, #tpu.memory_space<vmem>> -> memref<1x128xi32, #tpu.memory_space<vmem>>
        %dma_start3A_187 = tpu.memref_squeeze %dma_start3A_186 : memref<1x128xi32, #tpu.memory_space<vmem>> -> memref<128xi32, #tpu.memory_space<vmem>>
        %dma_start3A_188 = tpu.memref_slice %arg3[%add3A_119] : memref<327680xi32, #tpu.memory_space<hbm>> -> memref<128xi32, #tpu.memory_space<hbm>>
        tpu.enqueue_dma source(%dma_start3A_188 : memref<128xi32, #tpu.memory_space<hbm>>) target(%dma_start3A_187 : memref<128xi32, #tpu.memory_space<vmem>>) target_semaphore(%run_scoped3A_180 : memref<!tpu.dma_semaphore, #tpu.memory_space<semaphore_mem>>)
        %dma_wait3A_189 = arith.constant 0 : i32
        %dma_wait3A_190 = tpu.memref_slice %arg8[%run_scoped3A_120, %dma_wait3A_189] : memref<2x128xi32, #tpu.memory_space<vmem>> -> memref<1x128xi32, #tpu.memory_space<vmem>>
        %dma_wait3A_191 = tpu.memref_squeeze %dma_wait3A_190 : memref<1x128xi32, #tpu.memory_space<vmem>> -> memref<128xi32, #tpu.memory_space<vmem>>
        %dma_wait3A_192 = tpu.memref_slice %arg3[%add3A_119] : memref<327680xi32, #tpu.memory_space<hbm>> -> memref<128xi32, #tpu.memory_space<hbm>>
        %dma_wait3A_193 = arith.constant 0 : i32
        %dma_wait3A_194 = tpu.memref_slice %arg8[%run_scoped3A_120, %dma_wait3A_193] : memref<2x128xi32, #tpu.memory_space<vmem>> -> memref<1x128xi32, #tpu.memory_space<vmem>>
        %dma_wait3A_195 = tpu.memref_squeeze %dma_wait3A_194 : memref<1x128xi32, #tpu.memory_space<vmem>> -> memref<128xi32, #tpu.memory_space<vmem>>
        %dma_wait3A_196 = tpu.memref_slice %arg3[%add3A_119] : memref<327680xi32, #tpu.memory_space<hbm>> -> memref<128xi32, #tpu.memory_space<hbm>>
        tpu.wait_dma2 semaphore(%run_scoped3A_180 : memref<!tpu.dma_semaphore, #tpu.memory_space<semaphore_mem>>) src(%dma_wait3A_196 : memref<128xi32, #tpu.memory_space<hbm>>) dst(%dma_wait3A_195 : memref<128xi32, #tpu.memory_space<vmem>>)
        tpu.yield
      }) : () -> ()
      %run_scoped3A_121 = arith.constant 0 : i32
      "tpu.region"() ({
        %run_scoped3A_180 = tpu.sem_alloc : memref<!tpu.dma_semaphore, #tpu.memory_space<semaphore_mem>>
        %dma_start3A_181 = arith.constant 0 : i32
        %dma_start3A_182 = tpu.memref_slice %arg9[%run_scoped3A_121, %dma_start3A_181] : memref<2x128xi32, #tpu.memory_space<vmem>> -> memref<1x128xi32, #tpu.memory_space<vmem>>
        %dma_start3A_183 = tpu.memref_squeeze %dma_start3A_182 : memref<1x128xi32, #tpu.memory_space<vmem>> -> memref<128xi32, #tpu.memory_space<vmem>>
        %dma_start3A_184 = tpu.memref_slice %arg4[%add3A_119] : memref<327680xi32, #tpu.memory_space<hbm>> -> memref<128xi32, #tpu.memory_space<hbm>>
        %dma_start3A_185 = arith.constant 0 : i32
        %dma_start3A_186 = tpu.memref_slice %arg9[%run_scoped3A_121, %dma_start3A_185] : memref<2x128xi32, #tpu.memory_space<vmem>> -> memref<1x128xi32, #tpu.memory_space<vmem>>
        %dma_start3A_187 = tpu.memref_squeeze %dma_start3A_186 : memref<1x128xi32, #tpu.memory_space<vmem>> -> memref<128xi32, #tpu.memory_space<vmem>>
        %dma_start3A_188 = tpu.memref_slice %arg4[%add3A_119] : memref<327680xi32, #tpu.memory_space<hbm>> -> memref<128xi32, #tpu.memory_space<hbm>>
        tpu.enqueue_dma source(%dma_start3A_188 : memref<128xi32, #tpu.memory_space<hbm>>) target(%dma_start3A_187 : memref<128xi32, #tpu.memory_space<vmem>>) target_semaphore(%run_scoped3A_180 : memref<!tpu.dma_semaphore, #tpu.memory_space<semaphore_mem>>)
        %dma_wait3A_189 = arith.constant 0 : i32
        %dma_wait3A_190 = tpu.memref_slice %arg9[%run_scoped3A_121, %dma_wait3A_189] : memref<2x128xi32, #tpu.memory_space<vmem>> -> memref<1x128xi32, #tpu.memory_space<vmem>>
        %dma_wait3A_191 = tpu.memref_squeeze %dma_wait3A_190 : memref<1x128xi32, #tpu.memory_space<vmem>> -> memref<128xi32, #tpu.memory_space<vmem>>
        %dma_wait3A_192 = tpu.memref_slice %arg4[%add3A_119] : memref<327680xi32, #tpu.memory_space<hbm>> -> memref<128xi32, #tpu.memory_space<hbm>>
        %dma_wait3A_193 = arith.constant 0 : i32
        %dma_wait3A_194 = tpu.memref_slice %arg9[%run_scoped3A_121, %dma_wait3A_193] : memref<2x128xi32, #tpu.memory_space<vmem>> -> memref<1x128xi32, #tpu.memory_space<vmem>>
        %dma_wait3A_195 = tpu.memref_squeeze %dma_wait3A_194 : memref<1x128xi32, #tpu.memory_space<vmem>> -> memref<128xi32, #tpu.memory_space<vmem>>
        %dma_wait3A_196 = tpu.memref_slice %arg4[%add3A_119] : memref<327680xi32, #tpu.memory_space<hbm>> -> memref<128xi32, #tpu.memory_space<hbm>>
        tpu.wait_dma2 semaphore(%run_scoped3A_180 : memref<!tpu.dma_semaphore, #tpu.memory_space<semaphore_mem>>) src(%dma_wait3A_196 : memref<128xi32, #tpu.memory_space<hbm>>) dst(%dma_wait3A_195 : memref<128xi32, #tpu.memory_space<vmem>>)
        tpu.yield
      }) : () -> ()
      %dma_start3A_122 = arith.constant 0 : i32
      %dma_start3A_123 = arith.constant 0 : i32
      %dma_start3A_124 = arith.constant 0 : i32
      %dma_start3A_125 = arith.constant 0 : i32
      %dma_start3A_126 = arith.constant 0 : i32
      %dma_start3A_127 = tpu.memref_slice %arg10[%dma_start3A_123, %dma_start3A_125, %dma_start3A_126] : memref<2x128x128xf32, #tpu.memory_space<vmem>> -> memref<1x128x128xf32, #tpu.memory_space<vmem>>
      %dma_start3A_128 = tpu.memref_squeeze %dma_start3A_127 : memref<1x128x128xf32, #tpu.memory_space<vmem>> -> memref<128x128xf32, #tpu.memory_space<vmem>>
      %dma_start3A_129 = arith.constant 0 : i32
      %dma_start3A_130 = tpu.memref_slice %arg8[%dma_start3A_122, %dma_start3A_129] : memref<2x128xi32, #tpu.memory_space<vmem>> -> memref<1x128xi32, #tpu.memory_space<vmem>>
      %dma_start3A_131 = tpu.memref_squeeze %dma_start3A_130 : memref<1x128xi32, #tpu.memory_space<vmem>> -> memref<128xi32, #tpu.memory_space<vmem>>
      %dma_start3A_132 = arith.constant 0 : i32
      %dma_start3A_133 = arith.constant 0 : i32
      %dma_start3A_134 = tpu.memref_slice %arg2[%dma_start3A_132, %dma_start3A_133] : memref<10000x128xf32, #tpu.memory_space<hbm>> -> memref<10000x128xf32, #tpu.memory_space<hbm>>
      %dma_start3A_135 = tpu.memref_slice %arg11[%dma_start3A_124] : memref<2x!tpu.dma_semaphore, #tpu.memory_space<semaphore_mem>> -> memref<1x!tpu.dma_semaphore, #tpu.memory_space<semaphore_mem>>
      %dma_start3A_136 = tpu.memref_squeeze %dma_start3A_135 : memref<1x!tpu.dma_semaphore, #tpu.memory_space<semaphore_mem>> -> memref<!tpu.dma_semaphore, #tpu.memory_space<semaphore_mem>>
      tpu.enqueue_indirect_dma source(%dma_start3A_134 : memref<10000x128xf32, #tpu.memory_space<hbm>>) target(%dma_start3A_128 : memref<128x128xf32, #tpu.memory_space<vmem>>) offsets(%dma_start3A_131 : memref<128xi32, #tpu.memory_space<vmem>>) semaphore(%dma_start3A_136 : memref<!tpu.dma_semaphore, #tpu.memory_space<semaphore_mem>>)
      %dma_wait3A_137 = arith.constant 1 : i32
      %dma_wait3A_138 = arith.constant 1 : i32
      %dma_wait3A_139 = arith.constant 1 : i32
      %dma_wait3A_140 = arith.constant 0 : i32
      %dma_wait3A_141 = arith.constant 0 : i32
      %dma_wait3A_142 = tpu.memref_slice %arg10[%dma_wait3A_138, %dma_wait3A_140, %dma_wait3A_141] : memref<2x128x128xf32, #tpu.memory_space<vmem>> -> memref<1x128x128xf32, #tpu.memory_space<vmem>>
      %dma_wait3A_143 = tpu.memref_squeeze %dma_wait3A_142 : memref<1x128x128xf32, #tpu.memory_space<vmem>> -> memref<128x128xf32, #tpu.memory_space<vmem>>
      %dma_wait3A_144 = arith.constant 0 : i32
      %dma_wait3A_145 = tpu.memref_slice %arg8[%dma_wait3A_137, %dma_wait3A_144] : memref<2x128xi32, #tpu.memory_space<vmem>> -> memref<1x128xi32, #tpu.memory_space<vmem>>
      %dma_wait3A_146 = tpu.memref_squeeze %dma_wait3A_145 : memref<1x128xi32, #tpu.memory_space<vmem>> -> memref<128xi32, #tpu.memory_space<vmem>>
      %dma_wait3A_147 = arith.constant 0 : i32
      %dma_wait3A_148 = arith.constant 0 : i32
      %dma_wait3A_149 = tpu.memref_slice %arg2[%dma_wait3A_147, %dma_wait3A_148] : memref<10000x128xf32, #tpu.memory_space<hbm>> -> memref<10000x128xf32, #tpu.memory_space<hbm>>
      %dma_wait3A_150 = tpu.memref_slice %arg11[%dma_wait3A_139] : memref<2x!tpu.dma_semaphore, #tpu.memory_space<semaphore_mem>> -> memref<1x!tpu.dma_semaphore, #tpu.memory_space<semaphore_mem>>
      %dma_wait3A_151 = tpu.memref_squeeze %dma_wait3A_150 : memref<1x!tpu.dma_semaphore, #tpu.memory_space<semaphore_mem>> -> memref<!tpu.dma_semaphore, #tpu.memory_space<semaphore_mem>>
      tpu.wait_indirect_dma semaphore(%dma_wait3A_151 : memref<!tpu.dma_semaphore, #tpu.memory_space<semaphore_mem>>) src(%dma_wait3A_149 : memref<10000x128xf32, #tpu.memory_space<hbm>>) dst(%dma_wait3A_143 : memref<128x128xf32, #tpu.memory_space<vmem>>)
      %run_scoped3A_152 = arith.constant 1 : i32
      %run_scoped3A_153 = arith.constant 1 : i32
      "tpu.region"() ({
        %run_scoped3A_180 = tpu.sem_alloc : memref<!tpu.dma_semaphore, #tpu.memory_space<semaphore_mem>>
        %dma_start3A_181 = arith.constant 0 : i32
        %dma_start3A_182 = arith.constant 0 : i32
        %dma_start3A_183 = tpu.memref_slice %arg10[%run_scoped3A_152, %dma_start3A_181, %dma_start3A_182] : memref<2x128x128xf32, #tpu.memory_space<vmem>> -> memref<1x128x128xf32, #tpu.memory_space<vmem>>
        %dma_start3A_184 = tpu.memref_squeeze %dma_start3A_183 : memref<1x128x128xf32, #tpu.memory_space<vmem>> -> memref<128x128xf32, #tpu.memory_space<vmem>>
        %dma_start3A_185 = arith.constant 0 : i32
        %dma_start3A_186 = tpu.memref_slice %arg9[%run_scoped3A_153, %dma_start3A_185] : memref<2x128xi32, #tpu.memory_space<vmem>> -> memref<1x128xi32, #tpu.memory_space<vmem>>
        %dma_start3A_187 = tpu.memref_squeeze %dma_start3A_186 : memref<1x128xi32, #tpu.memory_space<vmem>> -> memref<128xi32, #tpu.memory_space<vmem>>
        %dma_start3A_188 = arith.constant 0 : i32
        %dma_start3A_189 = arith.constant 0 : i32
        %dma_start3A_190 = tpu.memref_slice %arg7[%dma_start3A_188, %dma_start3A_189] : memref<10008x128xf32, #tpu.memory_space<vmem_shared>> -> memref<10008x128xf32, #tpu.memory_space<vmem_shared>>
        tpu.enqueue_indirect_dma source(%dma_start3A_184 : memref<128x128xf32, #tpu.memory_space<vmem>>) target(%dma_start3A_190 : memref<10008x128xf32, #tpu.memory_space<vmem_shared>>) offsets(%dma_start3A_187 : memref<128xi32, #tpu.memory_space<vmem>>) semaphore(%run_scoped3A_180 : memref<!tpu.dma_semaphore, #tpu.memory_space<semaphore_mem>>) {add = true}
        %dma_wait3A_191 = arith.constant 0 : i32
        %dma_wait3A_192 = arith.constant 0 : i32
        %dma_wait3A_193 = tpu.memref_slice %arg10[%run_scoped3A_152, %dma_wait3A_191, %dma_wait3A_192] : memref<2x128x128xf32, #tpu.memory_space<vmem>> -> memref<1x128x128xf32, #tpu.memory_space<vmem>>
        %dma_wait3A_194 = tpu.memref_squeeze %dma_wait3A_193 : memref<1x128x128xf32, #tpu.memory_space<vmem>> -> memref<128x128xf32, #tpu.memory_space<vmem>>
        %dma_wait3A_195 = arith.constant 0 : i32
        %dma_wait3A_196 = tpu.memref_slice %arg9[%run_scoped3A_153, %dma_wait3A_195] : memref<2x128xi32, #tpu.memory_space<vmem>> -> memref<1x128xi32, #tpu.memory_space<vmem>>
        %dma_wait3A_197 = tpu.memref_squeeze %dma_wait3A_196 : memref<1x128xi32, #tpu.memory_space<vmem>> -> memref<128xi32, #tpu.memory_space<vmem>>
        %dma_wait3A_198 = arith.constant 0 : i32
        %dma_wait3A_199 = arith.constant 0 : i32
        %dma_wait3A_200 = tpu.memref_slice %arg7[%dma_wait3A_198, %dma_wait3A_199] : memref<10008x128xf32, #tpu.memory_space<vmem_shared>> -> memref<10008x128xf32, #tpu.memory_space<vmem_shared>>
        tpu.wait_indirect_dma semaphore(%run_scoped3A_180 : memref<!tpu.dma_semaphore, #tpu.memory_space<semaphore_mem>>) src(%dma_wait3A_194 : memref<128x128xf32, #tpu.memory_space<vmem>>) dst(%dma_wait3A_200 : memref<10008x128xf32, #tpu.memory_space<vmem_shared>>)
        tpu.yield
      }) : () -> ()
      %mul3A_154 = arith.constant 2 : i32
      %mul3A_155 = arith.muli %mul3A_154, %scan3A_93 : i32
      %add3A_156 = arith.constant 1 : i32
      %add3A_157 = arith.addi %mul3A_155, %add3A_156 : i32
      %add3A_158 = arith.constant 2 : i32
      %add3A_159 = arith.addi %add3A_157, %add3A_158 : i32
      %mul3A_160 = arith.constant 128 : i32
      %mul3A_161 = arith.muli %add3A_159, %mul3A_160 : i32
      %add3A_162 = arith.addi %mul3A_8, %mul3A_161 : i32
      %run_scoped3A_163 = arith.constant 1 : i32
      "tpu.region"() ({
        %run_scoped3A_180 = tpu.sem_alloc : memref<!tpu.dma_semaphore, #tpu.memory_space<semaphore_mem>>
        %dma_start3A_181 = arith.constant 0 : i32
        %dma_start3A_182 = tpu.memref_slice %arg8[%run_scoped3A_163, %dma_start3A_181] : memref<2x128xi32, #tpu.memory_space<vmem>> -> memref<1x128xi32, #tpu.memory_space<vmem>>
        %dma_start3A_183 = tpu.memref_squeeze %dma_start3A_182 : memref<1x128xi32, #tpu.memory_space<vmem>> -> memref<128xi32, #tpu.memory_space<vmem>>
        %dma_start3A_184 = tpu.memref_slice %arg3[%add3A_162] : memref<327680xi32, #tpu.memory_space<hbm>> -> memref<128xi32, #tpu.memory_space<hbm>>
        %dma_start3A_185 = arith.constant 0 : i32
        %dma_start3A_186 = tpu.memref_slice %arg8[%run_scoped3A_163, %dma_start3A_185] : memref<2x128xi32, #tpu.memory_space<vmem>> -> memref<1x128xi32, #tpu.memory_space<vmem>>
        %dma_start3A_187 = tpu.memref_squeeze %dma_start3A_186 : memref<1x128xi32, #tpu.memory_space<vmem>> -> memref<128xi32, #tpu.memory_space<vmem>>
        %dma_start3A_188 = tpu.memref_slice %arg3[%add3A_162] : memref<327680xi32, #tpu.memory_space<hbm>> -> memref<128xi32, #tpu.memory_space<hbm>>
        tpu.enqueue_dma source(%dma_start3A_188 : memref<128xi32, #tpu.memory_space<hbm>>) target(%dma_start3A_187 : memref<128xi32, #tpu.memory_space<vmem>>) target_semaphore(%run_scoped3A_180 : memref<!tpu.dma_semaphore, #tpu.memory_space<semaphore_mem>>)
        %dma_wait3A_189 = arith.constant 0 : i32
        %dma_wait3A_190 = tpu.memref_slice %arg8[%run_scoped3A_163, %dma_wait3A_189] : memref<2x128xi32, #tpu.memory_space<vmem>> -> memref<1x128xi32, #tpu.memory_space<vmem>>
        %dma_wait3A_191 = tpu.memref_squeeze %dma_wait3A_190 : memref<1x128xi32, #tpu.memory_space<vmem>> -> memref<128xi32, #tpu.memory_space<vmem>>
        %dma_wait3A_192 = tpu.memref_slice %arg3[%add3A_162] : memref<327680xi32, #tpu.memory_space<hbm>> -> memref<128xi32, #tpu.memory_space<hbm>>
        %dma_wait3A_193 = arith.constant 0 : i32
        %dma_wait3A_194 = tpu.memref_slice %arg8[%run_scoped3A_163, %dma_wait3A_193] : memref<2x128xi32, #tpu.memory_space<vmem>> -> memref<1x128xi32, #tpu.memory_space<vmem>>
        %dma_wait3A_195 = tpu.memref_squeeze %dma_wait3A_194 : memref<1x128xi32, #tpu.memory_space<vmem>> -> memref<128xi32, #tpu.memory_space<vmem>>
        %dma_wait3A_196 = tpu.memref_slice %arg3[%add3A_162] : memref<327680xi32, #tpu.memory_space<hbm>> -> memref<128xi32, #tpu.memory_space<hbm>>
        tpu.wait_dma2 semaphore(%run_scoped3A_180 : memref<!tpu.dma_semaphore, #tpu.memory_space<semaphore_mem>>) src(%dma_wait3A_196 : memref<128xi32, #tpu.memory_space<hbm>>) dst(%dma_wait3A_195 : memref<128xi32, #tpu.memory_space<vmem>>)
        tpu.yield
      }) : () -> ()
      %run_scoped3A_164 = arith.constant 1 : i32
      "tpu.region"() ({
        %run_scoped3A_180 = tpu.sem_alloc : memref<!tpu.dma_semaphore, #tpu.memory_space<semaphore_mem>>
        %dma_start3A_181 = arith.constant 0 : i32
        %dma_start3A_182 = tpu.memref_slice %arg9[%run_scoped3A_164, %dma_start3A_181] : memref<2x128xi32, #tpu.memory_space<vmem>> -> memref<1x128xi32, #tpu.memory_space<vmem>>
        %dma_start3A_183 = tpu.memref_squeeze %dma_start3A_182 : memref<1x128xi32, #tpu.memory_space<vmem>> -> memref<128xi32, #tpu.memory_space<vmem>>
        %dma_start3A_184 = tpu.memref_slice %arg4[%add3A_162] : memref<327680xi32, #tpu.memory_space<hbm>> -> memref<128xi32, #tpu.memory_space<hbm>>
        %dma_start3A_185 = arith.constant 0 : i32
        %dma_start3A_186 = tpu.memref_slice %arg9[%run_scoped3A_164, %dma_start3A_185] : memref<2x128xi32, #tpu.memory_space<vmem>> -> memref<1x128xi32, #tpu.memory_space<vmem>>
        %dma_start3A_187 = tpu.memref_squeeze %dma_start3A_186 : memref<1x128xi32, #tpu.memory_space<vmem>> -> memref<128xi32, #tpu.memory_space<vmem>>
        %dma_start3A_188 = tpu.memref_slice %arg4[%add3A_162] : memref<327680xi32, #tpu.memory_space<hbm>> -> memref<128xi32, #tpu.memory_space<hbm>>
        tpu.enqueue_dma source(%dma_start3A_188 : memref<128xi32, #tpu.memory_space<hbm>>) target(%dma_start3A_187 : memref<128xi32, #tpu.memory_space<vmem>>) target_semaphore(%run_scoped3A_180 : memref<!tpu.dma_semaphore, #tpu.memory_space<semaphore_mem>>)
        %dma_wait3A_189 = arith.constant 0 : i32
        %dma_wait3A_190 = tpu.memref_slice %arg9[%run_scoped3A_164, %dma_wait3A_189] : memref<2x128xi32, #tpu.memory_space<vmem>> -> memref<1x128xi32, #tpu.memory_space<vmem>>
        %dma_wait3A_191 = tpu.memref_squeeze %dma_wait3A_190 : memref<1x128xi32, #tpu.memory_space<vmem>> -> memref<128xi32, #tpu.memory_space<vmem>>
        %dma_wait3A_192 = tpu.memref_slice %arg4[%add3A_162] : memref<327680xi32, #tpu.memory_space<hbm>> -> memref<128xi32, #tpu.memory_space<hbm>>
        %dma_wait3A_193 = arith.constant 0 : i32
        %dma_wait3A_194 = tpu.memref_slice %arg9[%run_scoped3A_164, %dma_wait3A_193] : memref<2x128xi32, #tpu.memory_space<vmem>> -> memref<1x128xi32, #tpu.memory_space<vmem>>
        %dma_wait3A_195 = tpu.memref_squeeze %dma_wait3A_194 : memref<1x128xi32, #tpu.memory_space<vmem>> -> memref<128xi32, #tpu.memory_space<vmem>>
        %dma_wait3A_196 = tpu.memref_slice %arg4[%add3A_162] : memref<327680xi32, #tpu.memory_space<hbm>> -> memref<128xi32, #tpu.memory_space<hbm>>
        tpu.wait_dma2 semaphore(%run_scoped3A_180 : memref<!tpu.dma_semaphore, #tpu.memory_space<semaphore_mem>>) src(%dma_wait3A_196 : memref<128xi32, #tpu.memory_space<hbm>>) dst(%dma_wait3A_195 : memref<128xi32, #tpu.memory_space<vmem>>)
        tpu.yield
      }) : () -> ()
      %dma_start3A_165 = arith.constant 1 : i32
      %dma_start3A_166 = arith.constant 1 : i32
      %dma_start3A_167 = arith.constant 1 : i32
      %dma_start3A_168 = arith.constant 0 : i32
      %dma_start3A_169 = arith.constant 0 : i32
      %dma_start3A_170 = tpu.memref_slice %arg10[%dma_start3A_166, %dma_start3A_168, %dma_start3A_169] : memref<2x128x128xf32, #tpu.memory_space<vmem>> -> memref<1x128x128xf32, #tpu.memory_space<vmem>>
      %dma_start3A_171 = tpu.memref_squeeze %dma_start3A_170 : memref<1x128x128xf32, #tpu.memory_space<vmem>> -> memref<128x128xf32, #tpu.memory_space<vmem>>
      %dma_start3A_172 = arith.constant 0 : i32
      %dma_start3A_173 = tpu.memref_slice %arg8[%dma_start3A_165, %dma_start3A_172] : memref<2x128xi32, #tpu.memory_space<vmem>> -> memref<1x128xi32, #tpu.memory_space<vmem>>
      %dma_start3A_174 = tpu.memref_squeeze %dma_start3A_173 : memref<1x128xi32, #tpu.memory_space<vmem>> -> memref<128xi32, #tpu.memory_space<vmem>>
      %dma_start3A_175 = arith.constant 0 : i32
      %dma_start3A_176 = arith.constant 0 : i32
      %dma_start3A_177 = tpu.memref_slice %arg2[%dma_start3A_175, %dma_start3A_176] : memref<10000x128xf32, #tpu.memory_space<hbm>> -> memref<10000x128xf32, #tpu.memory_space<hbm>>
      %dma_start3A_178 = tpu.memref_slice %arg11[%dma_start3A_167] : memref<2x!tpu.dma_semaphore, #tpu.memory_space<semaphore_mem>> -> memref<1x!tpu.dma_semaphore, #tpu.memory_space<semaphore_mem>>
      %dma_start3A_179 = tpu.memref_squeeze %dma_start3A_178 : memref<1x!tpu.dma_semaphore, #tpu.memory_space<semaphore_mem>> -> memref<!tpu.dma_semaphore, #tpu.memory_space<semaphore_mem>>
      tpu.enqueue_indirect_dma source(%dma_start3A_177 : memref<10000x128xf32, #tpu.memory_space<hbm>>) target(%dma_start3A_171 : memref<128x128xf32, #tpu.memory_space<vmem>>) offsets(%dma_start3A_174 : memref<128xi32, #tpu.memory_space<vmem>>) semaphore(%dma_start3A_179 : memref<!tpu.dma_semaphore, #tpu.memory_space<semaphore_mem>>)
    }
    %scan3A_49 = arith.constant 39 : i32
    %dma_wait3A = arith.constant 0 : i32
    %dma_wait3A_50 = arith.constant 0 : i32
    %dma_wait3A_51 = arith.constant 0 : i32
    %dma_wait3A_52 = arith.constant 0 : i32
    %dma_wait3A_53 = arith.constant 0 : i32
    %dma_wait3A_54 = tpu.memref_slice %arg10[%dma_wait3A_50, %dma_wait3A_52, %dma_wait3A_53] : memref<2x128x128xf32, #tpu.memory_space<vmem>> -> memref<1x128x128xf32, #tpu.memory_space<vmem>>
    %dma_wait3A_55 = tpu.memref_squeeze %dma_wait3A_54 : memref<1x128x128xf32, #tpu.memory_space<vmem>> -> memref<128x128xf32, #tpu.memory_space<vmem>>
    %dma_wait3A_56 = arith.constant 0 : i32
    %dma_wait3A_57 = tpu.memref_slice %arg8[%dma_wait3A, %dma_wait3A_56] : memref<2x128xi32, #tpu.memory_space<vmem>> -> memref<1x128xi32, #tpu.memory_space<vmem>>
    %dma_wait3A_58 = tpu.memref_squeeze %dma_wait3A_57 : memref<1x128xi32, #tpu.memory_space<vmem>> -> memref<128xi32, #tpu.memory_space<vmem>>
    %dma_wait3A_59 = arith.constant 0 : i32
    %dma_wait3A_60 = arith.constant 0 : i32
    %dma_wait3A_61 = tpu.memref_slice %arg2[%dma_wait3A_59, %dma_wait3A_60] : memref<10000x128xf32, #tpu.memory_space<hbm>> -> memref<10000x128xf32, #tpu.memory_space<hbm>>
    %dma_wait3A_62 = tpu.memref_slice %arg11[%dma_wait3A_51] : memref<2x!tpu.dma_semaphore, #tpu.memory_space<semaphore_mem>> -> memref<1x!tpu.dma_semaphore, #tpu.memory_space<semaphore_mem>>
    %dma_wait3A_63 = tpu.memref_squeeze %dma_wait3A_62 : memref<1x!tpu.dma_semaphore, #tpu.memory_space<semaphore_mem>> -> memref<!tpu.dma_semaphore, #tpu.memory_space<semaphore_mem>>
    tpu.wait_indirect_dma semaphore(%dma_wait3A_63 : memref<!tpu.dma_semaphore, #tpu.memory_space<semaphore_mem>>) src(%dma_wait3A_61 : memref<10000x128xf32, #tpu.memory_space<hbm>>) dst(%dma_wait3A_55 : memref<128x128xf32, #tpu.memory_space<vmem>>)
    %run_scoped3A_64 = arith.constant 0 : i32
    %run_scoped3A_65 = arith.constant 0 : i32
    "tpu.region"() ({
      %run_scoped3A_93 = tpu.sem_alloc : memref<!tpu.dma_semaphore, #tpu.memory_space<semaphore_mem>>
      %dma_start3A_94 = arith.constant 0 : i32
      %dma_start3A_95 = arith.constant 0 : i32
      %dma_start3A_96 = tpu.memref_slice %arg10[%run_scoped3A_64, %dma_start3A_94, %dma_start3A_95] : memref<2x128x128xf32, #tpu.memory_space<vmem>> -> memref<1x128x128xf32, #tpu.memory_space<vmem>>
      %dma_start3A_97 = tpu.memref_squeeze %dma_start3A_96 : memref<1x128x128xf32, #tpu.memory_space<vmem>> -> memref<128x128xf32, #tpu.memory_space<vmem>>
      %dma_start3A_98 = arith.constant 0 : i32
      %dma_start3A_99 = tpu.memref_slice %arg9[%run_scoped3A_65, %dma_start3A_98] : memref<2x128xi32, #tpu.memory_space<vmem>> -> memref<1x128xi32, #tpu.memory_space<vmem>>
      %dma_start3A_100 = tpu.memref_squeeze %dma_start3A_99 : memref<1x128xi32, #tpu.memory_space<vmem>> -> memref<128xi32, #tpu.memory_space<vmem>>
      %dma_start3A_101 = arith.constant 0 : i32
      %dma_start3A_102 = arith.constant 0 : i32
      %dma_start3A_103 = tpu.memref_slice %arg7[%dma_start3A_101, %dma_start3A_102] : memref<10008x128xf32, #tpu.memory_space<vmem_shared>> -> memref<10008x128xf32, #tpu.memory_space<vmem_shared>>
      tpu.enqueue_indirect_dma source(%dma_start3A_97 : memref<128x128xf32, #tpu.memory_space<vmem>>) target(%dma_start3A_103 : memref<10008x128xf32, #tpu.memory_space<vmem_shared>>) offsets(%dma_start3A_100 : memref<128xi32, #tpu.memory_space<vmem>>) semaphore(%run_scoped3A_93 : memref<!tpu.dma_semaphore, #tpu.memory_space<semaphore_mem>>) {add = true}
      %dma_wait3A_104 = arith.constant 0 : i32
      %dma_wait3A_105 = arith.constant 0 : i32
      %dma_wait3A_106 = tpu.memref_slice %arg10[%run_scoped3A_64, %dma_wait3A_104, %dma_wait3A_105] : memref<2x128x128xf32, #tpu.memory_space<vmem>> -> memref<1x128x128xf32, #tpu.memory_space<vmem>>
      %dma_wait3A_107 = tpu.memref_squeeze %dma_wait3A_106 : memref<1x128x128xf32, #tpu.memory_space<vmem>> -> memref<128x128xf32, #tpu.memory_space<vmem>>
      %dma_wait3A_108 = arith.constant 0 : i32
      %dma_wait3A_109 = tpu.memref_slice %arg9[%run_scoped3A_65, %dma_wait3A_108] : memref<2x128xi32, #tpu.memory_space<vmem>> -> memref<1x128xi32, #tpu.memory_space<vmem>>
      %dma_wait3A_110 = tpu.memref_squeeze %dma_wait3A_109 : memref<1x128xi32, #tpu.memory_space<vmem>> -> memref<128xi32, #tpu.memory_space<vmem>>
      %dma_wait3A_111 = arith.constant 0 : i32
      %dma_wait3A_112 = arith.constant 0 : i32
      %dma_wait3A_113 = tpu.memref_slice %arg7[%dma_wait3A_111, %dma_wait3A_112] : memref<10008x128xf32, #tpu.memory_space<vmem_shared>> -> memref<10008x128xf32, #tpu.memory_space<vmem_shared>>
      tpu.wait_indirect_dma semaphore(%run_scoped3A_93 : memref<!tpu.dma_semaphore, #tpu.memory_space<semaphore_mem>>) src(%dma_wait3A_107 : memref<128x128xf32, #tpu.memory_space<vmem>>) dst(%dma_wait3A_113 : memref<10008x128xf32, #tpu.memory_space<vmem_shared>>)
      tpu.yield
    }) : () -> ()
    %dma_wait3A_66 = arith.constant 1 : i32
    %dma_wait3A_67 = arith.constant 1 : i32
    %dma_wait3A_68 = arith.constant 1 : i32
    %dma_wait3A_69 = arith.constant 0 : i32
    %dma_wait3A_70 = arith.constant 0 : i32
    %dma_wait3A_71 = tpu.memref_slice %arg10[%dma_wait3A_67, %dma_wait3A_69, %dma_wait3A_70] : memref<2x128x128xf32, #tpu.memory_space<vmem>> -> memref<1x128x128xf32, #tpu.memory_space<vmem>>
    %dma_wait3A_72 = tpu.memref_squeeze %dma_wait3A_71 : memref<1x128x128xf32, #tpu.memory_space<vmem>> -> memref<128x128xf32, #tpu.memory_space<vmem>>
    %dma_wait3A_73 = arith.constant 0 : i32
    %dma_wait3A_74 = tpu.memref_slice %arg8[%dma_wait3A_66, %dma_wait3A_73] : memref<2x128xi32, #tpu.memory_space<vmem>> -> memref<1x128xi32, #tpu.memory_space<vmem>>
    %dma_wait3A_75 = tpu.memref_squeeze %dma_wait3A_74 : memref<1x128xi32, #tpu.memory_space<vmem>> -> memref<128xi32, #tpu.memory_space<vmem>>
    %dma_wait3A_76 = arith.constant 0 : i32
    %dma_wait3A_77 = arith.constant 0 : i32
    %dma_wait3A_78 = tpu.memref_slice %arg2[%dma_wait3A_76, %dma_wait3A_77] : memref<10000x128xf32, #tpu.memory_space<hbm>> -> memref<10000x128xf32, #tpu.memory_space<hbm>>
    %dma_wait3A_79 = tpu.memref_slice %arg11[%dma_wait3A_68] : memref<2x!tpu.dma_semaphore, #tpu.memory_space<semaphore_mem>> -> memref<1x!tpu.dma_semaphore, #tpu.memory_space<semaphore_mem>>
    %dma_wait3A_80 = tpu.memref_squeeze %dma_wait3A_79 : memref<1x!tpu.dma_semaphore, #tpu.memory_space<semaphore_mem>> -> memref<!tpu.dma_semaphore, #tpu.memory_space<semaphore_mem>>
    tpu.wait_indirect_dma semaphore(%dma_wait3A_80 : memref<!tpu.dma_semaphore, #tpu.memory_space<semaphore_mem>>) src(%dma_wait3A_78 : memref<10000x128xf32, #tpu.memory_space<hbm>>) dst(%dma_wait3A_72 : memref<128x128xf32, #tpu.memory_space<vmem>>)
    %run_scoped3A_81 = arith.constant 1 : i32
    %run_scoped3A_82 = arith.constant 1 : i32
    "tpu.region"() ({
      %run_scoped3A_93 = tpu.sem_alloc : memref<!tpu.dma_semaphore, #tpu.memory_space<semaphore_mem>>
      %dma_start3A_94 = arith.constant 0 : i32
      %dma_start3A_95 = arith.constant 0 : i32
      %dma_start3A_96 = tpu.memref_slice %arg10[%run_scoped3A_81, %dma_start3A_94, %dma_start3A_95] : memref<2x128x128xf32, #tpu.memory_space<vmem>> -> memref<1x128x128xf32, #tpu.memory_space<vmem>>
      %dma_start3A_97 = tpu.memref_squeeze %dma_start3A_96 : memref<1x128x128xf32, #tpu.memory_space<vmem>> -> memref<128x128xf32, #tpu.memory_space<vmem>>
      %dma_start3A_98 = arith.constant 0 : i32
      %dma_start3A_99 = tpu.memref_slice %arg9[%run_scoped3A_82, %dma_start3A_98] : memref<2x128xi32, #tpu.memory_space<vmem>> -> memref<1x128xi32, #tpu.memory_space<vmem>>
      %dma_start3A_100 = tpu.memref_squeeze %dma_start3A_99 : memref<1x128xi32, #tpu.memory_space<vmem>> -> memref<128xi32, #tpu.memory_space<vmem>>
      %dma_start3A_101 = arith.constant 0 : i32
      %dma_start3A_102 = arith.constant 0 : i32
      %dma_start3A_103 = tpu.memref_slice %arg7[%dma_start3A_101, %dma_start3A_102] : memref<10008x128xf32, #tpu.memory_space<vmem_shared>> -> memref<10008x128xf32, #tpu.memory_space<vmem_shared>>
      tpu.enqueue_indirect_dma source(%dma_start3A_97 : memref<128x128xf32, #tpu.memory_space<vmem>>) target(%dma_start3A_103 : memref<10008x128xf32, #tpu.memory_space<vmem_shared>>) offsets(%dma_start3A_100 : memref<128xi32, #tpu.memory_space<vmem>>) semaphore(%run_scoped3A_93 : memref<!tpu.dma_semaphore, #tpu.memory_space<semaphore_mem>>) {add = true}
      %dma_wait3A_104 = arith.constant 0 : i32
      %dma_wait3A_105 = arith.constant 0 : i32
      %dma_wait3A_106 = tpu.memref_slice %arg10[%run_scoped3A_81, %dma_wait3A_104, %dma_wait3A_105] : memref<2x128x128xf32, #tpu.memory_space<vmem>> -> memref<1x128x128xf32, #tpu.memory_space<vmem>>
      %dma_wait3A_107 = tpu.memref_squeeze %dma_wait3A_106 : memref<1x128x128xf32, #tpu.memory_space<vmem>> -> memref<128x128xf32, #tpu.memory_space<vmem>>
      %dma_wait3A_108 = arith.constant 0 : i32
      %dma_wait3A_109 = tpu.memref_slice %arg9[%run_scoped3A_82, %dma_wait3A_108] : memref<2x128xi32, #tpu.memory_space<vmem>> -> memref<1x128xi32, #tpu.memory_space<vmem>>
      %dma_wait3A_110 = tpu.memref_squeeze %dma_wait3A_109 : memref<1x128xi32, #tpu.memory_space<vmem>> -> memref<128xi32, #tpu.memory_space<vmem>>
      %dma_wait3A_111 = arith.constant 0 : i32
      %dma_wait3A_112 = arith.constant 0 : i32
      %dma_wait3A_113 = tpu.memref_slice %arg7[%dma_wait3A_111, %dma_wait3A_112] : memref<10008x128xf32, #tpu.memory_space<vmem_shared>> -> memref<10008x128xf32, #tpu.memory_space<vmem_shared>>
      tpu.wait_indirect_dma semaphore(%run_scoped3A_93 : memref<!tpu.dma_semaphore, #tpu.memory_space<semaphore_mem>>) src(%dma_wait3A_107 : memref<128x128xf32, #tpu.memory_space<vmem>>) dst(%dma_wait3A_113 : memref<10008x128xf32, #tpu.memory_space<vmem_shared>>)
      tpu.yield
    }) : () -> ()
    %barrier3A_83 = arith.constant 0 : index
    tpu.barrier barrier_id(%barrier3A_83)
    %mul3A_84 = arith.constant 624 : i32
    %mul3A_85 = arith.muli %arg1, %mul3A_84 : i32
    %mul3A_86 = arith.constant 624 : i32
    %mul3A_87 = arith.muli %arg1, %mul3A_86 : i32
    "tpu.region"() ({
      %run_scoped3A_93 = tpu.sem_alloc : memref<!tpu.dma_semaphore, #tpu.memory_space<semaphore_mem>>
      %dma_start3A_94 = arith.constant 0 : i32
      %dma_start3A_95 = tpu.memref_slice %arg6[%arg0, %mul3A_87, %dma_start3A_94] : memref<2x10000x128xf32, #tpu.memory_space<hbm>> -> memref<1x624x128xf32, #tpu.memory_space<hbm>>
      %dma_start3A_96 = tpu.memref_squeeze %dma_start3A_95 : memref<1x624x128xf32, #tpu.memory_space<hbm>> -> memref<624x128xf32, #tpu.memory_space<hbm>>
      %dma_start3A_97 = arith.constant 0 : i32
      %dma_start3A_98 = tpu.memref_slice %arg7[%mul3A_85, %dma_start3A_97] : memref<10008x128xf32, #tpu.memory_space<vmem_shared>> -> memref<624x128xf32, #tpu.memory_space<vmem_shared>>
      tpu.enqueue_dma source(%dma_start3A_98 : memref<624x128xf32, #tpu.memory_space<vmem_shared>>) target(%dma_start3A_96 : memref<624x128xf32, #tpu.memory_space<hbm>>) target_semaphore(%run_scoped3A_93 : memref<!tpu.dma_semaphore, #tpu.memory_space<semaphore_mem>>)
      %dma_wait3A_99 = arith.constant 0 : i32
      %dma_wait3A_100 = tpu.memref_slice %arg6[%arg0, %mul3A_87, %dma_wait3A_99] : memref<2x10000x128xf32, #tpu.memory_space<hbm>> -> memref<1x624x128xf32, #tpu.memory_space<hbm>>
      %dma_wait3A_101 = tpu.memref_squeeze %dma_wait3A_100 : memref<1x624x128xf32, #tpu.memory_space<hbm>> -> memref<624x128xf32, #tpu.memory_space<hbm>>
      %dma_wait3A_102 = arith.constant 0 : i32
      %dma_wait3A_103 = tpu.memref_slice %arg7[%mul3A_85, %dma_wait3A_102] : memref<10008x128xf32, #tpu.memory_space<vmem_shared>> -> memref<624x128xf32, #tpu.memory_space<vmem_shared>>
      tpu.wait_dma2 semaphore(%run_scoped3A_93 : memref<!tpu.dma_semaphore, #tpu.memory_space<semaphore_mem>>) src(%dma_wait3A_103 : memref<624x128xf32, #tpu.memory_space<vmem_shared>>) dst(%dma_wait3A_101 : memref<624x128xf32, #tpu.memory_space<hbm>>)
      tpu.yield
    }) : () -> ()
    %eq3A_88 = arith.constant 0 : i32
    %eq3A_89 = arith.cmpi eq, %arg1, %eq3A_88 : i32
    %convert_element_type3A_90 = arith.extui %eq3A_89 : i1 to i32
    %cond3A_91 = arith.constant 0 : i32
    %cond3A_92 = arith.cmpi ne, %convert_element_type3A_90, %cond3A_91 : i32
    scf.if %cond3A_92 {
      "tpu.region"() ({
        %run_scoped3A_93 = tpu.sem_alloc : memref<!tpu.dma_semaphore, #tpu.memory_space<semaphore_mem>>
        %dma_start3A_94 = arith.constant 9984 : i32
        %dma_start3A_95 = arith.constant 0 : i32
        %dma_start3A_96 = tpu.memref_slice %arg6[%arg0, %dma_start3A_94, %dma_start3A_95] : memref<2x10000x128xf32, #tpu.memory_space<hbm>> -> memref<1x16x128xf32, #tpu.memory_space<hbm>>
        %dma_start3A_97 = tpu.memref_squeeze %dma_start3A_96 : memref<1x16x128xf32, #tpu.memory_space<hbm>> -> memref<16x128xf32, #tpu.memory_space<hbm>>
        %dma_start3A_98 = arith.constant 9984 : i32
        %dma_start3A_99 = arith.constant 0 : i32
        %dma_start3A_100 = tpu.memref_slice %arg7[%dma_start3A_98, %dma_start3A_99] : memref<10008x128xf32, #tpu.memory_space<vmem_shared>> -> memref<16x128xf32, #tpu.memory_space<vmem_shared>>
        tpu.enqueue_dma source(%dma_start3A_100 : memref<16x128xf32, #tpu.memory_space<vmem_shared>>) target(%dma_start3A_97 : memref<16x128xf32, #tpu.memory_space<hbm>>) target_semaphore(%run_scoped3A_93 : memref<!tpu.dma_semaphore, #tpu.memory_space<semaphore_mem>>)
        %dma_wait3A_101 = arith.constant 9984 : i32
        %dma_wait3A_102 = arith.constant 0 : i32
        %dma_wait3A_103 = tpu.memref_slice %arg6[%arg0, %dma_wait3A_101, %dma_wait3A_102] : memref<2x10000x128xf32, #tpu.memory_space<hbm>> -> memref<1x16x128xf32, #tpu.memory_space<hbm>>
        %dma_wait3A_104 = tpu.memref_squeeze %dma_wait3A_103 : memref<1x16x128xf32, #tpu.memory_space<hbm>> -> memref<16x128xf32, #tpu.memory_space<hbm>>
        %dma_wait3A_105 = arith.constant 9984 : i32
        %dma_wait3A_106 = arith.constant 0 : i32
        %dma_wait3A_107 = tpu.memref_slice %arg7[%dma_wait3A_105, %dma_wait3A_106] : memref<10008x128xf32, #tpu.memory_space<vmem_shared>> -> memref<16x128xf32, #tpu.memory_space<vmem_shared>>
        tpu.wait_dma2 semaphore(%run_scoped3A_93 : memref<!tpu.dma_semaphore, #tpu.memory_space<semaphore_mem>>) src(%dma_wait3A_107 : memref<16x128xf32, #tpu.memory_space<vmem_shared>>) dst(%dma_wait3A_104 : memref<16x128xf32, #tpu.memory_space<hbm>>)
        tpu.yield
      }) : () -> ()
    } else {
    }
    return
  }
}

#map = affine_map<(d0, d1) -> (0, 0)>
#map1 = affine_map<(d0, d1) -> (0)>
#map2 = affine_map<(d0, d1) -> (0, 0, 0)>
module attributes {stable_mosaic.version = 14 : i64} {
  func.func @sc_scatter(%arg0: i32, %arg1: i32, %arg2: memref<10000x128xf32, #tpu.memory_space<hbm>>, %arg3: memref<327680xi32, #tpu.memory_space<hbm>>, %arg4: memref<327680xi32, #tpu.memory_space<hbm>>, %arg5: memref<10000x128xf32, #tpu.memory_space<hbm>>, %arg6: memref<2x10000x128xf32, #tpu.memory_space<hbm>>, %arg7: memref<10008x128xf32, #tpu.memory_space<vmem_shared>>, %arg8: memref<2x128xi32, #tpu.memory_space<vmem>>, %arg9: memref<2x128xi32, #tpu.memory_space<vmem>>, %arg10: memref<2x128x128xf32, #tpu.memory_space<vmem>>, %arg11: memref<2x!tpu.dma_semaphore, #tpu.memory_space<semaphore_mem>>) attributes {dimension_semantics = [#tpu.dimension_semantics<core_parallel>, #tpu.dimension_semantics<subcore_parallel>], iteration_bounds = array<i64: 2, 16>, scalar_prefetch = 0 : i64, scratch_operands = 5 : i64, tpu.core_type = #tpu.core_type<sc_vector_subcore>, window_params = [{transform_indices = #map}, {transform_indices = #map1}, {transform_indices = #map1}, {transform_indices = #map}, {transform_indices = #map2}]} {
    %mul3A = arith.constant 2 : i32
    %mul3A_0 = arith.muli %arg1, %mul3A : i32
    %add3A = arith.addi %mul3A_0, %arg0 : i32
    %mul3A_1 = arith.constant 624 : i32
    %mul3A_2 = arith.muli %arg1, %mul3A_1 : i32
    %mul3A_3 = arith.constant 624 : i32
    %mul3A_4 = arith.muli %arg1, %mul3A_3 : i32
    "tpu.region"() ({
      %run_scoped3A_93 = tpu.sem_alloc : memref<!tpu.dma_semaphore, #tpu.memory_space<semaphore_mem>>
      %dma_start3A_94 = arith.constant 0 : i32
      %dma_start3A_95 = tpu.memref_slice %arg7[%mul3A_4, %dma_start3A_94] : memref<10008x128xf32, #tpu.memory_space<vmem_shared>> -> memref<624x128xf32, #tpu.memory_space<vmem_shared>>
      %dma_start3A_96 = arith.constant 0 : i32
      %dma_start3A_97 = tpu.memref_slice %arg5[%mul3A_2, %dma_start3A_96] : memref<10000x128xf32, #tpu.memory_space<hbm>> -> memref<624x128xf32, #tpu.memory_space<hbm>>
      tpu.enqueue_dma source(%dma_start3A_97 : memref<624x128xf32, #tpu.memory_space<hbm>>) target(%dma_start3A_95 : memref<624x128xf32, #tpu.memory_space<vmem_shared>>) target_semaphore(%run_scoped3A_93 : memref<!tpu.dma_semaphore, #tpu.memory_space<semaphore_mem>>)
      %dma_wait3A_98 = arith.constant 0 : i32
      %dma_wait3A_99 = tpu.memref_slice %arg7[%mul3A_4, %dma_wait3A_98] : memref<10008x128xf32, #tpu.memory_space<vmem_shared>> -> memref<624x128xf32, #tpu.memory_space<vmem_shared>>
      %dma_wait3A_100 = arith.constant 0 : i32
      %dma_wait3A_101 = tpu.memref_slice %arg5[%mul3A_2, %dma_wait3A_100] : memref<10000x128xf32, #tpu.memory_space<hbm>> -> memref<624x128xf32, #tpu.memory_space<hbm>>
      tpu.wait_dma2 semaphore(%run_scoped3A_93 : memref<!tpu.dma_semaphore, #tpu.memory_space<semaphore_mem>>) src(%dma_wait3A_101 : memref<624x128xf32, #tpu.memory_space<hbm>>) dst(%dma_wait3A_99 : memref<624x128xf32, #tpu.memory_space<vmem_shared>>)
      tpu.yield
    }) : () -> ()
    %eq3A = arith.constant 0 : i32
    %eq3A_5 = arith.cmpi eq, %arg1, %eq3A : i32
    %convert_element_type3A = arith.extui %eq3A_5 : i1 to i32
    %cond3A = arith.constant 0 : i32
    %cond3A_6 = arith.cmpi ne, %convert_element_type3A, %cond3A : i32
    scf.if %cond3A_6 {
      "tpu.region"() ({
        %run_scoped3A_93 = tpu.sem_alloc : memref<!tpu.dma_semaphore, #tpu.memory_space<semaphore_mem>>
        %dma_start3A_94 = arith.constant 9984 : i32
        %dma_start3A_95 = arith.constant 0 : i32
        %dma_start3A_96 = tpu.memref_slice %arg7[%dma_start3A_94, %dma_start3A_95] : memref<10008x128xf32, #tpu.memory_space<vmem_shared>> -> memref<16x128xf32, #tpu.memory_space<vmem_shared>>
        %dma_start3A_97 = arith.constant 9984 : i32
        %dma_start3A_98 = arith.constant 0 : i32
        %dma_start3A_99 = tpu.memref_slice %arg5[%dma_start3A_97, %dma_start3A_98] : memref<10000x128xf32, #tpu.memory_space<hbm>> -> memref<16x128xf32, #tpu.memory_space<hbm>>
        tpu.enqueue_dma source(%dma_start3A_99 : memref<16x128xf32, #tpu.memory_space<hbm>>) target(%dma_start3A_96 : memref<16x128xf32, #tpu.memory_space<vmem_shared>>) target_semaphore(%run_scoped3A_93 : memref<!tpu.dma_semaphore, #tpu.memory_space<semaphore_mem>>)
        %dma_wait3A_100 = arith.constant 9984 : i32
        %dma_wait3A_101 = arith.constant 0 : i32
        %dma_wait3A_102 = tpu.memref_slice %arg7[%dma_wait3A_100, %dma_wait3A_101] : memref<10008x128xf32, #tpu.memory_space<vmem_shared>> -> memref<16x128xf32, #tpu.memory_space<vmem_shared>>
        %dma_wait3A_103 = arith.constant 9984 : i32
        %dma_wait3A_104 = arith.constant 0 : i32
        %dma_wait3A_105 = tpu.memref_slice %arg5[%dma_wait3A_103, %dma_wait3A_104] : memref<10000x128xf32, #tpu.memory_space<hbm>> -> memref<16x128xf32, #tpu.memory_space<hbm>>
        tpu.wait_dma2 semaphore(%run_scoped3A_93 : memref<!tpu.dma_semaphore, #tpu.memory_space<semaphore_mem>>) src(%dma_wait3A_105 : memref<16x128xf32, #tpu.memory_space<hbm>>) dst(%dma_wait3A_102 : memref<16x128xf32, #tpu.memory_space<vmem_shared>>)
        tpu.yield
      }) : () -> ()
    } else {
    }
    %barrier3A = arith.constant 0 : index
    tpu.barrier barrier_id(%barrier3A)
    %mul3A_7 = arith.constant 10240 : i32
    %mul3A_8 = arith.muli %add3A, %mul3A_7 : i32
    %add3A_9 = arith.constant 0 : i32
    %add3A_10 = arith.addi %mul3A_8, %add3A_9 : i32
    %run_scoped3A = arith.constant 0 : i32
    "tpu.region"() ({
      %run_scoped3A_93 = tpu.sem_alloc : memref<!tpu.dma_semaphore, #tpu.memory_space<semaphore_mem>>
      %dma_start3A_94 = arith.constant 0 : i32
      %dma_start3A_95 = tpu.memref_slice %arg8[%run_scoped3A, %dma_start3A_94] : memref<2x128xi32, #tpu.memory_space<vmem>> -> memref<1x128xi32, #tpu.memory_space<vmem>>
      %dma_start3A_96 = tpu.memref_squeeze %dma_start3A_95 : memref<1x128xi32, #tpu.memory_space<vmem>> -> memref<128xi32, #tpu.memory_space<vmem>>
      %dma_start3A_97 = tpu.memref_slice %arg3[%add3A_10] : memref<327680xi32, #tpu.memory_space<hbm>> -> memref<128xi32, #tpu.memory_space<hbm>>
      %dma_start3A_98 = arith.constant 0 : i32
      %dma_start3A_99 = tpu.memref_slice %arg8[%run_scoped3A, %dma_start3A_98] : memref<2x128xi32, #tpu.memory_space<vmem>> -> memref<1x128xi32, #tpu.memory_space<vmem>>
      %dma_start3A_100 = tpu.memref_squeeze %dma_start3A_99 : memref<1x128xi32, #tpu.memory_space<vmem>> -> memref<128xi32, #tpu.memory_space<vmem>>
      %dma_start3A_101 = tpu.memref_slice %arg3[%add3A_10] : memref<327680xi32, #tpu.memory_space<hbm>> -> memref<128xi32, #tpu.memory_space<hbm>>
      tpu.enqueue_dma source(%dma_start3A_101 : memref<128xi32, #tpu.memory_space<hbm>>) target(%dma_start3A_100 : memref<128xi32, #tpu.memory_space<vmem>>) target_semaphore(%run_scoped3A_93 : memref<!tpu.dma_semaphore, #tpu.memory_space<semaphore_mem>>)
      %dma_wait3A_102 = arith.constant 0 : i32
      %dma_wait3A_103 = tpu.memref_slice %arg8[%run_scoped3A, %dma_wait3A_102] : memref<2x128xi32, #tpu.memory_space<vmem>> -> memref<1x128xi32, #tpu.memory_space<vmem>>
      %dma_wait3A_104 = tpu.memref_squeeze %dma_wait3A_103 : memref<1x128xi32, #tpu.memory_space<vmem>> -> memref<128xi32, #tpu.memory_space<vmem>>
      %dma_wait3A_105 = tpu.memref_slice %arg3[%add3A_10] : memref<327680xi32, #tpu.memory_space<hbm>> -> memref<128xi32, #tpu.memory_space<hbm>>
      %dma_wait3A_106 = arith.constant 0 : i32
      %dma_wait3A_107 = tpu.memref_slice %arg8[%run_scoped3A, %dma_wait3A_106] : memref<2x128xi32, #tpu.memory_space<vmem>> -> memref<1x128xi32, #tpu.memory_space<vmem>>
      %dma_wait3A_108 = tpu.memref_squeeze %dma_wait3A_107 : memref<1x128xi32, #tpu.memory_space<vmem>> -> memref<128xi32, #tpu.memory_space<vmem>>
      %dma_wait3A_109 = tpu.memref_slice %arg3[%add3A_10] : memref<327680xi32, #tpu.memory_space<hbm>> -> memref<128xi32, #tpu.memory_space<hbm>>
      tpu.wait_dma2 semaphore(%run_scoped3A_93 : memref<!tpu.dma_semaphore, #tpu.memory_space<semaphore_mem>>) src(%dma_wait3A_109 : memref<128xi32, #tpu.memory_space<hbm>>) dst(%dma_wait3A_108 : memref<128xi32, #tpu.memory_space<vmem>>)
      tpu.yield
    }) : () -> ()
    %run_scoped3A_11 = arith.constant 0 : i32
    "tpu.region"() ({
      %run_scoped3A_93 = tpu.sem_alloc : memref<!tpu.dma_semaphore, #tpu.memory_space<semaphore_mem>>
      %dma_start3A_94 = arith.constant 0 : i32
      %dma_start3A_95 = tpu.memref_slice %arg9[%run_scoped3A_11, %dma_start3A_94] : memref<2x128xi32, #tpu.memory_space<vmem>> -> memref<1x128xi32, #tpu.memory_space<vmem>>
      %dma_start3A_96 = tpu.memref_squeeze %dma_start3A_95 : memref<1x128xi32, #tpu.memory_space<vmem>> -> memref<128xi32, #tpu.memory_space<vmem>>
      %dma_start3A_97 = tpu.memref_slice %arg4[%add3A_10] : memref<327680xi32, #tpu.memory_space<hbm>> -> memref<128xi32, #tpu.memory_space<hbm>>
      %dma_start3A_98 = arith.constant 0 : i32
      %dma_start3A_99 = tpu.memref_slice %arg9[%run_scoped3A_11, %dma_start3A_98] : memref<2x128xi32, #tpu.memory_space<vmem>> -> memref<1x128xi32, #tpu.memory_space<vmem>>
      %dma_start3A_100 = tpu.memref_squeeze %dma_start3A_99 : memref<1x128xi32, #tpu.memory_space<vmem>> -> memref<128xi32, #tpu.memory_space<vmem>>
      %dma_start3A_101 = tpu.memref_slice %arg4[%add3A_10] : memref<327680xi32, #tpu.memory_space<hbm>> -> memref<128xi32, #tpu.memory_space<hbm>>
      tpu.enqueue_dma source(%dma_start3A_101 : memref<128xi32, #tpu.memory_space<hbm>>) target(%dma_start3A_100 : memref<128xi32, #tpu.memory_space<vmem>>) target_semaphore(%run_scoped3A_93 : memref<!tpu.dma_semaphore, #tpu.memory_space<semaphore_mem>>)
      %dma_wait3A_102 = arith.constant 0 : i32
      %dma_wait3A_103 = tpu.memref_slice %arg9[%run_scoped3A_11, %dma_wait3A_102] : memref<2x128xi32, #tpu.memory_space<vmem>> -> memref<1x128xi32, #tpu.memory_space<vmem>>
      %dma_wait3A_104 = tpu.memref_squeeze %dma_wait3A_103 : memref<1x128xi32, #tpu.memory_space<vmem>> -> memref<128xi32, #tpu.memory_space<vmem>>
      %dma_wait3A_105 = tpu.memref_slice %arg4[%add3A_10] : memref<327680xi32, #tpu.memory_space<hbm>> -> memref<128xi32, #tpu.memory_space<hbm>>
      %dma_wait3A_106 = arith.constant 0 : i32
      %dma_wait3A_107 = tpu.memref_slice %arg9[%run_scoped3A_11, %dma_wait3A_106] : memref<2x128xi32, #tpu.memory_space<vmem>> -> memref<1x128xi32, #tpu.memory_space<vmem>>
      %dma_wait3A_108 = tpu.memref_squeeze %dma_wait3A_107 : memref<1x128xi32, #tpu.memory_space<vmem>> -> memref<128xi32, #tpu.memory_space<vmem>>
      %dma_wait3A_109 = tpu.memref_slice %arg4[%add3A_10] : memref<327680xi32, #tpu.memory_space<hbm>> -> memref<128xi32, #tpu.memory_space<hbm>>
      tpu.wait_dma2 semaphore(%run_scoped3A_93 : memref<!tpu.dma_semaphore, #tpu.memory_space<semaphore_mem>>) src(%dma_wait3A_109 : memref<128xi32, #tpu.memory_space<hbm>>) dst(%dma_wait3A_108 : memref<128xi32, #tpu.memory_space<vmem>>)
      tpu.yield
    }) : () -> ()
    %dma_start3A = arith.constant 0 : i32
    %dma_start3A_12 = arith.constant 0 : i32
    %dma_start3A_13 = arith.constant 0 : i32
    %dma_start3A_14 = arith.constant 0 : i32
    %dma_start3A_15 = arith.constant 0 : i32
    %dma_start3A_16 = tpu.memref_slice %arg10[%dma_start3A_12, %dma_start3A_14, %dma_start3A_15] : memref<2x128x128xf32, #tpu.memory_space<vmem>> -> memref<1x128x128xf32, #tpu.memory_space<vmem>>
    %dma_start3A_17 = tpu.memref_squeeze %dma_start3A_16 : memref<1x128x128xf32, #tpu.memory_space<vmem>> -> memref<128x128xf32, #tpu.memory_space<vmem>>
    %dma_start3A_18 = arith.constant 0 : i32
    %dma_start3A_19 = tpu.memref_slice %arg8[%dma_start3A, %dma_start3A_18] : memref<2x128xi32, #tpu.memory_space<vmem>> -> memref<1x128xi32, #tpu.memory_space<vmem>>
    %dma_start3A_20 = tpu.memref_squeeze %dma_start3A_19 : memref<1x128xi32, #tpu.memory_space<vmem>> -> memref<128xi32, #tpu.memory_space<vmem>>
    %dma_start3A_21 = arith.constant 0 : i32
    %dma_start3A_22 = arith.constant 0 : i32
    %dma_start3A_23 = tpu.memref_slice %arg2[%dma_start3A_21, %dma_start3A_22] : memref<10000x128xf32, #tpu.memory_space<hbm>> -> memref<10000x128xf32, #tpu.memory_space<hbm>>
    %dma_start3A_24 = tpu.memref_slice %arg11[%dma_start3A_13] : memref<2x!tpu.dma_semaphore, #tpu.memory_space<semaphore_mem>> -> memref<1x!tpu.dma_semaphore, #tpu.memory_space<semaphore_mem>>
    %dma_start3A_25 = tpu.memref_squeeze %dma_start3A_24 : memref<1x!tpu.dma_semaphore, #tpu.memory_space<semaphore_mem>> -> memref<!tpu.dma_semaphore, #tpu.memory_space<semaphore_mem>>
    tpu.enqueue_indirect_dma source(%dma_start3A_23 : memref<10000x128xf32, #tpu.memory_space<hbm>>) target(%dma_start3A_17 : memref<128x128xf32, #tpu.memory_space<vmem>>) offsets(%dma_start3A_20 : memref<128xi32, #tpu.memory_space<vmem>>) semaphore(%dma_start3A_25 : memref<!tpu.dma_semaphore, #tpu.memory_space<semaphore_mem>>)
    %add3A_26 = arith.constant 128 : i32
    %add3A_27 = arith.addi %mul3A_8, %add3A_26 : i32
    %run_scoped3A_28 = arith.constant 1 : i32
    "tpu.region"() ({
      %run_scoped3A_93 = tpu.sem_alloc : memref<!tpu.dma_semaphore, #tpu.memory_space<semaphore_mem>>
      %dma_start3A_94 = arith.constant 0 : i32
      %dma_start3A_95 = tpu.memref_slice %arg8[%run_scoped3A_28, %dma_start3A_94] : memref<2x128xi32, #tpu.memory_space<vmem>> -> memref<1x128xi32, #tpu.memory_space<vmem>>
      %dma_start3A_96 = tpu.memref_squeeze %dma_start3A_95 : memref<1x128xi32, #tpu.memory_space<vmem>> -> memref<128xi32, #tpu.memory_space<vmem>>
      %dma_start3A_97 = tpu.memref_slice %arg3[%add3A_27] : memref<327680xi32, #tpu.memory_space<hbm>> -> memref<128xi32, #tpu.memory_space<hbm>>
      %dma_start3A_98 = arith.constant 0 : i32
      %dma_start3A_99 = tpu.memref_slice %arg8[%run_scoped3A_28, %dma_start3A_98] : memref<2x128xi32, #tpu.memory_space<vmem>> -> memref<1x128xi32, #tpu.memory_space<vmem>>
      %dma_start3A_100 = tpu.memref_squeeze %dma_start3A_99 : memref<1x128xi32, #tpu.memory_space<vmem>> -> memref<128xi32, #tpu.memory_space<vmem>>
      %dma_start3A_101 = tpu.memref_slice %arg3[%add3A_27] : memref<327680xi32, #tpu.memory_space<hbm>> -> memref<128xi32, #tpu.memory_space<hbm>>
      tpu.enqueue_dma source(%dma_start3A_101 : memref<128xi32, #tpu.memory_space<hbm>>) target(%dma_start3A_100 : memref<128xi32, #tpu.memory_space<vmem>>) target_semaphore(%run_scoped3A_93 : memref<!tpu.dma_semaphore, #tpu.memory_space<semaphore_mem>>)
      %dma_wait3A_102 = arith.constant 0 : i32
      %dma_wait3A_103 = tpu.memref_slice %arg8[%run_scoped3A_28, %dma_wait3A_102] : memref<2x128xi32, #tpu.memory_space<vmem>> -> memref<1x128xi32, #tpu.memory_space<vmem>>
      %dma_wait3A_104 = tpu.memref_squeeze %dma_wait3A_103 : memref<1x128xi32, #tpu.memory_space<vmem>> -> memref<128xi32, #tpu.memory_space<vmem>>
      %dma_wait3A_105 = tpu.memref_slice %arg3[%add3A_27] : memref<327680xi32, #tpu.memory_space<hbm>> -> memref<128xi32, #tpu.memory_space<hbm>>
      %dma_wait3A_106 = arith.constant 0 : i32
      %dma_wait3A_107 = tpu.memref_slice %arg8[%run_scoped3A_28, %dma_wait3A_106] : memref<2x128xi32, #tpu.memory_space<vmem>> -> memref<1x128xi32, #tpu.memory_space<vmem>>
      %dma_wait3A_108 = tpu.memref_squeeze %dma_wait3A_107 : memref<1x128xi32, #tpu.memory_space<vmem>> -> memref<128xi32, #tpu.memory_space<vmem>>
      %dma_wait3A_109 = tpu.memref_slice %arg3[%add3A_27] : memref<327680xi32, #tpu.memory_space<hbm>> -> memref<128xi32, #tpu.memory_space<hbm>>
      tpu.wait_dma2 semaphore(%run_scoped3A_93 : memref<!tpu.dma_semaphore, #tpu.memory_space<semaphore_mem>>) src(%dma_wait3A_109 : memref<128xi32, #tpu.memory_space<hbm>>) dst(%dma_wait3A_108 : memref<128xi32, #tpu.memory_space<vmem>>)
      tpu.yield
    }) : () -> ()
    %run_scoped3A_29 = arith.constant 1 : i32
    "tpu.region"() ({
      %run_scoped3A_93 = tpu.sem_alloc : memref<!tpu.dma_semaphore, #tpu.memory_space<semaphore_mem>>
      %dma_start3A_94 = arith.constant 0 : i32
      %dma_start3A_95 = tpu.memref_slice %arg9[%run_scoped3A_29, %dma_start3A_94] : memref<2x128xi32, #tpu.memory_space<vmem>> -> memref<1x128xi32, #tpu.memory_space<vmem>>
      %dma_start3A_96 = tpu.memref_squeeze %dma_start3A_95 : memref<1x128xi32, #tpu.memory_space<vmem>> -> memref<128xi32, #tpu.memory_space<vmem>>
      %dma_start3A_97 = tpu.memref_slice %arg4[%add3A_27] : memref<327680xi32, #tpu.memory_space<hbm>> -> memref<128xi32, #tpu.memory_space<hbm>>
      %dma_start3A_98 = arith.constant 0 : i32
      %dma_start3A_99 = tpu.memref_slice %arg9[%run_scoped3A_29, %dma_start3A_98] : memref<2x128xi32, #tpu.memory_space<vmem>> -> memref<1x128xi32, #tpu.memory_space<vmem>>
      %dma_start3A_100 = tpu.memref_squeeze %dma_start3A_99 : memref<1x128xi32, #tpu.memory_space<vmem>> -> memref<128xi32, #tpu.memory_space<vmem>>
      %dma_start3A_101 = tpu.memref_slice %arg4[%add3A_27] : memref<327680xi32, #tpu.memory_space<hbm>> -> memref<128xi32, #tpu.memory_space<hbm>>
      tpu.enqueue_dma source(%dma_start3A_101 : memref<128xi32, #tpu.memory_space<hbm>>) target(%dma_start3A_100 : memref<128xi32, #tpu.memory_space<vmem>>) target_semaphore(%run_scoped3A_93 : memref<!tpu.dma_semaphore, #tpu.memory_space<semaphore_mem>>)
      %dma_wait3A_102 = arith.constant 0 : i32
      %dma_wait3A_103 = tpu.memref_slice %arg9[%run_scoped3A_29, %dma_wait3A_102] : memref<2x128xi32, #tpu.memory_space<vmem>> -> memref<1x128xi32, #tpu.memory_space<vmem>>
      %dma_wait3A_104 = tpu.memref_squeeze %dma_wait3A_103 : memref<1x128xi32, #tpu.memory_space<vmem>> -> memref<128xi32, #tpu.memory_space<vmem>>
      %dma_wait3A_105 = tpu.memref_slice %arg4[%add3A_27] : memref<327680xi32, #tpu.memory_space<hbm>> -> memref<128xi32, #tpu.memory_space<hbm>>
      %dma_wait3A_106 = arith.constant 0 : i32
      %dma_wait3A_107 = tpu.memref_slice %arg9[%run_scoped3A_29, %dma_wait3A_106] : memref<2x128xi32, #tpu.memory_space<vmem>> -> memref<1x128xi32, #tpu.memory_space<vmem>>
      %dma_wait3A_108 = tpu.memref_squeeze %dma_wait3A_107 : memref<1x128xi32, #tpu.memory_space<vmem>> -> memref<128xi32, #tpu.memory_space<vmem>>
      %dma_wait3A_109 = tpu.memref_slice %arg4[%add3A_27] : memref<327680xi32, #tpu.memory_space<hbm>> -> memref<128xi32, #tpu.memory_space<hbm>>
      tpu.wait_dma2 semaphore(%run_scoped3A_93 : memref<!tpu.dma_semaphore, #tpu.memory_space<semaphore_mem>>) src(%dma_wait3A_109 : memref<128xi32, #tpu.memory_space<hbm>>) dst(%dma_wait3A_108 : memref<128xi32, #tpu.memory_space<vmem>>)
      tpu.yield
    }) : () -> ()
    %dma_start3A_30 = arith.constant 1 : i32
    %dma_start3A_31 = arith.constant 1 : i32
    %dma_start3A_32 = arith.constant 1 : i32
    %dma_start3A_33 = arith.constant 0 : i32
    %dma_start3A_34 = arith.constant 0 : i32
    %dma_start3A_35 = tpu.memref_slice %arg10[%dma_start3A_31, %dma_start3A_33, %dma_start3A_34] : memref<2x128x128xf32, #tpu.memory_space<vmem>> -> memref<1x128x128xf32, #tpu.memory_space<vmem>>
    %dma_start3A_36 = tpu.memref_squeeze %dma_start3A_35 : memref<1x128x128xf32, #tpu.memory_space<vmem>> -> memref<128x128xf32, #tpu.memory_space<vmem>>
    %dma_start3A_37 = arith.constant 0 : i32
    %dma_start3A_38 = tpu.memref_slice %arg8[%dma_start3A_30, %dma_start3A_37] : memref<2x128xi32, #tpu.memory_space<vmem>> -> memref<1x128xi32, #tpu.memory_space<vmem>>
    %dma_start3A_39 = tpu.memref_squeeze %dma_start3A_38 : memref<1x128xi32, #tpu.memory_space<vmem>> -> memref<128xi32, #tpu.memory_space<vmem>>
    %dma_start3A_40 = arith.constant 0 : i32
    %dma_start3A_41 = arith.constant 0 : i32
    %dma_start3A_42 = tpu.memref_slice %arg2[%dma_start3A_40, %dma_start3A_41] : memref<10000x128xf32, #tpu.memory_space<hbm>> -> memref<10000x128xf32, #tpu.memory_space<hbm>>
    %dma_start3A_43 = tpu.memref_slice %arg11[%dma_start3A_32] : memref<2x!tpu.dma_semaphore, #tpu.memory_space<semaphore_mem>> -> memref<1x!tpu.dma_semaphore, #tpu.memory_space<semaphore_mem>>
    %dma_start3A_44 = tpu.memref_squeeze %dma_start3A_43 : memref<1x!tpu.dma_semaphore, #tpu.memory_space<semaphore_mem>> -> memref<!tpu.dma_semaphore, #tpu.memory_space<semaphore_mem>>
    tpu.enqueue_indirect_dma source(%dma_start3A_42 : memref<10000x128xf32, #tpu.memory_space<hbm>>) target(%dma_start3A_36 : memref<128x128xf32, #tpu.memory_space<vmem>>) offsets(%dma_start3A_39 : memref<128xi32, #tpu.memory_space<vmem>>) semaphore(%dma_start3A_44 : memref<!tpu.dma_semaphore, #tpu.memory_space<semaphore_mem>>)
    %scan3A = arith.constant 0 : i32
    %scan3A_45 = arith.constant 0 : i32
    %scan3A_46 = arith.constant 39 : i32
    %scan3A_47 = arith.addi %scan3A_45, %scan3A_46 : i32
    %scan3A_48 = arith.constant 1 : i32
    scf.for %scan3A_93 = %scan3A_45 to %scan3A_47 step %scan3A_48  : i32 {
      %dma_wait3A_94 = arith.constant 0 : i32
      %dma_wait3A_95 = arith.constant 0 : i32
      %dma_wait3A_96 = arith.constant 0 : i32
      %dma_wait3A_97 = arith.constant 0 : i32
      %dma_wait3A_98 = arith.constant 0 : i32
      %dma_wait3A_99 = tpu.memref_slice %arg10[%dma_wait3A_95, %dma_wait3A_97, %dma_wait3A_98] : memref<2x128x128xf32, #tpu.memory_space<vmem>> -> memref<1x128x128xf32, #tpu.memory_space<vmem>>
      %dma_wait3A_100 = tpu.memref_squeeze %dma_wait3A_99 : memref<1x128x128xf32, #tpu.memory_space<vmem>> -> memref<128x128xf32, #tpu.memory_space<vmem>>
      %dma_wait3A_101 = arith.constant 0 : i32
      %dma_wait3A_102 = tpu.memref_slice %arg8[%dma_wait3A_94, %dma_wait3A_101] : memref<2x128xi32, #tpu.memory_space<vmem>> -> memref<1x128xi32, #tpu.memory_space<vmem>>
      %dma_wait3A_103 = tpu.memref_squeeze %dma_wait3A_102 : memref<1x128xi32, #tpu.memory_space<vmem>> -> memref<128xi32, #tpu.memory_space<vmem>>
      %dma_wait3A_104 = arith.constant 0 : i32
      %dma_wait3A_105 = arith.constant 0 : i32
      %dma_wait3A_106 = tpu.memref_slice %arg2[%dma_wait3A_104, %dma_wait3A_105] : memref<10000x128xf32, #tpu.memory_space<hbm>> -> memref<10000x128xf32, #tpu.memory_space<hbm>>
      %dma_wait3A_107 = tpu.memref_slice %arg11[%dma_wait3A_96] : memref<2x!tpu.dma_semaphore, #tpu.memory_space<semaphore_mem>> -> memref<1x!tpu.dma_semaphore, #tpu.memory_space<semaphore_mem>>
      %dma_wait3A_108 = tpu.memref_squeeze %dma_wait3A_107 : memref<1x!tpu.dma_semaphore, #tpu.memory_space<semaphore_mem>> -> memref<!tpu.dma_semaphore, #tpu.memory_space<semaphore_mem>>
      tpu.wait_indirect_dma semaphore(%dma_wait3A_108 : memref<!tpu.dma_semaphore, #tpu.memory_space<semaphore_mem>>) src(%dma_wait3A_106 : memref<10000x128xf32, #tpu.memory_space<hbm>>) dst(%dma_wait3A_100 : memref<128x128xf32, #tpu.memory_space<vmem>>)
      %run_scoped3A_109 = arith.constant 0 : i32
      %run_scoped3A_110 = arith.constant 0 : i32
      "tpu.region"() ({
        %run_scoped3A_180 = tpu.sem_alloc : memref<!tpu.dma_semaphore, #tpu.memory_space<semaphore_mem>>
        %dma_start3A_181 = arith.constant 0 : i32
        %dma_start3A_182 = arith.constant 0 : i32
        %dma_start3A_183 = tpu.memref_slice %arg10[%run_scoped3A_109, %dma_start3A_181, %dma_start3A_182] : memref<2x128x128xf32, #tpu.memory_space<vmem>> -> memref<1x128x128xf32, #tpu.memory_space<vmem>>
        %dma_start3A_184 = tpu.memref_squeeze %dma_start3A_183 : memref<1x128x128xf32, #tpu.memory_space<vmem>> -> memref<128x128xf32, #tpu.memory_space<vmem>>
        %dma_start3A_185 = arith.constant 0 : i32
        %dma_start3A_186 = tpu.memref_slice %arg9[%run_scoped3A_110, %dma_start3A_185] : memref<2x128xi32, #tpu.memory_space<vmem>> -> memref<1x128xi32, #tpu.memory_space<vmem>>
        %dma_start3A_187 = tpu.memref_squeeze %dma_start3A_186 : memref<1x128xi32, #tpu.memory_space<vmem>> -> memref<128xi32, #tpu.memory_space<vmem>>
        %dma_start3A_188 = arith.constant 0 : i32
        %dma_start3A_189 = arith.constant 0 : i32
        %dma_start3A_190 = tpu.memref_slice %arg7[%dma_start3A_188, %dma_start3A_189] : memref<10008x128xf32, #tpu.memory_space<vmem_shared>> -> memref<10008x128xf32, #tpu.memory_space<vmem_shared>>
        tpu.enqueue_indirect_dma source(%dma_start3A_184 : memref<128x128xf32, #tpu.memory_space<vmem>>) target(%dma_start3A_190 : memref<10008x128xf32, #tpu.memory_space<vmem_shared>>) offsets(%dma_start3A_187 : memref<128xi32, #tpu.memory_space<vmem>>) semaphore(%run_scoped3A_180 : memref<!tpu.dma_semaphore, #tpu.memory_space<semaphore_mem>>) {add = true}
        %dma_wait3A_191 = arith.constant 0 : i32
        %dma_wait3A_192 = arith.constant 0 : i32
        %dma_wait3A_193 = tpu.memref_slice %arg10[%run_scoped3A_109, %dma_wait3A_191, %dma_wait3A_192] : memref<2x128x128xf32, #tpu.memory_space<vmem>> -> memref<1x128x128xf32, #tpu.memory_space<vmem>>
        %dma_wait3A_194 = tpu.memref_squeeze %dma_wait3A_193 : memref<1x128x128xf32, #tpu.memory_space<vmem>> -> memref<128x128xf32, #tpu.memory_space<vmem>>
        %dma_wait3A_195 = arith.constant 0 : i32
        %dma_wait3A_196 = tpu.memref_slice %arg9[%run_scoped3A_110, %dma_wait3A_195] : memref<2x128xi32, #tpu.memory_space<vmem>> -> memref<1x128xi32, #tpu.memory_space<vmem>>
        %dma_wait3A_197 = tpu.memref_squeeze %dma_wait3A_196 : memref<1x128xi32, #tpu.memory_space<vmem>> -> memref<128xi32, #tpu.memory_space<vmem>>
        %dma_wait3A_198 = arith.constant 0 : i32
        %dma_wait3A_199 = arith.constant 0 : i32
        %dma_wait3A_200 = tpu.memref_slice %arg7[%dma_wait3A_198, %dma_wait3A_199] : memref<10008x128xf32, #tpu.memory_space<vmem_shared>> -> memref<10008x128xf32, #tpu.memory_space<vmem_shared>>
        tpu.wait_indirect_dma semaphore(%run_scoped3A_180 : memref<!tpu.dma_semaphore, #tpu.memory_space<semaphore_mem>>) src(%dma_wait3A_194 : memref<128x128xf32, #tpu.memory_space<vmem>>) dst(%dma_wait3A_200 : memref<10008x128xf32, #tpu.memory_space<vmem_shared>>)
        tpu.yield
      }) : () -> ()
      %mul3A_111 = arith.constant 2 : i32
      %mul3A_112 = arith.muli %mul3A_111, %scan3A_93 : i32
      %add3A_113 = arith.constant 0 : i32
      %add3A_114 = arith.addi %mul3A_112, %add3A_113 : i32
      %add3A_115 = arith.constant 2 : i32
      %add3A_116 = arith.addi %add3A_114, %add3A_115 : i32
      %mul3A_117 = arith.constant 128 : i32
      %mul3A_118 = arith.muli %add3A_116, %mul3A_117 : i32
      %add3A_119 = arith.addi %mul3A_8, %mul3A_118 : i32
      %run_scoped3A_120 = arith.constant 0 : i32
      "tpu.region"() ({
        %run_scoped3A_180 = tpu.sem_alloc : memref<!tpu.dma_semaphore, #tpu.memory_space<semaphore_mem>>
        %dma_start3A_181 = arith.constant 0 : i32
        %dma_start3A_182 = tpu.memref_slice %arg8[%run_scoped3A_120, %dma_start3A_181] : memref<2x128xi32, #tpu.memory_space<vmem>> -> memref<1x128xi32, #tpu.memory_space<vmem>>
        %dma_start3A_183 = tpu.memref_squeeze %dma_start3A_182 : memref<1x128xi32, #tpu.memory_space<vmem>> -> memref<128xi32, #tpu.memory_space<vmem>>
        %dma_start3A_184 = tpu.memref_slice %arg3[%add3A_119] : memref<327680xi32, #tpu.memory_space<hbm>> -> memref<128xi32, #tpu.memory_space<hbm>>
        %dma_start3A_185 = arith.constant 0 : i32
        %dma_start3A_186 = tpu.memref_slice %arg8[%run_scoped3A_120, %dma_start3A_185] : memref<2x128xi32, #tpu.memory_space<vmem>> -> memref<1x128xi32, #tpu.memory_space<vmem>>
        %dma_start3A_187 = tpu.memref_squeeze %dma_start3A_186 : memref<1x128xi32, #tpu.memory_space<vmem>> -> memref<128xi32, #tpu.memory_space<vmem>>
        %dma_start3A_188 = tpu.memref_slice %arg3[%add3A_119] : memref<327680xi32, #tpu.memory_space<hbm>> -> memref<128xi32, #tpu.memory_space<hbm>>
        tpu.enqueue_dma source(%dma_start3A_188 : memref<128xi32, #tpu.memory_space<hbm>>) target(%dma_start3A_187 : memref<128xi32, #tpu.memory_space<vmem>>) target_semaphore(%run_scoped3A_180 : memref<!tpu.dma_semaphore, #tpu.memory_space<semaphore_mem>>)
        %dma_wait3A_189 = arith.constant 0 : i32
        %dma_wait3A_190 = tpu.memref_slice %arg8[%run_scoped3A_120, %dma_wait3A_189] : memref<2x128xi32, #tpu.memory_space<vmem>> -> memref<1x128xi32, #tpu.memory_space<vmem>>
        %dma_wait3A_191 = tpu.memref_squeeze %dma_wait3A_190 : memref<1x128xi32, #tpu.memory_space<vmem>> -> memref<128xi32, #tpu.memory_space<vmem>>
        %dma_wait3A_192 = tpu.memref_slice %arg3[%add3A_119] : memref<327680xi32, #tpu.memory_space<hbm>> -> memref<128xi32, #tpu.memory_space<hbm>>
        %dma_wait3A_193 = arith.constant 0 : i32
        %dma_wait3A_194 = tpu.memref_slice %arg8[%run_scoped3A_120, %dma_wait3A_193] : memref<2x128xi32, #tpu.memory_space<vmem>> -> memref<1x128xi32, #tpu.memory_space<vmem>>
        %dma_wait3A_195 = tpu.memref_squeeze %dma_wait3A_194 : memref<1x128xi32, #tpu.memory_space<vmem>> -> memref<128xi32, #tpu.memory_space<vmem>>
        %dma_wait3A_196 = tpu.memref_slice %arg3[%add3A_119] : memref<327680xi32, #tpu.memory_space<hbm>> -> memref<128xi32, #tpu.memory_space<hbm>>
        tpu.wait_dma2 semaphore(%run_scoped3A_180 : memref<!tpu.dma_semaphore, #tpu.memory_space<semaphore_mem>>) src(%dma_wait3A_196 : memref<128xi32, #tpu.memory_space<hbm>>) dst(%dma_wait3A_195 : memref<128xi32, #tpu.memory_space<vmem>>)
        tpu.yield
      }) : () -> ()
      %run_scoped3A_121 = arith.constant 0 : i32
      "tpu.region"() ({
        %run_scoped3A_180 = tpu.sem_alloc : memref<!tpu.dma_semaphore, #tpu.memory_space<semaphore_mem>>
        %dma_start3A_181 = arith.constant 0 : i32
        %dma_start3A_182 = tpu.memref_slice %arg9[%run_scoped3A_121, %dma_start3A_181] : memref<2x128xi32, #tpu.memory_space<vmem>> -> memref<1x128xi32, #tpu.memory_space<vmem>>
        %dma_start3A_183 = tpu.memref_squeeze %dma_start3A_182 : memref<1x128xi32, #tpu.memory_space<vmem>> -> memref<128xi32, #tpu.memory_space<vmem>>
        %dma_start3A_184 = tpu.memref_slice %arg4[%add3A_119] : memref<327680xi32, #tpu.memory_space<hbm>> -> memref<128xi32, #tpu.memory_space<hbm>>
        %dma_start3A_185 = arith.constant 0 : i32
        %dma_start3A_186 = tpu.memref_slice %arg9[%run_scoped3A_121, %dma_start3A_185] : memref<2x128xi32, #tpu.memory_space<vmem>> -> memref<1x128xi32, #tpu.memory_space<vmem>>
        %dma_start3A_187 = tpu.memref_squeeze %dma_start3A_186 : memref<1x128xi32, #tpu.memory_space<vmem>> -> memref<128xi32, #tpu.memory_space<vmem>>
        %dma_start3A_188 = tpu.memref_slice %arg4[%add3A_119] : memref<327680xi32, #tpu.memory_space<hbm>> -> memref<128xi32, #tpu.memory_space<hbm>>
        tpu.enqueue_dma source(%dma_start3A_188 : memref<128xi32, #tpu.memory_space<hbm>>) target(%dma_start3A_187 : memref<128xi32, #tpu.memory_space<vmem>>) target_semaphore(%run_scoped3A_180 : memref<!tpu.dma_semaphore, #tpu.memory_space<semaphore_mem>>)
        %dma_wait3A_189 = arith.constant 0 : i32
        %dma_wait3A_190 = tpu.memref_slice %arg9[%run_scoped3A_121, %dma_wait3A_189] : memref<2x128xi32, #tpu.memory_space<vmem>> -> memref<1x128xi32, #tpu.memory_space<vmem>>
        %dma_wait3A_191 = tpu.memref_squeeze %dma_wait3A_190 : memref<1x128xi32, #tpu.memory_space<vmem>> -> memref<128xi32, #tpu.memory_space<vmem>>
        %dma_wait3A_192 = tpu.memref_slice %arg4[%add3A_119] : memref<327680xi32, #tpu.memory_space<hbm>> -> memref<128xi32, #tpu.memory_space<hbm>>
        %dma_wait3A_193 = arith.constant 0 : i32
        %dma_wait3A_194 = tpu.memref_slice %arg9[%run_scoped3A_121, %dma_wait3A_193] : memref<2x128xi32, #tpu.memory_space<vmem>> -> memref<1x128xi32, #tpu.memory_space<vmem>>
        %dma_wait3A_195 = tpu.memref_squeeze %dma_wait3A_194 : memref<1x128xi32, #tpu.memory_space<vmem>> -> memref<128xi32, #tpu.memory_space<vmem>>
        %dma_wait3A_196 = tpu.memref_slice %arg4[%add3A_119] : memref<327680xi32, #tpu.memory_space<hbm>> -> memref<128xi32, #tpu.memory_space<hbm>>
        tpu.wait_dma2 semaphore(%run_scoped3A_180 : memref<!tpu.dma_semaphore, #tpu.memory_space<semaphore_mem>>) src(%dma_wait3A_196 : memref<128xi32, #tpu.memory_space<hbm>>) dst(%dma_wait3A_195 : memref<128xi32, #tpu.memory_space<vmem>>)
        tpu.yield
      }) : () -> ()
      %dma_start3A_122 = arith.constant 0 : i32
      %dma_start3A_123 = arith.constant 0 : i32
      %dma_start3A_124 = arith.constant 0 : i32
      %dma_start3A_125 = arith.constant 0 : i32
      %dma_start3A_126 = arith.constant 0 : i32
      %dma_start3A_127 = tpu.memref_slice %arg10[%dma_start3A_123, %dma_start3A_125, %dma_start3A_126] : memref<2x128x128xf32, #tpu.memory_space<vmem>> -> memref<1x128x128xf32, #tpu.memory_space<vmem>>
      %dma_start3A_128 = tpu.memref_squeeze %dma_start3A_127 : memref<1x128x128xf32, #tpu.memory_space<vmem>> -> memref<128x128xf32, #tpu.memory_space<vmem>>
      %dma_start3A_129 = arith.constant 0 : i32
      %dma_start3A_130 = tpu.memref_slice %arg8[%dma_start3A_122, %dma_start3A_129] : memref<2x128xi32, #tpu.memory_space<vmem>> -> memref<1x128xi32, #tpu.memory_space<vmem>>
      %dma_start3A_131 = tpu.memref_squeeze %dma_start3A_130 : memref<1x128xi32, #tpu.memory_space<vmem>> -> memref<128xi32, #tpu.memory_space<vmem>>
      %dma_start3A_132 = arith.constant 0 : i32
      %dma_start3A_133 = arith.constant 0 : i32
      %dma_start3A_134 = tpu.memref_slice %arg2[%dma_start3A_132, %dma_start3A_133] : memref<10000x128xf32, #tpu.memory_space<hbm>> -> memref<10000x128xf32, #tpu.memory_space<hbm>>
      %dma_start3A_135 = tpu.memref_slice %arg11[%dma_start3A_124] : memref<2x!tpu.dma_semaphore, #tpu.memory_space<semaphore_mem>> -> memref<1x!tpu.dma_semaphore, #tpu.memory_space<semaphore_mem>>
      %dma_start3A_136 = tpu.memref_squeeze %dma_start3A_135 : memref<1x!tpu.dma_semaphore, #tpu.memory_space<semaphore_mem>> -> memref<!tpu.dma_semaphore, #tpu.memory_space<semaphore_mem>>
      tpu.enqueue_indirect_dma source(%dma_start3A_134 : memref<10000x128xf32, #tpu.memory_space<hbm>>) target(%dma_start3A_128 : memref<128x128xf32, #tpu.memory_space<vmem>>) offsets(%dma_start3A_131 : memref<128xi32, #tpu.memory_space<vmem>>) semaphore(%dma_start3A_136 : memref<!tpu.dma_semaphore, #tpu.memory_space<semaphore_mem>>)
      %dma_wait3A_137 = arith.constant 1 : i32
      %dma_wait3A_138 = arith.constant 1 : i32
      %dma_wait3A_139 = arith.constant 1 : i32
      %dma_wait3A_140 = arith.constant 0 : i32
      %dma_wait3A_141 = arith.constant 0 : i32
      %dma_wait3A_142 = tpu.memref_slice %arg10[%dma_wait3A_138, %dma_wait3A_140, %dma_wait3A_141] : memref<2x128x128xf32, #tpu.memory_space<vmem>> -> memref<1x128x128xf32, #tpu.memory_space<vmem>>
      %dma_wait3A_143 = tpu.memref_squeeze %dma_wait3A_142 : memref<1x128x128xf32, #tpu.memory_space<vmem>> -> memref<128x128xf32, #tpu.memory_space<vmem>>
      %dma_wait3A_144 = arith.constant 0 : i32
      %dma_wait3A_145 = tpu.memref_slice %arg8[%dma_wait3A_137, %dma_wait3A_144] : memref<2x128xi32, #tpu.memory_space<vmem>> -> memref<1x128xi32, #tpu.memory_space<vmem>>
      %dma_wait3A_146 = tpu.memref_squeeze %dma_wait3A_145 : memref<1x128xi32, #tpu.memory_space<vmem>> -> memref<128xi32, #tpu.memory_space<vmem>>
      %dma_wait3A_147 = arith.constant 0 : i32
      %dma_wait3A_148 = arith.constant 0 : i32
      %dma_wait3A_149 = tpu.memref_slice %arg2[%dma_wait3A_147, %dma_wait3A_148] : memref<10000x128xf32, #tpu.memory_space<hbm>> -> memref<10000x128xf32, #tpu.memory_space<hbm>>
      %dma_wait3A_150 = tpu.memref_slice %arg11[%dma_wait3A_139] : memref<2x!tpu.dma_semaphore, #tpu.memory_space<semaphore_mem>> -> memref<1x!tpu.dma_semaphore, #tpu.memory_space<semaphore_mem>>
      %dma_wait3A_151 = tpu.memref_squeeze %dma_wait3A_150 : memref<1x!tpu.dma_semaphore, #tpu.memory_space<semaphore_mem>> -> memref<!tpu.dma_semaphore, #tpu.memory_space<semaphore_mem>>
      tpu.wait_indirect_dma semaphore(%dma_wait3A_151 : memref<!tpu.dma_semaphore, #tpu.memory_space<semaphore_mem>>) src(%dma_wait3A_149 : memref<10000x128xf32, #tpu.memory_space<hbm>>) dst(%dma_wait3A_143 : memref<128x128xf32, #tpu.memory_space<vmem>>)
      %run_scoped3A_152 = arith.constant 1 : i32
      %run_scoped3A_153 = arith.constant 1 : i32
      "tpu.region"() ({
        %run_scoped3A_180 = tpu.sem_alloc : memref<!tpu.dma_semaphore, #tpu.memory_space<semaphore_mem>>
        %dma_start3A_181 = arith.constant 0 : i32
        %dma_start3A_182 = arith.constant 0 : i32
        %dma_start3A_183 = tpu.memref_slice %arg10[%run_scoped3A_152, %dma_start3A_181, %dma_start3A_182] : memref<2x128x128xf32, #tpu.memory_space<vmem>> -> memref<1x128x128xf32, #tpu.memory_space<vmem>>
        %dma_start3A_184 = tpu.memref_squeeze %dma_start3A_183 : memref<1x128x128xf32, #tpu.memory_space<vmem>> -> memref<128x128xf32, #tpu.memory_space<vmem>>
        %dma_start3A_185 = arith.constant 0 : i32
        %dma_start3A_186 = tpu.memref_slice %arg9[%run_scoped3A_153, %dma_start3A_185] : memref<2x128xi32, #tpu.memory_space<vmem>> -> memref<1x128xi32, #tpu.memory_space<vmem>>
        %dma_start3A_187 = tpu.memref_squeeze %dma_start3A_186 : memref<1x128xi32, #tpu.memory_space<vmem>> -> memref<128xi32, #tpu.memory_space<vmem>>
        %dma_start3A_188 = arith.constant 0 : i32
        %dma_start3A_189 = arith.constant 0 : i32
        %dma_start3A_190 = tpu.memref_slice %arg7[%dma_start3A_188, %dma_start3A_189] : memref<10008x128xf32, #tpu.memory_space<vmem_shared>> -> memref<10008x128xf32, #tpu.memory_space<vmem_shared>>
        tpu.enqueue_indirect_dma source(%dma_start3A_184 : memref<128x128xf32, #tpu.memory_space<vmem>>) target(%dma_start3A_190 : memref<10008x128xf32, #tpu.memory_space<vmem_shared>>) offsets(%dma_start3A_187 : memref<128xi32, #tpu.memory_space<vmem>>) semaphore(%run_scoped3A_180 : memref<!tpu.dma_semaphore, #tpu.memory_space<semaphore_mem>>) {add = true}
        %dma_wait3A_191 = arith.constant 0 : i32
        %dma_wait3A_192 = arith.constant 0 : i32
        %dma_wait3A_193 = tpu.memref_slice %arg10[%run_scoped3A_152, %dma_wait3A_191, %dma_wait3A_192] : memref<2x128x128xf32, #tpu.memory_space<vmem>> -> memref<1x128x128xf32, #tpu.memory_space<vmem>>
        %dma_wait3A_194 = tpu.memref_squeeze %dma_wait3A_193 : memref<1x128x128xf32, #tpu.memory_space<vmem>> -> memref<128x128xf32, #tpu.memory_space<vmem>>
        %dma_wait3A_195 = arith.constant 0 : i32
        %dma_wait3A_196 = tpu.memref_slice %arg9[%run_scoped3A_153, %dma_wait3A_195] : memref<2x128xi32, #tpu.memory_space<vmem>> -> memref<1x128xi32, #tpu.memory_space<vmem>>
        %dma_wait3A_197 = tpu.memref_squeeze %dma_wait3A_196 : memref<1x128xi32, #tpu.memory_space<vmem>> -> memref<128xi32, #tpu.memory_space<vmem>>
        %dma_wait3A_198 = arith.constant 0 : i32
        %dma_wait3A_199 = arith.constant 0 : i32
        %dma_wait3A_200 = tpu.memref_slice %arg7[%dma_wait3A_198, %dma_wait3A_199] : memref<10008x128xf32, #tpu.memory_space<vmem_shared>> -> memref<10008x128xf32, #tpu.memory_space<vmem_shared>>
        tpu.wait_indirect_dma semaphore(%run_scoped3A_180 : memref<!tpu.dma_semaphore, #tpu.memory_space<semaphore_mem>>) src(%dma_wait3A_194 : memref<128x128xf32, #tpu.memory_space<vmem>>) dst(%dma_wait3A_200 : memref<10008x128xf32, #tpu.memory_space<vmem_shared>>)
        tpu.yield
      }) : () -> ()
      %mul3A_154 = arith.constant 2 : i32
      %mul3A_155 = arith.muli %mul3A_154, %scan3A_93 : i32
      %add3A_156 = arith.constant 1 : i32
      %add3A_157 = arith.addi %mul3A_155, %add3A_156 : i32
      %add3A_158 = arith.constant 2 : i32
      %add3A_159 = arith.addi %add3A_157, %add3A_158 : i32
      %mul3A_160 = arith.constant 128 : i32
      %mul3A_161 = arith.muli %add3A_159, %mul3A_160 : i32
      %add3A_162 = arith.addi %mul3A_8, %mul3A_161 : i32
      %run_scoped3A_163 = arith.constant 1 : i32
      "tpu.region"() ({
        %run_scoped3A_180 = tpu.sem_alloc : memref<!tpu.dma_semaphore, #tpu.memory_space<semaphore_mem>>
        %dma_start3A_181 = arith.constant 0 : i32
        %dma_start3A_182 = tpu.memref_slice %arg8[%run_scoped3A_163, %dma_start3A_181] : memref<2x128xi32, #tpu.memory_space<vmem>> -> memref<1x128xi32, #tpu.memory_space<vmem>>
        %dma_start3A_183 = tpu.memref_squeeze %dma_start3A_182 : memref<1x128xi32, #tpu.memory_space<vmem>> -> memref<128xi32, #tpu.memory_space<vmem>>
        %dma_start3A_184 = tpu.memref_slice %arg3[%add3A_162] : memref<327680xi32, #tpu.memory_space<hbm>> -> memref<128xi32, #tpu.memory_space<hbm>>
        %dma_start3A_185 = arith.constant 0 : i32
        %dma_start3A_186 = tpu.memref_slice %arg8[%run_scoped3A_163, %dma_start3A_185] : memref<2x128xi32, #tpu.memory_space<vmem>> -> memref<1x128xi32, #tpu.memory_space<vmem>>
        %dma_start3A_187 = tpu.memref_squeeze %dma_start3A_186 : memref<1x128xi32, #tpu.memory_space<vmem>> -> memref<128xi32, #tpu.memory_space<vmem>>
        %dma_start3A_188 = tpu.memref_slice %arg3[%add3A_162] : memref<327680xi32, #tpu.memory_space<hbm>> -> memref<128xi32, #tpu.memory_space<hbm>>
        tpu.enqueue_dma source(%dma_start3A_188 : memref<128xi32, #tpu.memory_space<hbm>>) target(%dma_start3A_187 : memref<128xi32, #tpu.memory_space<vmem>>) target_semaphore(%run_scoped3A_180 : memref<!tpu.dma_semaphore, #tpu.memory_space<semaphore_mem>>)
        %dma_wait3A_189 = arith.constant 0 : i32
        %dma_wait3A_190 = tpu.memref_slice %arg8[%run_scoped3A_163, %dma_wait3A_189] : memref<2x128xi32, #tpu.memory_space<vmem>> -> memref<1x128xi32, #tpu.memory_space<vmem>>
        %dma_wait3A_191 = tpu.memref_squeeze %dma_wait3A_190 : memref<1x128xi32, #tpu.memory_space<vmem>> -> memref<128xi32, #tpu.memory_space<vmem>>
        %dma_wait3A_192 = tpu.memref_slice %arg3[%add3A_162] : memref<327680xi32, #tpu.memory_space<hbm>> -> memref<128xi32, #tpu.memory_space<hbm>>
        %dma_wait3A_193 = arith.constant 0 : i32
        %dma_wait3A_194 = tpu.memref_slice %arg8[%run_scoped3A_163, %dma_wait3A_193] : memref<2x128xi32, #tpu.memory_space<vmem>> -> memref<1x128xi32, #tpu.memory_space<vmem>>
        %dma_wait3A_195 = tpu.memref_squeeze %dma_wait3A_194 : memref<1x128xi32, #tpu.memory_space<vmem>> -> memref<128xi32, #tpu.memory_space<vmem>>
        %dma_wait3A_196 = tpu.memref_slice %arg3[%add3A_162] : memref<327680xi32, #tpu.memory_space<hbm>> -> memref<128xi32, #tpu.memory_space<hbm>>
        tpu.wait_dma2 semaphore(%run_scoped3A_180 : memref<!tpu.dma_semaphore, #tpu.memory_space<semaphore_mem>>) src(%dma_wait3A_196 : memref<128xi32, #tpu.memory_space<hbm>>) dst(%dma_wait3A_195 : memref<128xi32, #tpu.memory_space<vmem>>)
        tpu.yield
      }) : () -> ()
      %run_scoped3A_164 = arith.constant 1 : i32
      "tpu.region"() ({
        %run_scoped3A_180 = tpu.sem_alloc : memref<!tpu.dma_semaphore, #tpu.memory_space<semaphore_mem>>
        %dma_start3A_181 = arith.constant 0 : i32
        %dma_start3A_182 = tpu.memref_slice %arg9[%run_scoped3A_164, %dma_start3A_181] : memref<2x128xi32, #tpu.memory_space<vmem>> -> memref<1x128xi32, #tpu.memory_space<vmem>>
        %dma_start3A_183 = tpu.memref_squeeze %dma_start3A_182 : memref<1x128xi32, #tpu.memory_space<vmem>> -> memref<128xi32, #tpu.memory_space<vmem>>
        %dma_start3A_184 = tpu.memref_slice %arg4[%add3A_162] : memref<327680xi32, #tpu.memory_space<hbm>> -> memref<128xi32, #tpu.memory_space<hbm>>
        %dma_start3A_185 = arith.constant 0 : i32
        %dma_start3A_186 = tpu.memref_slice %arg9[%run_scoped3A_164, %dma_start3A_185] : memref<2x128xi32, #tpu.memory_space<vmem>> -> memref<1x128xi32, #tpu.memory_space<vmem>>
        %dma_start3A_187 = tpu.memref_squeeze %dma_start3A_186 : memref<1x128xi32, #tpu.memory_space<vmem>> -> memref<128xi32, #tpu.memory_space<vmem>>
        %dma_start3A_188 = tpu.memref_slice %arg4[%add3A_162] : memref<327680xi32, #tpu.memory_space<hbm>> -> memref<128xi32, #tpu.memory_space<hbm>>
        tpu.enqueue_dma source(%dma_start3A_188 : memref<128xi32, #tpu.memory_space<hbm>>) target(%dma_start3A_187 : memref<128xi32, #tpu.memory_space<vmem>>) target_semaphore(%run_scoped3A_180 : memref<!tpu.dma_semaphore, #tpu.memory_space<semaphore_mem>>)
        %dma_wait3A_189 = arith.constant 0 : i32
        %dma_wait3A_190 = tpu.memref_slice %arg9[%run_scoped3A_164, %dma_wait3A_189] : memref<2x128xi32, #tpu.memory_space<vmem>> -> memref<1x128xi32, #tpu.memory_space<vmem>>
        %dma_wait3A_191 = tpu.memref_squeeze %dma_wait3A_190 : memref<1x128xi32, #tpu.memory_space<vmem>> -> memref<128xi32, #tpu.memory_space<vmem>>
        %dma_wait3A_192 = tpu.memref_slice %arg4[%add3A_162] : memref<327680xi32, #tpu.memory_space<hbm>> -> memref<128xi32, #tpu.memory_space<hbm>>
        %dma_wait3A_193 = arith.constant 0 : i32
        %dma_wait3A_194 = tpu.memref_slice %arg9[%run_scoped3A_164, %dma_wait3A_193] : memref<2x128xi32, #tpu.memory_space<vmem>> -> memref<1x128xi32, #tpu.memory_space<vmem>>
        %dma_wait3A_195 = tpu.memref_squeeze %dma_wait3A_194 : memref<1x128xi32, #tpu.memory_space<vmem>> -> memref<128xi32, #tpu.memory_space<vmem>>
        %dma_wait3A_196 = tpu.memref_slice %arg4[%add3A_162] : memref<327680xi32, #tpu.memory_space<hbm>> -> memref<128xi32, #tpu.memory_space<hbm>>
        tpu.wait_dma2 semaphore(%run_scoped3A_180 : memref<!tpu.dma_semaphore, #tpu.memory_space<semaphore_mem>>) src(%dma_wait3A_196 : memref<128xi32, #tpu.memory_space<hbm>>) dst(%dma_wait3A_195 : memref<128xi32, #tpu.memory_space<vmem>>)
        tpu.yield
      }) : () -> ()
      %dma_start3A_165 = arith.constant 1 : i32
      %dma_start3A_166 = arith.constant 1 : i32
      %dma_start3A_167 = arith.constant 1 : i32
      %dma_start3A_168 = arith.constant 0 : i32
      %dma_start3A_169 = arith.constant 0 : i32
      %dma_start3A_170 = tpu.memref_slice %arg10[%dma_start3A_166, %dma_start3A_168, %dma_start3A_169] : memref<2x128x128xf32, #tpu.memory_space<vmem>> -> memref<1x128x128xf32, #tpu.memory_space<vmem>>
      %dma_start3A_171 = tpu.memref_squeeze %dma_start3A_170 : memref<1x128x128xf32, #tpu.memory_space<vmem>> -> memref<128x128xf32, #tpu.memory_space<vmem>>
      %dma_start3A_172 = arith.constant 0 : i32
      %dma_start3A_173 = tpu.memref_slice %arg8[%dma_start3A_165, %dma_start3A_172] : memref<2x128xi32, #tpu.memory_space<vmem>> -> memref<1x128xi32, #tpu.memory_space<vmem>>
      %dma_start3A_174 = tpu.memref_squeeze %dma_start3A_173 : memref<1x128xi32, #tpu.memory_space<vmem>> -> memref<128xi32, #tpu.memory_space<vmem>>
      %dma_start3A_175 = arith.constant 0 : i32
      %dma_start3A_176 = arith.constant 0 : i32
      %dma_start3A_177 = tpu.memref_slice %arg2[%dma_start3A_175, %dma_start3A_176] : memref<10000x128xf32, #tpu.memory_space<hbm>> -> memref<10000x128xf32, #tpu.memory_space<hbm>>
      %dma_start3A_178 = tpu.memref_slice %arg11[%dma_start3A_167] : memref<2x!tpu.dma_semaphore, #tpu.memory_space<semaphore_mem>> -> memref<1x!tpu.dma_semaphore, #tpu.memory_space<semaphore_mem>>
      %dma_start3A_179 = tpu.memref_squeeze %dma_start3A_178 : memref<1x!tpu.dma_semaphore, #tpu.memory_space<semaphore_mem>> -> memref<!tpu.dma_semaphore, #tpu.memory_space<semaphore_mem>>
      tpu.enqueue_indirect_dma source(%dma_start3A_177 : memref<10000x128xf32, #tpu.memory_space<hbm>>) target(%dma_start3A_171 : memref<128x128xf32, #tpu.memory_space<vmem>>) offsets(%dma_start3A_174 : memref<128xi32, #tpu.memory_space<vmem>>) semaphore(%dma_start3A_179 : memref<!tpu.dma_semaphore, #tpu.memory_space<semaphore_mem>>)
    }
    %scan3A_49 = arith.constant 39 : i32
    %dma_wait3A = arith.constant 0 : i32
    %dma_wait3A_50 = arith.constant 0 : i32
    %dma_wait3A_51 = arith.constant 0 : i32
    %dma_wait3A_52 = arith.constant 0 : i32
    %dma_wait3A_53 = arith.constant 0 : i32
    %dma_wait3A_54 = tpu.memref_slice %arg10[%dma_wait3A_50, %dma_wait3A_52, %dma_wait3A_53] : memref<2x128x128xf32, #tpu.memory_space<vmem>> -> memref<1x128x128xf32, #tpu.memory_space<vmem>>
    %dma_wait3A_55 = tpu.memref_squeeze %dma_wait3A_54 : memref<1x128x128xf32, #tpu.memory_space<vmem>> -> memref<128x128xf32, #tpu.memory_space<vmem>>
    %dma_wait3A_56 = arith.constant 0 : i32
    %dma_wait3A_57 = tpu.memref_slice %arg8[%dma_wait3A, %dma_wait3A_56] : memref<2x128xi32, #tpu.memory_space<vmem>> -> memref<1x128xi32, #tpu.memory_space<vmem>>
    %dma_wait3A_58 = tpu.memref_squeeze %dma_wait3A_57 : memref<1x128xi32, #tpu.memory_space<vmem>> -> memref<128xi32, #tpu.memory_space<vmem>>
    %dma_wait3A_59 = arith.constant 0 : i32
    %dma_wait3A_60 = arith.constant 0 : i32
    %dma_wait3A_61 = tpu.memref_slice %arg2[%dma_wait3A_59, %dma_wait3A_60] : memref<10000x128xf32, #tpu.memory_space<hbm>> -> memref<10000x128xf32, #tpu.memory_space<hbm>>
    %dma_wait3A_62 = tpu.memref_slice %arg11[%dma_wait3A_51] : memref<2x!tpu.dma_semaphore, #tpu.memory_space<semaphore_mem>> -> memref<1x!tpu.dma_semaphore, #tpu.memory_space<semaphore_mem>>
    %dma_wait3A_63 = tpu.memref_squeeze %dma_wait3A_62 : memref<1x!tpu.dma_semaphore, #tpu.memory_space<semaphore_mem>> -> memref<!tpu.dma_semaphore, #tpu.memory_space<semaphore_mem>>
    tpu.wait_indirect_dma semaphore(%dma_wait3A_63 : memref<!tpu.dma_semaphore, #tpu.memory_space<semaphore_mem>>) src(%dma_wait3A_61 : memref<10000x128xf32, #tpu.memory_space<hbm>>) dst(%dma_wait3A_55 : memref<128x128xf32, #tpu.memory_space<vmem>>)
    %run_scoped3A_64 = arith.constant 0 : i32
    %run_scoped3A_65 = arith.constant 0 : i32
    "tpu.region"() ({
      %run_scoped3A_93 = tpu.sem_alloc : memref<!tpu.dma_semaphore, #tpu.memory_space<semaphore_mem>>
      %dma_start3A_94 = arith.constant 0 : i32
      %dma_start3A_95 = arith.constant 0 : i32
      %dma_start3A_96 = tpu.memref_slice %arg10[%run_scoped3A_64, %dma_start3A_94, %dma_start3A_95] : memref<2x128x128xf32, #tpu.memory_space<vmem>> -> memref<1x128x128xf32, #tpu.memory_space<vmem>>
      %dma_start3A_97 = tpu.memref_squeeze %dma_start3A_96 : memref<1x128x128xf32, #tpu.memory_space<vmem>> -> memref<128x128xf32, #tpu.memory_space<vmem>>
      %dma_start3A_98 = arith.constant 0 : i32
      %dma_start3A_99 = tpu.memref_slice %arg9[%run_scoped3A_65, %dma_start3A_98] : memref<2x128xi32, #tpu.memory_space<vmem>> -> memref<1x128xi32, #tpu.memory_space<vmem>>
      %dma_start3A_100 = tpu.memref_squeeze %dma_start3A_99 : memref<1x128xi32, #tpu.memory_space<vmem>> -> memref<128xi32, #tpu.memory_space<vmem>>
      %dma_start3A_101 = arith.constant 0 : i32
      %dma_start3A_102 = arith.constant 0 : i32
      %dma_start3A_103 = tpu.memref_slice %arg7[%dma_start3A_101, %dma_start3A_102] : memref<10008x128xf32, #tpu.memory_space<vmem_shared>> -> memref<10008x128xf32, #tpu.memory_space<vmem_shared>>
      tpu.enqueue_indirect_dma source(%dma_start3A_97 : memref<128x128xf32, #tpu.memory_space<vmem>>) target(%dma_start3A_103 : memref<10008x128xf32, #tpu.memory_space<vmem_shared>>) offsets(%dma_start3A_100 : memref<128xi32, #tpu.memory_space<vmem>>) semaphore(%run_scoped3A_93 : memref<!tpu.dma_semaphore, #tpu.memory_space<semaphore_mem>>) {add = true}
      %dma_wait3A_104 = arith.constant 0 : i32
      %dma_wait3A_105 = arith.constant 0 : i32
      %dma_wait3A_106 = tpu.memref_slice %arg10[%run_scoped3A_64, %dma_wait3A_104, %dma_wait3A_105] : memref<2x128x128xf32, #tpu.memory_space<vmem>> -> memref<1x128x128xf32, #tpu.memory_space<vmem>>
      %dma_wait3A_107 = tpu.memref_squeeze %dma_wait3A_106 : memref<1x128x128xf32, #tpu.memory_space<vmem>> -> memref<128x128xf32, #tpu.memory_space<vmem>>
      %dma_wait3A_108 = arith.constant 0 : i32
      %dma_wait3A_109 = tpu.memref_slice %arg9[%run_scoped3A_65, %dma_wait3A_108] : memref<2x128xi32, #tpu.memory_space<vmem>> -> memref<1x128xi32, #tpu.memory_space<vmem>>
      %dma_wait3A_110 = tpu.memref_squeeze %dma_wait3A_109 : memref<1x128xi32, #tpu.memory_space<vmem>> -> memref<128xi32, #tpu.memory_space<vmem>>
      %dma_wait3A_111 = arith.constant 0 : i32
      %dma_wait3A_112 = arith.constant 0 : i32
      %dma_wait3A_113 = tpu.memref_slice %arg7[%dma_wait3A_111, %dma_wait3A_112] : memref<10008x128xf32, #tpu.memory_space<vmem_shared>> -> memref<10008x128xf32, #tpu.memory_space<vmem_shared>>
      tpu.wait_indirect_dma semaphore(%run_scoped3A_93 : memref<!tpu.dma_semaphore, #tpu.memory_space<semaphore_mem>>) src(%dma_wait3A_107 : memref<128x128xf32, #tpu.memory_space<vmem>>) dst(%dma_wait3A_113 : memref<10008x128xf32, #tpu.memory_space<vmem_shared>>)
      tpu.yield
    }) : () -> ()
    %dma_wait3A_66 = arith.constant 1 : i32
    %dma_wait3A_67 = arith.constant 1 : i32
    %dma_wait3A_68 = arith.constant 1 : i32
    %dma_wait3A_69 = arith.constant 0 : i32
    %dma_wait3A_70 = arith.constant 0 : i32
    %dma_wait3A_71 = tpu.memref_slice %arg10[%dma_wait3A_67, %dma_wait3A_69, %dma_wait3A_70] : memref<2x128x128xf32, #tpu.memory_space<vmem>> -> memref<1x128x128xf32, #tpu.memory_space<vmem>>
    %dma_wait3A_72 = tpu.memref_squeeze %dma_wait3A_71 : memref<1x128x128xf32, #tpu.memory_space<vmem>> -> memref<128x128xf32, #tpu.memory_space<vmem>>
    %dma_wait3A_73 = arith.constant 0 : i32
    %dma_wait3A_74 = tpu.memref_slice %arg8[%dma_wait3A_66, %dma_wait3A_73] : memref<2x128xi32, #tpu.memory_space<vmem>> -> memref<1x128xi32, #tpu.memory_space<vmem>>
    %dma_wait3A_75 = tpu.memref_squeeze %dma_wait3A_74 : memref<1x128xi32, #tpu.memory_space<vmem>> -> memref<128xi32, #tpu.memory_space<vmem>>
    %dma_wait3A_76 = arith.constant 0 : i32
    %dma_wait3A_77 = arith.constant 0 : i32
    %dma_wait3A_78 = tpu.memref_slice %arg2[%dma_wait3A_76, %dma_wait3A_77] : memref<10000x128xf32, #tpu.memory_space<hbm>> -> memref<10000x128xf32, #tpu.memory_space<hbm>>
    %dma_wait3A_79 = tpu.memref_slice %arg11[%dma_wait3A_68] : memref<2x!tpu.dma_semaphore, #tpu.memory_space<semaphore_mem>> -> memref<1x!tpu.dma_semaphore, #tpu.memory_space<semaphore_mem>>
    %dma_wait3A_80 = tpu.memref_squeeze %dma_wait3A_79 : memref<1x!tpu.dma_semaphore, #tpu.memory_space<semaphore_mem>> -> memref<!tpu.dma_semaphore, #tpu.memory_space<semaphore_mem>>
    tpu.wait_indirect_dma semaphore(%dma_wait3A_80 : memref<!tpu.dma_semaphore, #tpu.memory_space<semaphore_mem>>) src(%dma_wait3A_78 : memref<10000x128xf32, #tpu.memory_space<hbm>>) dst(%dma_wait3A_72 : memref<128x128xf32, #tpu.memory_space<vmem>>)
    %run_scoped3A_81 = arith.constant 1 : i32
    %run_scoped3A_82 = arith.constant 1 : i32
    "tpu.region"() ({
      %run_scoped3A_93 = tpu.sem_alloc : memref<!tpu.dma_semaphore, #tpu.memory_space<semaphore_mem>>
      %dma_start3A_94 = arith.constant 0 : i32
      %dma_start3A_95 = arith.constant 0 : i32
      %dma_start3A_96 = tpu.memref_slice %arg10[%run_scoped3A_81, %dma_start3A_94, %dma_start3A_95] : memref<2x128x128xf32, #tpu.memory_space<vmem>> -> memref<1x128x128xf32, #tpu.memory_space<vmem>>
      %dma_start3A_97 = tpu.memref_squeeze %dma_start3A_96 : memref<1x128x128xf32, #tpu.memory_space<vmem>> -> memref<128x128xf32, #tpu.memory_space<vmem>>
      %dma_start3A_98 = arith.constant 0 : i32
      %dma_start3A_99 = tpu.memref_slice %arg9[%run_scoped3A_82, %dma_start3A_98] : memref<2x128xi32, #tpu.memory_space<vmem>> -> memref<1x128xi32, #tpu.memory_space<vmem>>
      %dma_start3A_100 = tpu.memref_squeeze %dma_start3A_99 : memref<1x128xi32, #tpu.memory_space<vmem>> -> memref<128xi32, #tpu.memory_space<vmem>>
      %dma_start3A_101 = arith.constant 0 : i32
      %dma_start3A_102 = arith.constant 0 : i32
      %dma_start3A_103 = tpu.memref_slice %arg7[%dma_start3A_101, %dma_start3A_102] : memref<10008x128xf32, #tpu.memory_space<vmem_shared>> -> memref<10008x128xf32, #tpu.memory_space<vmem_shared>>
      tpu.enqueue_indirect_dma source(%dma_start3A_97 : memref<128x128xf32, #tpu.memory_space<vmem>>) target(%dma_start3A_103 : memref<10008x128xf32, #tpu.memory_space<vmem_shared>>) offsets(%dma_start3A_100 : memref<128xi32, #tpu.memory_space<vmem>>) semaphore(%run_scoped3A_93 : memref<!tpu.dma_semaphore, #tpu.memory_space<semaphore_mem>>) {add = true}
      %dma_wait3A_104 = arith.constant 0 : i32
      %dma_wait3A_105 = arith.constant 0 : i32
      %dma_wait3A_106 = tpu.memref_slice %arg10[%run_scoped3A_81, %dma_wait3A_104, %dma_wait3A_105] : memref<2x128x128xf32, #tpu.memory_space<vmem>> -> memref<1x128x128xf32, #tpu.memory_space<vmem>>
      %dma_wait3A_107 = tpu.memref_squeeze %dma_wait3A_106 : memref<1x128x128xf32, #tpu.memory_space<vmem>> -> memref<128x128xf32, #tpu.memory_space<vmem>>
      %dma_wait3A_108 = arith.constant 0 : i32
      %dma_wait3A_109 = tpu.memref_slice %arg9[%run_scoped3A_82, %dma_wait3A_108] : memref<2x128xi32, #tpu.memory_space<vmem>> -> memref<1x128xi32, #tpu.memory_space<vmem>>
      %dma_wait3A_110 = tpu.memref_squeeze %dma_wait3A_109 : memref<1x128xi32, #tpu.memory_space<vmem>> -> memref<128xi32, #tpu.memory_space<vmem>>
      %dma_wait3A_111 = arith.constant 0 : i32
      %dma_wait3A_112 = arith.constant 0 : i32
      %dma_wait3A_113 = tpu.memref_slice %arg7[%dma_wait3A_111, %dma_wait3A_112] : memref<10008x128xf32, #tpu.memory_space<vmem_shared>> -> memref<10008x128xf32, #tpu.memory_space<vmem_shared>>
      tpu.wait_indirect_dma semaphore(%run_scoped3A_93 : memref<!tpu.dma_semaphore, #tpu.memory_space<semaphore_mem>>) src(%dma_wait3A_107 : memref<128x128xf32, #tpu.memory_space<vmem>>) dst(%dma_wait3A_113 : memref<10008x128xf32, #tpu.memory_space<vmem_shared>>)
      tpu.yield
    }) : () -> ()
    %barrier3A_83 = arith.constant 0 : index
    tpu.barrier barrier_id(%barrier3A_83)
    %mul3A_84 = arith.constant 624 : i32
    %mul3A_85 = arith.muli %arg1, %mul3A_84 : i32
    %mul3A_86 = arith.constant 624 : i32
    %mul3A_87 = arith.muli %arg1, %mul3A_86 : i32
    "tpu.region"() ({
      %run_scoped3A_93 = tpu.sem_alloc : memref<!tpu.dma_semaphore, #tpu.memory_space<semaphore_mem>>
      %dma_start3A_94 = arith.constant 0 : i32
      %dma_start3A_95 = tpu.memref_slice %arg6[%arg0, %mul3A_87, %dma_start3A_94] : memref<2x10000x128xf32, #tpu.memory_space<hbm>> -> memref<1x624x128xf32, #tpu.memory_space<hbm>>
      %dma_start3A_96 = tpu.memref_squeeze %dma_start3A_95 : memref<1x624x128xf32, #tpu.memory_space<hbm>> -> memref<624x128xf32, #tpu.memory_space<hbm>>
      %dma_start3A_97 = arith.constant 0 : i32
      %dma_start3A_98 = tpu.memref_slice %arg7[%mul3A_85, %dma_start3A_97] : memref<10008x128xf32, #tpu.memory_space<vmem_shared>> -> memref<624x128xf32, #tpu.memory_space<vmem_shared>>
      tpu.enqueue_dma source(%dma_start3A_98 : memref<624x128xf32, #tpu.memory_space<vmem_shared>>) target(%dma_start3A_96 : memref<624x128xf32, #tpu.memory_space<hbm>>) target_semaphore(%run_scoped3A_93 : memref<!tpu.dma_semaphore, #tpu.memory_space<semaphore_mem>>)
      %dma_wait3A_99 = arith.constant 0 : i32
      %dma_wait3A_100 = tpu.memref_slice %arg6[%arg0, %mul3A_87, %dma_wait3A_99] : memref<2x10000x128xf32, #tpu.memory_space<hbm>> -> memref<1x624x128xf32, #tpu.memory_space<hbm>>
      %dma_wait3A_101 = tpu.memref_squeeze %dma_wait3A_100 : memref<1x624x128xf32, #tpu.memory_space<hbm>> -> memref<624x128xf32, #tpu.memory_space<hbm>>
      %dma_wait3A_102 = arith.constant 0 : i32
      %dma_wait3A_103 = tpu.memref_slice %arg7[%mul3A_85, %dma_wait3A_102] : memref<10008x128xf32, #tpu.memory_space<vmem_shared>> -> memref<624x128xf32, #tpu.memory_space<vmem_shared>>
      tpu.wait_dma2 semaphore(%run_scoped3A_93 : memref<!tpu.dma_semaphore, #tpu.memory_space<semaphore_mem>>) src(%dma_wait3A_103 : memref<624x128xf32, #tpu.memory_space<vmem_shared>>) dst(%dma_wait3A_101 : memref<624x128xf32, #tpu.memory_space<hbm>>)
      tpu.yield
    }) : () -> ()
    %eq3A_88 = arith.constant 0 : i32
    %eq3A_89 = arith.cmpi eq, %arg1, %eq3A_88 : i32
    %convert_element_type3A_90 = arith.extui %eq3A_89 : i1 to i32
    %cond3A_91 = arith.constant 0 : i32
    %cond3A_92 = arith.cmpi ne, %convert_element_type3A_90, %cond3A_91 : i32
    scf.if %cond3A_92 {
      "tpu.region"() ({
        %run_scoped3A_93 = tpu.sem_alloc : memref<!tpu.dma_semaphore, #tpu.memory_space<semaphore_mem>>
        %dma_start3A_94 = arith.constant 9984 : i32
        %dma_start3A_95 = arith.constant 0 : i32
        %dma_start3A_96 = tpu.memref_slice %arg6[%arg0, %dma_start3A_94, %dma_start3A_95] : memref<2x10000x128xf32, #tpu.memory_space<hbm>> -> memref<1x16x128xf32, #tpu.memory_space<hbm>>
        %dma_start3A_97 = tpu.memref_squeeze %dma_start3A_96 : memref<1x16x128xf32, #tpu.memory_space<hbm>> -> memref<16x128xf32, #tpu.memory_space<hbm>>
        %dma_start3A_98 = arith.constant 9984 : i32
        %dma_start3A_99 = arith.constant 0 : i32
        %dma_start3A_100 = tpu.memref_slice %arg7[%dma_start3A_98, %dma_start3A_99] : memref<10008x128xf32, #tpu.memory_space<vmem_shared>> -> memref<16x128xf32, #tpu.memory_space<vmem_shared>>
        tpu.enqueue_dma source(%dma_start3A_100 : memref<16x128xf32, #tpu.memory_space<vmem_shared>>) target(%dma_start3A_97 : memref<16x128xf32, #tpu.memory_space<hbm>>) target_semaphore(%run_scoped3A_93 : memref<!tpu.dma_semaphore, #tpu.memory_space<semaphore_mem>>)
        %dma_wait3A_101 = arith.constant 9984 : i32
        %dma_wait3A_102 = arith.constant 0 : i32
        %dma_wait3A_103 = tpu.memref_slice %arg6[%arg0, %dma_wait3A_101, %dma_wait3A_102] : memref<2x10000x128xf32, #tpu.memory_space<hbm>> -> memref<1x16x128xf32, #tpu.memory_space<hbm>>
        %dma_wait3A_104 = tpu.memref_squeeze %dma_wait3A_103 : memref<1x16x128xf32, #tpu.memory_space<hbm>> -> memref<16x128xf32, #tpu.memory_space<hbm>>
        %dma_wait3A_105 = arith.constant 9984 : i32
        %dma_wait3A_106 = arith.constant 0 : i32
        %dma_wait3A_107 = tpu.memref_slice %arg7[%dma_wait3A_105, %dma_wait3A_106] : memref<10008x128xf32, #tpu.memory_space<vmem_shared>> -> memref<16x128xf32, #tpu.memory_space<vmem_shared>>
        tpu.wait_dma2 semaphore(%run_scoped3A_93 : memref<!tpu.dma_semaphore, #tpu.memory_space<semaphore_mem>>) src(%dma_wait3A_107 : memref<16x128xf32, #tpu.memory_space<vmem_shared>>) dst(%dma_wait3A_104 : memref<16x128xf32, #tpu.memory_space<hbm>>)
        tpu.yield
      }) : () -> ()
    } else {
    }
    return
  }
}

module attributes {stable_mosaic.version = 14 : i64} {
  func.func @body(%arg0: i32, %arg1: memref<1000x128xf32, #tpu.memory_space<vmem>>, %arg2: memref<128x128xf32, #tpu.memory_space<vmem>>, %arg3: memref<1x128xf32, #tpu.memory_space<vmem>>, %arg4: memref<128x128xf32, #tpu.memory_space<vmem>>, %arg5: memref<1x128xf32, #tpu.memory_space<vmem>>, %arg6: memref<1000x128xf32, #tpu.memory_space<vmem>>, %arg7: memref<1000x128xf32, #tpu.memory_space<vmem>>) attributes {dimension_semantics = [#tpu.dimension_semantics<arbitrary>], iteration_bounds = array<i64: 10>, scalar_prefetch = 0 : i64, scratch_operands = 0 : i64, tpu.core_type = #tpu.core_type<tc>, window_params = [{transform_indices = @transform_0, window_bounds = array<i64: 1000, 128>}, {pipeline_mode = #tpu.pipeline_mode<synchronous>, transform_indices = @transform_1, window_bounds = array<i64: 128, 128>}, {pipeline_mode = #tpu.pipeline_mode<synchronous>, transform_indices = @transform_2, window_bounds = array<i64: 1, 128>}, {pipeline_mode = #tpu.pipeline_mode<synchronous>, transform_indices = @transform_3, window_bounds = array<i64: 128, 128>}, {pipeline_mode = #tpu.pipeline_mode<synchronous>, transform_indices = @transform_4, window_bounds = array<i64: 1, 128>}, {transform_indices = @transform_5, window_bounds = array<i64: 1000, 128>}, {transform_indices = @transform_6, window_bounds = array<i64: 1000, 128>}]} {
    %get3A = arith.constant 0 : index
    %get3A_0 = arith.constant 0 : index
    %get3A_1 = vector.load %arg1[%get3A, %get3A_0] : memref<1000x128xf32, #tpu.memory_space<vmem>>, vector<1000x128xf32>
    %get3A_2 = arith.constant 0 : index
    %get3A_3 = arith.constant 0 : index
    %get3A_4 = vector.load %arg2[%get3A_2, %get3A_3] : memref<128x128xf32, #tpu.memory_space<vmem>>, vector<128x128xf32>
    %dot_general3A = arith.constant dense<0.000000e+00> : vector<1000x128xf32>
    %dot_general3A_5 = tpu.matmul %get3A_1, %get3A_4, %dot_general3A {dimension_numbers = #tpu.dot_dimension_numbers<[1], [0], [0], [1], [0, 0, 1, 1], [], []>, transpose_lhs_hint = false} : vector<1000x128xf32>, vector<128x128xf32>, vector<1000x128xf32> -> vector<1000x128xf32>
    %get3A_6 = arith.constant 0 : index
    %get3A_7 = arith.constant 0 : index
    %get3A_8 = vector.load %arg3[%get3A_6, %get3A_7] : memref<1x128xf32, #tpu.memory_space<vmem>>, vector<1x128xf32>
    %add3A = vector.broadcast %get3A_8 : vector<1x128xf32> to vector<1000x128xf32>
    %add3A_9 = arith.addf %dot_general3A_5, %add3A : vector<1000x128xf32>
    %max3A = arith.constant 0.000000e+00 : f32
    %max3A_10 = vector.broadcast %max3A : f32 to vector<1000x128xf32>
    %max3A_11 = arith.maximumf %add3A_9, %max3A_10 : vector<1000x128xf32>
    %swap3A = arith.constant 0 : index
    %swap3A_12 = arith.constant 0 : index
    %swap3A_13 = vector.load %arg6[%swap3A, %swap3A_12] : memref<1000x128xf32, #tpu.memory_space<vmem>>, vector<1000x128xf32>
    tpu.vector_store %arg6[%swap3A, %swap3A_12], %max3A_11 {strides = array<i32>} : memref<1000x128xf32, #tpu.memory_space<vmem>>, vector<1000x128xf32>,
    %get3A_14 = arith.constant 0 : index
    %get3A_15 = arith.constant 0 : index
    %get3A_16 = vector.load %arg4[%get3A_14, %get3A_15] : memref<128x128xf32, #tpu.memory_space<vmem>>, vector<128x128xf32>
    %dot_general3A_17 = arith.constant dense<0.000000e+00> : vector<1000x128xf32>
    %dot_general3A_18 = tpu.matmul %max3A_11, %get3A_16, %dot_general3A_17 {dimension_numbers = #tpu.dot_dimension_numbers<[1], [0], [0], [1], [0, 0, 1, 1], [], []>, transpose_lhs_hint = false} : vector<1000x128xf32>, vector<128x128xf32>, vector<1000x128xf32> -> vector<1000x128xf32>
    %get3A_19 = arith.constant 0 : index
    %get3A_20 = arith.constant 0 : index
    %get3A_21 = vector.load %arg5[%get3A_19, %get3A_20] : memref<1x128xf32, #tpu.memory_space<vmem>>, vector<1x128xf32>
    %add3A_22 = vector.broadcast %get3A_21 : vector<1x128xf32> to vector<1000x128xf32>
    %add3A_23 = arith.addf %dot_general3A_18, %add3A_22 : vector<1000x128xf32>
    %max3A_24 = arith.constant 0.000000e+00 : f32
    %max3A_25 = vector.broadcast %max3A_24 : f32 to vector<1000x128xf32>
    %max3A_26 = arith.maximumf %add3A_23, %max3A_25 : vector<1000x128xf32>
    %swap3A_27 = arith.constant 0 : index
    %swap3A_28 = arith.constant 0 : index
    %swap3A_29 = vector.load %arg7[%swap3A_27, %swap3A_28] : memref<1000x128xf32, #tpu.memory_space<vmem>>, vector<1000x128xf32>
    tpu.vector_store %arg7[%swap3A_27, %swap3A_28], %max3A_26 {strides = array<i32>} : memref<1000x128xf32, #tpu.memory_space<vmem>>, vector<1000x128xf32>,
    return
  }
  func.func @transform_0(%arg0: i32) -> (i32, i32) {
    %c0_i32 = arith.constant 0 : i32
    %c0_i32_0 = arith.constant 0 : i32
    return %arg0, %c0_i32 : i32, i32
  }
  func.func @transform_1(%arg0: i32) -> (i32, i32) {
    %c0_i32 = arith.constant 0 : i32
    %c0_i32_0 = arith.constant 0 : i32
    %c0_i32_1 = arith.constant 0 : i32
    return %c0_i32, %c0_i32_0 : i32, i32
  }
  func.func @transform_2(%arg0: i32) -> (i32, i32) {
    %c0_i32 = arith.constant 0 : i32
    %c0_i32_0 = arith.constant 0 : i32
    %c0_i32_1 = arith.constant 0 : i32
    return %c0_i32, %c0_i32_0 : i32, i32
  }
  func.func @transform_3(%arg0: i32) -> (i32, i32) {
    %c0_i32 = arith.constant 0 : i32
    %c0_i32_0 = arith.constant 0 : i32
    %c0_i32_1 = arith.constant 0 : i32
    return %c0_i32, %c0_i32_0 : i32, i32
  }
  func.func @transform_4(%arg0: i32) -> (i32, i32) {
    %c0_i32 = arith.constant 0 : i32
    %c0_i32_0 = arith.constant 0 : i32
    %c0_i32_1 = arith.constant 0 : i32
    return %c0_i32, %c0_i32_0 : i32, i32
  }
  func.func @transform_5(%arg0: i32) -> (i32, i32) {
    %c0_i32 = arith.constant 0 : i32
    %c0_i32_0 = arith.constant 0 : i32
    return %arg0, %c0_i32 : i32, i32
  }
  func.func @transform_6(%arg0: i32) -> (i32, i32) {
    %c0_i32 = arith.constant 0 : i32
    %c0_i32_0 = arith.constant 0 : i32
    return %arg0, %c0_i32 : i32, i32
  }
}

module attributes {stable_mosaic.version = 14 : i64} {
  func.func @body(%arg0: i32, %arg1: memref<2x1000x128xf32, #tpu.memory_space<vmem>>, %arg2: memref<1000x128xf32, #tpu.memory_space<vmem>>, %arg3: memref<128x128xf32, #tpu.memory_space<vmem>>, %arg4: memref<1x128xf32, #tpu.memory_space<vmem>>, %arg5: memref<128x128xf32, #tpu.memory_space<vmem>>, %arg6: memref<1x128xf32, #tpu.memory_space<vmem>>, %arg7: memref<1000x128xf32, #tpu.memory_space<vmem>>, %arg8: memref<1000x128xf32, #tpu.memory_space<vmem>>) attributes {dimension_semantics = [#tpu.dimension_semantics<arbitrary>], iteration_bounds = array<i64: 10>, scalar_prefetch = 0 : i64, scratch_operands = 0 : i64, tpu.core_type = #tpu.core_type<tc>, window_params = [{transform_indices = @transform_0, window_bounds = array<i64: 2, 1000, 128>}, {transform_indices = @transform_1, window_bounds = array<i64: 1000, 128>}, {pipeline_mode = #tpu.pipeline_mode<synchronous>, transform_indices = @transform_2, window_bounds = array<i64: 128, 128>}, {pipeline_mode = #tpu.pipeline_mode<synchronous>, transform_indices = @transform_3, window_bounds = array<i64: 1, 128>}, {pipeline_mode = #tpu.pipeline_mode<synchronous>, transform_indices = @transform_4, window_bounds = array<i64: 128, 128>}, {pipeline_mode = #tpu.pipeline_mode<synchronous>, transform_indices = @transform_5, window_bounds = array<i64: 1, 128>}, {transform_indices = @transform_6, window_bounds = array<i64: 1000, 128>}, {transform_indices = @transform_7, window_bounds = array<i64: 1000, 128>}]} {
    %get3A = arith.constant 0 : index
    %get3A_0 = arith.constant 0 : index
    %get3A_1 = arith.constant 0 : index
    %get3A_2 = vector.load %arg1[%get3A, %get3A_0, %get3A_1] : memref<2x1000x128xf32, #tpu.memory_space<vmem>>, vector<1x1000x128xf32>
    %get3A_3 = vector.shape_cast %get3A_2 : vector<1x1000x128xf32> to vector<1000x128xf32>
    %get3A_4 = arith.constant 1 : index
    %get3A_5 = arith.constant 0 : index
    %get3A_6 = arith.constant 0 : index
    %get3A_7 = vector.load %arg1[%get3A_4, %get3A_5, %get3A_6] : memref<2x1000x128xf32, #tpu.memory_space<vmem>>, vector<1x1000x128xf32>
    %get3A_8 = vector.shape_cast %get3A_7 : vector<1x1000x128xf32> to vector<1000x128xf32>
    %add3A = arith.addf %get3A_3, %get3A_8 : vector<1000x128xf32>
    %get3A_9 = arith.constant 0 : index
    %get3A_10 = arith.constant 0 : index
    %get3A_11 = vector.load %arg3[%get3A_9, %get3A_10] : memref<128x128xf32, #tpu.memory_space<vmem>>, vector<128x128xf32>
    %dot_general3A = arith.constant dense<0.000000e+00> : vector<1000x128xf32>
    %dot_general3A_12 = tpu.matmul %add3A, %get3A_11, %dot_general3A {dimension_numbers = #tpu.dot_dimension_numbers<[1], [0], [0], [1], [0, 0, 1, 1], [], []>, transpose_lhs_hint = false} : vector<1000x128xf32>, vector<128x128xf32>, vector<1000x128xf32> -> vector<1000x128xf32>
    %get3A_13 = arith.constant 0 : index
    %get3A_14 = arith.constant 0 : index
    %get3A_15 = vector.load %arg4[%get3A_13, %get3A_14] : memref<1x128xf32, #tpu.memory_space<vmem>>, vector<1x128xf32>
    %add3A_16 = vector.broadcast %get3A_15 : vector<1x128xf32> to vector<1000x128xf32>
    %add3A_17 = arith.addf %dot_general3A_12, %add3A_16 : vector<1000x128xf32>
    %max3A = arith.constant 0.000000e+00 : f32
    %max3A_18 = vector.broadcast %max3A : f32 to vector<1000x128xf32>
    %max3A_19 = arith.maximumf %add3A_17, %max3A_18 : vector<1000x128xf32>
    %get3A_20 = arith.constant 0 : index
    %get3A_21 = arith.constant 0 : index
    %get3A_22 = vector.load %arg2[%get3A_20, %get3A_21] : memref<1000x128xf32, #tpu.memory_space<vmem>>, vector<1000x128xf32>
    %add3A_23 = arith.addf %get3A_22, %max3A_19 : vector<1000x128xf32>
    %swap3A = arith.constant 0 : index
    %swap3A_24 = arith.constant 0 : index
    %swap3A_25 = vector.load %arg7[%swap3A, %swap3A_24] : memref<1000x128xf32, #tpu.memory_space<vmem>>, vector<1000x128xf32>
    tpu.vector_store %arg7[%swap3A, %swap3A_24], %add3A_23 {strides = array<i32>} : memref<1000x128xf32, #tpu.memory_space<vmem>>, vector<1000x128xf32>,
    %get3A_26 = arith.constant 0 : index
    %get3A_27 = arith.constant 0 : index
    %get3A_28 = vector.load %arg5[%get3A_26, %get3A_27] : memref<128x128xf32, #tpu.memory_space<vmem>>, vector<128x128xf32>
    %dot_general3A_29 = arith.constant dense<0.000000e+00> : vector<1000x128xf32>
    %dot_general3A_30 = tpu.matmul %add3A_23, %get3A_28, %dot_general3A_29 {dimension_numbers = #tpu.dot_dimension_numbers<[1], [0], [0], [1], [0, 0, 1, 1], [], []>, transpose_lhs_hint = false} : vector<1000x128xf32>, vector<128x128xf32>, vector<1000x128xf32> -> vector<1000x128xf32>
    %get3A_31 = arith.constant 0 : index
    %get3A_32 = arith.constant 0 : index
    %get3A_33 = vector.load %arg6[%get3A_31, %get3A_32] : memref<1x128xf32, #tpu.memory_space<vmem>>, vector<1x128xf32>
    %add3A_34 = vector.broadcast %get3A_33 : vector<1x128xf32> to vector<1000x128xf32>
    %add3A_35 = arith.addf %dot_general3A_30, %add3A_34 : vector<1000x128xf32>
    %max3A_36 = arith.constant 0.000000e+00 : f32
    %max3A_37 = vector.broadcast %max3A_36 : f32 to vector<1000x128xf32>
    %max3A_38 = arith.maximumf %add3A_35, %max3A_37 : vector<1000x128xf32>
    %swap3A_39 = arith.constant 0 : index
    %swap3A_40 = arith.constant 0 : index
    %swap3A_41 = vector.load %arg8[%swap3A_39, %swap3A_40] : memref<1000x128xf32, #tpu.memory_space<vmem>>, vector<1000x128xf32>
    tpu.vector_store %arg8[%swap3A_39, %swap3A_40], %max3A_38 {strides = array<i32>} : memref<1000x128xf32, #tpu.memory_space<vmem>>, vector<1000x128xf32>,
    return
  }
  func.func @transform_0(%arg0: i32) -> (i32, i32, i32) {
    %c0_i32 = arith.constant 0 : i32
    %c0_i32_0 = arith.constant 0 : i32
    %c0_i32_1 = arith.constant 0 : i32
    return %c0_i32, %arg0, %c0_i32_0 : i32, i32, i32
  }
  func.func @transform_1(%arg0: i32) -> (i32, i32) {
    %c0_i32 = arith.constant 0 : i32
    %c0_i32_0 = arith.constant 0 : i32
    return %arg0, %c0_i32 : i32, i32
  }
  func.func @transform_2(%arg0: i32) -> (i32, i32) {
    %c0_i32 = arith.constant 0 : i32
    %c0_i32_0 = arith.constant 0 : i32
    %c0_i32_1 = arith.constant 0 : i32
    return %c0_i32, %c0_i32_0 : i32, i32
  }
  func.func @transform_3(%arg0: i32) -> (i32, i32) {
    %c0_i32 = arith.constant 0 : i32
    %c0_i32_0 = arith.constant 0 : i32
    %c0_i32_1 = arith.constant 0 : i32
    return %c0_i32, %c0_i32_0 : i32, i32
  }
  func.func @transform_4(%arg0: i32) -> (i32, i32) {
    %c0_i32 = arith.constant 0 : i32
    %c0_i32_0 = arith.constant 0 : i32
    %c0_i32_1 = arith.constant 0 : i32
    return %c0_i32, %c0_i32_0 : i32, i32
  }
  func.func @transform_5(%arg0: i32) -> (i32, i32) {
    %c0_i32 = arith.constant 0 : i32
    %c0_i32_0 = arith.constant 0 : i32
    %c0_i32_1 = arith.constant 0 : i32
    return %c0_i32, %c0_i32_0 : i32, i32
  }
  func.func @transform_6(%arg0: i32) -> (i32, i32) {
    %c0_i32 = arith.constant 0 : i32
    %c0_i32_0 = arith.constant 0 : i32
    return %arg0, %c0_i32 : i32, i32
  }
  func.func @transform_7(%arg0: i32) -> (i32, i32) {
    %c0_i32 = arith.constant 0 : i32
    %c0_i32_0 = arith.constant 0 : i32
    return %arg0, %c0_i32 : i32, i32
  }
}

module attributes {stable_mosaic.version = 14 : i64} {
  func.func @body(%arg0: i32, %arg1: memref<2x1000x128xf32, #tpu.memory_space<vmem>>, %arg2: memref<1000x128xf32, #tpu.memory_space<vmem>>, %arg3: memref<128x128xf32, #tpu.memory_space<vmem>>, %arg4: memref<1x128xf32, #tpu.memory_space<vmem>>, %arg5: memref<1000x128xf32, #tpu.memory_space<vmem>>) attributes {dimension_semantics = [#tpu.dimension_semantics<arbitrary>], iteration_bounds = array<i64: 10>, scalar_prefetch = 0 : i64, scratch_operands = 0 : i64, tpu.core_type = #tpu.core_type<tc>, window_params = [{transform_indices = @transform_0, window_bounds = array<i64: 2, 1000, 128>}, {transform_indices = @transform_1, window_bounds = array<i64: 1000, 128>}, {pipeline_mode = #tpu.pipeline_mode<synchronous>, transform_indices = @transform_2, window_bounds = array<i64: 128, 128>}, {pipeline_mode = #tpu.pipeline_mode<synchronous>, transform_indices = @transform_3, window_bounds = array<i64: 1, 128>}, {transform_indices = @transform_4, window_bounds = array<i64: 1000, 128>}]} {
    %get3A = arith.constant 0 : index
    %get3A_0 = arith.constant 0 : index
    %get3A_1 = arith.constant 0 : index
    %get3A_2 = vector.load %arg1[%get3A, %get3A_0, %get3A_1] : memref<2x1000x128xf32, #tpu.memory_space<vmem>>, vector<1x1000x128xf32>
    %get3A_3 = vector.shape_cast %get3A_2 : vector<1x1000x128xf32> to vector<1000x128xf32>
    %get3A_4 = arith.constant 1 : index
    %get3A_5 = arith.constant 0 : index
    %get3A_6 = arith.constant 0 : index
    %get3A_7 = vector.load %arg1[%get3A_4, %get3A_5, %get3A_6] : memref<2x1000x128xf32, #tpu.memory_space<vmem>>, vector<1x1000x128xf32>
    %get3A_8 = vector.shape_cast %get3A_7 : vector<1x1000x128xf32> to vector<1000x128xf32>
    %add3A = arith.addf %get3A_3, %get3A_8 : vector<1000x128xf32>
    %get3A_9 = arith.constant 0 : index
    %get3A_10 = arith.constant 0 : index
    %get3A_11 = vector.load %arg3[%get3A_9, %get3A_10] : memref<128x128xf32, #tpu.memory_space<vmem>>, vector<128x128xf32>
    %dot_general3A = arith.constant dense<0.000000e+00> : vector<1000x128xf32>
    %dot_general3A_12 = tpu.matmul %add3A, %get3A_11, %dot_general3A {dimension_numbers = #tpu.dot_dimension_numbers<[1], [0], [0], [1], [0, 0, 1, 1], [], []>, transpose_lhs_hint = false} : vector<1000x128xf32>, vector<128x128xf32>, vector<1000x128xf32> -> vector<1000x128xf32>
    %get3A_13 = arith.constant 0 : index
    %get3A_14 = arith.constant 0 : index
    %get3A_15 = vector.load %arg4[%get3A_13, %get3A_14] : memref<1x128xf32, #tpu.memory_space<vmem>>, vector<1x128xf32>
    %add3A_16 = vector.broadcast %get3A_15 : vector<1x128xf32> to vector<1000x128xf32>
    %add3A_17 = arith.addf %dot_general3A_12, %add3A_16 : vector<1000x128xf32>
    %max3A = arith.constant 0.000000e+00 : f32
    %max3A_18 = vector.broadcast %max3A : f32 to vector<1000x128xf32>
    %max3A_19 = arith.maximumf %add3A_17, %max3A_18 : vector<1000x128xf32>
    %get3A_20 = arith.constant 0 : index
    %get3A_21 = arith.constant 0 : index
    %get3A_22 = vector.load %arg2[%get3A_20, %get3A_21] : memref<1000x128xf32, #tpu.memory_space<vmem>>, vector<1000x128xf32>
    %add3A_23 = arith.addf %get3A_22, %max3A_19 : vector<1000x128xf32>
    %swap3A = arith.constant 0 : index
    %swap3A_24 = arith.constant 0 : index
    %swap3A_25 = vector.load %arg5[%swap3A, %swap3A_24] : memref<1000x128xf32, #tpu.memory_space<vmem>>, vector<1000x128xf32>
    tpu.vector_store %arg5[%swap3A, %swap3A_24], %add3A_23 {strides = array<i32>} : memref<1000x128xf32, #tpu.memory_space<vmem>>, vector<1000x128xf32>,
    return
  }
  func.func @transform_0(%arg0: i32) -> (i32, i32, i32) {
    %c0_i32 = arith.constant 0 : i32
    %c0_i32_0 = arith.constant 0 : i32
    %c0_i32_1 = arith.constant 0 : i32
    return %c0_i32, %arg0, %c0_i32_0 : i32, i32, i32
  }
  func.func @transform_1(%arg0: i32) -> (i32, i32) {
    %c0_i32 = arith.constant 0 : i32
    %c0_i32_0 = arith.constant 0 : i32
    return %arg0, %c0_i32 : i32, i32
  }
  func.func @transform_2(%arg0: i32) -> (i32, i32) {
    %c0_i32 = arith.constant 0 : i32
    %c0_i32_0 = arith.constant 0 : i32
    %c0_i32_1 = arith.constant 0 : i32
    return %c0_i32, %c0_i32_0 : i32, i32
  }
  func.func @transform_3(%arg0: i32) -> (i32, i32) {
    %c0_i32 = arith.constant 0 : i32
    %c0_i32_0 = arith.constant 0 : i32
    %c0_i32_1 = arith.constant 0 : i32
    return %c0_i32, %c0_i32_0 : i32, i32
  }
  func.func @transform_4(%arg0: i32) -> (i32, i32) {
    %c0_i32 = arith.constant 0 : i32
    %c0_i32_0 = arith.constant 0 : i32
    return %arg0, %c0_i32 : i32, i32
  }
}

</mosaic_0001>

<sc_bundles>
// kernel: kernel.11.cloned.1.call-start
scs
__scs_entry_jumppad:
0x0: {  	(pc) =	sbr.rel $0x88, $3  }
0x1: {  	(tag) =	ssettag $0x0;
	lr =	simm.s32 $0x1  }
0x2: {  	[smem:$0x3F99] =	sst lr;
	_ =	strace $0xD0000000  }
0x3: {  	_ = 	snop  }
0x4: {  	_ = 	snop  }
0x5: {  	_ = 	snop  }
0x6: {  	_ = 	snop  }
0x7: {  	_ = 	snop  }
__scs_overlays_trampoline_lowered:
0x8: {  	[smem:$0x3FA8] =	sst s0  }
0x9: {  	[smem:$0x3FA9] =	sst s1  }
0xa: {  	[smem:$0x3FAA] =	sst s2  }
0xb: {  	[smem:$0x3FAB] =	sst s3  }
0xc: {  	[smem:$0x3FAC] =	sst s4  }
0xd: {  	[smem:$0x3FAD] =	sst s5  }
0xe: {  	[smem:$0x3FAE] =	sst s6  }
0xf: {  	[smem:$0x3FAF] =	sst s7  }
0x10: {  	[smem:$0x3FB0] =	sst s8  }
0x11: {  	[smem:$0x3FB1] =	sst s9;
	s0 =	simm.s32 @!p0 $0x0  }
0x12: {  	s1 =	sld [smem:$0x3F97];
	s0 =	simm.s32 @p0 $0x1  }
0x13: {  	[smem:$0x3FB2] =	sst s0;
	s0 =	simm.s32 @!p1 $0x0  }
0x14: {  	s2 =	sld [smem:$0x3F96];
	s0 =	simm.s32 @p1 $0x1  }
0x15: {  	[smem:$0x3FB3] =	sst s0;
	s0 =	simm.s32 @!p2 $0x0  }
0x16: {  	s3 =	sld [smem:$0x3FDB];
	s0 =	simm.s32 @p2 $0x1  }
0x17: {  	s4 =	simm.s32 $0x1BF5;
	[smem:$0x3FB5] =	sst s0  }
0x18: {  	s0 =	sld [smem:$0x3F98];
	_ =	swait.ge [sflag:s4], $0x0  }
0x19: {  	s7 =	sld [smem:$0x3F99]  }
0x1a: {  	s8 =	sadd.s32 $0xFFFFE003, lr  }
0x1b: {  	s9 =	sadd.s32 $0xFFFFFEF7, lr;
	s5 =	simm.s32 $0xFFFFFFFF;
	p2 =	slt.u32 s8, $0xFFFFF086  }
0x1c: {  	p1 =	slt.u32 s9, $0xF7A;
	s5 =	simm.s32 @!p2 $0x0  }
0x1d: {  	s5 =	simm.s32 @p1 $0x1;
	p0 =	seq.s32 s7, s2  }
0x1e: {  	s7 =	smul.u32 @!p0 $0xF7A, s2;
	p2 =	seq.s32 @!p0 s5, $0x0  }
0x1f: {  	s9 =	smul.u32 $0xF7A, s1;
	s8 =	simm.s32 @!p0 $0x1BF5;
	p2 =	por !p2, p0  }
0x20: {  	[sflag:s8] =	ssyncset.s32 @!p0 $0xFFFFF086;
	s6 =	sadd.s32 @!p0 s3, s7;
	s7 =	simm.s32 @!p0 $0x108  }
0x21: {  	s3 =	sadd.s32 s3, s9;
	s6 =	sadd.s32 @!p0 $0x88, s6;
	s7 =	simm.s32 @p2 $0x1082  }
0x22: {  	[simem:s7], [sflag:s8] =	dma.local @!p0 [hbm:s6], $0xF7A  }
0x23: {  	s9 =	sor.u32 $0xD0000000, s2;
	s6 =	simm.s32 $0x108;
	_ =	swait.ge @!p0 [sflag:s8], $0x0  }
0x24: {  	s3 =	sadd.s32 $0x88, s3;
	s6 =	simm.s32 @!p1 $0x1082;
	[sflag:s4] =	ssyncset.s32 $0xFFFFF086  }
0x25: {  	[simem:s6], [sflag:s4] =	dma.local [hbm:s3], $0xF7A  }
0x26: {  	[smem:$0x3F99] =	sst s1;
	(tag) =	ssettag s2;
	_ =	strace s9  }
0x27: {  	s1 =	sld [smem:$0x3FA9]  }
0x28: {  	s2 =	sld [smem:$0x3FAA]  }
0x29: {  	s4 =	sld [smem:$0x3FAC]  }
0x2a: {  	p0 =	seq.s32 s5, $0x0;
	s5 =	sld [smem:$0x3FAD]  }
0x2b: {  	s6 =	sld [smem:$0x3FAE]  }
0x2c: {  	s7 =	sld [smem:$0x3FAF]  }
0x2d: {  	s3 =	simm.s32 $0x108;
	s8 =	sld [smem:$0x3FB0]  }
0x2e: {  	s3 =	simm.s32 @!p0 $0x1082;
	s9 =	sld [smem:$0x3FB1]  }
0x2f: {  	lr =	sadd.s32 s0, s3;
	s0 =	sld [smem:$0x3FA8]  }
0x30: {  	s3 =	sld [smem:$0x3FAB]  }
0x31: {  	[smem:$0x3FB4] =	sst s10  }
0x32: {  	s10 =	sld [smem:$0x3FB2];
	_ =	sdelay $0x3  }
0x33: {  	p0 =	seq.s32 s10, $0x1;
	s10 =	sld [smem:$0x3FB4];
	_ =	sdelay $0x3  }
0x34: {  	[smem:$0x3FB4] =	sst s10  }
0x35: {  	s10 =	sld [smem:$0x3FB3];
	_ =	sdelay $0x3  }
0x36: {  	p1 =	seq.s32 s10, $0x1;
	s10 =	sld [smem:$0x3FB4];
	_ =	sdelay $0x3  }
0x37: {  	[smem:$0x3FB4] =	sst s10  }
0x38: {  	s10 =	sld [smem:$0x3FB5]  }
0x39: {  	_ = 	snop;
	(pc) =	sbr.ind lr, $3  }
0x3a: {  	_ = 	snop  }
0x3b: {  	_ = 	snop  }
0x3c: {  	p2 =	seq.s32 s10, $0x1;
	s10 =	sld [smem:$0x3FB4]  }
0x3d: {  	_ =	shalt  }
0x3e: {  	_ =	shalt  }
0x3f: {  	_ =	shalt  }
0x40: {  	_ =	shalt  }
0x41: {  	_ =	shalt  }
0x42: {  	_ =	shalt  }
0x43: {  	_ =	shalt  }
0x44: {  	_ =	shalt  }
0x45: {  	_ =	shalt  }
0x46: {  	_ =	shalt  }
0x47: {  	_ =	shalt  }
0x48: {  	_ =	shalt  }
0x49: {  	_ =	shalt  }
0x4a: {  	_ =	shalt  }
0x4b: {  	_ =	shalt  }
0x4c: {  	_ =	shalt  }
0x4d: {  	_ =	shalt  }
0x4e: {  	_ =	shalt  }
0x4f: {  	_ =	shalt  }
0x50: {  	_ =	shalt  }
0x51: {  	_ =	shalt  }
0x52: {  	_ =	shalt  }
0x53: {  	_ =	shalt  }
0x54: {  	_ =	shalt  }
0x55: {  	_ =	shalt  }
0x56: {  	_ =	shalt  }
0x57: {  	_ =	shalt  }
0x58: {  	_ =	shalt  }
0x59: {  	_ =	shalt  }
0x5a: {  	_ =	shalt  }
0x5b: {  	_ =	shalt  }
0x5c: {  	_ =	shalt  }
0x5d: {  	_ =	shalt  }
0x5e: {  	_ =	shalt  }
0x5f: {  	_ =	shalt  }
0x60: {  	_ =	shalt  }
0x61: {  	_ =	shalt  }
0x62: {  	_ =	shalt  }
0x63: {  	_ =	shalt  }
0x64: {  	_ =	shalt  }
0x65: {  	_ =	shalt  }
0x66: {  	_ =	shalt  }
0x67: {  	_ =	shalt  }
0x68: {  	_ =	shalt  }
0x69: {  	_ =	shalt  }
0x6a: {  	_ =	shalt  }
0x6b: {  	_ =	shalt  }
0x6c: {  	_ =	shalt  }
0x6d: {  	_ =	shalt  }
0x6e: {  	_ =	shalt  }
0x6f: {  	_ =	shalt  }
0x70: {  	_ =	shalt  }
0x71: {  	_ =	shalt  }
0x72: {  	_ =	shalt  }
0x73: {  	_ =	shalt  }
0x74: {  	_ =	shalt  }
0x75: {  	_ =	shalt  }
0x76: {  	_ =	shalt  }
0x77: {  	_ =	shalt  }
0x78: {  	_ =	shalt  }
0x79: {  	_ =	shalt  }
0x7a: {  	_ =	shalt  }
0x7b: {  	_ =	shalt  }
0x7c: {  	_ =	shalt  }
0x7d: {  	_ =	shalt  }
0x7e: {  	_ =	shalt  }
0x7f: {  	_ =	shalt  }
0x80: {  	_ =	shalt  }
0x81: {  	_ =	shalt  }
0x82: {  	_ =	shalt  }
0x83: {  	_ =	shalt  }
0x84: {  	_ =	shalt  }
0x85: {  	_ =	shalt  }
0x86: {  	_ =	shalt  }
0x87: {  	_ =	shalt  }
.Lfunc_end0:
.L_simem_size_0:
called_computation_lowered:
.L_overlay_start_0:
0x88: {  	s2 =	sld [smem:$0x3FD9]  }
0x89: {  	s3 =	sld [smem:$0x3FFE];
	_ =	sdelay $0x1  }
0x8a: {  	s1 =	srdreg.scid  }
0x8b: {  	s0 =	sand.u32 $0x1, s1  }
0x8c: {  	s17 =	sshll.u32 s0, $0xA;
	s2 =	sadd.s32 s3, s2  }
0x8d: {  	s2 =	sadd.s32 s2, s17  }
0x8e: {  	[smem:$0x3FC0] =	sst s2  }
0x8f: {  	_ = 	snop  }
0x90: {  	s2 =	sld [smem:$0x3FD0];
	(tm) =	ssettm $0x1  }
0x91: {  	s18 =	sld [smem:$0x3FFB];
	_ =	sdelay $0x3  }
0x92: {  	_ =	strace s18  }
0x93: {  	s3 =	sld [smem:$0x3FFC];
	_ =	sdelay $0x3  }
0x94: {  	_ =	strace s3  }
0x95: {  	s3 =	sld [smem:$0x3FFD];
	_ =	sdelay $0x3  }
0x96: {  	_ =	strace s3  }
0x97: {  	_ =	strace $0x8FFFFFFF  }
0x98: {  	s19 =	sld [smem:$0x3FDB];
	_ =	sdelay $0x1  }
0x99: {  	s4 =	simm.s32 $_scs_section_size  }
0x9a: {  	s5 =	simm.s32 $_size__tile_overlayer_lowered;
	s6 =	simm.s32 $_tile_overlayer_lowered  }
0x9b: {  	s22 =	simm.s32 $0x1BFF;
	s21 =	sshll.u32 s6, $0x1;
	s3 =	sadd.s32 s4, s19  }
0x9c: {  	s7 =	simm.s32 $0x0;
	s20 =	sshll.u32 s5, $0x1;
	s5 =	sadd.s32 s21, s3  }
0x9d: {  	[timem:s7], [sflag:s22] =	dma.local [hbm:s5], s20  }
0x9e: {  	_ =	swait.ge [sflag:s22], s20  }
0x9f: {  	s4 =	ssub.s32 $0x0, s20;
	[sflag:s22] =	ssyncset.done $0x0  }
0xa0: {  	[sflag:s22] =	ssyncadd.s32 s4;
	_ =	sdelay $0x1  }
0xa1: {  	s23 =	simm.s32 $0x1B8B  }
0xa2: {  	_ =	swait.ge [sflag:s23], $0x1  }
0xa3: {  	[sflag:s23] =	ssyncset.done $0x0  }
0xa4: {  	s25 =	simm.s32 $0x1B8E;
	s24 =	sld [smem:$0x3FFE];
	[sflag:s23] =	ssyncadd.s32 $0xFFFFFFFF  }
0xa5: {  	s26 =	simm.s32 $execute0_lowered;
	[smem:$0x3FD2] =	sst s25  }
0xa6: {  	s5 =	sshll.u32 s26, $0x1;
	_ =	strace $0x80000046;
	[dreg:$0x1] =	wrdreg $0xFFFFFFFF  }
0xa7: {  	s28 =	simm.s32 $_size_execute0_lowered;
	s3 =	sadd.s32 s3, s5;
	[dreg:$0x0] =	wrdreg $0x0  }
0xa8: {  	s5 =	sshll.u32 s28, $0x1;
	[dreg:$0x2] =	wrdreg s3  }
0xa9: {  	[dreg:$0x3] =	wrdreg s5  }
0xaa: {  	[dreg:$0x4] =	wrdreg $0xC0  }
0xab: {  	_ =	task [dreg:s7], $0x5FFFF  }
0xac: {  	[dreg:$0x1] =	wrdreg $0xFFFFFFFF  }
0xad: {  	[dreg:$0x0] =	wrdreg $0x60  }
0xae: {  	[dreg:$0x2] =	wrdreg s2  }
0xaf: {  	[dreg:$0x3] =	wrdreg s24  }
0xb0: {  	[dreg:$0x4] =	wrdreg $0x0  }
0xb1: {  	[dreg:$0x5] =	wrdreg $0x9  }
0xb2: {  	_ =	task.clear_ibuf [dreg:s7], $0x6FFFF;
	_ =	strace $0x90000046  }
0xb3: {  	s29 =	simm.s32 $0x9;
	_ =	strace $0x80000048  }
0xb4: {  	_ =	swait.ge [sflag:s29], $0x1  }
0xb5: {  	[sflag:s29] =	ssyncadd.s32 $0xFFFFFFFF  }
0xb6: {  	_ =	strace $0x90000048  }
0xb7: {  	_ =	sfence  }
0xb8: {  	s30 =	sld [smem:$0x0];
	_ =	sdelay $0x2  }
0xb9: {  	s31 =	sshll.u32 s1, $0xD;
	s1 =	sshrl.u32 s1, $0x2  }
0xba: {  	s3 =	sand.u32 $0x4000, s31;
	s1 =	sadd.s32 s1, s30  }
0xbb: {  	s0 =	sor.u32 s3, s0;
	s1 =	sshll.u32 s1, $0x11  }
0xbc: {  	s0 =	sor.u32 s1, s0  }
0xbd: {  	s0 =	sadd.s32 $0x8F2B, s0  }
0xbe: {  	[sflag:s0] =	ssyncadd.remote.s32 $0x1  }
0xbf: {  	_ =	sfence.sel $0xFFFF  }
0xc0: {  	[dreg:$0x0] =	wrdreg $0xFFFFFFFF;
	(pc) =	sbr.abs _section_cstart, $3  }
0xc1: {  	[dreg:$0x1] =	wrdreg $0xFFFFFFFF  }
0xc2: {  	_ =	task.clear_ibuf [dreg:s7], $0x2FFFF;
	_ =	strace $0x9FFFFFFF  }
0xc3: {  	(tm) =	ssettm $0x7FFFFFFF  }
tec
execute0_lowered:
.L_overlay_start_1:
0x0: {  	(tag) =	ssettag $0x1  }
0x1: {  	s1 =	rddreg [dreg:$0x0]  }
0x2: {  	s0 =	rddreg [dreg:$0x1]  }
0x3: {  	s2 =	rddreg [dreg:$0x2];
	s3 =	simm.s32 $0x0  }
0x4: {  	s4 =	stileid.u32;
	s6 =	srdreg.scid;
	s28 =	simm.s32 $0x17AC0  }
0x5: {  	s29 =	simm.s32 $0x1;
	s30 =	simm.s32 $0x2;
	s31 =	simm.s32 $0x0  }
0x6: {  	[smem:$0x7FF] =	sst s3;
	s5 =	smul.u32 $0x13800, s4;
	s19 =	sadd.s32 $0xCC00, s0  }
0x7: {  	s11 =	sand.u32 $0x1, s6;
	s18 =	sadd.s32 $0x2C00, s0;
	s9 =	sshll.u32 s4, $0x1  }
0x8: {  	s10 =	smul.u32 $0x4E000, s4;
	s14 =	sadd.s32 $0x3DE00, s0;
	s20 =	sshll.u32 s4, $0x6  }
0x9: {  	s23 =	sadd.s32 $0x138000, s2;
	s24 =	smul.u32 $0x5000, s4;
	p0 =	sne.s32 s4, $0x0  }
0xa: {  	_ =	strace $0x80000047;
	s15 =	ssub.s32 $0x2, s11;
	s16 =	sor.u32 s11, s9  }
0xb: {  	[dreg:$0x6] =	wrdreg s23;
	s23 =	simm.s32 $0x80;
	s7 =	sshrl.u32 s5, $0x3  }
0xc: {  	s8 =	sshrl.u32 s15, $0x1;
	s17 =	sshrl.u32 s10, $0x2;
	s21 =	smul.u32 $0x2800, s16  }
0xd: {  	s16 =	smul.u32 $0x2800, s11;
	s13 =	sadd.s32 s7, s0;
	s22 =	sadd.s32 s17, s2  }
0xe: {  	s15 =	ssub.s32 s15, s8;
	s0 =	sadd.s32 $0x3DC00, s0;
	[dreg:$0x4] =	wrdreg s22  }
0xf: {  	s6 =	sadd.s32 $0x16C00, s13;
	s12 =	sshrl.u32 s21, $0x3;
	s13 =	smul.u32 $0x138800, s11  }
0x10: {  	[dreg:$0x7] =	wrdreg s0;
	s0 =	sadd.s32 s16, s24;
	s15 =	smax.u32 s15, $0x1  }
0x11: {  	s21 =	simm.s32 $0x138C0;
	s22 =	simm.s32 $0x139C0;
	s24 =	simm.s32 $0x13AC0  }
0x12: {  	[dreg:$0x5] =	wrdreg s6;
	s6 =	sor.u32 $0x1C03, s20;
	s9 =	sadd.s32 s19, s12  }
0x13: {  	s10 =	sadd.s32 s18, s12;
	s12 =	sor.u32 $0x10, s12;
	s16 =	sor.u32 $0x180, s0  }
0x14: {  	s0 =	sor.u32 $0x100, s0;
	s20 =	simm.s32 $0x3;
	s11 =	sadd.s32 s19, s12  }
0x15: {  	s12 =	sadd.s32 s18, s12;
	s5 =	sadd.s32 s5, s13;
	s17 =	sshrl.u32 s13, $0x3  }
0x16: {  	s26 =	sshrl.u32 s16, $0x3;
	s0 =	sshrl.u32 s0, $0x3;
	s5 =	sshrl.u32 s5, $0x3  }
0x17: {  	s25 =	sadd.s32 s14, s17;
	s16 =	sadd.s32 s26, s18;
	s17 =	sadd.s32 s26, s19  }
0x18: {  	s18 =	sadd.s32 s0, s18;
	s19 =	sadd.s32 s0, s19;
	s26 =	simm.s32 $0x13A40  }
0x19: {  	s13 =	sadd.s32 s14, s5;
	s14 =	sadd.s32 $0x27000, s25;
	s25 =	simm.s32 $0x13940  }
.LBB2_1:
0x1a: {  	s0 =	rddreg [dreg:$0x4]  }
0x1b: {  	s4 =	rddreg [dreg:$0x5];
	s0 =	sshrl.u32 s0, $0x3  }
0x1c: {  	[spmem:s0], [sflag:s6] =	dma.local [hbm:s4], $0x2700  }
0x1d: {  	_ =	swait.ge [sflag:s20], $0x2700  }
0x1e: {  	[sflag:s20] =	ssyncset.done $0x0;
	s4 =	rddreg [dreg:$0x6]  }
0x1f: {  	s5 =	rddreg [dreg:$0x7];
	[sflag:s20] =	ssyncadd.s32 $0xFFFFD900;
	s4 =	sshrl.u32 @!p0 s4, $0x3  }
0x20: {  	[spmem:s4], [sflag:s6] =	dma.local @!p0 [hbm:s5], $0x100  }
0x21: {  	s5 =	simm.s32 @!p0 $0x3  }
0x22: {  	_ =	swait.ge @!p0 [sflag:s5], $0x100  }
0x23: {  	[sflag:s5] =	ssyncset.done @!p0 $0x0  }
0x24: {  	[sflag:s5] =	ssyncadd.s32 @!p0 $0xFFFFFF00  }
0x25: {  	[bflag:$0x0] =	sbarrier.arrive $0xFFFF  }
0x26: {  	[tilespmem:s21], [sflag:$0x3] =	stream.linear.gather [hbm4b:s9+s3], $0x80, $0x38;
	[tilespmem:$0x1BAC0] =	vst v63  }
0x27: {  	_ =	swait.ge [sflag:s20], $0x80  }
0x28: {  	[sflag:s20] =	ssyncset.done $0x0  }
0x29: {  	[sflag:s20] =	ssyncadd.s32 $0xFFFFFF80  }
0x2a: {  	[tilespmem:s22], [sflag:$0x3] =	stream.linear.gather [hbm4b:s10+s3], $0x80, $0x38;
	[tilespmem:$0x1BAC0] =	vst v63  }
0x2b: {  	_ =	swait.ge [sflag:s20], $0x80  }
0x2c: {  	[sflag:s20] =	ssyncset.done $0x0  }
0x2d: {  	[sflag:s20] =	ssyncadd.s32 $0xFFFFFF80  }
0x2e: {  	[tilespmem:s24], [sflag:$0x1] =	stream.indirect.gather [hbm4b:s1+s23], $0x80, s21, s23, $0xb8;
	[tilespmem:$0x1BAC0] =	vst v63  }
0x2f: {  	_ = 	snop  }
0x30: {  	[tilespmem:s25], [sflag:$0x3] =	stream.linear.gather [hbm4b:s11+s3], $0x80, $0x38;
	[tilespmem:$0x1BAC0] =	vst v63  }
0x31: {  	_ =	swait.ge [sflag:s20], $0x80  }
0x32: {  	[sflag:s20] =	ssyncset.done $0x0  }
0x33: {  	[sflag:s20] =	ssyncadd.s32 $0xFFFFFF80  }
0x34: {  	[tilespmem:s26], [sflag:$0x3] =	stream.linear.gather [hbm4b:s12+s3], $0x80, $0x38;
	[tilespmem:$0x1BAC0] =	vst v63  }
0x35: {  	_ =	swait.ge [sflag:s20], $0x80  }
0x36: {  	[sflag:s20] =	ssyncset.done $0x0  }
0x37: {  	[sflag:s20] =	ssyncadd.s32 $0xFFFFFF80  }
0x38: {  	[tilespmem:s28], [sflag:$0x2] =	stream.indirect.gather [hbm4b:s1+s23], $0x80, s25, s23, $0xb8;
	[tilespmem:$0x1BAC0] =	vst v63  }
0x39: {  	_ =	swait.ge [sflag:s29], $0x4000  }
0x3a: {  	[sflag:s29] =	ssyncset.done $0x0  }
0x3b: {  	[sflag:s29] =	ssyncadd.s32 $0xFFFFC000  }
0x3c: {  	[spmem:s2] =	stream.indirect.scatter.add.f32 [tilespmem:s24], [sflag:$0x3], $0x80, s22, s23, $0xb8;
	[tilespmem:$0x1BAC0] =	vst v63  }
0x3d: {  	_ =	swait.ge [sflag:s20], $0x4000  }
0x3e: {  	[sflag:s20] =	ssyncset.done $0x0  }
0x3f: {  	s7 =	sadd.s32 $0x0, s19;
	[sflag:s20] =	ssyncadd.s32 $0xFFFFC000  }
0x40: {  	[tilespmem:s21], [sflag:$0x3] =	stream.linear.gather [hbm4b:s7+s3], $0x80, $0x38;
	[tilespmem:$0x1BAC0] =	vst v63  }
0x41: {  	_ =	swait.ge [sflag:s20], $0x80  }
0x42: {  	[sflag:s20] =	ssyncset.done $0x0  }
0x43: {  	s8 =	sadd.s32 $0x0, s18;
	[sflag:s20] =	ssyncadd.s32 $0xFFFFFF80  }
0x44: {  	[tilespmem:s22], [sflag:$0x3] =	stream.linear.gather [hbm4b:s8+s3], $0x80, $0x38;
	[tilespmem:$0x1BAC0] =	vst v63  }
0x45: {  	_ =	swait.ge [sflag:s20], $0x80  }
0x46: {  	[sflag:s20] =	ssyncset.done $0x0  }
0x47: {  	[sflag:s20] =	ssyncadd.s32 $0xFFFFFF80  }
0x48: {  	[tilespmem:s24], [sflag:$0x1] =	stream.indirect.gather [hbm4b:s1+s23], $0x80, s21, s23, $0xb8;
	[tilespmem:$0x1BAC0] =	vst v63  }
0x49: {  	_ =	swait.ge [sflag:s30], $0x4000  }
0x4a: {  	[sflag:s30] =	ssyncset.done $0x0  }
0x4b: {  	[sflag:s30] =	ssyncadd.s32 $0xFFFFC000  }
0x4c: {  	[spmem:s2] =	stream.indirect.scatter.add.f32 [tilespmem:s28], [sflag:$0x3], $0x80, s26, s23, $0xb8;
	[tilespmem:$0x1BAC0] =	vst v63  }
0x4d: {  	_ =	swait.ge [sflag:s20], $0x4000  }
0x4e: {  	[sflag:s20] =	ssyncset.done $0x0  }
0x4f: {  	s7 =	sadd.s32 $0x0, s17;
	[sflag:s20] =	ssyncadd.s32 $0xFFFFC000  }
0x50: {  	[tilespmem:s25], [sflag:$0x3] =	stream.linear.gather [hbm4b:s7+s3], $0x80, $0x38;
	[tilespmem:$0x1BAC0] =	vst v63  }
0x51: {  	_ =	swait.ge [sflag:s20], $0x80  }
0x52: {  	[sflag:s20] =	ssyncset.done $0x0  }
0x53: {  	s8 =	sadd.s32 $0x0, s16;
	[sflag:s20] =	ssyncadd.s32 $0xFFFFFF80  }
0x54: {  	[tilespmem:s26], [sflag:$0x3] =	stream.linear.gather [hbm4b:s8+s3], $0x80, $0x38;
	[tilespmem:$0x1BAC0] =	vst v63  }
0x55: {  	_ =	swait.ge [sflag:s20], $0x80  }
0x56: {  	[sflag:s20] =	ssyncset.done $0x0  }
0x57: {  	s5 =	simm.s32 $0x20;
	[sflag:s20] =	ssyncadd.s32 $0xFFFFFF80  }
.LBB2_2:
0x58: {  	[tilespmem:s28], [sflag:$0x2] =	stream.indirect.gather [hbm4b:s1+s23], $0x80, s25, s23, $0xb8;
	[tilespmem:$0x1BAC0] =	vst v63  }
0x59: {  	s7 =	smov.u32 s5  }
0x5a: {  	p1 =	sne.s32 s5, $0x4C0;
	s5 =	sadd.s32 $0x20, s5;
	_ =	swait.ge [sflag:s29], $0x4000  }
0x5b: {  	[sflag:s29] =	ssyncset.done $0x0  }
0x5c: {  	[sflag:s29] =	ssyncadd.s32 $0xFFFFC000  }
0x5d: {  	[spmem:s2] =	stream.indirect.scatter.add.f32 [tilespmem:s24], [sflag:$0x3], $0x80, s22, s23, $0xb8;
	[tilespmem:$0x1BAC0] =	vst v63  }
0x5e: {  	_ =	swait.ge [sflag:s20], $0x4000  }
0x5f: {  	[sflag:s20] =	ssyncset.done $0x0  }
0x60: {  	s8 =	sadd.s32 s7, s19;
	[sflag:s20] =	ssyncadd.s32 $0xFFFFC000  }
0x61: {  	[tilespmem:s21], [sflag:$0x3] =	stream.linear.gather [hbm4b:s8+s3], $0x80, $0x38;
	[tilespmem:$0x1BAC0] =	vst v63  }
0x62: {  	_ =	swait.ge [sflag:s20], $0x80  }
0x63: {  	[sflag:s20] =	ssyncset.done $0x0  }
0x64: {  	s8 =	sadd.s32 s7, s18;
	[sflag:s20] =	ssyncadd.s32 $0xFFFFFF80  }
0x65: {  	[tilespmem:s22], [sflag:$0x3] =	stream.linear.gather [hbm4b:s8+s3], $0x80, $0x38;
	[tilespmem:$0x1BAC0] =	vst v63  }
0x66: {  	_ =	swait.ge [sflag:s20], $0x80  }
0x67: {  	[sflag:s20] =	ssyncset.done $0x0  }
0x68: {  	[sflag:s20] =	ssyncadd.s32 $0xFFFFFF80  }
0x69: {  	[tilespmem:s24], [sflag:$0x1] =	stream.indirect.gather [hbm4b:s1+s23], $0x80, s21, s23, $0xb8;
	[tilespmem:$0x1BAC0] =	vst v63  }
0x6a: {  	_ =	swait.ge [sflag:s30], $0x4000  }
0x6b: {  	[sflag:s30] =	ssyncset.done $0x0  }
0x6c: {  	[sflag:s30] =	ssyncadd.s32 $0xFFFFC000  }
0x6d: {  	[spmem:s2] =	stream.indirect.scatter.add.f32 [tilespmem:s28], [sflag:$0x3], $0x80, s26, s23, $0xb8;
	[tilespmem:$0x1BAC0] =	vst v63  }
0x6e: {  	_ =	swait.ge [sflag:s20], $0x4000  }
0x6f: {  	[sflag:s20] =	ssyncset.done $0x0  }
0x70: {  	s8 =	sadd.s32 s7, s17;
	[sflag:s20] =	ssyncadd.s32 $0xFFFFC000  }
0x71: {  	[tilespmem:s25], [sflag:$0x3] =	stream.linear.gather [hbm4b:s8+s3], $0x80, $0x38;
	[tilespmem:$0x1BAC0] =	vst v63  }
0x72: {  	_ =	swait.ge [sflag:s20], $0x80  }
0x73: {  	[sflag:s20] =	ssyncset.done $0x0  }
.Ltmp0:
0x74: {  	s7 =	sadd.s32 s7, s16;
	[sflag:s20] =	ssyncadd.s32 $0xFFFFFF80;
	(pc) =	sbr.rel @p1 .LBB2_2-.Ltmp0, $4  }
0x75: {  	[tilespmem:s26], [sflag:$0x3] =	stream.linear.gather [hbm4b:s7+s3], $0x80, $0x38;
	[tilespmem:$0x1BAC0] =	vst v63  }
0x76: {  	_ =	swait.ge [sflag:s20], $0x80  }
0x77: {  	[sflag:s20] =	ssyncset.done $0x0  }
0x78: {  	[sflag:s20] =	ssyncadd.s32 $0xFFFFFF80  }
0x79: {  	[tilespmem:s28], [sflag:$0x2] =	stream.indirect.gather [hbm4b:s1+s23], $0x80, s25, s23, $0xb8;
	[tilespmem:$0x1BAC0] =	vst v63  }
0x7a: {  	_ =	swait.ge [sflag:s29], $0x4000  }
0x7b: {  	[sflag:s29] =	ssyncset.done $0x0  }
0x7c: {  	[sflag:s29] =	ssyncadd.s32 $0xFFFFC000  }
0x7d: {  	[spmem:s2] =	stream.indirect.scatter.add.f32 [tilespmem:s24], [sflag:$0x3], $0x80, s22, s23, $0xb8;
	[tilespmem:$0x1BAC0] =	vst v63  }
0x7e: {  	_ =	swait.ge [sflag:s20], $0x4000  }
0x7f: {  	[sflag:s20] =	ssyncset.done $0x0  }
0x80: {  	[sflag:s20] =	ssyncadd.s32 $0xFFFFC000  }
0x81: {  	_ =	swait.ge [sflag:s30], $0x4000  }
0x82: {  	[sflag:s30] =	ssyncset.done $0x0  }
0x83: {  	[sflag:s30] =	ssyncadd.s32 $0xFFFFC000  }
0x84: {  	[spmem:s2] =	stream.indirect.scatter.add.f32 [tilespmem:s28], [sflag:$0x3], $0x80, s26, s23, $0xb8;
	[tilespmem:$0x1BAC0] =	vst v63  }
0x85: {  	_ =	swait.ge [sflag:s20], $0x4000  }
0x86: {  	[sflag:s20] =	ssyncset.done $0x0  }
0x87: {  	[sflag:s20] =	ssyncadd.s32 $0xFFFFC000  }
0x88: {  	[bflag:$0x0] =	sbarrier.arrive $0xFFFF  }
0x89: {  	[hbm:s13], [sflag:s6] =	dma.local [spmem:s0], $0x2700  }
0x8a: {  	s31 =	sadd.s32 $0x1, s31;
	_ =	swait.ge [sflag:s20], $0x2700  }
0x8b: {  	p1 =	sne.s32 s31, s15;
	[sflag:s20] =	ssyncset.done $0x0  }
.Ltmp1:
0x8c: {  	s0 =	simm.s32 @!p0 $0x3;
	[sflag:s20] =	ssyncadd.s32 $0xFFFFD900;
	(pc) =	sbr.rel @p1 .LBB2_1-.Ltmp1, $4  }
0x8d: {  	[hbm:s14], [sflag:s6] =	dma.local @!p0 [spmem:s4], $0x100  }
0x8e: {  	_ =	swait.ge @!p0 [sflag:s0], $0x100  }
0x8f: {  	[sflag:s0] =	ssyncset.done @!p0 $0x0  }
0x90: {  	[sflag:s0] =	ssyncadd.s32 @!p0 $0xFFFFFF00  }
0x91: {  	_ =	sfence.sel $0x180000  }
0x92: {  	[bflag:$0x0] =	sbarrier.arrive $0xFFFF  }
0x93: {  	_ =	strace $0x90000047  }
0x94: {  	[bflag:$0x2] =	sbarrier.arrive $0xFFFF  }
0x95: {  	s0 =	rddreg [dreg:$0x3]  }
0x96: {  	s0 =	sadd.s32 @!p0 $0x100000, s0  }
0x97: {  	[sflag:s0] =	ssyncadd.tile.s32 @!p0 $0x1;
	_ =	shalt  }
.Lfunc_end2:
_tile_overlayer_lowered:
.L_overlay_start_2:
0x98: {  	(tag) =	ssettag $0x2  }
0x99: {  	s0 =	rddreg [dreg:$0x0];
	s2 =	stileid.u32  }
0x9a: {  	s1 =	rddreg [dreg:$0x1];
	p0 =	sne.s32 s2, $0x0  }
0x9b: {  	s3 =	rddreg [dreg:$0x2];
	[bflag:$0x3] =	sbarrier.arrive $0xFFFF;
	s2 =	simm.s32 @!p0 $0x1C03  }
0x9c: {  	[timem:s3], [sflag:s2] =	dma.local @!p0 [hbm:s0], s1  }
0x9d: {  	s0 =	simm.s32 @!p0 $0x3  }
0x9e: {  	_ =	swait.ge @!p0 [sflag:s0], s1  }
0x9f: {  	s1 =	ssub.s32 @!p0 $0x0, s1;
	[sflag:s0] =	ssyncset.done @!p0 $0x0  }
0xa0: {  	[sflag:s0] =	ssyncadd.s32 @!p0 s1  }
0xa1: {  	[bflag:$0x3] =	sbarrier.arrive $0xFFFF  }
0xa2: {  	_ =	shalt  }

// kernel: kernel.14.cloned.1.call-start
scs
__scs_entry_jumppad:
0x0: {  	(pc) =	sbr.rel $0x88, $3  }
0x1: {  	(tag) =	ssettag $0x0;
	lr =	simm.s32 $0x1  }
0x2: {  	[smem:$0x3F99] =	sst lr;
	_ =	strace $0xD0000000  }
0x3: {  	_ = 	snop  }
0x4: {  	_ = 	snop  }
0x5: {  	_ = 	snop  }
0x6: {  	_ = 	snop  }
0x7: {  	_ = 	snop  }
__scs_overlays_trampoline_lowered:
0x8: {  	[smem:$0x3FA8] =	sst s0  }
0x9: {  	[smem:$0x3FA9] =	sst s1  }
0xa: {  	[smem:$0x3FAA] =	sst s2  }
0xb: {  	[smem:$0x3FAB] =	sst s3  }
0xc: {  	[smem:$0x3FAC] =	sst s4  }
0xd: {  	[smem:$0x3FAD] =	sst s5  }
0xe: {  	[smem:$0x3FAE] =	sst s6  }
0xf: {  	[smem:$0x3FAF] =	sst s7  }
0x10: {  	[smem:$0x3FB0] =	sst s8  }
0x11: {  	[smem:$0x3FB1] =	sst s9;
	s0 =	simm.s32 @!p0 $0x0  }
0x12: {  	s1 =	sld [smem:$0x3F97];
	s0 =	simm.s32 @p0 $0x1  }
0x13: {  	[smem:$0x3FB2] =	sst s0;
	s0 =	simm.s32 @!p1 $0x0  }
0x14: {  	s2 =	sld [smem:$0x3F96];
	s0 =	simm.s32 @p1 $0x1  }
0x15: {  	[smem:$0x3FB3] =	sst s0;
	s0 =	simm.s32 @!p2 $0x0  }
0x16: {  	s3 =	sld [smem:$0x3FDB];
	s0 =	simm.s32 @p2 $0x1  }
0x17: {  	s4 =	simm.s32 $0x1BF5;
	[smem:$0x3FB5] =	sst s0  }
0x18: {  	s0 =	sld [smem:$0x3F98];
	_ =	swait.ge [sflag:s4], $0x0  }
0x19: {  	s7 =	sld [smem:$0x3F99]  }
0x1a: {  	s8 =	sadd.s32 $0xFFFFE003, lr  }
0x1b: {  	s9 =	sadd.s32 $0xFFFFFEF7, lr;
	s5 =	simm.s32 $0xFFFFFFFF;
	p2 =	slt.u32 s8, $0xFFFFF086  }
0x1c: {  	p1 =	slt.u32 s9, $0xF7A;
	s5 =	simm.s32 @!p2 $0x0  }
0x1d: {  	s5 =	simm.s32 @p1 $0x1;
	p0 =	seq.s32 s7, s2  }
0x1e: {  	s7 =	smul.u32 @!p0 $0xF7A, s2;
	p2 =	seq.s32 @!p0 s5, $0x0  }
0x1f: {  	s9 =	smul.u32 $0xF7A, s1;
	s8 =	simm.s32 @!p0 $0x1BF5;
	p2 =	por !p2, p0  }
0x20: {  	[sflag:s8] =	ssyncset.s32 @!p0 $0xFFFFF086;
	s6 =	sadd.s32 @!p0 s3, s7;
	s7 =	simm.s32 @!p0 $0x108  }
0x21: {  	s3 =	sadd.s32 s3, s9;
	s6 =	sadd.s32 @!p0 $0x88, s6;
	s7 =	simm.s32 @p2 $0x1082  }
0x22: {  	[simem:s7], [sflag:s8] =	dma.local @!p0 [hbm:s6], $0xF7A  }
0x23: {  	s9 =	sor.u32 $0xD0000000, s2;
	s6 =	simm.s32 $0x108;
	_ =	swait.ge @!p0 [sflag:s8], $0x0  }
0x24: {  	s3 =	sadd.s32 $0x88, s3;
	s6 =	simm.s32 @!p1 $0x1082;
	[sflag:s4] =	ssyncset.s32 $0xFFFFF086  }
0x25: {  	[simem:s6], [sflag:s4] =	dma.local [hbm:s3], $0xF7A  }
0x26: {  	[smem:$0x3F99] =	sst s1;
	(tag) =	ssettag s2;
	_ =	strace s9  }
0x27: {  	s1 =	sld [smem:$0x3FA9]  }
0x28: {  	s2 =	sld [smem:$0x3FAA]  }
0x29: {  	s4 =	sld [smem:$0x3FAC]  }
0x2a: {  	p0 =	seq.s32 s5, $0x0;
	s5 =	sld [smem:$0x3FAD]  }
0x2b: {  	s6 =	sld [smem:$0x3FAE]  }
0x2c: {  	s7 =	sld [smem:$0x3FAF]  }
0x2d: {  	s3 =	simm.s32 $0x108;
	s8 =	sld [smem:$0x3FB0]  }
0x2e: {  	s3 =	simm.s32 @!p0 $0x1082;
	s9 =	sld [smem:$0x3FB1]  }
0x2f: {  	lr =	sadd.s32 s0, s3;
	s0 =	sld [smem:$0x3FA8]  }
0x30: {  	s3 =	sld [smem:$0x3FAB]  }
0x31: {  	[smem:$0x3FB4] =	sst s10  }
0x32: {  	s10 =	sld [smem:$0x3FB2];
	_ =	sdelay $0x3  }
0x33: {  	p0 =	seq.s32 s10, $0x1;
	s10 =	sld [smem:$0x3FB4];
	_ =	sdelay $0x3  }
0x34: {  	[smem:$0x3FB4] =	sst s10  }
0x35: {  	s10 =	sld [smem:$0x3FB3];
	_ =	sdelay $0x3  }
0x36: {  	p1 =	seq.s32 s10, $0x1;
	s10 =	sld [smem:$0x3FB4];
	_ =	sdelay $0x3  }
0x37: {  	[smem:$0x3FB4] =	sst s10  }
0x38: {  	s10 =	sld [smem:$0x3FB5]  }
0x39: {  	_ = 	snop;
	(pc) =	sbr.ind lr, $3  }
0x3a: {  	_ = 	snop  }
0x3b: {  	_ = 	snop  }
0x3c: {  	p2 =	seq.s32 s10, $0x1;
	s10 =	sld [smem:$0x3FB4]  }
0x3d: {  	_ =	shalt  }
0x3e: {  	_ =	shalt  }
0x3f: {  	_ =	shalt  }
0x40: {  	_ =	shalt  }
0x41: {  	_ =	shalt  }
0x42: {  	_ =	shalt  }
0x43: {  	_ =	shalt  }
0x44: {  	_ =	shalt  }
0x45: {  	_ =	shalt  }
0x46: {  	_ =	shalt  }
0x47: {  	_ =	shalt  }
0x48: {  	_ =	shalt  }
0x49: {  	_ =	shalt  }
0x4a: {  	_ =	shalt  }
0x4b: {  	_ =	shalt  }
0x4c: {  	_ =	shalt  }
0x4d: {  	_ =	shalt  }
0x4e: {  	_ =	shalt  }
0x4f: {  	_ =	shalt  }
0x50: {  	_ =	shalt  }
0x51: {  	_ =	shalt  }
0x52: {  	_ =	shalt  }
0x53: {  	_ =	shalt  }
0x54: {  	_ =	shalt  }
0x55: {  	_ =	shalt  }
0x56: {  	_ =	shalt  }
0x57: {  	_ =	shalt  }
0x58: {  	_ =	shalt  }
0x59: {  	_ =	shalt  }
0x5a: {  	_ =	shalt  }
0x5b: {  	_ =	shalt  }
0x5c: {  	_ =	shalt  }
0x5d: {  	_ =	shalt  }
0x5e: {  	_ =	shalt  }
0x5f: {  	_ =	shalt  }
0x60: {  	_ =	shalt  }
0x61: {  	_ =	shalt  }
0x62: {  	_ =	shalt  }
0x63: {  	_ =	shalt  }
0x64: {  	_ =	shalt  }
0x65: {  	_ =	shalt  }
0x66: {  	_ =	shalt  }
0x67: {  	_ =	shalt  }
0x68: {  	_ =	shalt  }
0x69: {  	_ =	shalt  }
0x6a: {  	_ =	shalt  }
0x6b: {  	_ =	shalt  }
0x6c: {  	_ =	shalt  }
0x6d: {  	_ =	shalt  }
0x6e: {  	_ =	shalt  }
0x6f: {  	_ =	shalt  }
0x70: {  	_ =	shalt  }
0x71: {  	_ =	shalt  }
0x72: {  	_ =	shalt  }
0x73: {  	_ =	shalt  }
0x74: {  	_ =	shalt  }
0x75: {  	_ =	shalt  }
0x76: {  	_ =	shalt  }
0x77: {  	_ =	shalt  }
0x78: {  	_ =	shalt  }
0x79: {  	_ =	shalt  }
0x7a: {  	_ =	shalt  }
0x7b: {  	_ =	shalt  }
0x7c: {  	_ =	shalt  }
0x7d: {  	_ =	shalt  }
0x7e: {  	_ =	shalt  }
0x7f: {  	_ =	shalt  }
0x80: {  	_ =	shalt  }
0x81: {  	_ =	shalt  }
0x82: {  	_ =	shalt  }
0x83: {  	_ =	shalt  }
0x84: {  	_ =	shalt  }
0x85: {  	_ =	shalt  }
0x86: {  	_ =	shalt  }
0x87: {  	_ =	shalt  }
.Lfunc_end0:
.L_simem_size_0:
called_computation.1_lowered:
.L_overlay_start_0:
0x88: {  	s2 =	sld [smem:$0x3FD9]  }
0x89: {  	s3 =	sld [smem:$0x3FFE];
	_ =	sdelay $0x1  }
0x8a: {  	s1 =	srdreg.scid  }
0x8b: {  	s0 =	sand.u32 $0x1, s1  }
0x8c: {  	s17 =	sshll.u32 s0, $0xA;
	s2 =	sadd.s32 s3, s2  }
0x8d: {  	s2 =	sadd.s32 s2, s17  }
0x8e: {  	[smem:$0x3FC0] =	sst s2  }
0x8f: {  	_ = 	snop  }
0x90: {  	s2 =	sld [smem:$0x3FD0];
	(tm) =	ssettm $0x1  }
0x91: {  	s18 =	sld [smem:$0x3FFB];
	_ =	sdelay $0x3  }
0x92: {  	_ =	strace s18  }
0x93: {  	s3 =	sld [smem:$0x3FFC];
	_ =	sdelay $0x3  }
0x94: {  	_ =	strace s3  }
0x95: {  	s3 =	sld [smem:$0x3FFD];
	_ =	sdelay $0x3  }
0x96: {  	_ =	strace s3  }
0x97: {  	_ =	strace $0x8FFFFFFF  }
0x98: {  	s19 =	sld [smem:$0x3FDB];
	_ =	sdelay $0x1  }
0x99: {  	s4 =	simm.s32 $_scs_section_size  }
0x9a: {  	s5 =	simm.s32 $_size__tile_overlayer_lowered;
	s6 =	simm.s32 $_tile_overlayer_lowered  }
0x9b: {  	s22 =	simm.s32 $0x1BFF;
	s21 =	sshll.u32 s6, $0x1;
	s3 =	sadd.s32 s4, s19  }
0x9c: {  	s7 =	simm.s32 $0x0;
	s20 =	sshll.u32 s5, $0x1;
	s5 =	sadd.s32 s21, s3  }
0x9d: {  	[timem:s7], [sflag:s22] =	dma.local [hbm:s5], s20  }
0x9e: {  	_ =	swait.ge [sflag:s22], s20  }
0x9f: {  	s4 =	ssub.s32 $0x0, s20;
	[sflag:s22] =	ssyncset.done $0x0  }
0xa0: {  	[sflag:s22] =	ssyncadd.s32 s4;
	_ =	sdelay $0x1  }
0xa1: {  	s23 =	simm.s32 $0x1B8B  }
0xa2: {  	_ =	swait.ge [sflag:s23], $0x1  }
0xa3: {  	[sflag:s23] =	ssyncset.done $0x0  }
0xa4: {  	s25 =	simm.s32 $0x1B8E;
	s24 =	sld [smem:$0x3FFE];
	[sflag:s23] =	ssyncadd.s32 $0xFFFFFFFF  }
0xa5: {  	s26 =	simm.s32 $execute0_lowered;
	[smem:$0x3FD2] =	sst s25  }
0xa6: {  	s5 =	sshll.u32 s26, $0x1;
	_ =	strace $0x80000049;
	[dreg:$0x1] =	wrdreg $0xFFFFFFFF  }
0xa7: {  	s28 =	simm.s32 $_size_execute0_lowered;
	s3 =	sadd.s32 s3, s5;
	[dreg:$0x0] =	wrdreg $0x0  }
0xa8: {  	s5 =	sshll.u32 s28, $0x1;
	[dreg:$0x2] =	wrdreg s3  }
0xa9: {  	[dreg:$0x3] =	wrdreg s5  }
0xaa: {  	[dreg:$0x4] =	wrdreg $0xC0  }
0xab: {  	_ =	task [dreg:s7], $0x5FFFF  }
0xac: {  	[dreg:$0x1] =	wrdreg $0xFFFFFFFF  }
0xad: {  	[dreg:$0x0] =	wrdreg $0x60  }
0xae: {  	[dreg:$0x2] =	wrdreg s2  }
0xaf: {  	[dreg:$0x3] =	wrdreg s24  }
0xb0: {  	[dreg:$0x4] =	wrdreg $0x0  }
0xb1: {  	[dreg:$0x5] =	wrdreg $0x9  }
0xb2: {  	_ =	task.clear_ibuf [dreg:s7], $0x6FFFF;
	_ =	strace $0x90000049  }
0xb3: {  	s29 =	simm.s32 $0x9;
	_ =	strace $0x8000004B  }
0xb4: {  	_ =	swait.ge [sflag:s29], $0x1  }
0xb5: {  	[sflag:s29] =	ssyncadd.s32 $0xFFFFFFFF  }
0xb6: {  	_ =	strace $0x9000004B  }
0xb7: {  	_ =	sfence  }
0xb8: {  	s30 =	sld [smem:$0x0];
	_ =	sdelay $0x2  }
0xb9: {  	s31 =	sshll.u32 s1, $0xD;
	s1 =	sshrl.u32 s1, $0x2  }
0xba: {  	s3 =	sand.u32 $0x4000, s31;
	s1 =	sadd.s32 s1, s30  }
0xbb: {  	s0 =	sor.u32 s3, s0;
	s1 =	sshll.u32 s1, $0x11  }
0xbc: {  	s0 =	sor.u32 s1, s0  }
0xbd: {  	s0 =	sadd.s32 $0x8F2B, s0  }
0xbe: {  	[sflag:s0] =	ssyncadd.remote.s32 $0x1  }
0xbf: {  	_ =	sfence.sel $0xFFFF  }
0xc0: {  	[dreg:$0x0] =	wrdreg $0xFFFFFFFF;
	(pc) =	sbr.abs _section_cstart, $3  }
0xc1: {  	[dreg:$0x1] =	wrdreg $0xFFFFFFFF  }
0xc2: {  	_ =	task.clear_ibuf [dreg:s7], $0x2FFFF;
	_ =	strace $0x9FFFFFFF  }
0xc3: {  	(tm) =	ssettm $0x7FFFFFFF  }
tec
execute0_lowered:
.L_overlay_start_1:
0x0: {  	(tag) =	ssettag $0x1  }
0x1: {  	s1 =	rddreg [dreg:$0x0]  }
0x2: {  	s0 =	rddreg [dreg:$0x1]  }
0x3: {  	s2 =	rddreg [dreg:$0x2];
	s3 =	simm.s32 $0x0  }
0x4: {  	s4 =	stileid.u32;
	s6 =	srdreg.scid;
	s28 =	simm.s32 $0x17AC0  }
0x5: {  	s29 =	simm.s32 $0x1;
	s30 =	simm.s32 $0x2;
	s31 =	simm.s32 $0x0  }
0x6: {  	[smem:$0x7FF] =	sst s3;
	s5 =	smul.u32 $0x13800, s4;
	s19 =	sadd.s32 $0xCC00, s0  }
0x7: {  	s11 =	sand.u32 $0x1, s6;
	s18 =	sadd.s32 $0x2C00, s0;
	s9 =	sshll.u32 s4, $0x1  }
0x8: {  	s10 =	smul.u32 $0x4E000, s4;
	s14 =	sadd.s32 $0x3DE00, s0;
	s20 =	sshll.u32 s4, $0x6  }
0x9: {  	s23 =	sadd.s32 $0x138000, s2;
	s24 =	smul.u32 $0x5000, s4;
	p0 =	sne.s32 s4, $0x0  }
0xa: {  	_ =	strace $0x8000004A;
	s15 =	ssub.s32 $0x2, s11;
	s16 =	sor.u32 s11, s9  }
0xb: {  	[dreg:$0x6] =	wrdreg s23;
	s23 =	simm.s32 $0x80;
	s7 =	sshrl.u32 s5, $0x3  }
0xc: {  	s8 =	sshrl.u32 s15, $0x1;
	s17 =	sshrl.u32 s10, $0x2;
	s21 =	smul.u32 $0x2800, s16  }
0xd: {  	s16 =	smul.u32 $0x2800, s11;
	s13 =	sadd.s32 s7, s0;
	s22 =	sadd.s32 s17, s2  }
0xe: {  	s15 =	ssub.s32 s15, s8;
	s0 =	sadd.s32 $0x3DC00, s0;
	[dreg:$0x4] =	wrdreg s22  }
0xf: {  	s6 =	sadd.s32 $0x16C00, s13;
	s12 =	sshrl.u32 s21, $0x3;
	s13 =	smul.u32 $0x138800, s11  }
0x10: {  	[dreg:$0x7] =	wrdreg s0;
	s0 =	sadd.s32 s16, s24;
	s15 =	smax.u32 s15, $0x1  }
0x11: {  	s21 =	simm.s32 $0x138C0;
	s22 =	simm.s32 $0x139C0;
	s24 =	simm.s32 $0x13AC0  }
0x12: {  	[dreg:$0x5] =	wrdreg s6;
	s6 =	sor.u32 $0x1C03, s20;
	s9 =	sadd.s32 s19, s12  }
0x13: {  	s10 =	sadd.s32 s18, s12;
	s12 =	sor.u32 $0x10, s12;
	s16 =	sor.u32 $0x180, s0  }
0x14: {  	s0 =	sor.u32 $0x100, s0;
	s20 =	simm.s32 $0x3;
	s11 =	sadd.s32 s19, s12  }
0x15: {  	s12 =	sadd.s32 s18, s12;
	s5 =	sadd.s32 s5, s13;
	s17 =	sshrl.u32 s13, $0x3  }
0x16: {  	s26 =	sshrl.u32 s16, $0x3;
	s0 =	sshrl.u32 s0, $0x3;
	s5 =	sshrl.u32 s5, $0x3  }
0x17: {  	s25 =	sadd.s32 s14, s17;
	s16 =	sadd.s32 s26, s18;
	s17 =	sadd.s32 s26, s19  }
0x18: {  	s18 =	sadd.s32 s0, s18;
	s19 =	sadd.s32 s0, s19;
	s26 =	simm.s32 $0x13A40  }
0x19: {  	s13 =	sadd.s32 s14, s5;
	s14 =	sadd.s32 $0x27000, s25;
	s25 =	simm.s32 $0x13940  }
.LBB2_1:
0x1a: {  	s0 =	rddreg [dreg:$0x4]  }
0x1b: {  	s4 =	rddreg [dreg:$0x5];
	s0 =	sshrl.u32 s0, $0x3  }
0x1c: {  	[spmem:s0], [sflag:s6] =	dma.local [hbm:s4], $0x2700  }
0x1d: {  	_ =	swait.ge [sflag:s20], $0x2700  }
0x1e: {  	[sflag:s20] =	ssyncset.done $0x0;
	s4 =	rddreg [dreg:$0x6]  }
0x1f: {  	s5 =	rddreg [dreg:$0x7];
	[sflag:s20] =	ssyncadd.s32 $0xFFFFD900;
	s4 =	sshrl.u32 @!p0 s4, $0x3  }
0x20: {  	[spmem:s4], [sflag:s6] =	dma.local @!p0 [hbm:s5], $0x100  }
0x21: {  	s5 =	simm.s32 @!p0 $0x3  }
0x22: {  	_ =	swait.ge @!p0 [sflag:s5], $0x100  }
0x23: {  	[sflag:s5] =	ssyncset.done @!p0 $0x0  }
0x24: {  	[sflag:s5] =	ssyncadd.s32 @!p0 $0xFFFFFF00  }
0x25: {  	[bflag:$0x0] =	sbarrier.arrive $0xFFFF  }
0x26: {  	[tilespmem:s21], [sflag:$0x3] =	stream.linear.gather [hbm4b:s9+s3], $0x80, $0x38;
	[tilespmem:$0x1BAC0] =	vst v63  }
0x27: {  	_ =	swait.ge [sflag:s20], $0x80  }
0x28: {  	[sflag:s20] =	ssyncset.done $0x0  }
0x29: {  	[sflag:s20] =	ssyncadd.s32 $0xFFFFFF80  }
0x2a: {  	[tilespmem:s22], [sflag:$0x3] =	stream.linear.gather [hbm4b:s10+s3], $0x80, $0x38;
	[tilespmem:$0x1BAC0] =	vst v63  }
0x2b: {  	_ =	swait.ge [sflag:s20], $0x80  }
0x2c: {  	[sflag:s20] =	ssyncset.done $0x0  }
0x2d: {  	[sflag:s20] =	ssyncadd.s32 $0xFFFFFF80  }
0x2e: {  	[tilespmem:s24], [sflag:$0x1] =	stream.indirect.gather [hbm4b:s1+s23], $0x80, s21, s23, $0xb8;
	[tilespmem:$0x1BAC0] =	vst v63  }
0x2f: {  	_ = 	snop  }
0x30: {  	[tilespmem:s25], [sflag:$0x3] =	stream.linear.gather [hbm4b:s11+s3], $0x80, $0x38;
	[tilespmem:$0x1BAC0] =	vst v63  }
0x31: {  	_ =	swait.ge [sflag:s20], $0x80  }
0x32: {  	[sflag:s20] =	ssyncset.done $0x0  }
0x33: {  	[sflag:s20] =	ssyncadd.s32 $0xFFFFFF80  }
0x34: {  	[tilespmem:s26], [sflag:$0x3] =	stream.linear.gather [hbm4b:s12+s3], $0x80, $0x38;
	[tilespmem:$0x1BAC0] =	vst v63  }
0x35: {  	_ =	swait.ge [sflag:s20], $0x80  }
0x36: {  	[sflag:s20] =	ssyncset.done $0x0  }
0x37: {  	[sflag:s20] =	ssyncadd.s32 $0xFFFFFF80  }
0x38: {  	[tilespmem:s28], [sflag:$0x2] =	stream.indirect.gather [hbm4b:s1+s23], $0x80, s25, s23, $0xb8;
	[tilespmem:$0x1BAC0] =	vst v63  }
0x39: {  	_ =	swait.ge [sflag:s29], $0x4000  }
0x3a: {  	[sflag:s29] =	ssyncset.done $0x0  }
0x3b: {  	[sflag:s29] =	ssyncadd.s32 $0xFFFFC000  }
0x3c: {  	[spmem:s2] =	stream.indirect.scatter.add.f32 [tilespmem:s24], [sflag:$0x3], $0x80, s22, s23, $0xb8;
	[tilespmem:$0x1BAC0] =	vst v63  }
0x3d: {  	_ =	swait.ge [sflag:s20], $0x4000  }
0x3e: {  	[sflag:s20] =	ssyncset.done $0x0  }
0x3f: {  	s7 =	sadd.s32 $0x0, s19;
	[sflag:s20] =	ssyncadd.s32 $0xFFFFC000  }
0x40: {  	[tilespmem:s21], [sflag:$0x3] =	stream.linear.gather [hbm4b:s7+s3], $0x80, $0x38;
	[tilespmem:$0x1BAC0] =	vst v63  }
0x41: {  	_ =	swait.ge [sflag:s20], $0x80  }
0x42: {  	[sflag:s20] =	ssyncset.done $0x0  }
0x43: {  	s8 =	sadd.s32 $0x0, s18;
	[sflag:s20] =	ssyncadd.s32 $0xFFFFFF80  }
0x44: {  	[tilespmem:s22], [sflag:$0x3] =	stream.linear.gather [hbm4b:s8+s3], $0x80, $0x38;
	[tilespmem:$0x1BAC0] =	vst v63  }
0x45: {  	_ =	swait.ge [sflag:s20], $0x80  }
0x46: {  	[sflag:s20] =	ssyncset.done $0x0  }
0x47: {  	[sflag:s20] =	ssyncadd.s32 $0xFFFFFF80  }
0x48: {  	[tilespmem:s24], [sflag:$0x1] =	stream.indirect.gather [hbm4b:s1+s23], $0x80, s21, s23, $0xb8;
	[tilespmem:$0x1BAC0] =	vst v63  }
0x49: {  	_ =	swait.ge [sflag:s30], $0x4000  }
0x4a: {  	[sflag:s30] =	ssyncset.done $0x0  }
0x4b: {  	[sflag:s30] =	ssyncadd.s32 $0xFFFFC000  }
0x4c: {  	[spmem:s2] =	stream.indirect.scatter.add.f32 [tilespmem:s28], [sflag:$0x3], $0x80, s26, s23, $0xb8;
	[tilespmem:$0x1BAC0] =	vst v63  }
0x4d: {  	_ =	swait.ge [sflag:s20], $0x4000  }
0x4e: {  	[sflag:s20] =	ssyncset.done $0x0  }
0x4f: {  	s7 =	sadd.s32 $0x0, s17;
	[sflag:s20] =	ssyncadd.s32 $0xFFFFC000  }
0x50: {  	[tilespmem:s25], [sflag:$0x3] =	stream.linear.gather [hbm4b:s7+s3], $0x80, $0x38;
	[tilespmem:$0x1BAC0] =	vst v63  }
0x51: {  	_ =	swait.ge [sflag:s20], $0x80  }
0x52: {  	[sflag:s20] =	ssyncset.done $0x0  }
0x53: {  	s8 =	sadd.s32 $0x0, s16;
	[sflag:s20] =	ssyncadd.s32 $0xFFFFFF80  }
0x54: {  	[tilespmem:s26], [sflag:$0x3] =	stream.linear.gather [hbm4b:s8+s3], $0x80, $0x38;
	[tilespmem:$0x1BAC0] =	vst v63  }
0x55: {  	_ =	swait.ge [sflag:s20], $0x80  }
0x56: {  	[sflag:s20] =	ssyncset.done $0x0  }
0x57: {  	s5 =	simm.s32 $0x20;
	[sflag:s20] =	ssyncadd.s32 $0xFFFFFF80  }
.LBB2_2:
0x58: {  	[tilespmem:s28], [sflag:$0x2] =	stream.indirect.gather [hbm4b:s1+s23], $0x80, s25, s23, $0xb8;
	[tilespmem:$0x1BAC0] =	vst v63  }
0x59: {  	s7 =	smov.u32 s5  }
0x5a: {  	p1 =	sne.s32 s5, $0x4C0;
	s5 =	sadd.s32 $0x20, s5;
	_ =	swait.ge [sflag:s29], $0x4000  }
0x5b: {  	[sflag:s29] =	ssyncset.done $0x0  }
0x5c: {  	[sflag:s29] =	ssyncadd.s32 $0xFFFFC000  }
0x5d: {  	[spmem:s2] =	stream.indirect.scatter.add.f32 [tilespmem:s24], [sflag:$0x3], $0x80, s22, s23, $0xb8;
	[tilespmem:$0x1BAC0] =	vst v63  }
0x5e: {  	_ =	swait.ge [sflag:s20], $0x4000  }
0x5f: {  	[sflag:s20] =	ssyncset.done $0x0  }
0x60: {  	s8 =	sadd.s32 s7, s19;
	[sflag:s20] =	ssyncadd.s32 $0xFFFFC000  }
0x61: {  	[tilespmem:s21], [sflag:$0x3] =	stream.linear.gather [hbm4b:s8+s3], $0x80, $0x38;
	[tilespmem:$0x1BAC0] =	vst v63  }
0x62: {  	_ =	swait.ge [sflag:s20], $0x80  }
0x63: {  	[sflag:s20] =	ssyncset.done $0x0  }
0x64: {  	s8 =	sadd.s32 s7, s18;
	[sflag:s20] =	ssyncadd.s32 $0xFFFFFF80  }
0x65: {  	[tilespmem:s22], [sflag:$0x3] =	stream.linear.gather [hbm4b:s8+s3], $0x80, $0x38;
	[tilespmem:$0x1BAC0] =	vst v63  }
0x66: {  	_ =	swait.ge [sflag:s20], $0x80  }
0x67: {  	[sflag:s20] =	ssyncset.done $0x0  }
0x68: {  	[sflag:s20] =	ssyncadd.s32 $0xFFFFFF80  }
0x69: {  	[tilespmem:s24], [sflag:$0x1] =	stream.indirect.gather [hbm4b:s1+s23], $0x80, s21, s23, $0xb8;
	[tilespmem:$0x1BAC0] =	vst v63  }
0x6a: {  	_ =	swait.ge [sflag:s30], $0x4000  }
0x6b: {  	[sflag:s30] =	ssyncset.done $0x0  }
0x6c: {  	[sflag:s30] =	ssyncadd.s32 $0xFFFFC000  }
0x6d: {  	[spmem:s2] =	stream.indirect.scatter.add.f32 [tilespmem:s28], [sflag:$0x3], $0x80, s26, s23, $0xb8;
	[tilespmem:$0x1BAC0] =	vst v63  }
0x6e: {  	_ =	swait.ge [sflag:s20], $0x4000  }
0x6f: {  	[sflag:s20] =	ssyncset.done $0x0  }
0x70: {  	s8 =	sadd.s32 s7, s17;
	[sflag:s20] =	ssyncadd.s32 $0xFFFFC000  }
0x71: {  	[tilespmem:s25], [sflag:$0x3] =	stream.linear.gather [hbm4b:s8+s3], $0x80, $0x38;
	[tilespmem:$0x1BAC0] =	vst v63  }
0x72: {  	_ =	swait.ge [sflag:s20], $0x80  }
0x73: {  	[sflag:s20] =	ssyncset.done $0x0  }
.Ltmp0:
0x74: {  	s7 =	sadd.s32 s7, s16;
	[sflag:s20] =	ssyncadd.s32 $0xFFFFFF80;
	(pc) =	sbr.rel @p1 .LBB2_2-.Ltmp0, $4  }
0x75: {  	[tilespmem:s26], [sflag:$0x3] =	stream.linear.gather [hbm4b:s7+s3], $0x80, $0x38;
	[tilespmem:$0x1BAC0] =	vst v63  }
0x76: {  	_ =	swait.ge [sflag:s20], $0x80  }
0x77: {  	[sflag:s20] =	ssyncset.done $0x0  }
0x78: {  	[sflag:s20] =	ssyncadd.s32 $0xFFFFFF80  }
0x79: {  	[tilespmem:s28], [sflag:$0x2] =	stream.indirect.gather [hbm4b:s1+s23], $0x80, s25, s23, $0xb8;
	[tilespmem:$0x1BAC0] =	vst v63  }
0x7a: {  	_ =	swait.ge [sflag:s29], $0x4000  }
0x7b: {  	[sflag:s29] =	ssyncset.done $0x0  }
0x7c: {  	[sflag:s29] =	ssyncadd.s32 $0xFFFFC000  }
0x7d: {  	[spmem:s2] =	stream.indirect.scatter.add.f32 [tilespmem:s24], [sflag:$0x3], $0x80, s22, s23, $0xb8;
	[tilespmem:$0x1BAC0] =	vst v63  }
0x7e: {  	_ =	swait.ge [sflag:s20], $0x4000  }
0x7f: {  	[sflag:s20] =	ssyncset.done $0x0  }
0x80: {  	[sflag:s20] =	ssyncadd.s32 $0xFFFFC000  }
0x81: {  	_ =	swait.ge [sflag:s30], $0x4000  }
0x82: {  	[sflag:s30] =	ssyncset.done $0x0  }
0x83: {  	[sflag:s30] =	ssyncadd.s32 $0xFFFFC000  }
0x84: {  	[spmem:s2] =	stream.indirect.scatter.add.f32 [tilespmem:s28], [sflag:$0x3], $0x80, s26, s23, $0xb8;
	[tilespmem:$0x1BAC0] =	vst v63  }
0x85: {  	_ =	swait.ge [sflag:s20], $0x4000  }
0x86: {  	[sflag:s20] =	ssyncset.done $0x0  }
0x87: {  	[sflag:s20] =	ssyncadd.s32 $0xFFFFC000  }
0x88: {  	[bflag:$0x0] =	sbarrier.arrive $0xFFFF  }
0x89: {  	[hbm:s13], [sflag:s6] =	dma.local [spmem:s0], $0x2700  }
0x8a: {  	s31 =	sadd.s32 $0x1, s31;
	_ =	swait.ge [sflag:s20], $0x2700  }
0x8b: {  	p1 =	sne.s32 s31, s15;
	[sflag:s20] =	ssyncset.done $0x0  }
.Ltmp1:
0x8c: {  	s0 =	simm.s32 @!p0 $0x3;
	[sflag:s20] =	ssyncadd.s32 $0xFFFFD900;
	(pc) =	sbr.rel @p1 .LBB2_1-.Ltmp1, $4  }
0x8d: {  	[hbm:s14], [sflag:s6] =	dma.local @!p0 [spmem:s4], $0x100  }
0x8e: {  	_ =	swait.ge @!p0 [sflag:s0], $0x100  }
0x8f: {  	[sflag:s0] =	ssyncset.done @!p0 $0x0  }
0x90: {  	[sflag:s0] =	ssyncadd.s32 @!p0 $0xFFFFFF00  }
0x91: {  	_ =	sfence.sel $0x180000  }
0x92: {  	[bflag:$0x0] =	sbarrier.arrive $0xFFFF  }
0x93: {  	_ =	strace $0x9000004A  }
0x94: {  	[bflag:$0x2] =	sbarrier.arrive $0xFFFF  }
0x95: {  	s0 =	rddreg [dreg:$0x3]  }
0x96: {  	s0 =	sadd.s32 @!p0 $0x100000, s0  }
0x97: {  	[sflag:s0] =	ssyncadd.tile.s32 @!p0 $0x1;
	_ =	shalt  }
.Lfunc_end2:
_tile_overlayer_lowered:
.L_overlay_start_2:
0x98: {  	(tag) =	ssettag $0x2  }
0x99: {  	s0 =	rddreg [dreg:$0x0];
	s2 =	stileid.u32  }
0x9a: {  	s1 =	rddreg [dreg:$0x1];
	p0 =	sne.s32 s2, $0x0  }
0x9b: {  	s3 =	rddreg [dreg:$0x2];
	[bflag:$0x3] =	sbarrier.arrive $0xFFFF;
	s2 =	simm.s32 @!p0 $0x1C03  }
0x9c: {  	[timem:s3], [sflag:s2] =	dma.local @!p0 [hbm:s0], s1  }
0x9d: {  	s0 =	simm.s32 @!p0 $0x3  }
0x9e: {  	_ =	swait.ge @!p0 [sflag:s0], s1  }
0x9f: {  	s1 =	ssub.s32 @!p0 $0x0, s1;
	[sflag:s0] =	ssyncset.done @!p0 $0x0  }
0xa0: {  	[sflag:s0] =	ssyncadd.s32 @!p0 s1  }
0xa1: {  	[bflag:$0x3] =	sbarrier.arrive $0xFFFF  }
0xa2: {  	_ =	shalt  }

// kernel: kernel.17.cloned.1.call-start
scs
__scs_entry_jumppad:
0x0: {  	(pc) =	sbr.rel $0x88, $3  }
0x1: {  	(tag) =	ssettag $0x0;
	lr =	simm.s32 $0x1  }
0x2: {  	[smem:$0x3F99] =	sst lr;
	_ =	strace $0xD0000000  }
0x3: {  	_ = 	snop  }
0x4: {  	_ = 	snop  }
0x5: {  	_ = 	snop  }
0x6: {  	_ = 	snop  }
0x7: {  	_ = 	snop  }
__scs_overlays_trampoline_lowered:
0x8: {  	[smem:$0x3FA8] =	sst s0  }
0x9: {  	[smem:$0x3FA9] =	sst s1  }
0xa: {  	[smem:$0x3FAA] =	sst s2  }
0xb: {  	[smem:$0x3FAB] =	sst s3  }
0xc: {  	[smem:$0x3FAC] =	sst s4  }
0xd: {  	[smem:$0x3FAD] =	sst s5  }
0xe: {  	[smem:$0x3FAE] =	sst s6  }
0xf: {  	[smem:$0x3FAF] =	sst s7  }
0x10: {  	[smem:$0x3FB0] =	sst s8  }
0x11: {  	[smem:$0x3FB1] =	sst s9;
	s0 =	simm.s32 @!p0 $0x0  }
0x12: {  	s1 =	sld [smem:$0x3F97];
	s0 =	simm.s32 @p0 $0x1  }
0x13: {  	[smem:$0x3FB2] =	sst s0;
	s0 =	simm.s32 @!p1 $0x0  }
0x14: {  	s2 =	sld [smem:$0x3F96];
	s0 =	simm.s32 @p1 $0x1  }
0x15: {  	[smem:$0x3FB3] =	sst s0;
	s0 =	simm.s32 @!p2 $0x0  }
0x16: {  	s3 =	sld [smem:$0x3FDB];
	s0 =	simm.s32 @p2 $0x1  }
0x17: {  	s4 =	simm.s32 $0x1BF5;
	[smem:$0x3FB5] =	sst s0  }
0x18: {  	s0 =	sld [smem:$0x3F98];
	_ =	swait.ge [sflag:s4], $0x0  }
0x19: {  	s7 =	sld [smem:$0x3F99]  }
0x1a: {  	s8 =	sadd.s32 $0xFFFFE003, lr  }
0x1b: {  	s9 =	sadd.s32 $0xFFFFFEF7, lr;
	s5 =	simm.s32 $0xFFFFFFFF;
	p2 =	slt.u32 s8, $0xFFFFF086  }
0x1c: {  	p1 =	slt.u32 s9, $0xF7A;
	s5 =	simm.s32 @!p2 $0x0  }
0x1d: {  	s5 =	simm.s32 @p1 $0x1;
	p0 =	seq.s32 s7, s2  }
0x1e: {  	s7 =	smul.u32 @!p0 $0xF7A, s2;
	p2 =	seq.s32 @!p0 s5, $0x0  }
0x1f: {  	s9 =	smul.u32 $0xF7A, s1;
	s8 =	simm.s32 @!p0 $0x1BF5;
	p2 =	por !p2, p0  }
0x20: {  	[sflag:s8] =	ssyncset.s32 @!p0 $0xFFFFF086;
	s6 =	sadd.s32 @!p0 s3, s7;
	s7 =	simm.s32 @!p0 $0x108  }
0x21: {  	s3 =	sadd.s32 s3, s9;
	s6 =	sadd.s32 @!p0 $0x88, s6;
	s7 =	simm.s32 @p2 $0x1082  }
0x22: {  	[simem:s7], [sflag:s8] =	dma.local @!p0 [hbm:s6], $0xF7A  }
0x23: {  	s9 =	sor.u32 $0xD0000000, s2;
	s6 =	simm.s32 $0x108;
	_ =	swait.ge @!p0 [sflag:s8], $0x0  }
0x24: {  	s3 =	sadd.s32 $0x88, s3;
	s6 =	simm.s32 @!p1 $0x1082;
	[sflag:s4] =	ssyncset.s32 $0xFFFFF086  }
0x25: {  	[simem:s6], [sflag:s4] =	dma.local [hbm:s3], $0xF7A  }
0x26: {  	[smem:$0x3F99] =	sst s1;
	(tag) =	ssettag s2;
	_ =	strace s9  }
0x27: {  	s1 =	sld [smem:$0x3FA9]  }
0x28: {  	s2 =	sld [smem:$0x3FAA]  }
0x29: {  	s4 =	sld [smem:$0x3FAC]  }
0x2a: {  	p0 =	seq.s32 s5, $0x0;
	s5 =	sld [smem:$0x3FAD]  }
0x2b: {  	s6 =	sld [smem:$0x3FAE]  }
0x2c: {  	s7 =	sld [smem:$0x3FAF]  }
0x2d: {  	s3 =	simm.s32 $0x108;
	s8 =	sld [smem:$0x3FB0]  }
0x2e: {  	s3 =	simm.s32 @!p0 $0x1082;
	s9 =	sld [smem:$0x3FB1]  }
0x2f: {  	lr =	sadd.s32 s0, s3;
	s0 =	sld [smem:$0x3FA8]  }
0x30: {  	s3 =	sld [smem:$0x3FAB]  }
0x31: {  	[smem:$0x3FB4] =	sst s10  }
0x32: {  	s10 =	sld [smem:$0x3FB2];
	_ =	sdelay $0x3  }
0x33: {  	p0 =	seq.s32 s10, $0x1;
	s10 =	sld [smem:$0x3FB4];
	_ =	sdelay $0x3  }
0x34: {  	[smem:$0x3FB4] =	sst s10  }
0x35: {  	s10 =	sld [smem:$0x3FB3];
	_ =	sdelay $0x3  }
0x36: {  	p1 =	seq.s32 s10, $0x1;
	s10 =	sld [smem:$0x3FB4];
	_ =	sdelay $0x3  }
0x37: {  	[smem:$0x3FB4] =	sst s10  }
0x38: {  	s10 =	sld [smem:$0x3FB5]  }
0x39: {  	_ = 	snop;
	(pc) =	sbr.ind lr, $3  }
0x3a: {  	_ = 	snop  }
0x3b: {  	_ = 	snop  }
0x3c: {  	p2 =	seq.s32 s10, $0x1;
	s10 =	sld [smem:$0x3FB4]  }
0x3d: {  	_ =	shalt  }
0x3e: {  	_ =	shalt  }
0x3f: {  	_ =	shalt  }
0x40: {  	_ =	shalt  }
0x41: {  	_ =	shalt  }
0x42: {  	_ =	shalt  }
0x43: {  	_ =	shalt  }
0x44: {  	_ =	shalt  }
0x45: {  	_ =	shalt  }
0x46: {  	_ =	shalt  }
0x47: {  	_ =	shalt  }
0x48: {  	_ =	shalt  }
0x49: {  	_ =	shalt  }
0x4a: {  	_ =	shalt  }
0x4b: {  	_ =	shalt  }
0x4c: {  	_ =	shalt  }
0x4d: {  	_ =	shalt  }
0x4e: {  	_ =	shalt  }
0x4f: {  	_ =	shalt  }
0x50: {  	_ =	shalt  }
0x51: {  	_ =	shalt  }
0x52: {  	_ =	shalt  }
0x53: {  	_ =	shalt  }
0x54: {  	_ =	shalt  }
0x55: {  	_ =	shalt  }
0x56: {  	_ =	shalt  }
0x57: {  	_ =	shalt  }
0x58: {  	_ =	shalt  }
0x59: {  	_ =	shalt  }
0x5a: {  	_ =	shalt  }
0x5b: {  	_ =	shalt  }
0x5c: {  	_ =	shalt  }
0x5d: {  	_ =	shalt  }
0x5e: {  	_ =	shalt  }
0x5f: {  	_ =	shalt  }
0x60: {  	_ =	shalt  }
0x61: {  	_ =	shalt  }
0x62: {  	_ =	shalt  }
0x63: {  	_ =	shalt  }
0x64: {  	_ =	shalt  }
0x65: {  	_ =	shalt  }
0x66: {  	_ =	shalt  }
0x67: {  	_ =	shalt  }
0x68: {  	_ =	shalt  }
0x69: {  	_ =	shalt  }
0x6a: {  	_ =	shalt  }
0x6b: {  	_ =	shalt  }
0x6c: {  	_ =	shalt  }
0x6d: {  	_ =	shalt  }
0x6e: {  	_ =	shalt  }
0x6f: {  	_ =	shalt  }
0x70: {  	_ =	shalt  }
0x71: {  	_ =	shalt  }
0x72: {  	_ =	shalt  }
0x73: {  	_ =	shalt  }
0x74: {  	_ =	shalt  }
0x75: {  	_ =	shalt  }
0x76: {  	_ =	shalt  }
0x77: {  	_ =	shalt  }
0x78: {  	_ =	shalt  }
0x79: {  	_ =	shalt  }
0x7a: {  	_ =	shalt  }
0x7b: {  	_ =	shalt  }
0x7c: {  	_ =	shalt  }
0x7d: {  	_ =	shalt  }
0x7e: {  	_ =	shalt  }
0x7f: {  	_ =	shalt  }
0x80: {  	_ =	shalt  }
0x81: {  	_ =	shalt  }
0x82: {  	_ =	shalt  }
0x83: {  	_ =	shalt  }
0x84: {  	_ =	shalt  }
0x85: {  	_ =	shalt  }
0x86: {  	_ =	shalt  }
0x87: {  	_ =	shalt  }
.Lfunc_end0:
.L_simem_size_0:
called_computation.2_lowered:
.L_overlay_start_0:
0x88: {  	s2 =	sld [smem:$0x3FD9]  }
0x89: {  	s3 =	sld [smem:$0x3FFE];
	_ =	sdelay $0x1  }
0x8a: {  	s1 =	srdreg.scid  }
0x8b: {  	s0 =	sand.u32 $0x1, s1  }
0x8c: {  	s17 =	sshll.u32 s0, $0xA;
	s2 =	sadd.s32 s3, s2  }
0x8d: {  	s2 =	sadd.s32 s2, s17  }
0x8e: {  	[smem:$0x3FC0] =	sst s2  }
0x8f: {  	_ = 	snop  }
0x90: {  	s2 =	sld [smem:$0x3FD0];
	(tm) =	ssettm $0x1  }
0x91: {  	s18 =	sld [smem:$0x3FFB];
	_ =	sdelay $0x3  }
0x92: {  	_ =	strace s18  }
0x93: {  	s3 =	sld [smem:$0x3FFC];
	_ =	sdelay $0x3  }
0x94: {  	_ =	strace s3  }
0x95: {  	s3 =	sld [smem:$0x3FFD];
	_ =	sdelay $0x3  }
0x96: {  	_ =	strace s3  }
0x97: {  	_ =	strace $0x8FFFFFFF  }
0x98: {  	s19 =	sld [smem:$0x3FDB];
	_ =	sdelay $0x1  }
0x99: {  	s4 =	simm.s32 $_scs_section_size  }
0x9a: {  	s5 =	simm.s32 $_size__tile_overlayer_lowered;
	s6 =	simm.s32 $_tile_overlayer_lowered  }
0x9b: {  	s22 =	simm.s32 $0x1BFF;
	s21 =	sshll.u32 s6, $0x1;
	s3 =	sadd.s32 s4, s19  }
0x9c: {  	s7 =	simm.s32 $0x0;
	s20 =	sshll.u32 s5, $0x1;
	s5 =	sadd.s32 s21, s3  }
0x9d: {  	[timem:s7], [sflag:s22] =	dma.local [hbm:s5], s20  }
0x9e: {  	_ =	swait.ge [sflag:s22], s20  }
0x9f: {  	s4 =	ssub.s32 $0x0, s20;
	[sflag:s22] =	ssyncset.done $0x0  }
0xa0: {  	[sflag:s22] =	ssyncadd.s32 s4;
	_ =	sdelay $0x1  }
0xa1: {  	s23 =	simm.s32 $0x1B8B  }
0xa2: {  	_ =	swait.ge [sflag:s23], $0x1  }
0xa3: {  	[sflag:s23] =	ssyncset.done $0x0  }
0xa4: {  	s25 =	simm.s32 $0x1B8E;
	s24 =	sld [smem:$0x3FFE];
	[sflag:s23] =	ssyncadd.s32 $0xFFFFFFFF  }
0xa5: {  	s26 =	simm.s32 $execute0_lowered;
	[smem:$0x3FD2] =	sst s25  }
0xa6: {  	s5 =	sshll.u32 s26, $0x1;
	_ =	strace $0x8000004C;
	[dreg:$0x1] =	wrdreg $0xFFFFFFFF  }
0xa7: {  	s28 =	simm.s32 $_size_execute0_lowered;
	s3 =	sadd.s32 s3, s5;
	[dreg:$0x0] =	wrdreg $0x0  }
0xa8: {  	s5 =	sshll.u32 s28, $0x1;
	[dreg:$0x2] =	wrdreg s3  }
0xa9: {  	[dreg:$0x3] =	wrdreg s5  }
0xaa: {  	[dreg:$0x4] =	wrdreg $0xC0  }
0xab: {  	_ =	task [dreg:s7], $0x5FFFF  }
0xac: {  	[dreg:$0x1] =	wrdreg $0xFFFFFFFF  }
0xad: {  	[dreg:$0x0] =	wrdreg $0x60  }
0xae: {  	[dreg:$0x2] =	wrdreg s2  }
0xaf: {  	[dreg:$0x3] =	wrdreg s24  }
0xb0: {  	[dreg:$0x4] =	wrdreg $0x0  }
0xb1: {  	[dreg:$0x5] =	wrdreg $0x9  }
0xb2: {  	_ =	task.clear_ibuf [dreg:s7], $0x6FFFF;
	_ =	strace $0x9000004C  }
0xb3: {  	s29 =	simm.s32 $0x9;
	_ =	strace $0x8000004E  }
0xb4: {  	_ =	swait.ge [sflag:s29], $0x1  }
0xb5: {  	[sflag:s29] =	ssyncadd.s32 $0xFFFFFFFF  }
0xb6: {  	_ =	strace $0x9000004E  }
0xb7: {  	_ =	sfence  }
0xb8: {  	s30 =	sld [smem:$0x0];
	_ =	sdelay $0x2  }
0xb9: {  	s31 =	sshll.u32 s1, $0xD;
	s1 =	sshrl.u32 s1, $0x2  }
0xba: {  	s3 =	sand.u32 $0x4000, s31;
	s1 =	sadd.s32 s1, s30  }
0xbb: {  	s0 =	sor.u32 s3, s0;
	s1 =	sshll.u32 s1, $0x11  }
0xbc: {  	s0 =	sor.u32 s1, s0  }
0xbd: {  	s0 =	sadd.s32 $0x8F2B, s0  }
0xbe: {  	[sflag:s0] =	ssyncadd.remote.s32 $0x1  }
0xbf: {  	_ =	sfence.sel $0xFFFF  }
0xc0: {  	[dreg:$0x0] =	wrdreg $0xFFFFFFFF;
	(pc) =	sbr.abs _section_cstart, $3  }
0xc1: {  	[dreg:$0x1] =	wrdreg $0xFFFFFFFF  }
0xc2: {  	_ =	task.clear_ibuf [dreg:s7], $0x2FFFF;
	_ =	strace $0x9FFFFFFF  }
0xc3: {  	(tm) =	ssettm $0x7FFFFFFF  }
tec
execute0_lowered:
.L_overlay_start_1:
0x0: {  	(tag) =	ssettag $0x1  }
0x1: {  	s1 =	rddreg [dreg:$0x0]  }
0x2: {  	s0 =	rddreg [dreg:$0x1]  }
0x3: {  	s2 =	rddreg [dreg:$0x2];
	s3 =	simm.s32 $0x0  }
0x4: {  	s4 =	stileid.u32;
	s6 =	srdreg.scid;
	s28 =	simm.s32 $0x17AC0  }
0x5: {  	s29 =	simm.s32 $0x1;
	s30 =	simm.s32 $0x2;
	s31 =	simm.s32 $0x0  }
0x6: {  	[smem:$0x7FF] =	sst s3;
	s5 =	smul.u32 $0x13800, s4;
	s19 =	sadd.s32 $0xCC00, s0  }
0x7: {  	s11 =	sand.u32 $0x1, s6;
	s18 =	sadd.s32 $0x2C00, s0;
	s9 =	sshll.u32 s4, $0x1  }
0x8: {  	s10 =	smul.u32 $0x4E000, s4;
	s14 =	sadd.s32 $0x3DE00, s0;
	s20 =	sshll.u32 s4, $0x6  }
0x9: {  	s23 =	sadd.s32 $0x138000, s2;
	s24 =	smul.u32 $0x5000, s4;
	p0 =	sne.s32 s4, $0x0  }
0xa: {  	_ =	strace $0x8000004D;
	s15 =	ssub.s32 $0x2, s11;
	s16 =	sor.u32 s11, s9  }
0xb: {  	[dreg:$0x6] =	wrdreg s23;
	s23 =	simm.s32 $0x80;
	s7 =	sshrl.u32 s5, $0x3  }
0xc: {  	s8 =	sshrl.u32 s15, $0x1;
	s17 =	sshrl.u32 s10, $0x2;
	s21 =	smul.u32 $0x2800, s16  }
0xd: {  	s16 =	smul.u32 $0x2800, s11;
	s13 =	sadd.s32 s7, s0;
	s22 =	sadd.s32 s17, s2  }
0xe: {  	s15 =	ssub.s32 s15, s8;
	s0 =	sadd.s32 $0x3DC00, s0;
	[dreg:$0x4] =	wrdreg s22  }
0xf: {  	s6 =	sadd.s32 $0x16C00, s13;
	s12 =	sshrl.u32 s21, $0x3;
	s13 =	smul.u32 $0x138800, s11  }
0x10: {  	[dreg:$0x7] =	wrdreg s0;
	s0 =	sadd.s32 s16, s24;
	s15 =	smax.u32 s15, $0x1  }
0x11: {  	s21 =	simm.s32 $0x138C0;
	s22 =	simm.s32 $0x139C0;
	s24 =	simm.s32 $0x13AC0  }
0x12: {  	[dreg:$0x5] =	wrdreg s6;
	s6 =	sor.u32 $0x1C03, s20;
	s9 =	sadd.s32 s19, s12  }
0x13: {  	s10 =	sadd.s32 s18, s12;
	s12 =	sor.u32 $0x10, s12;
	s16 =	sor.u32 $0x180, s0  }
0x14: {  	s0 =	sor.u32 $0x100, s0;
	s20 =	simm.s32 $0x3;
	s11 =	sadd.s32 s19, s12  }
0x15: {  	s12 =	sadd.s32 s18, s12;
	s5 =	sadd.s32 s5, s13;
	s17 =	sshrl.u32 s13, $0x3  }
0x16: {  	s26 =	sshrl.u32 s16, $0x3;
	s0 =	sshrl.u32 s0, $0x3;
	s5 =	sshrl.u32 s5, $0x3  }
0x17: {  	s25 =	sadd.s32 s14, s17;
	s16 =	sadd.s32 s26, s18;
	s17 =	sadd.s32 s26, s19  }
0x18: {  	s18 =	sadd.s32 s0, s18;
	s19 =	sadd.s32 s0, s19;
	s26 =	simm.s32 $0x13A40  }
0x19: {  	s13 =	sadd.s32 s14, s5;
	s14 =	sadd.s32 $0x27000, s25;
	s25 =	simm.s32 $0x13940  }
.LBB2_1:
0x1a: {  	s0 =	rddreg [dreg:$0x4]  }
0x1b: {  	s4 =	rddreg [dreg:$0x5];
	s0 =	sshrl.u32 s0, $0x3  }
0x1c: {  	[spmem:s0], [sflag:s6] =	dma.local [hbm:s4], $0x2700  }
0x1d: {  	_ =	swait.ge [sflag:s20], $0x2700  }
0x1e: {  	[sflag:s20] =	ssyncset.done $0x0;
	s4 =	rddreg [dreg:$0x6]  }
0x1f: {  	s5 =	rddreg [dreg:$0x7];
	[sflag:s20] =	ssyncadd.s32 $0xFFFFD900;
	s4 =	sshrl.u32 @!p0 s4, $0x3  }
0x20: {  	[spmem:s4], [sflag:s6] =	dma.local @!p0 [hbm:s5], $0x100  }
0x21: {  	s5 =	simm.s32 @!p0 $0x3  }
0x22: {  	_ =	swait.ge @!p0 [sflag:s5], $0x100  }
0x23: {  	[sflag:s5] =	ssyncset.done @!p0 $0x0  }
0x24: {  	[sflag:s5] =	ssyncadd.s32 @!p0 $0xFFFFFF00  }
0x25: {  	[bflag:$0x0] =	sbarrier.arrive $0xFFFF  }
0x26: {  	[tilespmem:s21], [sflag:$0x3] =	stream.linear.gather [hbm4b:s9+s3], $0x80, $0x38;
	[tilespmem:$0x1BAC0] =	vst v63  }
0x27: {  	_ =	swait.ge [sflag:s20], $0x80  }
0x28: {  	[sflag:s20] =	ssyncset.done $0x0  }
0x29: {  	[sflag:s20] =	ssyncadd.s32 $0xFFFFFF80  }
0x2a: {  	[tilespmem:s22], [sflag:$0x3] =	stream.linear.gather [hbm4b:s10+s3], $0x80, $0x38;
	[tilespmem:$0x1BAC0] =	vst v63  }
0x2b: {  	_ =	swait.ge [sflag:s20], $0x80  }
0x2c: {  	[sflag:s20] =	ssyncset.done $0x0  }
0x2d: {  	[sflag:s20] =	ssyncadd.s32 $0xFFFFFF80  }
0x2e: {  	[tilespmem:s24], [sflag:$0x1] =	stream.indirect.gather [hbm4b:s1+s23], $0x80, s21, s23, $0xb8;
	[tilespmem:$0x1BAC0] =	vst v63  }
0x2f: {  	_ = 	snop  }
0x30: {  	[tilespmem:s25], [sflag:$0x3] =	stream.linear.gather [hbm4b:s11+s3], $0x80, $0x38;
	[tilespmem:$0x1BAC0] =	vst v63  }
0x31: {  	_ =	swait.ge [sflag:s20], $0x80  }
0x32: {  	[sflag:s20] =	ssyncset.done $0x0  }
0x33: {  	[sflag:s20] =	ssyncadd.s32 $0xFFFFFF80  }
0x34: {  	[tilespmem:s26], [sflag:$0x3] =	stream.linear.gather [hbm4b:s12+s3], $0x80, $0x38;
	[tilespmem:$0x1BAC0] =	vst v63  }
0x35: {  	_ =	swait.ge [sflag:s20], $0x80  }
0x36: {  	[sflag:s20] =	ssyncset.done $0x0  }
0x37: {  	[sflag:s20] =	ssyncadd.s32 $0xFFFFFF80  }
0x38: {  	[tilespmem:s28], [sflag:$0x2] =	stream.indirect.gather [hbm4b:s1+s23], $0x80, s25, s23, $0xb8;
	[tilespmem:$0x1BAC0] =	vst v63  }
0x39: {  	_ =	swait.ge [sflag:s29], $0x4000  }
0x3a: {  	[sflag:s29] =	ssyncset.done $0x0  }
0x3b: {  	[sflag:s29] =	ssyncadd.s32 $0xFFFFC000  }
0x3c: {  	[spmem:s2] =	stream.indirect.scatter.add.f32 [tilespmem:s24], [sflag:$0x3], $0x80, s22, s23, $0xb8;
	[tilespmem:$0x1BAC0] =	vst v63  }
0x3d: {  	_ =	swait.ge [sflag:s20], $0x4000  }
0x3e: {  	[sflag:s20] =	ssyncset.done $0x0  }
0x3f: {  	s7 =	sadd.s32 $0x0, s19;
	[sflag:s20] =	ssyncadd.s32 $0xFFFFC000  }
0x40: {  	[tilespmem:s21], [sflag:$0x3] =	stream.linear.gather [hbm4b:s7+s3], $0x80, $0x38;
	[tilespmem:$0x1BAC0] =	vst v63  }
0x41: {  	_ =	swait.ge [sflag:s20], $0x80  }
0x42: {  	[sflag:s20] =	ssyncset.done $0x0  }
0x43: {  	s8 =	sadd.s32 $0x0, s18;
	[sflag:s20] =	ssyncadd.s32 $0xFFFFFF80  }
0x44: {  	[tilespmem:s22], [sflag:$0x3] =	stream.linear.gather [hbm4b:s8+s3], $0x80, $0x38;
	[tilespmem:$0x1BAC0] =	vst v63  }
0x45: {  	_ =	swait.ge [sflag:s20], $0x80  }
0x46: {  	[sflag:s20] =	ssyncset.done $0x0  }
0x47: {  	[sflag:s20] =	ssyncadd.s32 $0xFFFFFF80  }
0x48: {  	[tilespmem:s24], [sflag:$0x1] =	stream.indirect.gather [hbm4b:s1+s23], $0x80, s21, s23, $0xb8;
	[tilespmem:$0x1BAC0] =	vst v63  }
0x49: {  	_ =	swait.ge [sflag:s30], $0x4000  }
0x4a: {  	[sflag:s30] =	ssyncset.done $0x0  }
0x4b: {  	[sflag:s30] =	ssyncadd.s32 $0xFFFFC000  }
0x4c: {  	[spmem:s2] =	stream.indirect.scatter.add.f32 [tilespmem:s28], [sflag:$0x3], $0x80, s26, s23, $0xb8;
	[tilespmem:$0x1BAC0] =	vst v63  }
0x4d: {  	_ =	swait.ge [sflag:s20], $0x4000  }
0x4e: {  	[sflag:s20] =	ssyncset.done $0x0  }
0x4f: {  	s7 =	sadd.s32 $0x0, s17;
	[sflag:s20] =	ssyncadd.s32 $0xFFFFC000  }
0x50: {  	[tilespmem:s25], [sflag:$0x3] =	stream.linear.gather [hbm4b:s7+s3], $0x80, $0x38;
	[tilespmem:$0x1BAC0] =	vst v63  }
0x51: {  	_ =	swait.ge [sflag:s20], $0x80  }
0x52: {  	[sflag:s20] =	ssyncset.done $0x0  }
0x53: {  	s8 =	sadd.s32 $0x0, s16;
	[sflag:s20] =	ssyncadd.s32 $0xFFFFFF80  }
0x54: {  	[tilespmem:s26], [sflag:$0x3] =	stream.linear.gather [hbm4b:s8+s3], $0x80, $0x38;
	[tilespmem:$0x1BAC0] =	vst v63  }
0x55: {  	_ =	swait.ge [sflag:s20], $0x80  }
0x56: {  	[sflag:s20] =	ssyncset.done $0x0  }
0x57: {  	s5 =	simm.s32 $0x20;
	[sflag:s20] =	ssyncadd.s32 $0xFFFFFF80  }
.LBB2_2:
0x58: {  	[tilespmem:s28], [sflag:$0x2] =	stream.indirect.gather [hbm4b:s1+s23], $0x80, s25, s23, $0xb8;
	[tilespmem:$0x1BAC0] =	vst v63  }
0x59: {  	s7 =	smov.u32 s5  }
0x5a: {  	p1 =	sne.s32 s5, $0x4C0;
	s5 =	sadd.s32 $0x20, s5;
	_ =	swait.ge [sflag:s29], $0x4000  }
0x5b: {  	[sflag:s29] =	ssyncset.done $0x0  }
0x5c: {  	[sflag:s29] =	ssyncadd.s32 $0xFFFFC000  }
0x5d: {  	[spmem:s2] =	stream.indirect.scatter.add.f32 [tilespmem:s24], [sflag:$0x3], $0x80, s22, s23, $0xb8;
	[tilespmem:$0x1BAC0] =	vst v63  }
0x5e: {  	_ =	swait.ge [sflag:s20], $0x4000  }
0x5f: {  	[sflag:s20] =	ssyncset.done $0x0  }
0x60: {  	s8 =	sadd.s32 s7, s19;
	[sflag:s20] =	ssyncadd.s32 $0xFFFFC000  }
0x61: {  	[tilespmem:s21], [sflag:$0x3] =	stream.linear.gather [hbm4b:s8+s3], $0x80, $0x38;
	[tilespmem:$0x1BAC0] =	vst v63  }
0x62: {  	_ =	swait.ge [sflag:s20], $0x80  }
0x63: {  	[sflag:s20] =	ssyncset.done $0x0  }
0x64: {  	s8 =	sadd.s32 s7, s18;
	[sflag:s20] =	ssyncadd.s32 $0xFFFFFF80  }
0x65: {  	[tilespmem:s22], [sflag:$0x3] =	stream.linear.gather [hbm4b:s8+s3], $0x80, $0x38;
	[tilespmem:$0x1BAC0] =	vst v63  }
0x66: {  	_ =	swait.ge [sflag:s20], $0x80  }
0x67: {  	[sflag:s20] =	ssyncset.done $0x0  }
0x68: {  	[sflag:s20] =	ssyncadd.s32 $0xFFFFFF80  }
0x69: {  	[tilespmem:s24], [sflag:$0x1] =	stream.indirect.gather [hbm4b:s1+s23], $0x80, s21, s23, $0xb8;
	[tilespmem:$0x1BAC0] =	vst v63  }
0x6a: {  	_ =	swait.ge [sflag:s30], $0x4000  }
0x6b: {  	[sflag:s30] =	ssyncset.done $0x0  }
0x6c: {  	[sflag:s30] =	ssyncadd.s32 $0xFFFFC000  }
0x6d: {  	[spmem:s2] =	stream.indirect.scatter.add.f32 [tilespmem:s28], [sflag:$0x3], $0x80, s26, s23, $0xb8;
	[tilespmem:$0x1BAC0] =	vst v63  }
0x6e: {  	_ =	swait.ge [sflag:s20], $0x4000  }
0x6f: {  	[sflag:s20] =	ssyncset.done $0x0  }
0x70: {  	s8 =	sadd.s32 s7, s17;
	[sflag:s20] =	ssyncadd.s32 $0xFFFFC000  }
0x71: {  	[tilespmem:s25], [sflag:$0x3] =	stream.linear.gather [hbm4b:s8+s3], $0x80, $0x38;
	[tilespmem:$0x1BAC0] =	vst v63  }
0x72: {  	_ =	swait.ge [sflag:s20], $0x80  }
0x73: {  	[sflag:s20] =	ssyncset.done $0x0  }
.Ltmp0:
0x74: {  	s7 =	sadd.s32 s7, s16;
	[sflag:s20] =	ssyncadd.s32 $0xFFFFFF80;
	(pc) =	sbr.rel @p1 .LBB2_2-.Ltmp0, $4  }
0x75: {  	[tilespmem:s26], [sflag:$0x3] =	stream.linear.gather [hbm4b:s7+s3], $0x80, $0x38;
	[tilespmem:$0x1BAC0] =	vst v63  }
0x76: {  	_ =	swait.ge [sflag:s20], $0x80  }
0x77: {  	[sflag:s20] =	ssyncset.done $0x0  }
0x78: {  	[sflag:s20] =	ssyncadd.s32 $0xFFFFFF80  }
0x79: {  	[tilespmem:s28], [sflag:$0x2] =	stream.indirect.gather [hbm4b:s1+s23], $0x80, s25, s23, $0xb8;
	[tilespmem:$0x1BAC0] =	vst v63  }
0x7a: {  	_ =	swait.ge [sflag:s29], $0x4000  }
0x7b: {  	[sflag:s29] =	ssyncset.done $0x0  }
0x7c: {  	[sflag:s29] =	ssyncadd.s32 $0xFFFFC000  }
0x7d: {  	[spmem:s2] =	stream.indirect.scatter.add.f32 [tilespmem:s24], [sflag:$0x3], $0x80, s22, s23, $0xb8;
	[tilespmem:$0x1BAC0] =	vst v63  }
0x7e: {  	_ =	swait.ge [sflag:s20], $0x4000  }
0x7f: {  	[sflag:s20] =	ssyncset.done $0x0  }
0x80: {  	[sflag:s20] =	ssyncadd.s32 $0xFFFFC000  }
0x81: {  	_ =	swait.ge [sflag:s30], $0x4000  }
0x82: {  	[sflag:s30] =	ssyncset.done $0x0  }
0x83: {  	[sflag:s30] =	ssyncadd.s32 $0xFFFFC000  }
0x84: {  	[spmem:s2] =	stream.indirect.scatter.add.f32 [tilespmem:s28], [sflag:$0x3], $0x80, s26, s23, $0xb8;
	[tilespmem:$0x1BAC0] =	vst v63  }
0x85: {  	_ =	swait.ge [sflag:s20], $0x4000  }
0x86: {  	[sflag:s20] =	ssyncset.done $0x0  }
0x87: {  	[sflag:s20] =	ssyncadd.s32 $0xFFFFC000  }
0x88: {  	[bflag:$0x0] =	sbarrier.arrive $0xFFFF  }
0x89: {  	[hbm:s13], [sflag:s6] =	dma.local [spmem:s0], $0x2700  }
0x8a: {  	s31 =	sadd.s32 $0x1, s31;
	_ =	swait.ge [sflag:s20], $0x2700  }
0x8b: {  	p1 =	sne.s32 s31, s15;
	[sflag:s20] =	ssyncset.done $0x0  }
.Ltmp1:
0x8c: {  	s0 =	simm.s32 @!p0 $0x3;
	[sflag:s20] =	ssyncadd.s32 $0xFFFFD900;
	(pc) =	sbr.rel @p1 .LBB2_1-.Ltmp1, $4  }
0x8d: {  	[hbm:s14], [sflag:s6] =	dma.local @!p0 [spmem:s4], $0x100  }
0x8e: {  	_ =	swait.ge @!p0 [sflag:s0], $0x100  }
0x8f: {  	[sflag:s0] =	ssyncset.done @!p0 $0x0  }
0x90: {  	[sflag:s0] =	ssyncadd.s32 @!p0 $0xFFFFFF00  }
0x91: {  	_ =	sfence.sel $0x180000  }
0x92: {  	[bflag:$0x0] =	sbarrier.arrive $0xFFFF  }
0x93: {  	_ =	strace $0x9000004D  }
0x94: {  	[bflag:$0x2] =	sbarrier.arrive $0xFFFF  }
0x95: {  	s0 =	rddreg [dreg:$0x3]  }
0x96: {  	s0 =	sadd.s32 @!p0 $0x100000, s0  }
0x97: {  	[sflag:s0] =	ssyncadd.tile.s32 @!p0 $0x1;
	_ =	shalt  }
.Lfunc_end2:
_tile_overlayer_lowered:
.L_overlay_start_2:
0x98: {  	(tag) =	ssettag $0x2  }
0x99: {  	s0 =	rddreg [dreg:$0x0];
	s2 =	stileid.u32  }
0x9a: {  	s1 =	rddreg [dreg:$0x1];
	p0 =	sne.s32 s2, $0x0  }
0x9b: {  	s3 =	rddreg [dreg:$0x2];
	[bflag:$0x3] =	sbarrier.arrive $0xFFFF;
	s2 =	simm.s32 @!p0 $0x1C03  }
0x9c: {  	[timem:s3], [sflag:s2] =	dma.local @!p0 [hbm:s0], s1  }
0x9d: {  	s0 =	simm.s32 @!p0 $0x3  }
0x9e: {  	_ =	swait.ge @!p0 [sflag:s0], s1  }
0x9f: {  	s1 =	ssub.s32 @!p0 $0x0, s1;
	[sflag:s0] =	ssyncset.done @!p0 $0x0  }
0xa0: {  	[sflag:s0] =	ssyncadd.s32 @!p0 s1  }
0xa1: {  	[bflag:$0x3] =	sbarrier.arrive $0xFFFF  }
0xa2: {  	_ =	shalt  }

// kernel: kernel.20.cloned.1.call-start
scs
__scs_entry_jumppad:
0x0: {  	(pc) =	sbr.rel $0x88, $3  }
0x1: {  	(tag) =	ssettag $0x0;
	lr =	simm.s32 $0x1  }
0x2: {  	[smem:$0x3F99] =	sst lr;
	_ =	strace $0xD0000000  }
0x3: {  	_ = 	snop  }
0x4: {  	_ = 	snop  }
0x5: {  	_ = 	snop  }
0x6: {  	_ = 	snop  }
0x7: {  	_ = 	snop  }
__scs_overlays_trampoline_lowered:
0x8: {  	[smem:$0x3FA8] =	sst s0  }
0x9: {  	[smem:$0x3FA9] =	sst s1  }
0xa: {  	[smem:$0x3FAA] =	sst s2  }
0xb: {  	[smem:$0x3FAB] =	sst s3  }
0xc: {  	[smem:$0x3FAC] =	sst s4  }
0xd: {  	[smem:$0x3FAD] =	sst s5  }
0xe: {  	[smem:$0x3FAE] =	sst s6  }
0xf: {  	[smem:$0x3FAF] =	sst s7  }
0x10: {  	[smem:$0x3FB0] =	sst s8  }
0x11: {  	[smem:$0x3FB1] =	sst s9;
	s0 =	simm.s32 @!p0 $0x0  }
0x12: {  	s1 =	sld [smem:$0x3F97];
	s0 =	simm.s32 @p0 $0x1  }
0x13: {  	[smem:$0x3FB2] =	sst s0;
	s0 =	simm.s32 @!p1 $0x0  }
0x14: {  	s2 =	sld [smem:$0x3F96];
	s0 =	simm.s32 @p1 $0x1  }
0x15: {  	[smem:$0x3FB3] =	sst s0;
	s0 =	simm.s32 @!p2 $0x0  }
0x16: {  	s3 =	sld [smem:$0x3FDB];
	s0 =	simm.s32 @p2 $0x1  }
0x17: {  	s4 =	simm.s32 $0x1BF5;
	[smem:$0x3FB5] =	sst s0  }
0x18: {  	s0 =	sld [smem:$0x3F98];
	_ =	swait.ge [sflag:s4], $0x0  }
0x19: {  	s7 =	sld [smem:$0x3F99]  }
0x1a: {  	s8 =	sadd.s32 $0xFFFFE003, lr  }
0x1b: {  	s9 =	sadd.s32 $0xFFFFFEF7, lr;
	s5 =	simm.s32 $0xFFFFFFFF;
	p2 =	slt.u32 s8, $0xFFFFF086  }
0x1c: {  	p1 =	slt.u32 s9, $0xF7A;
	s5 =	simm.s32 @!p2 $0x0  }
0x1d: {  	s5 =	simm.s32 @p1 $0x1;
	p0 =	seq.s32 s7, s2  }
0x1e: {  	s7 =	smul.u32 @!p0 $0xF7A, s2;
	p2 =	seq.s32 @!p0 s5, $0x0  }
0x1f: {  	s9 =	smul.u32 $0xF7A, s1;
	s8 =	simm.s32 @!p0 $0x1BF5;
	p2 =	por !p2, p0  }
0x20: {  	[sflag:s8] =	ssyncset.s32 @!p0 $0xFFFFF086;
	s6 =	sadd.s32 @!p0 s3, s7;
	s7 =	simm.s32 @!p0 $0x108  }
0x21: {  	s3 =	sadd.s32 s3, s9;
	s6 =	sadd.s32 @!p0 $0x88, s6;
	s7 =	simm.s32 @p2 $0x1082  }
0x22: {  	[simem:s7], [sflag:s8] =	dma.local @!p0 [hbm:s6], $0xF7A  }
0x23: {  	s9 =	sor.u32 $0xD0000000, s2;
	s6 =	simm.s32 $0x108;
	_ =	swait.ge @!p0 [sflag:s8], $0x0  }
0x24: {  	s3 =	sadd.s32 $0x88, s3;
	s6 =	simm.s32 @!p1 $0x1082;
	[sflag:s4] =	ssyncset.s32 $0xFFFFF086  }
0x25: {  	[simem:s6], [sflag:s4] =	dma.local [hbm:s3], $0xF7A  }
0x26: {  	[smem:$0x3F99] =	sst s1;
	(tag) =	ssettag s2;
	_ =	strace s9  }
0x27: {  	s1 =	sld [smem:$0x3FA9]  }
0x28: {  	s2 =	sld [smem:$0x3FAA]  }
0x29: {  	s4 =	sld [smem:$0x3FAC]  }
0x2a: {  	p0 =	seq.s32 s5, $0x0;
	s5 =	sld [smem:$0x3FAD]  }
0x2b: {  	s6 =	sld [smem:$0x3FAE]  }
0x2c: {  	s7 =	sld [smem:$0x3FAF]  }
0x2d: {  	s3 =	simm.s32 $0x108;
	s8 =	sld [smem:$0x3FB0]  }
0x2e: {  	s3 =	simm.s32 @!p0 $0x1082;
	s9 =	sld [smem:$0x3FB1]  }
0x2f: {  	lr =	sadd.s32 s0, s3;
	s0 =	sld [smem:$0x3FA8]  }
0x30: {  	s3 =	sld [smem:$0x3FAB]  }
0x31: {  	[smem:$0x3FB4] =	sst s10  }
0x32: {  	s10 =	sld [smem:$0x3FB2];
	_ =	sdelay $0x3  }
0x33: {  	p0 =	seq.s32 s10, $0x1;
	s10 =	sld [smem:$0x3FB4];
	_ =	sdelay $0x3  }
0x34: {  	[smem:$0x3FB4] =	sst s10  }
0x35: {  	s10 =	sld [smem:$0x3FB3];
	_ =	sdelay $0x3  }
0x36: {  	p1 =	seq.s32 s10, $0x1;
	s10 =	sld [smem:$0x3FB4];
	_ =	sdelay $0x3  }
0x37: {  	[smem:$0x3FB4] =	sst s10  }
0x38: {  	s10 =	sld [smem:$0x3FB5]  }
0x39: {  	_ = 	snop;
	(pc) =	sbr.ind lr, $3  }
0x3a: {  	_ = 	snop  }
0x3b: {  	_ = 	snop  }
0x3c: {  	p2 =	seq.s32 s10, $0x1;
	s10 =	sld [smem:$0x3FB4]  }
0x3d: {  	_ =	shalt  }
0x3e: {  	_ =	shalt  }
0x3f: {  	_ =	shalt  }
0x40: {  	_ =	shalt  }
0x41: {  	_ =	shalt  }
0x42: {  	_ =	shalt  }
0x43: {  	_ =	shalt  }
0x44: {  	_ =	shalt  }
0x45: {  	_ =	shalt  }
0x46: {  	_ =	shalt  }
0x47: {  	_ =	shalt  }
0x48: {  	_ =	shalt  }
0x49: {  	_ =	shalt  }
0x4a: {  	_ =	shalt  }
0x4b: {  	_ =	shalt  }
0x4c: {  	_ =	shalt  }
0x4d: {  	_ =	shalt  }
0x4e: {  	_ =	shalt  }
0x4f: {  	_ =	shalt  }
0x50: {  	_ =	shalt  }
0x51: {  	_ =	shalt  }
0x52: {  	_ =	shalt  }
0x53: {  	_ =	shalt  }
0x54: {  	_ =	shalt  }
0x55: {  	_ =	shalt  }
0x56: {  	_ =	shalt  }
0x57: {  	_ =	shalt  }
0x58: {  	_ =	shalt  }
0x59: {  	_ =	shalt  }
0x5a: {  	_ =	shalt  }
0x5b: {  	_ =	shalt  }
0x5c: {  	_ =	shalt  }
0x5d: {  	_ =	shalt  }
0x5e: {  	_ =	shalt  }
0x5f: {  	_ =	shalt  }
0x60: {  	_ =	shalt  }
0x61: {  	_ =	shalt  }
0x62: {  	_ =	shalt  }
0x63: {  	_ =	shalt  }
0x64: {  	_ =	shalt  }
0x65: {  	_ =	shalt  }
0x66: {  	_ =	shalt  }
0x67: {  	_ =	shalt  }
0x68: {  	_ =	shalt  }
0x69: {  	_ =	shalt  }
0x6a: {  	_ =	shalt  }
0x6b: {  	_ =	shalt  }
0x6c: {  	_ =	shalt  }
0x6d: {  	_ =	shalt  }
0x6e: {  	_ =	shalt  }
0x6f: {  	_ =	shalt  }
0x70: {  	_ =	shalt  }
0x71: {  	_ =	shalt  }
0x72: {  	_ =	shalt  }
0x73: {  	_ =	shalt  }
0x74: {  	_ =	shalt  }
0x75: {  	_ =	shalt  }
0x76: {  	_ =	shalt  }
0x77: {  	_ =	shalt  }
0x78: {  	_ =	shalt  }
0x79: {  	_ =	shalt  }
0x7a: {  	_ =	shalt  }
0x7b: {  	_ =	shalt  }
0x7c: {  	_ =	shalt  }
0x7d: {  	_ =	shalt  }
0x7e: {  	_ =	shalt  }
0x7f: {  	_ =	shalt  }
0x80: {  	_ =	shalt  }
0x81: {  	_ =	shalt  }
0x82: {  	_ =	shalt  }
0x83: {  	_ =	shalt  }
0x84: {  	_ =	shalt  }
0x85: {  	_ =	shalt  }
0x86: {  	_ =	shalt  }
0x87: {  	_ =	shalt  }
.Lfunc_end0:
.L_simem_size_0:
called_computation.3_lowered:
.L_overlay_start_0:
0x88: {  	s2 =	sld [smem:$0x3FD9]  }
0x89: {  	s3 =	sld [smem:$0x3FFE];
	_ =	sdelay $0x1  }
0x8a: {  	s1 =	srdreg.scid  }
0x8b: {  	s0 =	sand.u32 $0x1, s1  }
0x8c: {  	s17 =	sshll.u32 s0, $0xA;
	s2 =	sadd.s32 s3, s2  }
0x8d: {  	s2 =	sadd.s32 s2, s17  }
0x8e: {  	[smem:$0x3FC0] =	sst s2  }
0x8f: {  	_ = 	snop  }
0x90: {  	s2 =	sld [smem:$0x3FD0];
	(tm) =	ssettm $0x1  }
0x91: {  	s18 =	sld [smem:$0x3FFB];
	_ =	sdelay $0x3  }
0x92: {  	_ =	strace s18  }
0x93: {  	s3 =	sld [smem:$0x3FFC];
	_ =	sdelay $0x3  }
0x94: {  	_ =	strace s3  }
0x95: {  	s3 =	sld [smem:$0x3FFD];
	_ =	sdelay $0x3  }
0x96: {  	_ =	strace s3  }
0x97: {  	_ =	strace $0x8FFFFFFF  }
0x98: {  	s19 =	sld [smem:$0x3FDB];
	_ =	sdelay $0x1  }
0x99: {  	s4 =	simm.s32 $_scs_section_size  }
0x9a: {  	s5 =	simm.s32 $_size__tile_overlayer_lowered;
	s6 =	simm.s32 $_tile_overlayer_lowered  }
0x9b: {  	s22 =	simm.s32 $0x1BFF;
	s21 =	sshll.u32 s6, $0x1;
	s3 =	sadd.s32 s4, s19  }
0x9c: {  	s7 =	simm.s32 $0x0;
	s20 =	sshll.u32 s5, $0x1;
	s5 =	sadd.s32 s21, s3  }
0x9d: {  	[timem:s7], [sflag:s22] =	dma.local [hbm:s5], s20  }
0x9e: {  	_ =	swait.ge [sflag:s22], s20  }
0x9f: {  	s4 =	ssub.s32 $0x0, s20;
	[sflag:s22] =	ssyncset.done $0x0  }
0xa0: {  	[sflag:s22] =	ssyncadd.s32 s4;
	_ =	sdelay $0x1  }
0xa1: {  	s23 =	simm.s32 $0x1B8B  }
0xa2: {  	_ =	swait.ge [sflag:s23], $0x1  }
0xa3: {  	[sflag:s23] =	ssyncset.done $0x0  }
0xa4: {  	s25 =	simm.s32 $0x1B8E;
	s24 =	sld [smem:$0x3FFE];
	[sflag:s23] =	ssyncadd.s32 $0xFFFFFFFF  }
0xa5: {  	s26 =	simm.s32 $execute0_lowered;
	[smem:$0x3FD2] =	sst s25  }
0xa6: {  	s5 =	sshll.u32 s26, $0x1;
	_ =	strace $0x8000004F;
	[dreg:$0x1] =	wrdreg $0xFFFFFFFF  }
0xa7: {  	s28 =	simm.s32 $_size_execute0_lowered;
	s3 =	sadd.s32 s3, s5;
	[dreg:$0x0] =	wrdreg $0x0  }
0xa8: {  	s5 =	sshll.u32 s28, $0x1;
	[dreg:$0x2] =	wrdreg s3  }
0xa9: {  	[dreg:$0x3] =	wrdreg s5  }
0xaa: {  	[dreg:$0x4] =	wrdreg $0xC0  }
0xab: {  	_ =	task [dreg:s7], $0x5FFFF  }
0xac: {  	[dreg:$0x1] =	wrdreg $0xFFFFFFFF  }
0xad: {  	[dreg:$0x0] =	wrdreg $0x60  }
0xae: {  	[dreg:$0x2] =	wrdreg s2  }
0xaf: {  	[dreg:$0x3] =	wrdreg s24  }
0xb0: {  	[dreg:$0x4] =	wrdreg $0x0  }
0xb1: {  	[dreg:$0x5] =	wrdreg $0x9  }
0xb2: {  	_ =	task.clear_ibuf [dreg:s7], $0x6FFFF;
	_ =	strace $0x9000004F  }
0xb3: {  	s29 =	simm.s32 $0x9;
	_ =	strace $0x80000051  }
0xb4: {  	_ =	swait.ge [sflag:s29], $0x1  }
0xb5: {  	[sflag:s29] =	ssyncadd.s32 $0xFFFFFFFF  }
0xb6: {  	_ =	strace $0x90000051  }
0xb7: {  	_ =	sfence  }
0xb8: {  	s30 =	sld [smem:$0x0];
	_ =	sdelay $0x2  }
0xb9: {  	s31 =	sshll.u32 s1, $0xD;
	s1 =	sshrl.u32 s1, $0x2  }
0xba: {  	s3 =	sand.u32 $0x4000, s31;
	s1 =	sadd.s32 s1, s30  }
0xbb: {  	s0 =	sor.u32 s3, s0;
	s1 =	sshll.u32 s1, $0x11  }
0xbc: {  	s0 =	sor.u32 s1, s0  }
0xbd: {  	s0 =	sadd.s32 $0x8F2B, s0  }
0xbe: {  	[sflag:s0] =	ssyncadd.remote.s32 $0x1  }
0xbf: {  	_ =	sfence.sel $0xFFFF  }
0xc0: {  	[dreg:$0x0] =	wrdreg $0xFFFFFFFF;
	(pc) =	sbr.abs _section_cstart, $3  }
0xc1: {  	[dreg:$0x1] =	wrdreg $0xFFFFFFFF  }
0xc2: {  	_ =	task.clear_ibuf [dreg:s7], $0x2FFFF;
	_ =	strace $0x9FFFFFFF  }
0xc3: {  	(tm) =	ssettm $0x7FFFFFFF  }
tec
execute0_lowered:
.L_overlay_start_1:
0x0: {  	(tag) =	ssettag $0x1  }
0x1: {  	s1 =	rddreg [dreg:$0x0]  }
0x2: {  	s0 =	rddreg [dreg:$0x1]  }
0x3: {  	s2 =	rddreg [dreg:$0x2];
	s3 =	simm.s32 $0x0  }
0x4: {  	s4 =	stileid.u32;
	s6 =	srdreg.scid;
	s28 =	simm.s32 $0x17AC0  }
0x5: {  	s29 =	simm.s32 $0x1;
	s30 =	simm.s32 $0x2;
	s31 =	simm.s32 $0x0  }
0x6: {  	[smem:$0x7FF] =	sst s3;
	s5 =	smul.u32 $0x13800, s4;
	s19 =	sadd.s32 $0xCC00, s0  }
0x7: {  	s11 =	sand.u32 $0x1, s6;
	s18 =	sadd.s32 $0x2C00, s0;
	s9 =	sshll.u32 s4, $0x1  }
0x8: {  	s10 =	smul.u32 $0x4E000, s4;
	s14 =	sadd.s32 $0x3DE00, s0;
	s20 =	sshll.u32 s4, $0x6  }
0x9: {  	s23 =	sadd.s32 $0x138000, s2;
	s24 =	smul.u32 $0x5000, s4;
	p0 =	sne.s32 s4, $0x0  }
0xa: {  	_ =	strace $0x80000050;
	s15 =	ssub.s32 $0x2, s11;
	s16 =	sor.u32 s11, s9  }
0xb: {  	[dreg:$0x6] =	wrdreg s23;
	s23 =	simm.s32 $0x80;
	s7 =	sshrl.u32 s5, $0x3  }
0xc: {  	s8 =	sshrl.u32 s15, $0x1;
	s17 =	sshrl.u32 s10, $0x2;
	s21 =	smul.u32 $0x2800, s16  }
0xd: {  	s16 =	smul.u32 $0x2800, s11;
	s13 =	sadd.s32 s7, s0;
	s22 =	sadd.s32 s17, s2  }
0xe: {  	s15 =	ssub.s32 s15, s8;
	s0 =	sadd.s32 $0x3DC00, s0;
	[dreg:$0x4] =	wrdreg s22  }
0xf: {  	s6 =	sadd.s32 $0x16C00, s13;
	s12 =	sshrl.u32 s21, $0x3;
	s13 =	smul.u32 $0x138800, s11  }
0x10: {  	[dreg:$0x7] =	wrdreg s0;
	s0 =	sadd.s32 s16, s24;
	s15 =	smax.u32 s15, $0x1  }
0x11: {  	s21 =	simm.s32 $0x138C0;
	s22 =	simm.s32 $0x139C0;
	s24 =	simm.s32 $0x13AC0  }
0x12: {  	[dreg:$0x5] =	wrdreg s6;
	s6 =	sor.u32 $0x1C03, s20;
	s9 =	sadd.s32 s19, s12  }
0x13: {  	s10 =	sadd.s32 s18, s12;
	s12 =	sor.u32 $0x10, s12;
	s16 =	sor.u32 $0x180, s0  }
0x14: {  	s0 =	sor.u32 $0x100, s0;
	s20 =	simm.s32 $0x3;
	s11 =	sadd.s32 s19, s12  }
0x15: {  	s12 =	sadd.s32 s18, s12;
	s5 =	sadd.s32 s5, s13;
	s17 =	sshrl.u32 s13, $0x3  }
0x16: {  	s26 =	sshrl.u32 s16, $0x3;
	s0 =	sshrl.u32 s0, $0x3;
	s5 =	sshrl.u32 s5, $0x3  }
0x17: {  	s25 =	sadd.s32 s14, s17;
	s16 =	sadd.s32 s26, s18;
	s17 =	sadd.s32 s26, s19  }
0x18: {  	s18 =	sadd.s32 s0, s18;
	s19 =	sadd.s32 s0, s19;
	s26 =	simm.s32 $0x13A40  }
0x19: {  	s13 =	sadd.s32 s14, s5;
	s14 =	sadd.s32 $0x27000, s25;
	s25 =	simm.s32 $0x13940  }
.LBB2_1:
0x1a: {  	s0 =	rddreg [dreg:$0x4]  }
0x1b: {  	s4 =	rddreg [dreg:$0x5];
	s0 =	sshrl.u32 s0, $0x3  }
0x1c: {  	[spmem:s0], [sflag:s6] =	dma.local [hbm:s4], $0x2700  }
0x1d: {  	_ =	swait.ge [sflag:s20], $0x2700  }
0x1e: {  	[sflag:s20] =	ssyncset.done $0x0;
	s4 =	rddreg [dreg:$0x6]  }
0x1f: {  	s5 =	rddreg [dreg:$0x7];
	[sflag:s20] =	ssyncadd.s32 $0xFFFFD900;
	s4 =	sshrl.u32 @!p0 s4, $0x3  }
0x20: {  	[spmem:s4], [sflag:s6] =	dma.local @!p0 [hbm:s5], $0x100  }
0x21: {  	s5 =	simm.s32 @!p0 $0x3  }
0x22: {  	_ =	swait.ge @!p0 [sflag:s5], $0x100  }
0x23: {  	[sflag:s5] =	ssyncset.done @!p0 $0x0  }
0x24: {  	[sflag:s5] =	ssyncadd.s32 @!p0 $0xFFFFFF00  }
0x25: {  	[bflag:$0x0] =	sbarrier.arrive $0xFFFF  }
0x26: {  	[tilespmem:s21], [sflag:$0x3] =	stream.linear.gather [hbm4b:s9+s3], $0x80, $0x38;
	[tilespmem:$0x1BAC0] =	vst v63  }
0x27: {  	_ =	swait.ge [sflag:s20], $0x80  }
0x28: {  	[sflag:s20] =	ssyncset.done $0x0  }
0x29: {  	[sflag:s20] =	ssyncadd.s32 $0xFFFFFF80  }
0x2a: {  	[tilespmem:s22], [sflag:$0x3] =	stream.linear.gather [hbm4b:s10+s3], $0x80, $0x38;
	[tilespmem:$0x1BAC0] =	vst v63  }
0x2b: {  	_ =	swait.ge [sflag:s20], $0x80  }
0x2c: {  	[sflag:s20] =	ssyncset.done $0x0  }
0x2d: {  	[sflag:s20] =	ssyncadd.s32 $0xFFFFFF80  }
0x2e: {  	[tilespmem:s24], [sflag:$0x1] =	stream.indirect.gather [hbm4b:s1+s23], $0x80, s21, s23, $0xb8;
	[tilespmem:$0x1BAC0] =	vst v63  }
0x2f: {  	_ = 	snop  }
0x30: {  	[tilespmem:s25], [sflag:$0x3] =	stream.linear.gather [hbm4b:s11+s3], $0x80, $0x38;
	[tilespmem:$0x1BAC0] =	vst v63  }
0x31: {  	_ =	swait.ge [sflag:s20], $0x80  }
0x32: {  	[sflag:s20] =	ssyncset.done $0x0  }
0x33: {  	[sflag:s20] =	ssyncadd.s32 $0xFFFFFF80  }
0x34: {  	[tilespmem:s26], [sflag:$0x3] =	stream.linear.gather [hbm4b:s12+s3], $0x80, $0x38;
	[tilespmem:$0x1BAC0] =	vst v63  }
0x35: {  	_ =	swait.ge [sflag:s20], $0x80  }
0x36: {  	[sflag:s20] =	ssyncset.done $0x0  }
0x37: {  	[sflag:s20] =	ssyncadd.s32 $0xFFFFFF80  }
0x38: {  	[tilespmem:s28], [sflag:$0x2] =	stream.indirect.gather [hbm4b:s1+s23], $0x80, s25, s23, $0xb8;
	[tilespmem:$0x1BAC0] =	vst v63  }
0x39: {  	_ =	swait.ge [sflag:s29], $0x4000  }
0x3a: {  	[sflag:s29] =	ssyncset.done $0x0  }
0x3b: {  	[sflag:s29] =	ssyncadd.s32 $0xFFFFC000  }
0x3c: {  	[spmem:s2] =	stream.indirect.scatter.add.f32 [tilespmem:s24], [sflag:$0x3], $0x80, s22, s23, $0xb8;
	[tilespmem:$0x1BAC0] =	vst v63  }
0x3d: {  	_ =	swait.ge [sflag:s20], $0x4000  }
0x3e: {  	[sflag:s20] =	ssyncset.done $0x0  }
0x3f: {  	s7 =	sadd.s32 $0x0, s19;
	[sflag:s20] =	ssyncadd.s32 $0xFFFFC000  }
0x40: {  	[tilespmem:s21], [sflag:$0x3] =	stream.linear.gather [hbm4b:s7+s3], $0x80, $0x38;
	[tilespmem:$0x1BAC0] =	vst v63  }
0x41: {  	_ =	swait.ge [sflag:s20], $0x80  }
0x42: {  	[sflag:s20] =	ssyncset.done $0x0  }
0x43: {  	s8 =	sadd.s32 $0x0, s18;
	[sflag:s20] =	ssyncadd.s32 $0xFFFFFF80  }
0x44: {  	[tilespmem:s22], [sflag:$0x3] =	stream.linear.gather [hbm4b:s8+s3], $0x80, $0x38;
	[tilespmem:$0x1BAC0] =	vst v63  }
0x45: {  	_ =	swait.ge [sflag:s20], $0x80  }
0x46: {  	[sflag:s20] =	ssyncset.done $0x0  }
0x47: {  	[sflag:s20] =	ssyncadd.s32 $0xFFFFFF80  }
0x48: {  	[tilespmem:s24], [sflag:$0x1] =	stream.indirect.gather [hbm4b:s1+s23], $0x80, s21, s23, $0xb8;
	[tilespmem:$0x1BAC0] =	vst v63  }
0x49: {  	_ =	swait.ge [sflag:s30], $0x4000  }
0x4a: {  	[sflag:s30] =	ssyncset.done $0x0  }
0x4b: {  	[sflag:s30] =	ssyncadd.s32 $0xFFFFC000  }
0x4c: {  	[spmem:s2] =	stream.indirect.scatter.add.f32 [tilespmem:s28], [sflag:$0x3], $0x80, s26, s23, $0xb8;
	[tilespmem:$0x1BAC0] =	vst v63  }
0x4d: {  	_ =	swait.ge [sflag:s20], $0x4000  }
0x4e: {  	[sflag:s20] =	ssyncset.done $0x0  }
0x4f: {  	s7 =	sadd.s32 $0x0, s17;
	[sflag:s20] =	ssyncadd.s32 $0xFFFFC000  }
0x50: {  	[tilespmem:s25], [sflag:$0x3] =	stream.linear.gather [hbm4b:s7+s3], $0x80, $0x38;
	[tilespmem:$0x1BAC0] =	vst v63  }
0x51: {  	_ =	swait.ge [sflag:s20], $0x80  }
0x52: {  	[sflag:s20] =	ssyncset.done $0x0  }
0x53: {  	s8 =	sadd.s32 $0x0, s16;
	[sflag:s20] =	ssyncadd.s32 $0xFFFFFF80  }
0x54: {  	[tilespmem:s26], [sflag:$0x3] =	stream.linear.gather [hbm4b:s8+s3], $0x80, $0x38;
	[tilespmem:$0x1BAC0] =	vst v63  }
0x55: {  	_ =	swait.ge [sflag:s20], $0x80  }
0x56: {  	[sflag:s20] =	ssyncset.done $0x0  }
0x57: {  	s5 =	simm.s32 $0x20;
	[sflag:s20] =	ssyncadd.s32 $0xFFFFFF80  }
.LBB2_2:
0x58: {  	[tilespmem:s28], [sflag:$0x2] =	stream.indirect.gather [hbm4b:s1+s23], $0x80, s25, s23, $0xb8;
	[tilespmem:$0x1BAC0] =	vst v63  }
0x59: {  	s7 =	smov.u32 s5  }
0x5a: {  	p1 =	sne.s32 s5, $0x4C0;
	s5 =	sadd.s32 $0x20, s5;
	_ =	swait.ge [sflag:s29], $0x4000  }
0x5b: {  	[sflag:s29] =	ssyncset.done $0x0  }
0x5c: {  	[sflag:s29] =	ssyncadd.s32 $0xFFFFC000  }
0x5d: {  	[spmem:s2] =	stream.indirect.scatter.add.f32 [tilespmem:s24], [sflag:$0x3], $0x80, s22, s23, $0xb8;
	[tilespmem:$0x1BAC0] =	vst v63  }
0x5e: {  	_ =	swait.ge [sflag:s20], $0x4000  }
0x5f: {  	[sflag:s20] =	ssyncset.done $0x0  }
0x60: {  	s8 =	sadd.s32 s7, s19;
	[sflag:s20] =	ssyncadd.s32 $0xFFFFC000  }
0x61: {  	[tilespmem:s21], [sflag:$0x3] =	stream.linear.gather [hbm4b:s8+s3], $0x80, $0x38;
	[tilespmem:$0x1BAC0] =	vst v63  }
0x62: {  	_ =	swait.ge [sflag:s20], $0x80  }
0x63: {  	[sflag:s20] =	ssyncset.done $0x0  }
0x64: {  	s8 =	sadd.s32 s7, s18;
	[sflag:s20] =	ssyncadd.s32 $0xFFFFFF80  }
0x65: {  	[tilespmem:s22], [sflag:$0x3] =	stream.linear.gather [hbm4b:s8+s3], $0x80, $0x38;
	[tilespmem:$0x1BAC0] =	vst v63  }
0x66: {  	_ =	swait.ge [sflag:s20], $0x80  }
0x67: {  	[sflag:s20] =	ssyncset.done $0x0  }
0x68: {  	[sflag:s20] =	ssyncadd.s32 $0xFFFFFF80  }
0x69: {  	[tilespmem:s24], [sflag:$0x1] =	stream.indirect.gather [hbm4b:s1+s23], $0x80, s21, s23, $0xb8;
	[tilespmem:$0x1BAC0] =	vst v63  }
0x6a: {  	_ =	swait.ge [sflag:s30], $0x4000  }
0x6b: {  	[sflag:s30] =	ssyncset.done $0x0  }
0x6c: {  	[sflag:s30] =	ssyncadd.s32 $0xFFFFC000  }
0x6d: {  	[spmem:s2] =	stream.indirect.scatter.add.f32 [tilespmem:s28], [sflag:$0x3], $0x80, s26, s23, $0xb8;
	[tilespmem:$0x1BAC0] =	vst v63  }
0x6e: {  	_ =	swait.ge [sflag:s20], $0x4000  }
0x6f: {  	[sflag:s20] =	ssyncset.done $0x0  }
0x70: {  	s8 =	sadd.s32 s7, s17;
	[sflag:s20] =	ssyncadd.s32 $0xFFFFC000  }
0x71: {  	[tilespmem:s25], [sflag:$0x3] =	stream.linear.gather [hbm4b:s8+s3], $0x80, $0x38;
	[tilespmem:$0x1BAC0] =	vst v63  }
0x72: {  	_ =	swait.ge [sflag:s20], $0x80  }
0x73: {  	[sflag:s20] =	ssyncset.done $0x0  }
.Ltmp0:
0x74: {  	s7 =	sadd.s32 s7, s16;
	[sflag:s20] =	ssyncadd.s32 $0xFFFFFF80;
	(pc) =	sbr.rel @p1 .LBB2_2-.Ltmp0, $4  }
0x75: {  	[tilespmem:s26], [sflag:$0x3] =	stream.linear.gather [hbm4b:s7+s3], $0x80, $0x38;
	[tilespmem:$0x1BAC0] =	vst v63  }
0x76: {  	_ =	swait.ge [sflag:s20], $0x80  }
0x77: {  	[sflag:s20] =	ssyncset.done $0x0  }
0x78: {  	[sflag:s20] =	ssyncadd.s32 $0xFFFFFF80  }
0x79: {  	[tilespmem:s28], [sflag:$0x2] =	stream.indirect.gather [hbm4b:s1+s23], $0x80, s25, s23, $0xb8;
	[tilespmem:$0x1BAC0] =	vst v63  }
0x7a: {  	_ =	swait.ge [sflag:s29], $0x4000  }
0x7b: {  	[sflag:s29] =	ssyncset.done $0x0  }
0x7c: {  	[sflag:s29] =	ssyncadd.s32 $0xFFFFC000  }
0x7d: {  	[spmem:s2] =	stream.indirect.scatter.add.f32 [tilespmem:s24], [sflag:$0x3], $0x80, s22, s23, $0xb8;
	[tilespmem:$0x1BAC0] =	vst v63  }
0x7e: {  	_ =	swait.ge [sflag:s20], $0x4000  }
0x7f: {  	[sflag:s20] =	ssyncset.done $0x0  }
0x80: {  	[sflag:s20] =	ssyncadd.s32 $0xFFFFC000  }
0x81: {  	_ =	swait.ge [sflag:s30], $0x4000  }
0x82: {  	[sflag:s30] =	ssyncset.done $0x0  }
0x83: {  	[sflag:s30] =	ssyncadd.s32 $0xFFFFC000  }
0x84: {  	[spmem:s2] =	stream.indirect.scatter.add.f32 [tilespmem:s28], [sflag:$0x3], $0x80, s26, s23, $0xb8;
	[tilespmem:$0x1BAC0] =	vst v63  }
0x85: {  	_ =	swait.ge [sflag:s20], $0x4000  }
0x86: {  	[sflag:s20] =	ssyncset.done $0x0  }
0x87: {  	[sflag:s20] =	ssyncadd.s32 $0xFFFFC000  }
0x88: {  	[bflag:$0x0] =	sbarrier.arrive $0xFFFF  }
0x89: {  	[hbm:s13], [sflag:s6] =	dma.local [spmem:s0], $0x2700  }
0x8a: {  	s31 =	sadd.s32 $0x1, s31;
	_ =	swait.ge [sflag:s20], $0x2700  }
0x8b: {  	p1 =	sne.s32 s31, s15;
	[sflag:s20] =	ssyncset.done $0x0  }
.Ltmp1:
0x8c: {  	s0 =	simm.s32 @!p0 $0x3;
	[sflag:s20] =	ssyncadd.s32 $0xFFFFD900;
	(pc) =	sbr.rel @p1 .LBB2_1-.Ltmp1, $4  }
0x8d: {  	[hbm:s14], [sflag:s6] =	dma.local @!p0 [spmem:s4], $0x100  }
0x8e: {  	_ =	swait.ge @!p0 [sflag:s0], $0x100  }
0x8f: {  	[sflag:s0] =	ssyncset.done @!p0 $0x0  }
0x90: {  	[sflag:s0] =	ssyncadd.s32 @!p0 $0xFFFFFF00  }
0x91: {  	_ =	sfence.sel $0x180000  }
0x92: {  	[bflag:$0x0] =	sbarrier.arrive $0xFFFF  }
0x93: {  	_ =	strace $0x90000050  }
0x94: {  	[bflag:$0x2] =	sbarrier.arrive $0xFFFF  }
0x95: {  	s0 =	rddreg [dreg:$0x3]  }
0x96: {  	s0 =	sadd.s32 @!p0 $0x100000, s0  }
0x97: {  	[sflag:s0] =	ssyncadd.tile.s32 @!p0 $0x1;
	_ =	shalt  }
.Lfunc_end2:
_tile_overlayer_lowered:
.L_overlay_start_2:
0x98: {  	(tag) =	ssettag $0x2  }
0x99: {  	s0 =	rddreg [dreg:$0x0];
	s2 =	stileid.u32  }
0x9a: {  	s1 =	rddreg [dreg:$0x1];
	p0 =	sne.s32 s2, $0x0  }
0x9b: {  	s3 =	rddreg [dreg:$0x2];
	[bflag:$0x3] =	sbarrier.arrive $0xFFFF;
	s2 =	simm.s32 @!p0 $0x1C03  }
0x9c: {  	[timem:s3], [sflag:s2] =	dma.local @!p0 [hbm:s0], s1  }
0x9d: {  	s0 =	simm.s32 @!p0 $0x3  }
0x9e: {  	_ =	swait.ge @!p0 [sflag:s0], s1  }
0x9f: {  	s1 =	ssub.s32 @!p0 $0x0, s1;
	[sflag:s0] =	ssyncset.done @!p0 $0x0  }
0xa0: {  	[sflag:s0] =	ssyncadd.s32 @!p0 s1  }
0xa1: {  	[bflag:$0x3] =	sbarrier.arrive $0xFFFF  }
0xa2: {  	_ =	shalt  }

</sc_bundles>
